<compile_context>
chip_gen: v7x
topology: tpu7x:2x2x1
jax: 0.10.2.dev20260603
libtpu: 0.0.44.dev20260713+nightly
codegen_flags: <defaults>
</compile_context>

<pallas_src>
import functools

import jax
import jax.numpy as jnp
from jax import lax
from jax.experimental import pallas as pl
from jax.experimental.pallas import tpu as pltpu
from jax.experimental.pallas import tpu_sc as plsc

NC = 2
NS = 16
NW = NC * NS
LANES = 16


def _deg_body(T, E, N, eidx_hbm, degp_hbm, cbuf, acc):
    cid = lax.axis_index("c")
    sid = lax.axis_index("s")
    wid = cid * NS + sid
    ept = E // NW
    ones = jnp.ones((LANES,), jnp.float32)
    zeros = jnp.zeros((LANES,), jnp.float32)

    for t in range(T):
        @plsc.parallel_loop(0, N // LANES, unroll=8)
        def _zero(i):
            acc[pl.ds(i * LANES, LANES)] = zeros

        pltpu.sync_copy(eidx_hbm.at[pl.ds(t * 2 * E + E + wid * ept, ept)], cbuf)

        @plsc.parallel_loop(0, ept // LANES, unroll=8)
        def _scat(i):
            c = cbuf[pl.ds(i * LANES, LANES)]
            plsc.addupdate_scatter(acc, [c], ones)

        pltpu.sync_copy(acc, degp_hbm.at[pl.ds((wid * T + t) * N, N)])


def _mp_body(T, E, N, H, F, CH, tab_hbm, eidx_hbm, outp_hbm, tab, acc,
             rbuf0, cbuf0, rbuf1, cbuf1, sem0, sem1):
    cid = lax.axis_index("c")
    sid = lax.axis_index("s")
    wid = cid * NS + sid
    G = H // F
    EG = NW // G
    g = wid % G
    e = wid // G
    quarter = E // EG
    nchunk = quarter // CH
    npair = nchunk // 2
    zerosf = jnp.zeros((LANES,), jnp.float32)
    nsplat = jnp.full((LANES,), N, jnp.int32)
    rbufs = (rbuf0, rbuf1)
    cbufs = (cbuf0, cbuf1)
    sems = (sem0, sem1)

    def issue(t, k, slot):
        st = t * 2 * E + e * quarter + k * CH
        pltpu.async_copy(eidx_hbm.at[pl.ds(st, CH)], rbufs[slot], sems[slot])
        pltpu.async_copy(eidx_hbm.at[pl.ds(st + E, CH)], cbufs[slot], sems[slot])

    def wait(slot):
        pltpu.make_async_copy(
            eidx_hbm.at[pl.ds(0, CH)], rbufs[slot], sems[slot]).wait()
        pltpu.make_async_copy(
            eidx_hbm.at[pl.ds(0, CH)], cbufs[slot], sems[slot]).wait()

    def process(slot):
        rbuf = rbufs[slot]
        cbuf = cbufs[slot]

        @plsc.parallel_loop(0, CH // LANES)
        def _edges(i):
            r = rbuf[pl.ds(i * LANES, LANES)]
            c = cbuf[pl.ds(i * LANES, LANES)]
            for f in range(F):
                v = plsc.load_gather(tab, [r])
                plsc.addupdate_scatter(acc, [c], v)
                if f + 1 < F:
                    r = r + nsplat
                    c = c + nsplat

    for t in range(T):
        pltpu.sync_copy(tab_hbm.at[pl.ds((t * H + F * g) * N, F * N)], tab)

        @plsc.parallel_loop(0, F * N // LANES, unroll=8)
        def _zero(i):
            acc[pl.ds(i * LANES, LANES)] = zerosf

        issue(t, 0, 0)

        def pair(k2, carry):
            k = 2 * k2
            issue(t, k + 1, 1)
            wait(0)
            process(0)

            @pl.when(k2 + 1 < npair)
            def _():
                issue(t, k + 2, 0)

            wait(1)
            process(1)
            return carry

        lax.fori_loop(0, npair, pair, 0)
        pltpu.sync_copy(
            acc, outp_hbm.at[pl.ds(((e * T + t) * H + F * g) * N, F * N)]
        )


def _tcb_body(T, degp_ref, xs_ref, W1T_ref, dis_ref, y_ref):
    deg = jnp.sum(degp_ref[...], axis=0) + 1.0
    dis = lax.rsqrt(deg)
    dis_ref[...] = dis
    xw = lax.dot_general(
        W1T_ref[...], xs_ref[...], (((1,), (1,)), ((), ())),
        preferred_element_type=jnp.float32)
    for t in range(T):
        y_ref[t] = xw * dis[t : t + 1, :]


def _tcd_body(T, accp_ref, y_ref, dis_ref, b1T_ref, W2T_ref, y2_ref):
    dis = dis_ref[...]
    W2T = W2T_ref[...]
    b1T = b1T_ref[...]
    for t in range(T):
        s = (accp_ref[0, t] + accp_ref[1, t] + accp_ref[2, t]
             + accp_ref[3, t] + y_ref[t])
        h1 = jnp.maximum(s * dis[t : t + 1, :] + b1T, 0.0)
        w = jnp.dot(W2T, h1, preferred_element_type=jnp.float32)
        y2_ref[t] = w * dis[t : t + 1, :]


def _tcf_body(T, H, Z, accp_ref, y2_ref, dis_ref, b2T_ref, Wi_ref, Wh_ref,
              biT_ref, bhT_ref, WlT_ref, blT_ref, out_ref):
    dis = dis_ref[...]
    b2T = b2T_ref[...]
    Wi = Wi_ref[...]
    Wh = Wh_ref[...]
    biT = biT_ref[...]
    bhT = bhT_ref[...]
    WlT = WlT_ref[...]
    blT = blT_ref[...]
    n = dis.shape[1]
    h = jnp.zeros((H, n), jnp.float32)
    for t in range(T):
        s = (accp_ref[0, t] + accp_ref[1, t] + accp_ref[2, t]
             + accp_ref[3, t] + y2_ref[t])
        z = jnp.tanh(s * dis[t : t + 1, :] + b2T)
        gi = jnp.dot(Wi, z, preferred_element_type=jnp.float32) + biT
        gh = jnp.dot(Wh, h, preferred_element_type=jnp.float32) + bhT
        ir, iz, inn = gi[0:H], gi[H : 2 * H], gi[2 * H : 3 * H]
        hr, hz, hn = gh[0:H], gh[H : 2 * H], gh[2 * H : 3 * H]
        rg = jax.nn.sigmoid(ir + hr)
        ug = jax.nn.sigmoid(iz + hz)
        ncand = jnp.tanh(inn + rg * hn)
        h = (1.0 - ug) * ncand + ug * h
        out_ref[t] = jnp.dot(WlT, h, preferred_element_type=jnp.float32) + blT


def kernel(xs, edge_index, W1, b1, W2, b2, Wi, Wh, bi, bh, Wl, bl):
    N, FEAT = xs.shape
    T, _, E = edge_index.shape
    H = W1.shape[1]
    Z = Wl.shape[1]
    F = 4
    EG = NW // (H // F)
    CH = 10000

    mesh = plsc.VectorSubcoreMesh(core_axis_name="c", subcore_axis_name="s")
    sc_params = pltpu.CompilerParams(needs_layout_passes=False)

    deg_call = pl.kernel(
        functools.partial(_deg_body, T, E, N),
        out_type=jax.ShapeDtypeStruct((NW * T * N,), jnp.float32),
        mesh=mesh,
        compiler_params=sc_params,
        scratch_types=[
            pltpu.VMEM((E // NW,), jnp.int32),
            pltpu.VMEM((N,), jnp.float32),
        ],
    )

    mp_call = pl.kernel(
        functools.partial(_mp_body, T, E, N, H, F, CH),
        out_type=jax.ShapeDtypeStruct((EG * T * H * N,), jnp.float32),
        mesh=mesh,
        compiler_params=sc_params,
        scratch_types=[
            pltpu.VMEM((F * N,), jnp.float32),
            pltpu.VMEM((F * N,), jnp.float32),
            pltpu.VMEM((CH,), jnp.int32),
            pltpu.VMEM((CH,), jnp.int32),
            pltpu.VMEM((CH,), jnp.int32),
            pltpu.VMEM((CH,), jnp.int32),
            pltpu.SemaphoreType.DMA,
            pltpu.SemaphoreType.DMA,
        ],
    )

    tcb_call = pl.pallas_call(
        functools.partial(_tcb_body, T),
        out_shape=(
            jax.ShapeDtypeStruct((T, N), jnp.float32),
            jax.ShapeDtypeStruct((T, H, N), jnp.float32),
        ),
    )

    tcd_call = pl.pallas_call(
        functools.partial(_tcd_body, T),
        out_shape=jax.ShapeDtypeStruct((T, H, N), jnp.float32),
    )

    tcf_call = pl.pallas_call(
        functools.partial(_tcf_body, T, H, Z),
        out_shape=jax.ShapeDtypeStruct((T, Z, N), jnp.float32),
    )

    W1T = W1.T
    W2T = W2.T
    WlT = Wl.T
    b1T = b1[:, None]
    b2T = b2[:, None]
    biT = bi[:, None]
    bhT = bh[:, None]
    blT = bl[:, None]

    eflat = edge_index.reshape(-1)
    degp = deg_call(eflat).reshape(NW, T, N)
    dis, y = tcb_call(degp, xs, W1T)
    acc1 = mp_call(y.reshape(-1), eflat).reshape(EG, T, H, N)
    y2 = tcd_call(acc1, y, dis, b1T, W2T)
    acc2 = mp_call(y2.reshape(-1), eflat).reshape(EG, T, H, N)
    outT = tcf_call(acc2, y2, dis, b2T, Wi, Wh,
                    biT, bhT, WlT, blT)
    return jnp.transpose(outT, (0, 2, 1))

# --- scband reference (transcript-rebuilt; emitter-appended) ---
"""Pipeline reference for scband-euler-gcn-6365141532815 (READ-ONLY COPY).

The authoritative reference and input builder live on the scoring server;
editing this copy changes nothing except your own understanding.
"""

import jax, jax.numpy as jnp
import numpy as np

N = 10000
E = 320000
T = 3
FEAT = 128
H = 32
Z = 16


def setup_inputs(seed: int = 0) -> dict:
    key = jax.random.key(seed)
    ks = jax.random.split(key, 12)
    s = 0.05
    return {
        "xs": jax.random.normal(ks[0], (N, FEAT), dtype=jnp.float32),
        "edge_index": jax.random.randint(ks[1], (T, 2, E), 0, N, dtype=jnp.int32),
        "W1": jax.random.normal(ks[2], (FEAT, H), dtype=jnp.float32) * s,
        "b1": jnp.zeros((H,), dtype=jnp.float32),
        "W2": jax.random.normal(ks[3], (H, H), dtype=jnp.float32) * s,
        "b2": jnp.zeros((H,), dtype=jnp.float32),
        "Wi": jax.random.normal(ks[4], (3 * H, H), dtype=jnp.float32) * s,
        "Wh": jax.random.normal(ks[5], (3 * H, H), dtype=jnp.float32) * s,
        "bi": jnp.zeros((3 * H,), dtype=jnp.float32),
        "bh": jnp.zeros((3 * H,), dtype=jnp.float32),
        "Wl": jax.random.normal(ks[6], (H, Z), dtype=jnp.float32) * s,
        "bl": jnp.zeros((Z,), dtype=jnp.float32),
    }


def gcn_conv(x, row, col, W, b):
    # PyG GCNConv with add_self_loops=True, edge_weight=None:
    # out = D^{-1/2} (A + I) D^{-1/2} (x W) + b
    n = x.shape[0]
    sl = jnp.arange(n, dtype=row.dtype)
    r = jnp.concatenate([row, sl])
    c = jnp.concatenate([col, sl])
    ew = jnp.ones(r.shape[0], dtype=x.dtype)
    deg = jax.ops.segment_sum(ew, c, num_segments=n)
    dis = jnp.where(deg > 0, 1.0 / jnp.sqrt(deg), 0.0)
    norm = dis[r] * dis[c]
    xw = x @ W
    msg = xw[r] * norm[:, None]
    out = jax.ops.segment_sum(msg, c, num_segments=n)
    return out + b


def reference(xs, edge_index, W1, b1, W2, b2, Wi, Wh, bi, bh, Wl, bl):
    # EulerGCN.forward in eval mode: Dropout/DropEdge are identity;
    # mask_fn(i) is modeled as edge_index[i] (one graph snapshot per step).
    embeds = []
    for t in range(T):
        row = edge_index[t, 0]
        col = edge_index[t, 1]
        h1 = jax.nn.relu(gcn_conv(xs, row, col, W1, b1))
        embeds.append(gcn_conv(h1, row, col, W2, b2))
    zs = jnp.tanh(jnp.stack(embeds))  # (T, N, H)
    # single-layer GRU over time (PyTorch gate order: r, z, n)
    h = jnp.zeros((xs.shape[0], H), dtype=xs.dtype)
    outs = []
    for t in range(T):
        gi = zs[t] @ Wi.T + bi
        gh = h @ Wh.T + bh
        ir, iz, inn = jnp.split(gi, 3, axis=1)
        hr, hz, hn = jnp.split(gh, 3, axis=1)
        rg = jax.nn.sigmoid(ir + hr)
        ug = jax.nn.sigmoid(iz + hz)
        ncand = jnp.tanh(inn + rg * hn)
        h = (1.0 - ug) * ncand + ug * h
        outs.append(h)
    hs = jnp.stack(outs)  # (T, N, H)
    return hs @ Wl + bl  # (T, N, Z)

if __name__ == "__main__":
    import jax
    _d = setup_inputs()
    print(jax.jit(kernel)(*tuple(_d.values())))

</pallas_src>

<mosaic_0001>
#map = affine_map<(d0, d1) -> (0)>
module attributes {stable_mosaic.version = 14 : i64} {
  func.func @_deg_body(%arg0: i32, %arg1: i32, %arg2: memref<1920000xi32, #tpu.memory_space<hbm>>, %arg3: memref<960000xf32, #tpu.memory_space<hbm>>, %arg4: memref<10000xi32, #tpu.memory_space<vmem>>, %arg5: memref<10000xf32, #tpu.memory_space<vmem>>) attributes {dimension_semantics = [#tpu.dimension_semantics<core_parallel>, #tpu.dimension_semantics<subcore_parallel>], iteration_bounds = array<i64: 2, 16>, scalar_prefetch = 0 : i64, scratch_operands = 2 : i64, tpu.core_type = #tpu.core_type<sc_vector_subcore>, window_params = [{transform_indices = #map}, {transform_indices = #map}]} {
    %mul3A = arith.constant 16 : i32
    %mul3A_0 = arith.muli %arg0, %mul3A : i32
    %add3A = arith.addi %mul3A_0, %arg1 : i32
    %broadcast_in_dim3A = arith.constant 1.000000e+00 : f32
    %broadcast_in_dim3A_1 = vector.broadcast %broadcast_in_dim3A : f32 to vector<16xf32>
    %broadcast_in_dim3A_2 = arith.constant 0.000000e+00 : f32
    %broadcast_in_dim3A_3 = vector.broadcast %broadcast_in_dim3A_2 : f32 to vector<16xf32>
    %parallel_loop3A = arith.constant 0 : i32
    %parallel_loop3A_4 = arith.constant 625 : i32
    %parallel_loop3A_5 = arith.constant 1 : i32
    scf.for %parallel_loop3A_51 = %parallel_loop3A to %parallel_loop3A_4 step %parallel_loop3A_5  : i32 {
      %parallel_loop3A_52 = arith.constant 16 : i32
      %parallel_loop3A_53 = arith.muli %parallel_loop3A_51, %parallel_loop3A_52 : i32
      %parallel_loop3A_54 = arith.index_cast %parallel_loop3A_53 : i32 to index
      %parallel_loop3A_55 = tpu.vector_load %arg5[%parallel_loop3A_54] {strides = array<i32>} : memref<10000xf32, #tpu.memory_space<vmem>>, vector<16xf32>,
      tpu.vector_store %arg5[%parallel_loop3A_54], %broadcast_in_dim3A_3 {strides = array<i32>} : memref<10000xf32, #tpu.memory_space<vmem>>, vector<16xf32>,
    } {sc.loop_unroll_factor = 8 : i64, sc.parallel_access}
    %mul3A_6 = arith.constant 10000 : i32
    %mul3A_7 = arith.muli %add3A, %mul3A_6 : i32
    %add3A_8 = arith.constant 320000 : i32
    %add3A_9 = arith.addi %add3A_8, %mul3A_7 : i32
    "tpu.region"() ({
      %run_scoped3A = tpu.sem_alloc : memref<!tpu.dma_semaphore, #tpu.memory_space<semaphore_mem>>
      %dma_start3A = tpu.memref_slice %arg2[%add3A_9] : memref<1920000xi32, #tpu.memory_space<hbm>> -> memref<10000xi32, #tpu.memory_space<hbm>>
      %dma_start3A_51 = tpu.memref_slice %arg2[%add3A_9] : memref<1920000xi32, #tpu.memory_space<hbm>> -> memref<10000xi32, #tpu.memory_space<hbm>>
      tpu.enqueue_dma source(%dma_start3A_51 : memref<10000xi32, #tpu.memory_space<hbm>>) target(%arg4 : memref<10000xi32, #tpu.memory_space<vmem>>) target_semaphore(%run_scoped3A : memref<!tpu.dma_semaphore, #tpu.memory_space<semaphore_mem>>)
      %dma_wait3A = tpu.memref_slice %arg2[%add3A_9] : memref<1920000xi32, #tpu.memory_space<hbm>> -> memref<10000xi32, #tpu.memory_space<hbm>>
      %dma_wait3A_52 = tpu.memref_slice %arg2[%add3A_9] : memref<1920000xi32, #tpu.memory_space<hbm>> -> memref<10000xi32, #tpu.memory_space<hbm>>
      tpu.wait_dma2 semaphore(%run_scoped3A : memref<!tpu.dma_semaphore, #tpu.memory_space<semaphore_mem>>) src(%dma_wait3A_52 : memref<10000xi32, #tpu.memory_space<hbm>>) dst(%arg4 : memref<10000xi32, #tpu.memory_space<vmem>>)
      tpu.yield
    }) : () -> ()
    %parallel_loop3A_10 = arith.constant 0 : i32
    %parallel_loop3A_11 = arith.constant 625 : i32
    %parallel_loop3A_12 = arith.constant 1 : i32
    scf.for %parallel_loop3A_51 = %parallel_loop3A_10 to %parallel_loop3A_11 step %parallel_loop3A_12  : i32 {
      %parallel_loop3A_52 = arith.constant 16 : i32
      %parallel_loop3A_53 = arith.muli %parallel_loop3A_51, %parallel_loop3A_52 : i32
      %parallel_loop3A_54 = arith.index_cast %parallel_loop3A_53 : i32 to index
      %parallel_loop3A_55 = tpu.vector_load %arg4[%parallel_loop3A_54] {strides = array<i32>} : memref<10000xi32, #tpu.memory_space<vmem>>, vector<16xi32>,
      tpu.vector_store_idx %arg5[%parallel_loop3A_55], %broadcast_in_dim3A_1 {add = true} : memref<10000xf32, #tpu.memory_space<vmem>>[vector<16xi32>], vector<16xf32>,
    } {sc.loop_unroll_factor = 8 : i64, sc.parallel_access}
    %mul3A_13 = arith.constant 3 : i32
    %mul3A_14 = arith.muli %add3A, %mul3A_13 : i32
    %add3A_15 = arith.constant 0 : i32
    %add3A_16 = arith.addi %mul3A_14, %add3A_15 : i32
    %mul3A_17 = arith.constant 10000 : i32
    %mul3A_18 = arith.muli %add3A_16, %mul3A_17 : i32
    "tpu.region"() ({
      %run_scoped3A = tpu.sem_alloc : memref<!tpu.dma_semaphore, #tpu.memory_space<semaphore_mem>>
      %dma_start3A = tpu.memref_slice %arg3[%mul3A_18] : memref<960000xf32, #tpu.memory_space<hbm>> -> memref<10000xf32, #tpu.memory_space<hbm>>
      %dma_start3A_51 = tpu.memref_slice %arg3[%mul3A_18] : memref<960000xf32, #tpu.memory_space<hbm>> -> memref<10000xf32, #tpu.memory_space<hbm>>
      tpu.enqueue_dma source(%arg5 : memref<10000xf32, #tpu.memory_space<vmem>>) target(%dma_start3A_51 : memref<10000xf32, #tpu.memory_space<hbm>>) target_semaphore(%run_scoped3A : memref<!tpu.dma_semaphore, #tpu.memory_space<semaphore_mem>>)
      %dma_wait3A = tpu.memref_slice %arg3[%mul3A_18] : memref<960000xf32, #tpu.memory_space<hbm>> -> memref<10000xf32, #tpu.memory_space<hbm>>
      %dma_wait3A_52 = tpu.memref_slice %arg3[%mul3A_18] : memref<960000xf32, #tpu.memory_space<hbm>> -> memref<10000xf32, #tpu.memory_space<hbm>>
      tpu.wait_dma2 semaphore(%run_scoped3A : memref<!tpu.dma_semaphore, #tpu.memory_space<semaphore_mem>>) src(%arg5 : memref<10000xf32, #tpu.memory_space<vmem>>) dst(%dma_wait3A_52 : memref<10000xf32, #tpu.memory_space<hbm>>)
      tpu.yield
    }) : () -> ()
    %parallel_loop3A_19 = arith.constant 0 : i32
    %parallel_loop3A_20 = arith.constant 625 : i32
    %parallel_loop3A_21 = arith.constant 1 : i32
    scf.for %parallel_loop3A_51 = %parallel_loop3A_19 to %parallel_loop3A_20 step %parallel_loop3A_21  : i32 {
      %parallel_loop3A_52 = arith.constant 16 : i32
      %parallel_loop3A_53 = arith.muli %parallel_loop3A_51, %parallel_loop3A_52 : i32
      %parallel_loop3A_54 = arith.index_cast %parallel_loop3A_53 : i32 to index
      %parallel_loop3A_55 = tpu.vector_load %arg5[%parallel_loop3A_54] {strides = array<i32>} : memref<10000xf32, #tpu.memory_space<vmem>>, vector<16xf32>,
      tpu.vector_store %arg5[%parallel_loop3A_54], %broadcast_in_dim3A_3 {strides = array<i32>} : memref<10000xf32, #tpu.memory_space<vmem>>, vector<16xf32>,
    } {sc.loop_unroll_factor = 8 : i64, sc.parallel_access}
    %mul3A_22 = arith.constant 10000 : i32
    %mul3A_23 = arith.muli %add3A, %mul3A_22 : i32
    %add3A_24 = arith.constant 960000 : i32
    %add3A_25 = arith.addi %add3A_24, %mul3A_23 : i32
    "tpu.region"() ({
      %run_scoped3A = tpu.sem_alloc : memref<!tpu.dma_semaphore, #tpu.memory_space<semaphore_mem>>
      %dma_start3A = tpu.memref_slice %arg2[%add3A_25] : memref<1920000xi32, #tpu.memory_space<hbm>> -> memref<10000xi32, #tpu.memory_space<hbm>>
      %dma_start3A_51 = tpu.memref_slice %arg2[%add3A_25] : memref<1920000xi32, #tpu.memory_space<hbm>> -> memref<10000xi32, #tpu.memory_space<hbm>>
      tpu.enqueue_dma source(%dma_start3A_51 : memref<10000xi32, #tpu.memory_space<hbm>>) target(%arg4 : memref<10000xi32, #tpu.memory_space<vmem>>) target_semaphore(%run_scoped3A : memref<!tpu.dma_semaphore, #tpu.memory_space<semaphore_mem>>)
      %dma_wait3A = tpu.memref_slice %arg2[%add3A_25] : memref<1920000xi32, #tpu.memory_space<hbm>> -> memref<10000xi32, #tpu.memory_space<hbm>>
      %dma_wait3A_52 = tpu.memref_slice %arg2[%add3A_25] : memref<1920000xi32, #tpu.memory_space<hbm>> -> memref<10000xi32, #tpu.memory_space<hbm>>
      tpu.wait_dma2 semaphore(%run_scoped3A : memref<!tpu.dma_semaphore, #tpu.memory_space<semaphore_mem>>) src(%dma_wait3A_52 : memref<10000xi32, #tpu.memory_space<hbm>>) dst(%arg4 : memref<10000xi32, #tpu.memory_space<vmem>>)
      tpu.yield
    }) : () -> ()
    %parallel_loop3A_26 = arith.constant 0 : i32
    %parallel_loop3A_27 = arith.constant 625 : i32
    %parallel_loop3A_28 = arith.constant 1 : i32
    scf.for %parallel_loop3A_51 = %parallel_loop3A_26 to %parallel_loop3A_27 step %parallel_loop3A_28  : i32 {
      %parallel_loop3A_52 = arith.constant 16 : i32
      %parallel_loop3A_53 = arith.muli %parallel_loop3A_51, %parallel_loop3A_52 : i32
      %parallel_loop3A_54 = arith.index_cast %parallel_loop3A_53 : i32 to index
      %parallel_loop3A_55 = tpu.vector_load %arg4[%parallel_loop3A_54] {strides = array<i32>} : memref<10000xi32, #tpu.memory_space<vmem>>, vector<16xi32>,
      tpu.vector_store_idx %arg5[%parallel_loop3A_55], %broadcast_in_dim3A_1 {add = true} : memref<10000xf32, #tpu.memory_space<vmem>>[vector<16xi32>], vector<16xf32>,
    } {sc.loop_unroll_factor = 8 : i64, sc.parallel_access}
    %mul3A_29 = arith.constant 3 : i32
    %mul3A_30 = arith.muli %add3A, %mul3A_29 : i32
    %add3A_31 = arith.constant 1 : i32
    %add3A_32 = arith.addi %mul3A_30, %add3A_31 : i32
    %mul3A_33 = arith.constant 10000 : i32
    %mul3A_34 = arith.muli %add3A_32, %mul3A_33 : i32
    "tpu.region"() ({
      %run_scoped3A = tpu.sem_alloc : memref<!tpu.dma_semaphore, #tpu.memory_space<semaphore_mem>>
      %dma_start3A = tpu.memref_slice %arg3[%mul3A_34] : memref<960000xf32, #tpu.memory_space<hbm>> -> memref<10000xf32, #tpu.memory_space<hbm>>
      %dma_start3A_51 = tpu.memref_slice %arg3[%mul3A_34] : memref<960000xf32, #tpu.memory_space<hbm>> -> memref<10000xf32, #tpu.memory_space<hbm>>
      tpu.enqueue_dma source(%arg5 : memref<10000xf32, #tpu.memory_space<vmem>>) target(%dma_start3A_51 : memref<10000xf32, #tpu.memory_space<hbm>>) target_semaphore(%run_scoped3A : memref<!tpu.dma_semaphore, #tpu.memory_space<semaphore_mem>>)
      %dma_wait3A = tpu.memref_slice %arg3[%mul3A_34] : memref<960000xf32, #tpu.memory_space<hbm>> -> memref<10000xf32, #tpu.memory_space<hbm>>
      %dma_wait3A_52 = tpu.memref_slice %arg3[%mul3A_34] : memref<960000xf32, #tpu.memory_space<hbm>> -> memref<10000xf32, #tpu.memory_space<hbm>>
      tpu.wait_dma2 semaphore(%run_scoped3A : memref<!tpu.dma_semaphore, #tpu.memory_space<semaphore_mem>>) src(%arg5 : memref<10000xf32, #tpu.memory_space<vmem>>) dst(%dma_wait3A_52 : memref<10000xf32, #tpu.memory_space<hbm>>)
      tpu.yield
    }) : () -> ()
    %parallel_loop3A_35 = arith.constant 0 : i32
    %parallel_loop3A_36 = arith.constant 625 : i32
    %parallel_loop3A_37 = arith.constant 1 : i32
    scf.for %parallel_loop3A_51 = %parallel_loop3A_35 to %parallel_loop3A_36 step %parallel_loop3A_37  : i32 {
      %parallel_loop3A_52 = arith.constant 16 : i32
      %parallel_loop3A_53 = arith.muli %parallel_loop3A_51, %parallel_loop3A_52 : i32
      %parallel_loop3A_54 = arith.index_cast %parallel_loop3A_53 : i32 to index
      %parallel_loop3A_55 = tpu.vector_load %arg5[%parallel_loop3A_54] {strides = array<i32>} : memref<10000xf32, #tpu.memory_space<vmem>>, vector<16xf32>,
      tpu.vector_store %arg5[%parallel_loop3A_54], %broadcast_in_dim3A_3 {strides = array<i32>} : memref<10000xf32, #tpu.memory_space<vmem>>, vector<16xf32>,
    } {sc.loop_unroll_factor = 8 : i64, sc.parallel_access}
    %mul3A_38 = arith.constant 10000 : i32
    %mul3A_39 = arith.muli %add3A, %mul3A_38 : i32
    %add3A_40 = arith.constant 1600000 : i32
    %add3A_41 = arith.addi %add3A_40, %mul3A_39 : i32
    "tpu.region"() ({
      %run_scoped3A = tpu.sem_alloc : memref<!tpu.dma_semaphore, #tpu.memory_space<semaphore_mem>>
      %dma_start3A = tpu.memref_slice %arg2[%add3A_41] : memref<1920000xi32, #tpu.memory_space<hbm>> -> memref<10000xi32, #tpu.memory_space<hbm>>
      %dma_start3A_51 = tpu.memref_slice %arg2[%add3A_41] : memref<1920000xi32, #tpu.memory_space<hbm>> -> memref<10000xi32, #tpu.memory_space<hbm>>
      tpu.enqueue_dma source(%dma_start3A_51 : memref<10000xi32, #tpu.memory_space<hbm>>) target(%arg4 : memref<10000xi32, #tpu.memory_space<vmem>>) target_semaphore(%run_scoped3A : memref<!tpu.dma_semaphore, #tpu.memory_space<semaphore_mem>>)
      %dma_wait3A = tpu.memref_slice %arg2[%add3A_41] : memref<1920000xi32, #tpu.memory_space<hbm>> -> memref<10000xi32, #tpu.memory_space<hbm>>
      %dma_wait3A_52 = tpu.memref_slice %arg2[%add3A_41] : memref<1920000xi32, #tpu.memory_space<hbm>> -> memref<10000xi32, #tpu.memory_space<hbm>>
      tpu.wait_dma2 semaphore(%run_scoped3A : memref<!tpu.dma_semaphore, #tpu.memory_space<semaphore_mem>>) src(%dma_wait3A_52 : memref<10000xi32, #tpu.memory_space<hbm>>) dst(%arg4 : memref<10000xi32, #tpu.memory_space<vmem>>)
      tpu.yield
    }) : () -> ()
    %parallel_loop3A_42 = arith.constant 0 : i32
    %parallel_loop3A_43 = arith.constant 625 : i32
    %parallel_loop3A_44 = arith.constant 1 : i32
    scf.for %parallel_loop3A_51 = %parallel_loop3A_42 to %parallel_loop3A_43 step %parallel_loop3A_44  : i32 {
      %parallel_loop3A_52 = arith.constant 16 : i32
      %parallel_loop3A_53 = arith.muli %parallel_loop3A_51, %parallel_loop3A_52 : i32
      %parallel_loop3A_54 = arith.index_cast %parallel_loop3A_53 : i32 to index
      %parallel_loop3A_55 = tpu.vector_load %arg4[%parallel_loop3A_54] {strides = array<i32>} : memref<10000xi32, #tpu.memory_space<vmem>>, vector<16xi32>,
      tpu.vector_store_idx %arg5[%parallel_loop3A_55], %broadcast_in_dim3A_1 {add = true} : memref<10000xf32, #tpu.memory_space<vmem>>[vector<16xi32>], vector<16xf32>,
    } {sc.loop_unroll_factor = 8 : i64, sc.parallel_access}
    %mul3A_45 = arith.constant 3 : i32
    %mul3A_46 = arith.muli %add3A, %mul3A_45 : i32
    %add3A_47 = arith.constant 2 : i32
    %add3A_48 = arith.addi %mul3A_46, %add3A_47 : i32
    %mul3A_49 = arith.constant 10000 : i32
    %mul3A_50 = arith.muli %add3A_48, %mul3A_49 : i32
    "tpu.region"() ({
      %run_scoped3A = tpu.sem_alloc : memref<!tpu.dma_semaphore, #tpu.memory_space<semaphore_mem>>
      %dma_start3A = tpu.memref_slice %arg3[%mul3A_50] : memref<960000xf32, #tpu.memory_space<hbm>> -> memref<10000xf32, #tpu.memory_space<hbm>>
      %dma_start3A_51 = tpu.memref_slice %arg3[%mul3A_50] : memref<960000xf32, #tpu.memory_space<hbm>> -> memref<10000xf32, #tpu.memory_space<hbm>>
      tpu.enqueue_dma source(%arg5 : memref<10000xf32, #tpu.memory_space<vmem>>) target(%dma_start3A_51 : memref<10000xf32, #tpu.memory_space<hbm>>) target_semaphore(%run_scoped3A : memref<!tpu.dma_semaphore, #tpu.memory_space<semaphore_mem>>)
      %dma_wait3A = tpu.memref_slice %arg3[%mul3A_50] : memref<960000xf32, #tpu.memory_space<hbm>> -> memref<10000xf32, #tpu.memory_space<hbm>>
      %dma_wait3A_52 = tpu.memref_slice %arg3[%mul3A_50] : memref<960000xf32, #tpu.memory_space<hbm>> -> memref<10000xf32, #tpu.memory_space<hbm>>
      tpu.wait_dma2 semaphore(%run_scoped3A : memref<!tpu.dma_semaphore, #tpu.memory_space<semaphore_mem>>) src(%arg5 : memref<10000xf32, #tpu.memory_space<vmem>>) dst(%dma_wait3A_52 : memref<10000xf32, #tpu.memory_space<hbm>>)
      tpu.yield
    }) : () -> ()
    return
  }
}

#map = affine_map<(d0, d1) -> (0)>
module attributes {stable_mosaic.version = 14 : i64} {
  func.func @_mp_body(%arg0: i32, %arg1: i32, %arg2: memref<960000xf32, #tpu.memory_space<hbm>>, %arg3: memref<1920000xi32, #tpu.memory_space<hbm>>, %arg4: memref<3840000xf32, #tpu.memory_space<hbm>>, %arg5: memref<40000xf32, #tpu.memory_space<vmem>>, %arg6: memref<40000xf32, #tpu.memory_space<vmem>>, %arg7: memref<10000xi32, #tpu.memory_space<vmem>>, %arg8: memref<10000xi32, #tpu.memory_space<vmem>>, %arg9: memref<10000xi32, #tpu.memory_space<vmem>>, %arg10: memref<10000xi32, #tpu.memory_space<vmem>>, %arg11: memref<!tpu.dma_semaphore, #tpu.memory_space<semaphore_mem>>, %arg12: memref<!tpu.dma_semaphore, #tpu.memory_space<semaphore_mem>>) attributes {dimension_semantics = [#tpu.dimension_semantics<core_parallel>, #tpu.dimension_semantics<subcore_parallel>], iteration_bounds = array<i64: 2, 16>, scalar_prefetch = 0 : i64, scratch_operands = 8 : i64, tpu.core_type = #tpu.core_type<sc_vector_subcore>, window_params = [{transform_indices = #map}, {transform_indices = #map}, {transform_indices = #map}]} {
    %mul3A = arith.constant 16 : i32
    %mul3A_0 = arith.muli %arg0, %mul3A : i32
    %add3A = arith.addi %mul3A_0, %arg1 : i32
    %jit3A = arith.constant 8 : i32
    %eq3A = arith.constant 0 : i32
    %eq3A_1 = arith.cmpi eq, %jit3A, %eq3A : i32
    %jit3A_2 = arith.constant 1 : i32
    %select_n3A = arith.select %eq3A_1, %jit3A_2, %jit3A : i32
    %rem3A = arith.remsi %add3A, %select_n3A : i32
    %ne3A = arith.constant 0 : i32
    %ne3A_3 = arith.cmpi ne, %rem3A, %ne3A : i32
    %lt3A = arith.constant 0 : i32
    %lt3A_4 = arith.cmpi slt, %rem3A, %lt3A : i32
    %lt3A_5 = arith.constant 0 : i32
    %lt3A_6 = arith.cmpi slt, %select_n3A, %lt3A_5 : i32
    %ne3A_7 = arith.xori %lt3A_4, %lt3A_6 : i1
    %and3A = arith.andi %ne3A_7, %ne3A_3 : i1
    %add3A_8 = arith.addi %rem3A, %select_n3A : i32
    %select_n3A_9 = arith.select %and3A, %add3A_8, %rem3A : i32
    %jit3A_10 = arith.constant 8 : i32
    %div3A = arith.divsi %add3A, %jit3A_10 : i32
    %sign3A = arith.constant 0 : i32
    %sign3A_11 = arith.cmpi sgt, %add3A, %sign3A : i32
    %sign3A_12 = arith.extui %sign3A_11 : i1 to i32
    %sign3A_13 = arith.constant 0 : i32
    %sign3A_14 = arith.cmpi slt, %add3A, %sign3A_13 : i32
    %sign3A_15 = arith.extui %sign3A_14 : i1 to i32
    %sign3A_16 = arith.subi %sign3A_12, %sign3A_15 : i32
    %sign3A_17 = arith.constant 0 : i32
    %sign3A_18 = arith.cmpi sgt, %jit3A_10, %sign3A_17 : i32
    %sign3A_19 = arith.extui %sign3A_18 : i1 to i32
    %sign3A_20 = arith.constant 0 : i32
    %sign3A_21 = arith.cmpi slt, %jit3A_10, %sign3A_20 : i32
    %sign3A_22 = arith.extui %sign3A_21 : i1 to i32
    %sign3A_23 = arith.subi %sign3A_19, %sign3A_22 : i32
    %ne3A_24 = arith.cmpi ne, %sign3A_16, %sign3A_23 : i32
    %rem3A_25 = arith.remsi %add3A, %jit3A_10 : i32
    %ne3A_26 = arith.constant 0 : i32
    %ne3A_27 = arith.cmpi ne, %rem3A_25, %ne3A_26 : i32
    %and3A_28 = arith.andi %ne3A_24, %ne3A_27 : i1
    %sub3A = arith.constant 1 : i32
    %sub3A_29 = arith.subi %div3A, %sub3A : i32
    %select_n3A_30 = arith.select %and3A_28, %sub3A_29, %div3A : i32
    %broadcast_in_dim3A = arith.constant 0.000000e+00 : f32
    %broadcast_in_dim3A_31 = vector.broadcast %broadcast_in_dim3A : f32 to vector<16xf32>
    %broadcast_in_dim3A_32 = arith.constant 10000 : i32
    %broadcast_in_dim3A_33 = vector.broadcast %broadcast_in_dim3A_32 : i32 to vector<16xi32>
    %mul3A_34 = arith.constant 4 : i32
    %mul3A_35 = arith.muli %mul3A_34, %select_n3A_9 : i32
    %add3A_36 = arith.constant 0 : i32
    %add3A_37 = arith.addi %add3A_36, %mul3A_35 : i32
    %mul3A_38 = arith.constant 10000 : i32
    %mul3A_39 = arith.muli %add3A_37, %mul3A_38 : i32
    "tpu.region"() ({
      %run_scoped3A = tpu.sem_alloc : memref<!tpu.dma_semaphore, #tpu.memory_space<semaphore_mem>>
      %dma_start3A_145 = tpu.memref_slice %arg2[%mul3A_39] : memref<960000xf32, #tpu.memory_space<hbm>> -> memref<40000xf32, #tpu.memory_space<hbm>>
      %dma_start3A_146 = tpu.memref_slice %arg2[%mul3A_39] : memref<960000xf32, #tpu.memory_space<hbm>> -> memref<40000xf32, #tpu.memory_space<hbm>>
      tpu.enqueue_dma source(%dma_start3A_146 : memref<40000xf32, #tpu.memory_space<hbm>>) target(%arg5 : memref<40000xf32, #tpu.memory_space<vmem>>) target_semaphore(%run_scoped3A : memref<!tpu.dma_semaphore, #tpu.memory_space<semaphore_mem>>)
      %dma_wait3A = tpu.memref_slice %arg2[%mul3A_39] : memref<960000xf32, #tpu.memory_space<hbm>> -> memref<40000xf32, #tpu.memory_space<hbm>>
      %dma_wait3A_147 = tpu.memref_slice %arg2[%mul3A_39] : memref<960000xf32, #tpu.memory_space<hbm>> -> memref<40000xf32, #tpu.memory_space<hbm>>
      tpu.wait_dma2 semaphore(%run_scoped3A : memref<!tpu.dma_semaphore, #tpu.memory_space<semaphore_mem>>) src(%dma_wait3A_147 : memref<40000xf32, #tpu.memory_space<hbm>>) dst(%arg5 : memref<40000xf32, #tpu.memory_space<vmem>>)
      tpu.yield
    }) : () -> ()
    %parallel_loop3A = arith.constant 0 : i32
    %parallel_loop3A_40 = arith.constant 2500 : i32
    %parallel_loop3A_41 = arith.constant 1 : i32
    scf.for %parallel_loop3A_145 = %parallel_loop3A to %parallel_loop3A_40 step %parallel_loop3A_41  : i32 {
      %parallel_loop3A_146 = arith.constant 16 : i32
      %parallel_loop3A_147 = arith.muli %parallel_loop3A_145, %parallel_loop3A_146 : i32
      %parallel_loop3A_148 = arith.index_cast %parallel_loop3A_147 : i32 to index
      %parallel_loop3A_149 = tpu.vector_load %arg6[%parallel_loop3A_148] {strides = array<i32>} : memref<40000xf32, #tpu.memory_space<vmem>>, vector<16xf32>,
      tpu.vector_store %arg6[%parallel_loop3A_148], %broadcast_in_dim3A_31 {strides = array<i32>} : memref<40000xf32, #tpu.memory_space<vmem>>, vector<16xf32>,
    } {sc.loop_unroll_factor = 8 : i64, sc.parallel_access}
    %mul3A_42 = arith.constant 80000 : i32
    %mul3A_43 = arith.muli %select_n3A_30, %mul3A_42 : i32
    %add3A_44 = arith.constant 0 : i32
    %add3A_45 = arith.addi %add3A_44, %mul3A_43 : i32
    %add3A_46 = arith.constant 0 : i32
    %add3A_47 = arith.addi %add3A_45, %add3A_46 : i32
    %dma_start3A = tpu.memref_slice %arg3[%add3A_47] : memref<1920000xi32, #tpu.memory_space<hbm>> -> memref<10000xi32, #tpu.memory_space<hbm>>
    %dma_start3A_48 = tpu.memref_slice %arg3[%add3A_47] : memref<1920000xi32, #tpu.memory_space<hbm>> -> memref<10000xi32, #tpu.memory_space<hbm>>
    tpu.enqueue_dma source(%dma_start3A_48 : memref<10000xi32, #tpu.memory_space<hbm>>) target(%arg7 : memref<10000xi32, #tpu.memory_space<vmem>>) target_semaphore(%arg11 : memref<!tpu.dma_semaphore, #tpu.memory_space<semaphore_mem>>)
    %add3A_49 = arith.constant 320000 : i32
    %add3A_50 = arith.addi %add3A_47, %add3A_49 : i32
    %dma_start3A_51 = tpu.memref_slice %arg3[%add3A_50] : memref<1920000xi32, #tpu.memory_space<hbm>> -> memref<10000xi32, #tpu.memory_space<hbm>>
    %dma_start3A_52 = tpu.memref_slice %arg3[%add3A_50] : memref<1920000xi32, #tpu.memory_space<hbm>> -> memref<10000xi32, #tpu.memory_space<hbm>>
    tpu.enqueue_dma source(%dma_start3A_52 : memref<10000xi32, #tpu.memory_space<hbm>>) target(%arg8 : memref<10000xi32, #tpu.memory_space<vmem>>) target_semaphore(%arg11 : memref<!tpu.dma_semaphore, #tpu.memory_space<semaphore_mem>>)
    %scan3A = arith.constant 0 : i32
    %scan3A_53 = arith.constant 0 : i32
    %scan3A_54 = arith.constant 4 : i32
    %scan3A_55 = arith.addi %scan3A_53, %scan3A_54 : i32
    %scan3A_56 = arith.constant 1 : i32
    scf.for %scan3A_145 = %scan3A_53 to %scan3A_55 step %scan3A_56  : i32 {
      %mul3A_146 = arith.constant 2 : i32
      %mul3A_147 = arith.muli %mul3A_146, %scan3A_145 : i32
      %add3A_148 = arith.constant 1 : i32
      %add3A_149 = arith.addi %mul3A_147, %add3A_148 : i32
      %mul3A_150 = arith.constant 80000 : i32
      %mul3A_151 = arith.muli %select_n3A_30, %mul3A_150 : i32
      %add3A_152 = arith.constant 0 : i32
      %add3A_153 = arith.addi %add3A_152, %mul3A_151 : i32
      %mul3A_154 = arith.constant 10000 : i32
      %mul3A_155 = arith.muli %add3A_149, %mul3A_154 : i32
      %add3A_156 = arith.addi %add3A_153, %mul3A_155 : i32
      %dma_start3A_157 = tpu.memref_slice %arg3[%add3A_156] : memref<1920000xi32, #tpu.memory_space<hbm>> -> memref<10000xi32, #tpu.memory_space<hbm>>
      %dma_start3A_158 = tpu.memref_slice %arg3[%add3A_156] : memref<1920000xi32, #tpu.memory_space<hbm>> -> memref<10000xi32, #tpu.memory_space<hbm>>
      tpu.enqueue_dma source(%dma_start3A_158 : memref<10000xi32, #tpu.memory_space<hbm>>) target(%arg9 : memref<10000xi32, #tpu.memory_space<vmem>>) target_semaphore(%arg12 : memref<!tpu.dma_semaphore, #tpu.memory_space<semaphore_mem>>)
      %add3A_159 = arith.constant 320000 : i32
      %add3A_160 = arith.addi %add3A_156, %add3A_159 : i32
      %dma_start3A_161 = tpu.memref_slice %arg3[%add3A_160] : memref<1920000xi32, #tpu.memory_space<hbm>> -> memref<10000xi32, #tpu.memory_space<hbm>>
      %dma_start3A_162 = tpu.memref_slice %arg3[%add3A_160] : memref<1920000xi32, #tpu.memory_space<hbm>> -> memref<10000xi32, #tpu.memory_space<hbm>>
      tpu.enqueue_dma source(%dma_start3A_162 : memref<10000xi32, #tpu.memory_space<hbm>>) target(%arg10 : memref<10000xi32, #tpu.memory_space<vmem>>) target_semaphore(%arg12 : memref<!tpu.dma_semaphore, #tpu.memory_space<semaphore_mem>>)
      %dma_wait3A = arith.constant 0 : i32
      %dma_wait3A_163 = tpu.memref_slice %arg3[%dma_wait3A] : memref<1920000xi32, #tpu.memory_space<hbm>> -> memref<10000xi32, #tpu.memory_space<hbm>>
      %dma_wait3A_164 = arith.constant 0 : i32
      %dma_wait3A_165 = tpu.memref_slice %arg3[%dma_wait3A_164] : memref<1920000xi32, #tpu.memory_space<hbm>> -> memref<10000xi32, #tpu.memory_space<hbm>>
      tpu.wait_dma2 semaphore(%arg11 : memref<!tpu.dma_semaphore, #tpu.memory_space<semaphore_mem>>) src(%dma_wait3A_165 : memref<10000xi32, #tpu.memory_space<hbm>>) dst(%arg7 : memref<10000xi32, #tpu.memory_space<vmem>>)
      %dma_wait3A_166 = arith.constant 0 : i32
      %dma_wait3A_167 = tpu.memref_slice %arg3[%dma_wait3A_166] : memref<1920000xi32, #tpu.memory_space<hbm>> -> memref<10000xi32, #tpu.memory_space<hbm>>
      %dma_wait3A_168 = arith.constant 0 : i32
      %dma_wait3A_169 = tpu.memref_slice %arg3[%dma_wait3A_168] : memref<1920000xi32, #tpu.memory_space<hbm>> -> memref<10000xi32, #tpu.memory_space<hbm>>
      tpu.wait_dma2 semaphore(%arg11 : memref<!tpu.dma_semaphore, #tpu.memory_space<semaphore_mem>>) src(%dma_wait3A_169 : memref<10000xi32, #tpu.memory_space<hbm>>) dst(%arg8 : memref<10000xi32, #tpu.memory_space<vmem>>)
      %parallel_loop3A_170 = arith.constant 0 : i32
      %parallel_loop3A_171 = arith.constant 625 : i32
      %parallel_loop3A_172 = arith.constant 1 : i32
      scf.for %parallel_loop3A_189 = %parallel_loop3A_170 to %parallel_loop3A_171 step %parallel_loop3A_172  : i32 {
        %parallel_loop3A_190 = arith.constant 16 : i32
        %parallel_loop3A_191 = arith.muli %parallel_loop3A_189, %parallel_loop3A_190 : i32
        %parallel_loop3A_192 = arith.index_cast %parallel_loop3A_191 : i32 to index
        %parallel_loop3A_193 = tpu.vector_load %arg7[%parallel_loop3A_192] {strides = array<i32>} : memref<10000xi32, #tpu.memory_space<vmem>>, vector<16xi32>,
        %parallel_loop3A_194 = arith.constant 16 : i32
        %parallel_loop3A_195 = arith.muli %parallel_loop3A_189, %parallel_loop3A_194 : i32
        %parallel_loop3A_196 = arith.index_cast %parallel_loop3A_195 : i32 to index
        %parallel_loop3A_197 = tpu.vector_load %arg8[%parallel_loop3A_196] {strides = array<i32>} : memref<10000xi32, #tpu.memory_space<vmem>>, vector<16xi32>,
        %parallel_loop3A_198 = tpu.vector_load_idx %arg5[%parallel_loop3A_193] : memref<40000xf32, #tpu.memory_space<vmem>>[vector<16xi32>], vector<16xf32>,
        tpu.vector_store_idx %arg6[%parallel_loop3A_197], %parallel_loop3A_198 {add = true} : memref<40000xf32, #tpu.memory_space<vmem>>[vector<16xi32>], vector<16xf32>,
        %parallel_loop3A_199 = arith.addi %parallel_loop3A_193, %broadcast_in_dim3A_33 : vector<16xi32>
        %parallel_loop3A_200 = arith.addi %parallel_loop3A_197, %broadcast_in_dim3A_33 : vector<16xi32>
        %parallel_loop3A_201 = tpu.vector_load_idx %arg5[%parallel_loop3A_199] : memref<40000xf32, #tpu.memory_space<vmem>>[vector<16xi32>], vector<16xf32>,
        tpu.vector_store_idx %arg6[%parallel_loop3A_200], %parallel_loop3A_201 {add = true} : memref<40000xf32, #tpu.memory_space<vmem>>[vector<16xi32>], vector<16xf32>,
        %parallel_loop3A_202 = arith.addi %parallel_loop3A_199, %broadcast_in_dim3A_33 : vector<16xi32>
        %parallel_loop3A_203 = arith.addi %parallel_loop3A_200, %broadcast_in_dim3A_33 : vector<16xi32>
        %parallel_loop3A_204 = tpu.vector_load_idx %arg5[%parallel_loop3A_202] : memref<40000xf32, #tpu.memory_space<vmem>>[vector<16xi32>], vector<16xf32>,
        tpu.vector_store_idx %arg6[%parallel_loop3A_203], %parallel_loop3A_204 {add = true} : memref<40000xf32, #tpu.memory_space<vmem>>[vector<16xi32>], vector<16xf32>,
        %parallel_loop3A_205 = arith.addi %parallel_loop3A_202, %broadcast_in_dim3A_33 : vector<16xi32>
        %parallel_loop3A_206 = arith.addi %parallel_loop3A_203, %broadcast_in_dim3A_33 : vector<16xi32>
        %parallel_loop3A_207 = tpu.vector_load_idx %arg5[%parallel_loop3A_205] : memref<40000xf32, #tpu.memory_space<vmem>>[vector<16xi32>], vector<16xf32>,
        tpu.vector_store_idx %arg6[%parallel_loop3A_206], %parallel_loop3A_207 {add = true} : memref<40000xf32, #tpu.memory_space<vmem>>[vector<16xi32>], vector<16xf32>,
      } {sc.loop_unroll_factor = 1 : i64, sc.parallel_access}
      %add3A_173 = arith.constant 1 : i32
      %add3A_174 = arith.addi %scan3A_145, %add3A_173 : i32
      %lt3A_175 = arith.constant 4 : i32
      %lt3A_176 = arith.cmpi slt, %add3A_174, %lt3A_175 : i32
      %convert_element_type3A = arith.extui %lt3A_176 : i1 to i32
      %cond3A = arith.constant 0 : i32
      %cond3A_177 = arith.cmpi ne, %convert_element_type3A, %cond3A : i32
      scf.if %cond3A_177 {
        %add3A_189 = arith.constant 2 : i32
        %add3A_190 = arith.addi %mul3A_147, %add3A_189 : i32
        %mul3A_191 = arith.constant 80000 : i32
        %mul3A_192 = arith.muli %select_n3A_30, %mul3A_191 : i32
        %add3A_193 = arith.constant 0 : i32
        %add3A_194 = arith.addi %add3A_193, %mul3A_192 : i32
        %mul3A_195 = arith.constant 10000 : i32
        %mul3A_196 = arith.muli %add3A_190, %mul3A_195 : i32
        %add3A_197 = arith.addi %add3A_194, %mul3A_196 : i32
        %dma_start3A_198 = tpu.memref_slice %arg3[%add3A_197] : memref<1920000xi32, #tpu.memory_space<hbm>> -> memref<10000xi32, #tpu.memory_space<hbm>>
        %dma_start3A_199 = tpu.memref_slice %arg3[%add3A_197] : memref<1920000xi32, #tpu.memory_space<hbm>> -> memref<10000xi32, #tpu.memory_space<hbm>>
        tpu.enqueue_dma source(%dma_start3A_199 : memref<10000xi32, #tpu.memory_space<hbm>>) target(%arg7 : memref<10000xi32, #tpu.memory_space<vmem>>) target_semaphore(%arg11 : memref<!tpu.dma_semaphore, #tpu.memory_space<semaphore_mem>>)
        %add3A_200 = arith.constant 320000 : i32
        %add3A_201 = arith.addi %add3A_197, %add3A_200 : i32
        %dma_start3A_202 = tpu.memref_slice %arg3[%add3A_201] : memref<1920000xi32, #tpu.memory_space<hbm>> -> memref<10000xi32, #tpu.memory_space<hbm>>
        %dma_start3A_203 = tpu.memref_slice %arg3[%add3A_201] : memref<1920000xi32, #tpu.memory_space<hbm>> -> memref<10000xi32, #tpu.memory_space<hbm>>
        tpu.enqueue_dma source(%dma_start3A_203 : memref<10000xi32, #tpu.memory_space<hbm>>) target(%arg8 : memref<10000xi32, #tpu.memory_space<vmem>>) target_semaphore(%arg11 : memref<!tpu.dma_semaphore, #tpu.memory_space<semaphore_mem>>)
      } else {
      }
      %dma_wait3A_178 = arith.constant 0 : i32
      %dma_wait3A_179 = tpu.memref_slice %arg3[%dma_wait3A_178] : memref<1920000xi32, #tpu.memory_space<hbm>> -> memref<10000xi32, #tpu.memory_space<hbm>>
      %dma_wait3A_180 = arith.constant 0 : i32
      %dma_wait3A_181 = tpu.memref_slice %arg3[%dma_wait3A_180] : memref<1920000xi32, #tpu.memory_space<hbm>> -> memref<10000xi32, #tpu.memory_space<hbm>>
      tpu.wait_dma2 semaphore(%arg12 : memref<!tpu.dma_semaphore, #tpu.memory_space<semaphore_mem>>) src(%dma_wait3A_181 : memref<10000xi32, #tpu.memory_space<hbm>>) dst(%arg9 : memref<10000xi32, #tpu.memory_space<vmem>>)
      %dma_wait3A_182 = arith.constant 0 : i32
      %dma_wait3A_183 = tpu.memref_slice %arg3[%dma_wait3A_182] : memref<1920000xi32, #tpu.memory_space<hbm>> -> memref<10000xi32, #tpu.memory_space<hbm>>
      %dma_wait3A_184 = arith.constant 0 : i32
      %dma_wait3A_185 = tpu.memref_slice %arg3[%dma_wait3A_184] : memref<1920000xi32, #tpu.memory_space<hbm>> -> memref<10000xi32, #tpu.memory_space<hbm>>
      tpu.wait_dma2 semaphore(%arg12 : memref<!tpu.dma_semaphore, #tpu.memory_space<semaphore_mem>>) src(%dma_wait3A_185 : memref<10000xi32, #tpu.memory_space<hbm>>) dst(%arg10 : memref<10000xi32, #tpu.memory_space<vmem>>)
      %parallel_loop3A_186 = arith.constant 0 : i32
      %parallel_loop3A_187 = arith.constant 625 : i32
      %parallel_loop3A_188 = arith.constant 1 : i32
      scf.for %parallel_loop3A_189 = %parallel_loop3A_186 to %parallel_loop3A_187 step %parallel_loop3A_188  : i32 {
        %parallel_loop3A_190 = arith.constant 16 : i32
        %parallel_loop3A_191 = arith.muli %parallel_loop3A_189, %parallel_loop3A_190 : i32
        %parallel_loop3A_192 = arith.index_cast %parallel_loop3A_191 : i32 to index
        %parallel_loop3A_193 = tpu.vector_load %arg9[%parallel_loop3A_192] {strides = array<i32>} : memref<10000xi32, #tpu.memory_space<vmem>>, vector<16xi32>,
        %parallel_loop3A_194 = arith.constant 16 : i32
        %parallel_loop3A_195 = arith.muli %parallel_loop3A_189, %parallel_loop3A_194 : i32
        %parallel_loop3A_196 = arith.index_cast %parallel_loop3A_195 : i32 to index
        %parallel_loop3A_197 = tpu.vector_load %arg10[%parallel_loop3A_196] {strides = array<i32>} : memref<10000xi32, #tpu.memory_space<vmem>>, vector<16xi32>,
        %parallel_loop3A_198 = tpu.vector_load_idx %arg5[%parallel_loop3A_193] : memref<40000xf32, #tpu.memory_space<vmem>>[vector<16xi32>], vector<16xf32>,
        tpu.vector_store_idx %arg6[%parallel_loop3A_197], %parallel_loop3A_198 {add = true} : memref<40000xf32, #tpu.memory_space<vmem>>[vector<16xi32>], vector<16xf32>,
        %parallel_loop3A_199 = arith.addi %parallel_loop3A_193, %broadcast_in_dim3A_33 : vector<16xi32>
        %parallel_loop3A_200 = arith.addi %parallel_loop3A_197, %broadcast_in_dim3A_33 : vector<16xi32>
        %parallel_loop3A_201 = tpu.vector_load_idx %arg5[%parallel_loop3A_199] : memref<40000xf32, #tpu.memory_space<vmem>>[vector<16xi32>], vector<16xf32>,
        tpu.vector_store_idx %arg6[%parallel_loop3A_200], %parallel_loop3A_201 {add = true} : memref<40000xf32, #tpu.memory_space<vmem>>[vector<16xi32>], vector<16xf32>,
        %parallel_loop3A_202 = arith.addi %parallel_loop3A_199, %broadcast_in_dim3A_33 : vector<16xi32>
        %parallel_loop3A_203 = arith.addi %parallel_loop3A_200, %broadcast_in_dim3A_33 : vector<16xi32>
        %parallel_loop3A_204 = tpu.vector_load_idx %arg5[%parallel_loop3A_202] : memref<40000xf32, #tpu.memory_space<vmem>>[vector<16xi32>], vector<16xf32>,
        tpu.vector_store_idx %arg6[%parallel_loop3A_203], %parallel_loop3A_204 {add = true} : memref<40000xf32, #tpu.memory_space<vmem>>[vector<16xi32>], vector<16xf32>,
        %parallel_loop3A_205 = arith.addi %parallel_loop3A_202, %broadcast_in_dim3A_33 : vector<16xi32>
        %parallel_loop3A_206 = arith.addi %parallel_loop3A_203, %broadcast_in_dim3A_33 : vector<16xi32>
        %parallel_loop3A_207 = tpu.vector_load_idx %arg5[%parallel_loop3A_205] : memref<40000xf32, #tpu.memory_space<vmem>>[vector<16xi32>], vector<16xf32>,
        tpu.vector_store_idx %arg6[%parallel_loop3A_206], %parallel_loop3A_207 {add = true} : memref<40000xf32, #tpu.memory_space<vmem>>[vector<16xi32>], vector<16xf32>,
      } {sc.loop_unroll_factor = 1 : i64, sc.parallel_access}
    }
    %scan3A_57 = arith.constant 4 : i32
    %mul3A_58 = arith.constant 3 : i32
    %mul3A_59 = arith.muli %select_n3A_30, %mul3A_58 : i32
    %add3A_60 = arith.constant 0 : i32
    %add3A_61 = arith.addi %mul3A_59, %add3A_60 : i32
    %mul3A_62 = arith.constant 32 : i32
    %mul3A_63 = arith.muli %add3A_61, %mul3A_62 : i32
    %mul3A_64 = arith.constant 4 : i32
    %mul3A_65 = arith.muli %mul3A_64, %select_n3A_9 : i32
    %add3A_66 = arith.addi %mul3A_63, %mul3A_65 : i32
    %mul3A_67 = arith.constant 10000 : i32
    %mul3A_68 = arith.muli %add3A_66, %mul3A_67 : i32
    "tpu.region"() ({
      %run_scoped3A = tpu.sem_alloc : memref<!tpu.dma_semaphore, #tpu.memory_space<semaphore_mem>>
      %dma_start3A_145 = tpu.memref_slice %arg4[%mul3A_68] : memref<3840000xf32, #tpu.memory_space<hbm>> -> memref<40000xf32, #tpu.memory_space<hbm>>
      %dma_start3A_146 = tpu.memref_slice %arg4[%mul3A_68] : memref<3840000xf32, #tpu.memory_space<hbm>> -> memref<40000xf32, #tpu.memory_space<hbm>>
      tpu.enqueue_dma source(%arg6 : memref<40000xf32, #tpu.memory_space<vmem>>) target(%dma_start3A_146 : memref<40000xf32, #tpu.memory_space<hbm>>) target_semaphore(%run_scoped3A : memref<!tpu.dma_semaphore, #tpu.memory_space<semaphore_mem>>)
      %dma_wait3A = tpu.memref_slice %arg4[%mul3A_68] : memref<3840000xf32, #tpu.memory_space<hbm>> -> memref<40000xf32, #tpu.memory_space<hbm>>
      %dma_wait3A_147 = tpu.memref_slice %arg4[%mul3A_68] : memref<3840000xf32, #tpu.memory_space<hbm>> -> memref<40000xf32, #tpu.memory_space<hbm>>
      tpu.wait_dma2 semaphore(%run_scoped3A : memref<!tpu.dma_semaphore, #tpu.memory_space<semaphore_mem>>) src(%arg6 : memref<40000xf32, #tpu.memory_space<vmem>>) dst(%dma_wait3A_147 : memref<40000xf32, #tpu.memory_space<hbm>>)
      tpu.yield
    }) : () -> ()
    %mul3A_69 = arith.constant 4 : i32
    %mul3A_70 = arith.muli %mul3A_69, %select_n3A_9 : i32
    %add3A_71 = arith.constant 32 : i32
    %add3A_72 = arith.addi %add3A_71, %mul3A_70 : i32
    %mul3A_73 = arith.constant 10000 : i32
    %mul3A_74 = arith.muli %add3A_72, %mul3A_73 : i32
    "tpu.region"() ({
      %run_scoped3A = tpu.sem_alloc : memref<!tpu.dma_semaphore, #tpu.memory_space<semaphore_mem>>
      %dma_start3A_145 = tpu.memref_slice %arg2[%mul3A_74] : memref<960000xf32, #tpu.memory_space<hbm>> -> memref<40000xf32, #tpu.memory_space<hbm>>
      %dma_start3A_146 = tpu.memref_slice %arg2[%mul3A_74] : memref<960000xf32, #tpu.memory_space<hbm>> -> memref<40000xf32, #tpu.memory_space<hbm>>
      tpu.enqueue_dma source(%dma_start3A_146 : memref<40000xf32, #tpu.memory_space<hbm>>) target(%arg5 : memref<40000xf32, #tpu.memory_space<vmem>>) target_semaphore(%run_scoped3A : memref<!tpu.dma_semaphore, #tpu.memory_space<semaphore_mem>>)
      %dma_wait3A = tpu.memref_slice %arg2[%mul3A_74] : memref<960000xf32, #tpu.memory_space<hbm>> -> memref<40000xf32, #tpu.memory_space<hbm>>
      %dma_wait3A_147 = tpu.memref_slice %arg2[%mul3A_74] : memref<960000xf32, #tpu.memory_space<hbm>> -> memref<40000xf32, #tpu.memory_space<hbm>>
      tpu.wait_dma2 semaphore(%run_scoped3A : memref<!tpu.dma_semaphore, #tpu.memory_space<semaphore_mem>>) src(%dma_wait3A_147 : memref<40000xf32, #tpu.memory_space<hbm>>) dst(%arg5 : memref<40000xf32, #tpu.memory_space<vmem>>)
      tpu.yield
    }) : () -> ()
    %parallel_loop3A_75 = arith.constant 0 : i32
    %parallel_loop3A_76 = arith.constant 2500 : i32
    %parallel_loop3A_77 = arith.constant 1 : i32
    scf.for %parallel_loop3A_145 = %parallel_loop3A_75 to %parallel_loop3A_76 step %parallel_loop3A_77  : i32 {
      %parallel_loop3A_146 = arith.constant 16 : i32
      %parallel_loop3A_147 = arith.muli %parallel_loop3A_145, %parallel_loop3A_146 : i32
      %parallel_loop3A_148 = arith.index_cast %parallel_loop3A_147 : i32 to index
      %parallel_loop3A_149 = tpu.vector_load %arg6[%parallel_loop3A_148] {strides = array<i32>} : memref<40000xf32, #tpu.memory_space<vmem>>, vector<16xf32>,
      tpu.vector_store %arg6[%parallel_loop3A_148], %broadcast_in_dim3A_31 {strides = array<i32>} : memref<40000xf32, #tpu.memory_space<vmem>>, vector<16xf32>,
    } {sc.loop_unroll_factor = 8 : i64, sc.parallel_access}
    %mul3A_78 = arith.constant 80000 : i32
    %mul3A_79 = arith.muli %select_n3A_30, %mul3A_78 : i32
    %add3A_80 = arith.constant 640000 : i32
    %add3A_81 = arith.addi %add3A_80, %mul3A_79 : i32
    %add3A_82 = arith.constant 0 : i32
    %add3A_83 = arith.addi %add3A_81, %add3A_82 : i32
    %dma_start3A_84 = tpu.memref_slice %arg3[%add3A_83] : memref<1920000xi32, #tpu.memory_space<hbm>> -> memref<10000xi32, #tpu.memory_space<hbm>>
    %dma_start3A_85 = tpu.memref_slice %arg3[%add3A_83] : memref<1920000xi32, #tpu.memory_space<hbm>> -> memref<10000xi32, #tpu.memory_space<hbm>>
    tpu.enqueue_dma source(%dma_start3A_85 : memref<10000xi32, #tpu.memory_space<hbm>>) target(%arg7 : memref<10000xi32, #tpu.memory_space<vmem>>) target_semaphore(%arg11 : memref<!tpu.dma_semaphore, #tpu.memory_space<semaphore_mem>>)
    %add3A_86 = arith.constant 320000 : i32
    %add3A_87 = arith.addi %add3A_83, %add3A_86 : i32
    %dma_start3A_88 = tpu.memref_slice %arg3[%add3A_87] : memref<1920000xi32, #tpu.memory_space<hbm>> -> memref<10000xi32, #tpu.memory_space<hbm>>
    %dma_start3A_89 = tpu.memref_slice %arg3[%add3A_87] : memref<1920000xi32, #tpu.memory_space<hbm>> -> memref<10000xi32, #tpu.memory_space<hbm>>
    tpu.enqueue_dma source(%dma_start3A_89 : memref<10000xi32, #tpu.memory_space<hbm>>) target(%arg8 : memref<10000xi32, #tpu.memory_space<vmem>>) target_semaphore(%arg11 : memref<!tpu.dma_semaphore, #tpu.memory_space<semaphore_mem>>)
    %scan3A_90 = arith.constant 0 : i32
    %scan3A_91 = arith.constant 0 : i32
    %scan3A_92 = arith.constant 4 : i32
    %scan3A_93 = arith.addi %scan3A_91, %scan3A_92 : i32
    %scan3A_94 = arith.constant 1 : i32
    scf.for %scan3A_145 = %scan3A_91 to %scan3A_93 step %scan3A_94  : i32 {
      %mul3A_146 = arith.constant 2 : i32
      %mul3A_147 = arith.muli %mul3A_146, %scan3A_145 : i32
      %add3A_148 = arith.constant 1 : i32
      %add3A_149 = arith.addi %mul3A_147, %add3A_148 : i32
      %mul3A_150 = arith.constant 80000 : i32
      %mul3A_151 = arith.muli %select_n3A_30, %mul3A_150 : i32
      %add3A_152 = arith.constant 640000 : i32
      %add3A_153 = arith.addi %add3A_152, %mul3A_151 : i32
      %mul3A_154 = arith.constant 10000 : i32
      %mul3A_155 = arith.muli %add3A_149, %mul3A_154 : i32
      %add3A_156 = arith.addi %add3A_153, %mul3A_155 : i32
      %dma_start3A_157 = tpu.memref_slice %arg3[%add3A_156] : memref<1920000xi32, #tpu.memory_space<hbm>> -> memref<10000xi32, #tpu.memory_space<hbm>>
      %dma_start3A_158 = tpu.memref_slice %arg3[%add3A_156] : memref<1920000xi32, #tpu.memory_space<hbm>> -> memref<10000xi32, #tpu.memory_space<hbm>>
      tpu.enqueue_dma source(%dma_start3A_158 : memref<10000xi32, #tpu.memory_space<hbm>>) target(%arg9 : memref<10000xi32, #tpu.memory_space<vmem>>) target_semaphore(%arg12 : memref<!tpu.dma_semaphore, #tpu.memory_space<semaphore_mem>>)
      %add3A_159 = arith.constant 320000 : i32
      %add3A_160 = arith.addi %add3A_156, %add3A_159 : i32
      %dma_start3A_161 = tpu.memref_slice %arg3[%add3A_160] : memref<1920000xi32, #tpu.memory_space<hbm>> -> memref<10000xi32, #tpu.memory_space<hbm>>
      %dma_start3A_162 = tpu.memref_slice %arg3[%add3A_160] : memref<1920000xi32, #tpu.memory_space<hbm>> -> memref<10000xi32, #tpu.memory_space<hbm>>
      tpu.enqueue_dma source(%dma_start3A_162 : memref<10000xi32, #tpu.memory_space<hbm>>) target(%arg10 : memref<10000xi32, #tpu.memory_space<vmem>>) target_semaphore(%arg12 : memref<!tpu.dma_semaphore, #tpu.memory_space<semaphore_mem>>)
      %dma_wait3A = arith.constant 0 : i32
      %dma_wait3A_163 = tpu.memref_slice %arg3[%dma_wait3A] : memref<1920000xi32, #tpu.memory_space<hbm>> -> memref<10000xi32, #tpu.memory_space<hbm>>
      %dma_wait3A_164 = arith.constant 0 : i32
      %dma_wait3A_165 = tpu.memref_slice %arg3[%dma_wait3A_164] : memref<1920000xi32, #tpu.memory_space<hbm>> -> memref<10000xi32, #tpu.memory_space<hbm>>
      tpu.wait_dma2 semaphore(%arg11 : memref<!tpu.dma_semaphore, #tpu.memory_space<semaphore_mem>>) src(%dma_wait3A_165 : memref<10000xi32, #tpu.memory_space<hbm>>) dst(%arg7 : memref<10000xi32, #tpu.memory_space<vmem>>)
      %dma_wait3A_166 = arith.constant 0 : i32
      %dma_wait3A_167 = tpu.memref_slice %arg3[%dma_wait3A_166] : memref<1920000xi32, #tpu.memory_space<hbm>> -> memref<10000xi32, #tpu.memory_space<hbm>>
      %dma_wait3A_168 = arith.constant 0 : i32
      %dma_wait3A_169 = tpu.memref_slice %arg3[%dma_wait3A_168] : memref<1920000xi32, #tpu.memory_space<hbm>> -> memref<10000xi32, #tpu.memory_space<hbm>>
      tpu.wait_dma2 semaphore(%arg11 : memref<!tpu.dma_semaphore, #tpu.memory_space<semaphore_mem>>) src(%dma_wait3A_169 : memref<10000xi32, #tpu.memory_space<hbm>>) dst(%arg8 : memref<10000xi32, #tpu.memory_space<vmem>>)
      %parallel_loop3A_170 = arith.constant 0 : i32
      %parallel_loop3A_171 = arith.constant 625 : i32
      %parallel_loop3A_172 = arith.constant 1 : i32
      scf.for %parallel_loop3A_189 = %parallel_loop3A_170 to %parallel_loop3A_171 step %parallel_loop3A_172  : i32 {
        %parallel_loop3A_190 = arith.constant 16 : i32
        %parallel_loop3A_191 = arith.muli %parallel_loop3A_189, %parallel_loop3A_190 : i32
        %parallel_loop3A_192 = arith.index_cast %parallel_loop3A_191 : i32 to index
        %parallel_loop3A_193 = tpu.vector_load %arg7[%parallel_loop3A_192] {strides = array<i32>} : memref<10000xi32, #tpu.memory_space<vmem>>, vector<16xi32>,
        %parallel_loop3A_194 = arith.constant 16 : i32
        %parallel_loop3A_195 = arith.muli %parallel_loop3A_189, %parallel_loop3A_194 : i32
        %parallel_loop3A_196 = arith.index_cast %parallel_loop3A_195 : i32 to index
        %parallel_loop3A_197 = tpu.vector_load %arg8[%parallel_loop3A_196] {strides = array<i32>} : memref<10000xi32, #tpu.memory_space<vmem>>, vector<16xi32>,
        %parallel_loop3A_198 = tpu.vector_load_idx %arg5[%parallel_loop3A_193] : memref<40000xf32, #tpu.memory_space<vmem>>[vector<16xi32>], vector<16xf32>,
        tpu.vector_store_idx %arg6[%parallel_loop3A_197], %parallel_loop3A_198 {add = true} : memref<40000xf32, #tpu.memory_space<vmem>>[vector<16xi32>], vector<16xf32>,
        %parallel_loop3A_199 = arith.addi %parallel_loop3A_193, %broadcast_in_dim3A_33 : vector<16xi32>
        %parallel_loop3A_200 = arith.addi %parallel_loop3A_197, %broadcast_in_dim3A_33 : vector<16xi32>
        %parallel_loop3A_201 = tpu.vector_load_idx %arg5[%parallel_loop3A_199] : memref<40000xf32, #tpu.memory_space<vmem>>[vector<16xi32>], vector<16xf32>,
        tpu.vector_store_idx %arg6[%parallel_loop3A_200], %parallel_loop3A_201 {add = true} : memref<40000xf32, #tpu.memory_space<vmem>>[vector<16xi32>], vector<16xf32>,
        %parallel_loop3A_202 = arith.addi %parallel_loop3A_199, %broadcast_in_dim3A_33 : vector<16xi32>
        %parallel_loop3A_203 = arith.addi %parallel_loop3A_200, %broadcast_in_dim3A_33 : vector<16xi32>
        %parallel_loop3A_204 = tpu.vector_load_idx %arg5[%parallel_loop3A_202] : memref<40000xf32, #tpu.memory_space<vmem>>[vector<16xi32>], vector<16xf32>,
        tpu.vector_store_idx %arg6[%parallel_loop3A_203], %parallel_loop3A_204 {add = true} : memref<40000xf32, #tpu.memory_space<vmem>>[vector<16xi32>], vector<16xf32>,
        %parallel_loop3A_205 = arith.addi %parallel_loop3A_202, %broadcast_in_dim3A_33 : vector<16xi32>
        %parallel_loop3A_206 = arith.addi %parallel_loop3A_203, %broadcast_in_dim3A_33 : vector<16xi32>
        %parallel_loop3A_207 = tpu.vector_load_idx %arg5[%parallel_loop3A_205] : memref<40000xf32, #tpu.memory_space<vmem>>[vector<16xi32>], vector<16xf32>,
        tpu.vector_store_idx %arg6[%parallel_loop3A_206], %parallel_loop3A_207 {add = true} : memref<40000xf32, #tpu.memory_space<vmem>>[vector<16xi32>], vector<16xf32>,
      } {sc.loop_unroll_factor = 1 : i64, sc.parallel_access}
      %add3A_173 = arith.constant 1 : i32
      %add3A_174 = arith.addi %scan3A_145, %add3A_173 : i32
      %lt3A_175 = arith.constant 4 : i32
      %lt3A_176 = arith.cmpi slt, %add3A_174, %lt3A_175 : i32
      %convert_element_type3A = arith.extui %lt3A_176 : i1 to i32
      %cond3A = arith.constant 0 : i32
      %cond3A_177 = arith.cmpi ne, %convert_element_type3A, %cond3A : i32
      scf.if %cond3A_177 {
        %add3A_189 = arith.constant 2 : i32
        %add3A_190 = arith.addi %mul3A_147, %add3A_189 : i32
        %mul3A_191 = arith.constant 80000 : i32
        %mul3A_192 = arith.muli %select_n3A_30, %mul3A_191 : i32
        %add3A_193 = arith.constant 640000 : i32
        %add3A_194 = arith.addi %add3A_193, %mul3A_192 : i32
        %mul3A_195 = arith.constant 10000 : i32
        %mul3A_196 = arith.muli %add3A_190, %mul3A_195 : i32
        %add3A_197 = arith.addi %add3A_194, %mul3A_196 : i32
        %dma_start3A_198 = tpu.memref_slice %arg3[%add3A_197] : memref<1920000xi32, #tpu.memory_space<hbm>> -> memref<10000xi32, #tpu.memory_space<hbm>>
        %dma_start3A_199 = tpu.memref_slice %arg3[%add3A_197] : memref<1920000xi32, #tpu.memory_space<hbm>> -> memref<10000xi32, #tpu.memory_space<hbm>>
        tpu.enqueue_dma source(%dma_start3A_199 : memref<10000xi32, #tpu.memory_space<hbm>>) target(%arg7 : memref<10000xi32, #tpu.memory_space<vmem>>) target_semaphore(%arg11 : memref<!tpu.dma_semaphore, #tpu.memory_space<semaphore_mem>>)
        %add3A_200 = arith.constant 320000 : i32
        %add3A_201 = arith.addi %add3A_197, %add3A_200 : i32
        %dma_start3A_202 = tpu.memref_slice %arg3[%add3A_201] : memref<1920000xi32, #tpu.memory_space<hbm>> -> memref<10000xi32, #tpu.memory_space<hbm>>
        %dma_start3A_203 = tpu.memref_slice %arg3[%add3A_201] : memref<1920000xi32, #tpu.memory_space<hbm>> -> memref<10000xi32, #tpu.memory_space<hbm>>
        tpu.enqueue_dma source(%dma_start3A_203 : memref<10000xi32, #tpu.memory_space<hbm>>) target(%arg8 : memref<10000xi32, #tpu.memory_space<vmem>>) target_semaphore(%arg11 : memref<!tpu.dma_semaphore, #tpu.memory_space<semaphore_mem>>)
      } else {
      }
      %dma_wait3A_178 = arith.constant 0 : i32
      %dma_wait3A_179 = tpu.memref_slice %arg3[%dma_wait3A_178] : memref<1920000xi32, #tpu.memory_space<hbm>> -> memref<10000xi32, #tpu.memory_space<hbm>>
      %dma_wait3A_180 = arith.constant 0 : i32
      %dma_wait3A_181 = tpu.memref_slice %arg3[%dma_wait3A_180] : memref<1920000xi32, #tpu.memory_space<hbm>> -> memref<10000xi32, #tpu.memory_space<hbm>>
      tpu.wait_dma2 semaphore(%arg12 : memref<!tpu.dma_semaphore, #tpu.memory_space<semaphore_mem>>) src(%dma_wait3A_181 : memref<10000xi32, #tpu.memory_space<hbm>>) dst(%arg9 : memref<10000xi32, #tpu.memory_space<vmem>>)
      %dma_wait3A_182 = arith.constant 0 : i32
      %dma_wait3A_183 = tpu.memref_slice %arg3[%dma_wait3A_182] : memref<1920000xi32, #tpu.memory_space<hbm>> -> memref<10000xi32, #tpu.memory_space<hbm>>
      %dma_wait3A_184 = arith.constant 0 : i32
      %dma_wait3A_185 = tpu.memref_slice %arg3[%dma_wait3A_184] : memref<1920000xi32, #tpu.memory_space<hbm>> -> memref<10000xi32, #tpu.memory_space<hbm>>
      tpu.wait_dma2 semaphore(%arg12 : memref<!tpu.dma_semaphore, #tpu.memory_space<semaphore_mem>>) src(%dma_wait3A_185 : memref<10000xi32, #tpu.memory_space<hbm>>) dst(%arg10 : memref<10000xi32, #tpu.memory_space<vmem>>)
      %parallel_loop3A_186 = arith.constant 0 : i32
      %parallel_loop3A_187 = arith.constant 625 : i32
      %parallel_loop3A_188 = arith.constant 1 : i32
      scf.for %parallel_loop3A_189 = %parallel_loop3A_186 to %parallel_loop3A_187 step %parallel_loop3A_188  : i32 {
        %parallel_loop3A_190 = arith.constant 16 : i32
        %parallel_loop3A_191 = arith.muli %parallel_loop3A_189, %parallel_loop3A_190 : i32
        %parallel_loop3A_192 = arith.index_cast %parallel_loop3A_191 : i32 to index
        %parallel_loop3A_193 = tpu.vector_load %arg9[%parallel_loop3A_192] {strides = array<i32>} : memref<10000xi32, #tpu.memory_space<vmem>>, vector<16xi32>,
        %parallel_loop3A_194 = arith.constant 16 : i32
        %parallel_loop3A_195 = arith.muli %parallel_loop3A_189, %parallel_loop3A_194 : i32
        %parallel_loop3A_196 = arith.index_cast %parallel_loop3A_195 : i32 to index
        %parallel_loop3A_197 = tpu.vector_load %arg10[%parallel_loop3A_196] {strides = array<i32>} : memref<10000xi32, #tpu.memory_space<vmem>>, vector<16xi32>,
        %parallel_loop3A_198 = tpu.vector_load_idx %arg5[%parallel_loop3A_193] : memref<40000xf32, #tpu.memory_space<vmem>>[vector<16xi32>], vector<16xf32>,
        tpu.vector_store_idx %arg6[%parallel_loop3A_197], %parallel_loop3A_198 {add = true} : memref<40000xf32, #tpu.memory_space<vmem>>[vector<16xi32>], vector<16xf32>,
        %parallel_loop3A_199 = arith.addi %parallel_loop3A_193, %broadcast_in_dim3A_33 : vector<16xi32>
        %parallel_loop3A_200 = arith.addi %parallel_loop3A_197, %broadcast_in_dim3A_33 : vector<16xi32>
        %parallel_loop3A_201 = tpu.vector_load_idx %arg5[%parallel_loop3A_199] : memref<40000xf32, #tpu.memory_space<vmem>>[vector<16xi32>], vector<16xf32>,
        tpu.vector_store_idx %arg6[%parallel_loop3A_200], %parallel_loop3A_201 {add = true} : memref<40000xf32, #tpu.memory_space<vmem>>[vector<16xi32>], vector<16xf32>,
        %parallel_loop3A_202 = arith.addi %parallel_loop3A_199, %broadcast_in_dim3A_33 : vector<16xi32>
        %parallel_loop3A_203 = arith.addi %parallel_loop3A_200, %broadcast_in_dim3A_33 : vector<16xi32>
        %parallel_loop3A_204 = tpu.vector_load_idx %arg5[%parallel_loop3A_202] : memref<40000xf32, #tpu.memory_space<vmem>>[vector<16xi32>], vector<16xf32>,
        tpu.vector_store_idx %arg6[%parallel_loop3A_203], %parallel_loop3A_204 {add = true} : memref<40000xf32, #tpu.memory_space<vmem>>[vector<16xi32>], vector<16xf32>,
        %parallel_loop3A_205 = arith.addi %parallel_loop3A_202, %broadcast_in_dim3A_33 : vector<16xi32>
        %parallel_loop3A_206 = arith.addi %parallel_loop3A_203, %broadcast_in_dim3A_33 : vector<16xi32>
        %parallel_loop3A_207 = tpu.vector_load_idx %arg5[%parallel_loop3A_205] : memref<40000xf32, #tpu.memory_space<vmem>>[vector<16xi32>], vector<16xf32>,
        tpu.vector_store_idx %arg6[%parallel_loop3A_206], %parallel_loop3A_207 {add = true} : memref<40000xf32, #tpu.memory_space<vmem>>[vector<16xi32>], vector<16xf32>,
      } {sc.loop_unroll_factor = 1 : i64, sc.parallel_access}
    }
    %scan3A_95 = arith.constant 4 : i32
    %mul3A_96 = arith.constant 3 : i32
    %mul3A_97 = arith.muli %select_n3A_30, %mul3A_96 : i32
    %add3A_98 = arith.constant 1 : i32
    %add3A_99 = arith.addi %mul3A_97, %add3A_98 : i32
    %mul3A_100 = arith.constant 32 : i32
    %mul3A_101 = arith.muli %add3A_99, %mul3A_100 : i32
    %mul3A_102 = arith.constant 4 : i32
    %mul3A_103 = arith.muli %mul3A_102, %select_n3A_9 : i32
    %add3A_104 = arith.addi %mul3A_101, %mul3A_103 : i32
    %mul3A_105 = arith.constant 10000 : i32
    %mul3A_106 = arith.muli %add3A_104, %mul3A_105 : i32
    "tpu.region"() ({
      %run_scoped3A = tpu.sem_alloc : memref<!tpu.dma_semaphore, #tpu.memory_space<semaphore_mem>>
      %dma_start3A_145 = tpu.memref_slice %arg4[%mul3A_106] : memref<3840000xf32, #tpu.memory_space<hbm>> -> memref<40000xf32, #tpu.memory_space<hbm>>
      %dma_start3A_146 = tpu.memref_slice %arg4[%mul3A_106] : memref<3840000xf32, #tpu.memory_space<hbm>> -> memref<40000xf32, #tpu.memory_space<hbm>>
      tpu.enqueue_dma source(%arg6 : memref<40000xf32, #tpu.memory_space<vmem>>) target(%dma_start3A_146 : memref<40000xf32, #tpu.memory_space<hbm>>) target_semaphore(%run_scoped3A : memref<!tpu.dma_semaphore, #tpu.memory_space<semaphore_mem>>)
      %dma_wait3A = tpu.memref_slice %arg4[%mul3A_106] : memref<3840000xf32, #tpu.memory_space<hbm>> -> memref<40000xf32, #tpu.memory_space<hbm>>
      %dma_wait3A_147 = tpu.memref_slice %arg4[%mul3A_106] : memref<3840000xf32, #tpu.memory_space<hbm>> -> memref<40000xf32, #tpu.memory_space<hbm>>
      tpu.wait_dma2 semaphore(%run_scoped3A : memref<!tpu.dma_semaphore, #tpu.memory_space<semaphore_mem>>) src(%arg6 : memref<40000xf32, #tpu.memory_space<vmem>>) dst(%dma_wait3A_147 : memref<40000xf32, #tpu.memory_space<hbm>>)
      tpu.yield
    }) : () -> ()
    %mul3A_107 = arith.constant 4 : i32
    %mul3A_108 = arith.muli %mul3A_107, %select_n3A_9 : i32
    %add3A_109 = arith.constant 64 : i32
    %add3A_110 = arith.addi %add3A_109, %mul3A_108 : i32
    %mul3A_111 = arith.constant 10000 : i32
    %mul3A_112 = arith.muli %add3A_110, %mul3A_111 : i32
    "tpu.region"() ({
      %run_scoped3A = tpu.sem_alloc : memref<!tpu.dma_semaphore, #tpu.memory_space<semaphore_mem>>
      %dma_start3A_145 = tpu.memref_slice %arg2[%mul3A_112] : memref<960000xf32, #tpu.memory_space<hbm>> -> memref<40000xf32, #tpu.memory_space<hbm>>
      %dma_start3A_146 = tpu.memref_slice %arg2[%mul3A_112] : memref<960000xf32, #tpu.memory_space<hbm>> -> memref<40000xf32, #tpu.memory_space<hbm>>
      tpu.enqueue_dma source(%dma_start3A_146 : memref<40000xf32, #tpu.memory_space<hbm>>) target(%arg5 : memref<40000xf32, #tpu.memory_space<vmem>>) target_semaphore(%run_scoped3A : memref<!tpu.dma_semaphore, #tpu.memory_space<semaphore_mem>>)
      %dma_wait3A = tpu.memref_slice %arg2[%mul3A_112] : memref<960000xf32, #tpu.memory_space<hbm>> -> memref<40000xf32, #tpu.memory_space<hbm>>
      %dma_wait3A_147 = tpu.memref_slice %arg2[%mul3A_112] : memref<960000xf32, #tpu.memory_space<hbm>> -> memref<40000xf32, #tpu.memory_space<hbm>>
      tpu.wait_dma2 semaphore(%run_scoped3A : memref<!tpu.dma_semaphore, #tpu.memory_space<semaphore_mem>>) src(%dma_wait3A_147 : memref<40000xf32, #tpu.memory_space<hbm>>) dst(%arg5 : memref<40000xf32, #tpu.memory_space<vmem>>)
      tpu.yield
    }) : () -> ()
    %parallel_loop3A_113 = arith.constant 0 : i32
    %parallel_loop3A_114 = arith.constant 2500 : i32
    %parallel_loop3A_115 = arith.constant 1 : i32
    scf.for %parallel_loop3A_145 = %parallel_loop3A_113 to %parallel_loop3A_114 step %parallel_loop3A_115  : i32 {
      %parallel_loop3A_146 = arith.constant 16 : i32
      %parallel_loop3A_147 = arith.muli %parallel_loop3A_145, %parallel_loop3A_146 : i32
      %parallel_loop3A_148 = arith.index_cast %parallel_loop3A_147 : i32 to index
      %parallel_loop3A_149 = tpu.vector_load %arg6[%parallel_loop3A_148] {strides = array<i32>} : memref<40000xf32, #tpu.memory_space<vmem>>, vector<16xf32>,
      tpu.vector_store %arg6[%parallel_loop3A_148], %broadcast_in_dim3A_31 {strides = array<i32>} : memref<40000xf32, #tpu.memory_space<vmem>>, vector<16xf32>,
    } {sc.loop_unroll_factor = 8 : i64, sc.parallel_access}
    %mul3A_116 = arith.constant 80000 : i32
    %mul3A_117 = arith.muli %select_n3A_30, %mul3A_116 : i32
    %add3A_118 = arith.constant 1280000 : i32
    %add3A_119 = arith.addi %add3A_118, %mul3A_117 : i32
    %add3A_120 = arith.constant 0 : i32
    %add3A_121 = arith.addi %add3A_119, %add3A_120 : i32
    %dma_start3A_122 = tpu.memref_slice %arg3[%add3A_121] : memref<1920000xi32, #tpu.memory_space<hbm>> -> memref<10000xi32, #tpu.memory_space<hbm>>
    %dma_start3A_123 = tpu.memref_slice %arg3[%add3A_121] : memref<1920000xi32, #tpu.memory_space<hbm>> -> memref<10000xi32, #tpu.memory_space<hbm>>
    tpu.enqueue_dma source(%dma_start3A_123 : memref<10000xi32, #tpu.memory_space<hbm>>) target(%arg7 : memref<10000xi32, #tpu.memory_space<vmem>>) target_semaphore(%arg11 : memref<!tpu.dma_semaphore, #tpu.memory_space<semaphore_mem>>)
    %add3A_124 = arith.constant 320000 : i32
    %add3A_125 = arith.addi %add3A_121, %add3A_124 : i32
    %dma_start3A_126 = tpu.memref_slice %arg3[%add3A_125] : memref<1920000xi32, #tpu.memory_space<hbm>> -> memref<10000xi32, #tpu.memory_space<hbm>>
    %dma_start3A_127 = tpu.memref_slice %arg3[%add3A_125] : memref<1920000xi32, #tpu.memory_space<hbm>> -> memref<10000xi32, #tpu.memory_space<hbm>>
    tpu.enqueue_dma source(%dma_start3A_127 : memref<10000xi32, #tpu.memory_space<hbm>>) target(%arg8 : memref<10000xi32, #tpu.memory_space<vmem>>) target_semaphore(%arg11 : memref<!tpu.dma_semaphore, #tpu.memory_space<semaphore_mem>>)
    %scan3A_128 = arith.constant 0 : i32
    %scan3A_129 = arith.constant 0 : i32
    %scan3A_130 = arith.constant 4 : i32
    %scan3A_131 = arith.addi %scan3A_129, %scan3A_130 : i32
    %scan3A_132 = arith.constant 1 : i32
    scf.for %scan3A_145 = %scan3A_129 to %scan3A_131 step %scan3A_132  : i32 {
      %mul3A_146 = arith.constant 2 : i32
      %mul3A_147 = arith.muli %mul3A_146, %scan3A_145 : i32
      %add3A_148 = arith.constant 1 : i32
      %add3A_149 = arith.addi %mul3A_147, %add3A_148 : i32
      %mul3A_150 = arith.constant 80000 : i32
      %mul3A_151 = arith.muli %select_n3A_30, %mul3A_150 : i32
      %add3A_152 = arith.constant 1280000 : i32
      %add3A_153 = arith.addi %add3A_152, %mul3A_151 : i32
      %mul3A_154 = arith.constant 10000 : i32
      %mul3A_155 = arith.muli %add3A_149, %mul3A_154 : i32
      %add3A_156 = arith.addi %add3A_153, %mul3A_155 : i32
      %dma_start3A_157 = tpu.memref_slice %arg3[%add3A_156] : memref<1920000xi32, #tpu.memory_space<hbm>> -> memref<10000xi32, #tpu.memory_space<hbm>>
      %dma_start3A_158 = tpu.memref_slice %arg3[%add3A_156] : memref<1920000xi32, #tpu.memory_space<hbm>> -> memref<10000xi32, #tpu.memory_space<hbm>>
      tpu.enqueue_dma source(%dma_start3A_158 : memref<10000xi32, #tpu.memory_space<hbm>>) target(%arg9 : memref<10000xi32, #tpu.memory_space<vmem>>) target_semaphore(%arg12 : memref<!tpu.dma_semaphore, #tpu.memory_space<semaphore_mem>>)
      %add3A_159 = arith.constant 320000 : i32
      %add3A_160 = arith.addi %add3A_156, %add3A_159 : i32
      %dma_start3A_161 = tpu.memref_slice %arg3[%add3A_160] : memref<1920000xi32, #tpu.memory_space<hbm>> -> memref<10000xi32, #tpu.memory_space<hbm>>
      %dma_start3A_162 = tpu.memref_slice %arg3[%add3A_160] : memref<1920000xi32, #tpu.memory_space<hbm>> -> memref<10000xi32, #tpu.memory_space<hbm>>
      tpu.enqueue_dma source(%dma_start3A_162 : memref<10000xi32, #tpu.memory_space<hbm>>) target(%arg10 : memref<10000xi32, #tpu.memory_space<vmem>>) target_semaphore(%arg12 : memref<!tpu.dma_semaphore, #tpu.memory_space<semaphore_mem>>)
      %dma_wait3A = arith.constant 0 : i32
      %dma_wait3A_163 = tpu.memref_slice %arg3[%dma_wait3A] : memref<1920000xi32, #tpu.memory_space<hbm>> -> memref<10000xi32, #tpu.memory_space<hbm>>
      %dma_wait3A_164 = arith.constant 0 : i32
      %dma_wait3A_165 = tpu.memref_slice %arg3[%dma_wait3A_164] : memref<1920000xi32, #tpu.memory_space<hbm>> -> memref<10000xi32, #tpu.memory_space<hbm>>
      tpu.wait_dma2 semaphore(%arg11 : memref<!tpu.dma_semaphore, #tpu.memory_space<semaphore_mem>>) src(%dma_wait3A_165 : memref<10000xi32, #tpu.memory_space<hbm>>) dst(%arg7 : memref<10000xi32, #tpu.memory_space<vmem>>)
      %dma_wait3A_166 = arith.constant 0 : i32
      %dma_wait3A_167 = tpu.memref_slice %arg3[%dma_wait3A_166] : memref<1920000xi32, #tpu.memory_space<hbm>> -> memref<10000xi32, #tpu.memory_space<hbm>>
      %dma_wait3A_168 = arith.constant 0 : i32
      %dma_wait3A_169 = tpu.memref_slice %arg3[%dma_wait3A_168] : memref<1920000xi32, #tpu.memory_space<hbm>> -> memref<10000xi32, #tpu.memory_space<hbm>>
      tpu.wait_dma2 semaphore(%arg11 : memref<!tpu.dma_semaphore, #tpu.memory_space<semaphore_mem>>) src(%dma_wait3A_169 : memref<10000xi32, #tpu.memory_space<hbm>>) dst(%arg8 : memref<10000xi32, #tpu.memory_space<vmem>>)
      %parallel_loop3A_170 = arith.constant 0 : i32
      %parallel_loop3A_171 = arith.constant 625 : i32
      %parallel_loop3A_172 = arith.constant 1 : i32
      scf.for %parallel_loop3A_189 = %parallel_loop3A_170 to %parallel_loop3A_171 step %parallel_loop3A_172  : i32 {
        %parallel_loop3A_190 = arith.constant 16 : i32
        %parallel_loop3A_191 = arith.muli %parallel_loop3A_189, %parallel_loop3A_190 : i32
        %parallel_loop3A_192 = arith.index_cast %parallel_loop3A_191 : i32 to index
        %parallel_loop3A_193 = tpu.vector_load %arg7[%parallel_loop3A_192] {strides = array<i32>} : memref<10000xi32, #tpu.memory_space<vmem>>, vector<16xi32>,
        %parallel_loop3A_194 = arith.constant 16 : i32
        %parallel_loop3A_195 = arith.muli %parallel_loop3A_189, %parallel_loop3A_194 : i32
        %parallel_loop3A_196 = arith.index_cast %parallel_loop3A_195 : i32 to index
        %parallel_loop3A_197 = tpu.vector_load %arg8[%parallel_loop3A_196] {strides = array<i32>} : memref<10000xi32, #tpu.memory_space<vmem>>, vector<16xi32>,
        %parallel_loop3A_198 = tpu.vector_load_idx %arg5[%parallel_loop3A_193] : memref<40000xf32, #tpu.memory_space<vmem>>[vector<16xi32>], vector<16xf32>,
        tpu.vector_store_idx %arg6[%parallel_loop3A_197], %parallel_loop3A_198 {add = true} : memref<40000xf32, #tpu.memory_space<vmem>>[vector<16xi32>], vector<16xf32>,
        %parallel_loop3A_199 = arith.addi %parallel_loop3A_193, %broadcast_in_dim3A_33 : vector<16xi32>
        %parallel_loop3A_200 = arith.addi %parallel_loop3A_197, %broadcast_in_dim3A_33 : vector<16xi32>
        %parallel_loop3A_201 = tpu.vector_load_idx %arg5[%parallel_loop3A_199] : memref<40000xf32, #tpu.memory_space<vmem>>[vector<16xi32>], vector<16xf32>,
        tpu.vector_store_idx %arg6[%parallel_loop3A_200], %parallel_loop3A_201 {add = true} : memref<40000xf32, #tpu.memory_space<vmem>>[vector<16xi32>], vector<16xf32>,
        %parallel_loop3A_202 = arith.addi %parallel_loop3A_199, %broadcast_in_dim3A_33 : vector<16xi32>
        %parallel_loop3A_203 = arith.addi %parallel_loop3A_200, %broadcast_in_dim3A_33 : vector<16xi32>
        %parallel_loop3A_204 = tpu.vector_load_idx %arg5[%parallel_loop3A_202] : memref<40000xf32, #tpu.memory_space<vmem>>[vector<16xi32>], vector<16xf32>,
        tpu.vector_store_idx %arg6[%parallel_loop3A_203], %parallel_loop3A_204 {add = true} : memref<40000xf32, #tpu.memory_space<vmem>>[vector<16xi32>], vector<16xf32>,
        %parallel_loop3A_205 = arith.addi %parallel_loop3A_202, %broadcast_in_dim3A_33 : vector<16xi32>
        %parallel_loop3A_206 = arith.addi %parallel_loop3A_203, %broadcast_in_dim3A_33 : vector<16xi32>
        %parallel_loop3A_207 = tpu.vector_load_idx %arg5[%parallel_loop3A_205] : memref<40000xf32, #tpu.memory_space<vmem>>[vector<16xi32>], vector<16xf32>,
        tpu.vector_store_idx %arg6[%parallel_loop3A_206], %parallel_loop3A_207 {add = true} : memref<40000xf32, #tpu.memory_space<vmem>>[vector<16xi32>], vector<16xf32>,
      } {sc.loop_unroll_factor = 1 : i64, sc.parallel_access}
      %add3A_173 = arith.constant 1 : i32
      %add3A_174 = arith.addi %scan3A_145, %add3A_173 : i32
      %lt3A_175 = arith.constant 4 : i32
      %lt3A_176 = arith.cmpi slt, %add3A_174, %lt3A_175 : i32
      %convert_element_type3A = arith.extui %lt3A_176 : i1 to i32
      %cond3A = arith.constant 0 : i32
      %cond3A_177 = arith.cmpi ne, %convert_element_type3A, %cond3A : i32
      scf.if %cond3A_177 {
        %add3A_189 = arith.constant 2 : i32
        %add3A_190 = arith.addi %mul3A_147, %add3A_189 : i32
        %mul3A_191 = arith.constant 80000 : i32
        %mul3A_192 = arith.muli %select_n3A_30, %mul3A_191 : i32
        %add3A_193 = arith.constant 1280000 : i32
        %add3A_194 = arith.addi %add3A_193, %mul3A_192 : i32
        %mul3A_195 = arith.constant 10000 : i32
        %mul3A_196 = arith.muli %add3A_190, %mul3A_195 : i32
        %add3A_197 = arith.addi %add3A_194, %mul3A_196 : i32
        %dma_start3A_198 = tpu.memref_slice %arg3[%add3A_197] : memref<1920000xi32, #tpu.memory_space<hbm>> -> memref<10000xi32, #tpu.memory_space<hbm>>
        %dma_start3A_199 = tpu.memref_slice %arg3[%add3A_197] : memref<1920000xi32, #tpu.memory_space<hbm>> -> memref<10000xi32, #tpu.memory_space<hbm>>
        tpu.enqueue_dma source(%dma_start3A_199 : memref<10000xi32, #tpu.memory_space<hbm>>) target(%arg7 : memref<10000xi32, #tpu.memory_space<vmem>>) target_semaphore(%arg11 : memref<!tpu.dma_semaphore, #tpu.memory_space<semaphore_mem>>)
        %add3A_200 = arith.constant 320000 : i32
        %add3A_201 = arith.addi %add3A_197, %add3A_200 : i32
        %dma_start3A_202 = tpu.memref_slice %arg3[%add3A_201] : memref<1920000xi32, #tpu.memory_space<hbm>> -> memref<10000xi32, #tpu.memory_space<hbm>>
        %dma_start3A_203 = tpu.memref_slice %arg3[%add3A_201] : memref<1920000xi32, #tpu.memory_space<hbm>> -> memref<10000xi32, #tpu.memory_space<hbm>>
        tpu.enqueue_dma source(%dma_start3A_203 : memref<10000xi32, #tpu.memory_space<hbm>>) target(%arg8 : memref<10000xi32, #tpu.memory_space<vmem>>) target_semaphore(%arg11 : memref<!tpu.dma_semaphore, #tpu.memory_space<semaphore_mem>>)
      } else {
      }
      %dma_wait3A_178 = arith.constant 0 : i32
      %dma_wait3A_179 = tpu.memref_slice %arg3[%dma_wait3A_178] : memref<1920000xi32, #tpu.memory_space<hbm>> -> memref<10000xi32, #tpu.memory_space<hbm>>
      %dma_wait3A_180 = arith.constant 0 : i32
      %dma_wait3A_181 = tpu.memref_slice %arg3[%dma_wait3A_180] : memref<1920000xi32, #tpu.memory_space<hbm>> -> memref<10000xi32, #tpu.memory_space<hbm>>
      tpu.wait_dma2 semaphore(%arg12 : memref<!tpu.dma_semaphore, #tpu.memory_space<semaphore_mem>>) src(%dma_wait3A_181 : memref<10000xi32, #tpu.memory_space<hbm>>) dst(%arg9 : memref<10000xi32, #tpu.memory_space<vmem>>)
      %dma_wait3A_182 = arith.constant 0 : i32
      %dma_wait3A_183 = tpu.memref_slice %arg3[%dma_wait3A_182] : memref<1920000xi32, #tpu.memory_space<hbm>> -> memref<10000xi32, #tpu.memory_space<hbm>>
      %dma_wait3A_184 = arith.constant 0 : i32
      %dma_wait3A_185 = tpu.memref_slice %arg3[%dma_wait3A_184] : memref<1920000xi32, #tpu.memory_space<hbm>> -> memref<10000xi32, #tpu.memory_space<hbm>>
      tpu.wait_dma2 semaphore(%arg12 : memref<!tpu.dma_semaphore, #tpu.memory_space<semaphore_mem>>) src(%dma_wait3A_185 : memref<10000xi32, #tpu.memory_space<hbm>>) dst(%arg10 : memref<10000xi32, #tpu.memory_space<vmem>>)
      %parallel_loop3A_186 = arith.constant 0 : i32
      %parallel_loop3A_187 = arith.constant 625 : i32
      %parallel_loop3A_188 = arith.constant 1 : i32
      scf.for %parallel_loop3A_189 = %parallel_loop3A_186 to %parallel_loop3A_187 step %parallel_loop3A_188  : i32 {
        %parallel_loop3A_190 = arith.constant 16 : i32
        %parallel_loop3A_191 = arith.muli %parallel_loop3A_189, %parallel_loop3A_190 : i32
        %parallel_loop3A_192 = arith.index_cast %parallel_loop3A_191 : i32 to index
        %parallel_loop3A_193 = tpu.vector_load %arg9[%parallel_loop3A_192] {strides = array<i32>} : memref<10000xi32, #tpu.memory_space<vmem>>, vector<16xi32>,
        %parallel_loop3A_194 = arith.constant 16 : i32
        %parallel_loop3A_195 = arith.muli %parallel_loop3A_189, %parallel_loop3A_194 : i32
        %parallel_loop3A_196 = arith.index_cast %parallel_loop3A_195 : i32 to index
        %parallel_loop3A_197 = tpu.vector_load %arg10[%parallel_loop3A_196] {strides = array<i32>} : memref<10000xi32, #tpu.memory_space<vmem>>, vector<16xi32>,
        %parallel_loop3A_198 = tpu.vector_load_idx %arg5[%parallel_loop3A_193] : memref<40000xf32, #tpu.memory_space<vmem>>[vector<16xi32>], vector<16xf32>,
        tpu.vector_store_idx %arg6[%parallel_loop3A_197], %parallel_loop3A_198 {add = true} : memref<40000xf32, #tpu.memory_space<vmem>>[vector<16xi32>], vector<16xf32>,
        %parallel_loop3A_199 = arith.addi %parallel_loop3A_193, %broadcast_in_dim3A_33 : vector<16xi32>
        %parallel_loop3A_200 = arith.addi %parallel_loop3A_197, %broadcast_in_dim3A_33 : vector<16xi32>
        %parallel_loop3A_201 = tpu.vector_load_idx %arg5[%parallel_loop3A_199] : memref<40000xf32, #tpu.memory_space<vmem>>[vector<16xi32>], vector<16xf32>,
        tpu.vector_store_idx %arg6[%parallel_loop3A_200], %parallel_loop3A_201 {add = true} : memref<40000xf32, #tpu.memory_space<vmem>>[vector<16xi32>], vector<16xf32>,
        %parallel_loop3A_202 = arith.addi %parallel_loop3A_199, %broadcast_in_dim3A_33 : vector<16xi32>
        %parallel_loop3A_203 = arith.addi %parallel_loop3A_200, %broadcast_in_dim3A_33 : vector<16xi32>
        %parallel_loop3A_204 = tpu.vector_load_idx %arg5[%parallel_loop3A_202] : memref<40000xf32, #tpu.memory_space<vmem>>[vector<16xi32>], vector<16xf32>,
        tpu.vector_store_idx %arg6[%parallel_loop3A_203], %parallel_loop3A_204 {add = true} : memref<40000xf32, #tpu.memory_space<vmem>>[vector<16xi32>], vector<16xf32>,
        %parallel_loop3A_205 = arith.addi %parallel_loop3A_202, %broadcast_in_dim3A_33 : vector<16xi32>
        %parallel_loop3A_206 = arith.addi %parallel_loop3A_203, %broadcast_in_dim3A_33 : vector<16xi32>
        %parallel_loop3A_207 = tpu.vector_load_idx %arg5[%parallel_loop3A_205] : memref<40000xf32, #tpu.memory_space<vmem>>[vector<16xi32>], vector<16xf32>,
        tpu.vector_store_idx %arg6[%parallel_loop3A_206], %parallel_loop3A_207 {add = true} : memref<40000xf32, #tpu.memory_space<vmem>>[vector<16xi32>], vector<16xf32>,
      } {sc.loop_unroll_factor = 1 : i64, sc.parallel_access}
    }
    %scan3A_133 = arith.constant 4 : i32
    %mul3A_134 = arith.constant 3 : i32
    %mul3A_135 = arith.muli %select_n3A_30, %mul3A_134 : i32
    %add3A_136 = arith.constant 2 : i32
    %add3A_137 = arith.addi %mul3A_135, %add3A_136 : i32
    %mul3A_138 = arith.constant 32 : i32
    %mul3A_139 = arith.muli %add3A_137, %mul3A_138 : i32
    %mul3A_140 = arith.constant 4 : i32
    %mul3A_141 = arith.muli %mul3A_140, %select_n3A_9 : i32
    %add3A_142 = arith.addi %mul3A_139, %mul3A_141 : i32
    %mul3A_143 = arith.constant 10000 : i32
    %mul3A_144 = arith.muli %add3A_142, %mul3A_143 : i32
    "tpu.region"() ({
      %run_scoped3A = tpu.sem_alloc : memref<!tpu.dma_semaphore, #tpu.memory_space<semaphore_mem>>
      %dma_start3A_145 = tpu.memref_slice %arg4[%mul3A_144] : memref<3840000xf32, #tpu.memory_space<hbm>> -> memref<40000xf32, #tpu.memory_space<hbm>>
      %dma_start3A_146 = tpu.memref_slice %arg4[%mul3A_144] : memref<3840000xf32, #tpu.memory_space<hbm>> -> memref<40000xf32, #tpu.memory_space<hbm>>
      tpu.enqueue_dma source(%arg6 : memref<40000xf32, #tpu.memory_space<vmem>>) target(%dma_start3A_146 : memref<40000xf32, #tpu.memory_space<hbm>>) target_semaphore(%run_scoped3A : memref<!tpu.dma_semaphore, #tpu.memory_space<semaphore_mem>>)
      %dma_wait3A = tpu.memref_slice %arg4[%mul3A_144] : memref<3840000xf32, #tpu.memory_space<hbm>> -> memref<40000xf32, #tpu.memory_space<hbm>>
      %dma_wait3A_147 = tpu.memref_slice %arg4[%mul3A_144] : memref<3840000xf32, #tpu.memory_space<hbm>> -> memref<40000xf32, #tpu.memory_space<hbm>>
      tpu.wait_dma2 semaphore(%run_scoped3A : memref<!tpu.dma_semaphore, #tpu.memory_space<semaphore_mem>>) src(%arg6 : memref<40000xf32, #tpu.memory_space<vmem>>) dst(%dma_wait3A_147 : memref<40000xf32, #tpu.memory_space<hbm>>)
      tpu.yield
    }) : () -> ()
    return
  }
}

#map = affine_map<(d0, d1) -> (0)>
module attributes {stable_mosaic.version = 14 : i64} {
  func.func @_mp_body(%arg0: i32, %arg1: i32, %arg2: memref<960000xf32, #tpu.memory_space<hbm>>, %arg3: memref<1920000xi32, #tpu.memory_space<hbm>>, %arg4: memref<3840000xf32, #tpu.memory_space<hbm>>, %arg5: memref<40000xf32, #tpu.memory_space<vmem>>, %arg6: memref<40000xf32, #tpu.memory_space<vmem>>, %arg7: memref<10000xi32, #tpu.memory_space<vmem>>, %arg8: memref<10000xi32, #tpu.memory_space<vmem>>, %arg9: memref<10000xi32, #tpu.memory_space<vmem>>, %arg10: memref<10000xi32, #tpu.memory_space<vmem>>, %arg11: memref<!tpu.dma_semaphore, #tpu.memory_space<semaphore_mem>>, %arg12: memref<!tpu.dma_semaphore, #tpu.memory_space<semaphore_mem>>) attributes {dimension_semantics = [#tpu.dimension_semantics<core_parallel>, #tpu.dimension_semantics<subcore_parallel>], iteration_bounds = array<i64: 2, 16>, scalar_prefetch = 0 : i64, scratch_operands = 8 : i64, tpu.core_type = #tpu.core_type<sc_vector_subcore>, window_params = [{transform_indices = #map}, {transform_indices = #map}, {transform_indices = #map}]} {
    %mul3A = arith.constant 16 : i32
    %mul3A_0 = arith.muli %arg0, %mul3A : i32
    %add3A = arith.addi %mul3A_0, %arg1 : i32
    %jit3A = arith.constant 8 : i32
    %eq3A = arith.constant 0 : i32
    %eq3A_1 = arith.cmpi eq, %jit3A, %eq3A : i32
    %jit3A_2 = arith.constant 1 : i32
    %select_n3A = arith.select %eq3A_1, %jit3A_2, %jit3A : i32
    %rem3A = arith.remsi %add3A, %select_n3A : i32
    %ne3A = arith.constant 0 : i32
    %ne3A_3 = arith.cmpi ne, %rem3A, %ne3A : i32
    %lt3A = arith.constant 0 : i32
    %lt3A_4 = arith.cmpi slt, %rem3A, %lt3A : i32
    %lt3A_5 = arith.constant 0 : i32
    %lt3A_6 = arith.cmpi slt, %select_n3A, %lt3A_5 : i32
    %ne3A_7 = arith.xori %lt3A_4, %lt3A_6 : i1
    %and3A = arith.andi %ne3A_7, %ne3A_3 : i1
    %add3A_8 = arith.addi %rem3A, %select_n3A : i32
    %select_n3A_9 = arith.select %and3A, %add3A_8, %rem3A : i32
    %jit3A_10 = arith.constant 8 : i32
    %div3A = arith.divsi %add3A, %jit3A_10 : i32
    %sign3A = arith.constant 0 : i32
    %sign3A_11 = arith.cmpi sgt, %add3A, %sign3A : i32
    %sign3A_12 = arith.extui %sign3A_11 : i1 to i32
    %sign3A_13 = arith.constant 0 : i32
    %sign3A_14 = arith.cmpi slt, %add3A, %sign3A_13 : i32
    %sign3A_15 = arith.extui %sign3A_14 : i1 to i32
    %sign3A_16 = arith.subi %sign3A_12, %sign3A_15 : i32
    %sign3A_17 = arith.constant 0 : i32
    %sign3A_18 = arith.cmpi sgt, %jit3A_10, %sign3A_17 : i32
    %sign3A_19 = arith.extui %sign3A_18 : i1 to i32
    %sign3A_20 = arith.constant 0 : i32
    %sign3A_21 = arith.cmpi slt, %jit3A_10, %sign3A_20 : i32
    %sign3A_22 = arith.extui %sign3A_21 : i1 to i32
    %sign3A_23 = arith.subi %sign3A_19, %sign3A_22 : i32
    %ne3A_24 = arith.cmpi ne, %sign3A_16, %sign3A_23 : i32
    %rem3A_25 = arith.remsi %add3A, %jit3A_10 : i32
    %ne3A_26 = arith.constant 0 : i32
    %ne3A_27 = arith.cmpi ne, %rem3A_25, %ne3A_26 : i32
    %and3A_28 = arith.andi %ne3A_24, %ne3A_27 : i1
    %sub3A = arith.constant 1 : i32
    %sub3A_29 = arith.subi %div3A, %sub3A : i32
    %select_n3A_30 = arith.select %and3A_28, %sub3A_29, %div3A : i32
    %broadcast_in_dim3A = arith.constant 0.000000e+00 : f32
    %broadcast_in_dim3A_31 = vector.broadcast %broadcast_in_dim3A : f32 to vector<16xf32>
    %broadcast_in_dim3A_32 = arith.constant 10000 : i32
    %broadcast_in_dim3A_33 = vector.broadcast %broadcast_in_dim3A_32 : i32 to vector<16xi32>
    %mul3A_34 = arith.constant 4 : i32
    %mul3A_35 = arith.muli %mul3A_34, %select_n3A_9 : i32
    %add3A_36 = arith.constant 0 : i32
    %add3A_37 = arith.addi %add3A_36, %mul3A_35 : i32
    %mul3A_38 = arith.constant 10000 : i32
    %mul3A_39 = arith.muli %add3A_37, %mul3A_38 : i32
    "tpu.region"() ({
      %run_scoped3A = tpu.sem_alloc : memref<!tpu.dma_semaphore, #tpu.memory_space<semaphore_mem>>
      %dma_start3A_145 = tpu.memref_slice %arg2[%mul3A_39] : memref<960000xf32, #tpu.memory_space<hbm>> -> memref<40000xf32, #tpu.memory_space<hbm>>
      %dma_start3A_146 = tpu.memref_slice %arg2[%mul3A_39] : memref<960000xf32, #tpu.memory_space<hbm>> -> memref<40000xf32, #tpu.memory_space<hbm>>
      tpu.enqueue_dma source(%dma_start3A_146 : memref<40000xf32, #tpu.memory_space<hbm>>) target(%arg5 : memref<40000xf32, #tpu.memory_space<vmem>>) target_semaphore(%run_scoped3A : memref<!tpu.dma_semaphore, #tpu.memory_space<semaphore_mem>>)
      %dma_wait3A = tpu.memref_slice %arg2[%mul3A_39] : memref<960000xf32, #tpu.memory_space<hbm>> -> memref<40000xf32, #tpu.memory_space<hbm>>
      %dma_wait3A_147 = tpu.memref_slice %arg2[%mul3A_39] : memref<960000xf32, #tpu.memory_space<hbm>> -> memref<40000xf32, #tpu.memory_space<hbm>>
      tpu.wait_dma2 semaphore(%run_scoped3A : memref<!tpu.dma_semaphore, #tpu.memory_space<semaphore_mem>>) src(%dma_wait3A_147 : memref<40000xf32, #tpu.memory_space<hbm>>) dst(%arg5 : memref<40000xf32, #tpu.memory_space<vmem>>)
      tpu.yield
    }) : () -> ()
    %parallel_loop3A = arith.constant 0 : i32
    %parallel_loop3A_40 = arith.constant 2500 : i32
    %parallel_loop3A_41 = arith.constant 1 : i32
    scf.for %parallel_loop3A_145 = %parallel_loop3A to %parallel_loop3A_40 step %parallel_loop3A_41  : i32 {
      %parallel_loop3A_146 = arith.constant 16 : i32
      %parallel_loop3A_147 = arith.muli %parallel_loop3A_145, %parallel_loop3A_146 : i32
      %parallel_loop3A_148 = arith.index_cast %parallel_loop3A_147 : i32 to index
      %parallel_loop3A_149 = tpu.vector_load %arg6[%parallel_loop3A_148] {strides = array<i32>} : memref<40000xf32, #tpu.memory_space<vmem>>, vector<16xf32>,
      tpu.vector_store %arg6[%parallel_loop3A_148], %broadcast_in_dim3A_31 {strides = array<i32>} : memref<40000xf32, #tpu.memory_space<vmem>>, vector<16xf32>,
    } {sc.loop_unroll_factor = 8 : i64, sc.parallel_access}
    %mul3A_42 = arith.constant 80000 : i32
    %mul3A_43 = arith.muli %select_n3A_30, %mul3A_42 : i32
    %add3A_44 = arith.constant 0 : i32
    %add3A_45 = arith.addi %add3A_44, %mul3A_43 : i32
    %add3A_46 = arith.constant 0 : i32
    %add3A_47 = arith.addi %add3A_45, %add3A_46 : i32
    %dma_start3A = tpu.memref_slice %arg3[%add3A_47] : memref<1920000xi32, #tpu.memory_space<hbm>> -> memref<10000xi32, #tpu.memory_space<hbm>>
    %dma_start3A_48 = tpu.memref_slice %arg3[%add3A_47] : memref<1920000xi32, #tpu.memory_space<hbm>> -> memref<10000xi32, #tpu.memory_space<hbm>>
    tpu.enqueue_dma source(%dma_start3A_48 : memref<10000xi32, #tpu.memory_space<hbm>>) target(%arg7 : memref<10000xi32, #tpu.memory_space<vmem>>) target_semaphore(%arg11 : memref<!tpu.dma_semaphore, #tpu.memory_space<semaphore_mem>>)
    %add3A_49 = arith.constant 320000 : i32
    %add3A_50 = arith.addi %add3A_47, %add3A_49 : i32
    %dma_start3A_51 = tpu.memref_slice %arg3[%add3A_50] : memref<1920000xi32, #tpu.memory_space<hbm>> -> memref<10000xi32, #tpu.memory_space<hbm>>
    %dma_start3A_52 = tpu.memref_slice %arg3[%add3A_50] : memref<1920000xi32, #tpu.memory_space<hbm>> -> memref<10000xi32, #tpu.memory_space<hbm>>
    tpu.enqueue_dma source(%dma_start3A_52 : memref<10000xi32, #tpu.memory_space<hbm>>) target(%arg8 : memref<10000xi32, #tpu.memory_space<vmem>>) target_semaphore(%arg11 : memref<!tpu.dma_semaphore, #tpu.memory_space<semaphore_mem>>)
    %scan3A = arith.constant 0 : i32
    %scan3A_53 = arith.constant 0 : i32
    %scan3A_54 = arith.constant 4 : i32
    %scan3A_55 = arith.addi %scan3A_53, %scan3A_54 : i32
    %scan3A_56 = arith.constant 1 : i32
    scf.for %scan3A_145 = %scan3A_53 to %scan3A_55 step %scan3A_56  : i32 {
      %mul3A_146 = arith.constant 2 : i32
      %mul3A_147 = arith.muli %mul3A_146, %scan3A_145 : i32
      %add3A_148 = arith.constant 1 : i32
      %add3A_149 = arith.addi %mul3A_147, %add3A_148 : i32
      %mul3A_150 = arith.constant 80000 : i32
      %mul3A_151 = arith.muli %select_n3A_30, %mul3A_150 : i32
      %add3A_152 = arith.constant 0 : i32
      %add3A_153 = arith.addi %add3A_152, %mul3A_151 : i32
      %mul3A_154 = arith.constant 10000 : i32
      %mul3A_155 = arith.muli %add3A_149, %mul3A_154 : i32
      %add3A_156 = arith.addi %add3A_153, %mul3A_155 : i32
      %dma_start3A_157 = tpu.memref_slice %arg3[%add3A_156] : memref<1920000xi32, #tpu.memory_space<hbm>> -> memref<10000xi32, #tpu.memory_space<hbm>>
      %dma_start3A_158 = tpu.memref_slice %arg3[%add3A_156] : memref<1920000xi32, #tpu.memory_space<hbm>> -> memref<10000xi32, #tpu.memory_space<hbm>>
      tpu.enqueue_dma source(%dma_start3A_158 : memref<10000xi32, #tpu.memory_space<hbm>>) target(%arg9 : memref<10000xi32, #tpu.memory_space<vmem>>) target_semaphore(%arg12 : memref<!tpu.dma_semaphore, #tpu.memory_space<semaphore_mem>>)
      %add3A_159 = arith.constant 320000 : i32
      %add3A_160 = arith.addi %add3A_156, %add3A_159 : i32
      %dma_start3A_161 = tpu.memref_slice %arg3[%add3A_160] : memref<1920000xi32, #tpu.memory_space<hbm>> -> memref<10000xi32, #tpu.memory_space<hbm>>
      %dma_start3A_162 = tpu.memref_slice %arg3[%add3A_160] : memref<1920000xi32, #tpu.memory_space<hbm>> -> memref<10000xi32, #tpu.memory_space<hbm>>
      tpu.enqueue_dma source(%dma_start3A_162 : memref<10000xi32, #tpu.memory_space<hbm>>) target(%arg10 : memref<10000xi32, #tpu.memory_space<vmem>>) target_semaphore(%arg12 : memref<!tpu.dma_semaphore, #tpu.memory_space<semaphore_mem>>)
      %dma_wait3A = arith.constant 0 : i32
      %dma_wait3A_163 = tpu.memref_slice %arg3[%dma_wait3A] : memref<1920000xi32, #tpu.memory_space<hbm>> -> memref<10000xi32, #tpu.memory_space<hbm>>
      %dma_wait3A_164 = arith.constant 0 : i32
      %dma_wait3A_165 = tpu.memref_slice %arg3[%dma_wait3A_164] : memref<1920000xi32, #tpu.memory_space<hbm>> -> memref<10000xi32, #tpu.memory_space<hbm>>
      tpu.wait_dma2 semaphore(%arg11 : memref<!tpu.dma_semaphore, #tpu.memory_space<semaphore_mem>>) src(%dma_wait3A_165 : memref<10000xi32, #tpu.memory_space<hbm>>) dst(%arg7 : memref<10000xi32, #tpu.memory_space<vmem>>)
      %dma_wait3A_166 = arith.constant 0 : i32
      %dma_wait3A_167 = tpu.memref_slice %arg3[%dma_wait3A_166] : memref<1920000xi32, #tpu.memory_space<hbm>> -> memref<10000xi32, #tpu.memory_space<hbm>>
      %dma_wait3A_168 = arith.constant 0 : i32
      %dma_wait3A_169 = tpu.memref_slice %arg3[%dma_wait3A_168] : memref<1920000xi32, #tpu.memory_space<hbm>> -> memref<10000xi32, #tpu.memory_space<hbm>>
      tpu.wait_dma2 semaphore(%arg11 : memref<!tpu.dma_semaphore, #tpu.memory_space<semaphore_mem>>) src(%dma_wait3A_169 : memref<10000xi32, #tpu.memory_space<hbm>>) dst(%arg8 : memref<10000xi32, #tpu.memory_space<vmem>>)
      %parallel_loop3A_170 = arith.constant 0 : i32
      %parallel_loop3A_171 = arith.constant 625 : i32
      %parallel_loop3A_172 = arith.constant 1 : i32
      scf.for %parallel_loop3A_189 = %parallel_loop3A_170 to %parallel_loop3A_171 step %parallel_loop3A_172  : i32 {
        %parallel_loop3A_190 = arith.constant 16 : i32
        %parallel_loop3A_191 = arith.muli %parallel_loop3A_189, %parallel_loop3A_190 : i32
        %parallel_loop3A_192 = arith.index_cast %parallel_loop3A_191 : i32 to index
        %parallel_loop3A_193 = tpu.vector_load %arg7[%parallel_loop3A_192] {strides = array<i32>} : memref<10000xi32, #tpu.memory_space<vmem>>, vector<16xi32>,
        %parallel_loop3A_194 = arith.constant 16 : i32
        %parallel_loop3A_195 = arith.muli %parallel_loop3A_189, %parallel_loop3A_194 : i32
        %parallel_loop3A_196 = arith.index_cast %parallel_loop3A_195 : i32 to index
        %parallel_loop3A_197 = tpu.vector_load %arg8[%parallel_loop3A_196] {strides = array<i32>} : memref<10000xi32, #tpu.memory_space<vmem>>, vector<16xi32>,
        %parallel_loop3A_198 = tpu.vector_load_idx %arg5[%parallel_loop3A_193] : memref<40000xf32, #tpu.memory_space<vmem>>[vector<16xi32>], vector<16xf32>,
        tpu.vector_store_idx %arg6[%parallel_loop3A_197], %parallel_loop3A_198 {add = true} : memref<40000xf32, #tpu.memory_space<vmem>>[vector<16xi32>], vector<16xf32>,
        %parallel_loop3A_199 = arith.addi %parallel_loop3A_193, %broadcast_in_dim3A_33 : vector<16xi32>
        %parallel_loop3A_200 = arith.addi %parallel_loop3A_197, %broadcast_in_dim3A_33 : vector<16xi32>
        %parallel_loop3A_201 = tpu.vector_load_idx %arg5[%parallel_loop3A_199] : memref<40000xf32, #tpu.memory_space<vmem>>[vector<16xi32>], vector<16xf32>,
        tpu.vector_store_idx %arg6[%parallel_loop3A_200], %parallel_loop3A_201 {add = true} : memref<40000xf32, #tpu.memory_space<vmem>>[vector<16xi32>], vector<16xf32>,
        %parallel_loop3A_202 = arith.addi %parallel_loop3A_199, %broadcast_in_dim3A_33 : vector<16xi32>
        %parallel_loop3A_203 = arith.addi %parallel_loop3A_200, %broadcast_in_dim3A_33 : vector<16xi32>
        %parallel_loop3A_204 = tpu.vector_load_idx %arg5[%parallel_loop3A_202] : memref<40000xf32, #tpu.memory_space<vmem>>[vector<16xi32>], vector<16xf32>,
        tpu.vector_store_idx %arg6[%parallel_loop3A_203], %parallel_loop3A_204 {add = true} : memref<40000xf32, #tpu.memory_space<vmem>>[vector<16xi32>], vector<16xf32>,
        %parallel_loop3A_205 = arith.addi %parallel_loop3A_202, %broadcast_in_dim3A_33 : vector<16xi32>
        %parallel_loop3A_206 = arith.addi %parallel_loop3A_203, %broadcast_in_dim3A_33 : vector<16xi32>
        %parallel_loop3A_207 = tpu.vector_load_idx %arg5[%parallel_loop3A_205] : memref<40000xf32, #tpu.memory_space<vmem>>[vector<16xi32>], vector<16xf32>,
        tpu.vector_store_idx %arg6[%parallel_loop3A_206], %parallel_loop3A_207 {add = true} : memref<40000xf32, #tpu.memory_space<vmem>>[vector<16xi32>], vector<16xf32>,
      } {sc.loop_unroll_factor = 1 : i64, sc.parallel_access}
      %add3A_173 = arith.constant 1 : i32
      %add3A_174 = arith.addi %scan3A_145, %add3A_173 : i32
      %lt3A_175 = arith.constant 4 : i32
      %lt3A_176 = arith.cmpi slt, %add3A_174, %lt3A_175 : i32
      %convert_element_type3A = arith.extui %lt3A_176 : i1 to i32
      %cond3A = arith.constant 0 : i32
      %cond3A_177 = arith.cmpi ne, %convert_element_type3A, %cond3A : i32
      scf.if %cond3A_177 {
        %add3A_189 = arith.constant 2 : i32
        %add3A_190 = arith.addi %mul3A_147, %add3A_189 : i32
        %mul3A_191 = arith.constant 80000 : i32
        %mul3A_192 = arith.muli %select_n3A_30, %mul3A_191 : i32
        %add3A_193 = arith.constant 0 : i32
        %add3A_194 = arith.addi %add3A_193, %mul3A_192 : i32
        %mul3A_195 = arith.constant 10000 : i32
        %mul3A_196 = arith.muli %add3A_190, %mul3A_195 : i32
        %add3A_197 = arith.addi %add3A_194, %mul3A_196 : i32
        %dma_start3A_198 = tpu.memref_slice %arg3[%add3A_197] : memref<1920000xi32, #tpu.memory_space<hbm>> -> memref<10000xi32, #tpu.memory_space<hbm>>
        %dma_start3A_199 = tpu.memref_slice %arg3[%add3A_197] : memref<1920000xi32, #tpu.memory_space<hbm>> -> memref<10000xi32, #tpu.memory_space<hbm>>
        tpu.enqueue_dma source(%dma_start3A_199 : memref<10000xi32, #tpu.memory_space<hbm>>) target(%arg7 : memref<10000xi32, #tpu.memory_space<vmem>>) target_semaphore(%arg11 : memref<!tpu.dma_semaphore, #tpu.memory_space<semaphore_mem>>)
        %add3A_200 = arith.constant 320000 : i32
        %add3A_201 = arith.addi %add3A_197, %add3A_200 : i32
        %dma_start3A_202 = tpu.memref_slice %arg3[%add3A_201] : memref<1920000xi32, #tpu.memory_space<hbm>> -> memref<10000xi32, #tpu.memory_space<hbm>>
        %dma_start3A_203 = tpu.memref_slice %arg3[%add3A_201] : memref<1920000xi32, #tpu.memory_space<hbm>> -> memref<10000xi32, #tpu.memory_space<hbm>>
        tpu.enqueue_dma source(%dma_start3A_203 : memref<10000xi32, #tpu.memory_space<hbm>>) target(%arg8 : memref<10000xi32, #tpu.memory_space<vmem>>) target_semaphore(%arg11 : memref<!tpu.dma_semaphore, #tpu.memory_space<semaphore_mem>>)
      } else {
      }
      %dma_wait3A_178 = arith.constant 0 : i32
      %dma_wait3A_179 = tpu.memref_slice %arg3[%dma_wait3A_178] : memref<1920000xi32, #tpu.memory_space<hbm>> -> memref<10000xi32, #tpu.memory_space<hbm>>
      %dma_wait3A_180 = arith.constant 0 : i32
      %dma_wait3A_181 = tpu.memref_slice %arg3[%dma_wait3A_180] : memref<1920000xi32, #tpu.memory_space<hbm>> -> memref<10000xi32, #tpu.memory_space<hbm>>
      tpu.wait_dma2 semaphore(%arg12 : memref<!tpu.dma_semaphore, #tpu.memory_space<semaphore_mem>>) src(%dma_wait3A_181 : memref<10000xi32, #tpu.memory_space<hbm>>) dst(%arg9 : memref<10000xi32, #tpu.memory_space<vmem>>)
      %dma_wait3A_182 = arith.constant 0 : i32
      %dma_wait3A_183 = tpu.memref_slice %arg3[%dma_wait3A_182] : memref<1920000xi32, #tpu.memory_space<hbm>> -> memref<10000xi32, #tpu.memory_space<hbm>>
      %dma_wait3A_184 = arith.constant 0 : i32
      %dma_wait3A_185 = tpu.memref_slice %arg3[%dma_wait3A_184] : memref<1920000xi32, #tpu.memory_space<hbm>> -> memref<10000xi32, #tpu.memory_space<hbm>>
      tpu.wait_dma2 semaphore(%arg12 : memref<!tpu.dma_semaphore, #tpu.memory_space<semaphore_mem>>) src(%dma_wait3A_185 : memref<10000xi32, #tpu.memory_space<hbm>>) dst(%arg10 : memref<10000xi32, #tpu.memory_space<vmem>>)
      %parallel_loop3A_186 = arith.constant 0 : i32
      %parallel_loop3A_187 = arith.constant 625 : i32
      %parallel_loop3A_188 = arith.constant 1 : i32
      scf.for %parallel_loop3A_189 = %parallel_loop3A_186 to %parallel_loop3A_187 step %parallel_loop3A_188  : i32 {
        %parallel_loop3A_190 = arith.constant 16 : i32
        %parallel_loop3A_191 = arith.muli %parallel_loop3A_189, %parallel_loop3A_190 : i32
        %parallel_loop3A_192 = arith.index_cast %parallel_loop3A_191 : i32 to index
        %parallel_loop3A_193 = tpu.vector_load %arg9[%parallel_loop3A_192] {strides = array<i32>} : memref<10000xi32, #tpu.memory_space<vmem>>, vector<16xi32>,
        %parallel_loop3A_194 = arith.constant 16 : i32
        %parallel_loop3A_195 = arith.muli %parallel_loop3A_189, %parallel_loop3A_194 : i32
        %parallel_loop3A_196 = arith.index_cast %parallel_loop3A_195 : i32 to index
        %parallel_loop3A_197 = tpu.vector_load %arg10[%parallel_loop3A_196] {strides = array<i32>} : memref<10000xi32, #tpu.memory_space<vmem>>, vector<16xi32>,
        %parallel_loop3A_198 = tpu.vector_load_idx %arg5[%parallel_loop3A_193] : memref<40000xf32, #tpu.memory_space<vmem>>[vector<16xi32>], vector<16xf32>,
        tpu.vector_store_idx %arg6[%parallel_loop3A_197], %parallel_loop3A_198 {add = true} : memref<40000xf32, #tpu.memory_space<vmem>>[vector<16xi32>], vector<16xf32>,
        %parallel_loop3A_199 = arith.addi %parallel_loop3A_193, %broadcast_in_dim3A_33 : vector<16xi32>
        %parallel_loop3A_200 = arith.addi %parallel_loop3A_197, %broadcast_in_dim3A_33 : vector<16xi32>
        %parallel_loop3A_201 = tpu.vector_load_idx %arg5[%parallel_loop3A_199] : memref<40000xf32, #tpu.memory_space<vmem>>[vector<16xi32>], vector<16xf32>,
        tpu.vector_store_idx %arg6[%parallel_loop3A_200], %parallel_loop3A_201 {add = true} : memref<40000xf32, #tpu.memory_space<vmem>>[vector<16xi32>], vector<16xf32>,
        %parallel_loop3A_202 = arith.addi %parallel_loop3A_199, %broadcast_in_dim3A_33 : vector<16xi32>
        %parallel_loop3A_203 = arith.addi %parallel_loop3A_200, %broadcast_in_dim3A_33 : vector<16xi32>
        %parallel_loop3A_204 = tpu.vector_load_idx %arg5[%parallel_loop3A_202] : memref<40000xf32, #tpu.memory_space<vmem>>[vector<16xi32>], vector<16xf32>,
        tpu.vector_store_idx %arg6[%parallel_loop3A_203], %parallel_loop3A_204 {add = true} : memref<40000xf32, #tpu.memory_space<vmem>>[vector<16xi32>], vector<16xf32>,
        %parallel_loop3A_205 = arith.addi %parallel_loop3A_202, %broadcast_in_dim3A_33 : vector<16xi32>
        %parallel_loop3A_206 = arith.addi %parallel_loop3A_203, %broadcast_in_dim3A_33 : vector<16xi32>
        %parallel_loop3A_207 = tpu.vector_load_idx %arg5[%parallel_loop3A_205] : memref<40000xf32, #tpu.memory_space<vmem>>[vector<16xi32>], vector<16xf32>,
        tpu.vector_store_idx %arg6[%parallel_loop3A_206], %parallel_loop3A_207 {add = true} : memref<40000xf32, #tpu.memory_space<vmem>>[vector<16xi32>], vector<16xf32>,
      } {sc.loop_unroll_factor = 1 : i64, sc.parallel_access}
    }
    %scan3A_57 = arith.constant 4 : i32
    %mul3A_58 = arith.constant 3 : i32
    %mul3A_59 = arith.muli %select_n3A_30, %mul3A_58 : i32
    %add3A_60 = arith.constant 0 : i32
    %add3A_61 = arith.addi %mul3A_59, %add3A_60 : i32
    %mul3A_62 = arith.constant 32 : i32
    %mul3A_63 = arith.muli %add3A_61, %mul3A_62 : i32
    %mul3A_64 = arith.constant 4 : i32
    %mul3A_65 = arith.muli %mul3A_64, %select_n3A_9 : i32
    %add3A_66 = arith.addi %mul3A_63, %mul3A_65 : i32
    %mul3A_67 = arith.constant 10000 : i32
    %mul3A_68 = arith.muli %add3A_66, %mul3A_67 : i32
    "tpu.region"() ({
      %run_scoped3A = tpu.sem_alloc : memref<!tpu.dma_semaphore, #tpu.memory_space<semaphore_mem>>
      %dma_start3A_145 = tpu.memref_slice %arg4[%mul3A_68] : memref<3840000xf32, #tpu.memory_space<hbm>> -> memref<40000xf32, #tpu.memory_space<hbm>>
      %dma_start3A_146 = tpu.memref_slice %arg4[%mul3A_68] : memref<3840000xf32, #tpu.memory_space<hbm>> -> memref<40000xf32, #tpu.memory_space<hbm>>
      tpu.enqueue_dma source(%arg6 : memref<40000xf32, #tpu.memory_space<vmem>>) target(%dma_start3A_146 : memref<40000xf32, #tpu.memory_space<hbm>>) target_semaphore(%run_scoped3A : memref<!tpu.dma_semaphore, #tpu.memory_space<semaphore_mem>>)
      %dma_wait3A = tpu.memref_slice %arg4[%mul3A_68] : memref<3840000xf32, #tpu.memory_space<hbm>> -> memref<40000xf32, #tpu.memory_space<hbm>>
      %dma_wait3A_147 = tpu.memref_slice %arg4[%mul3A_68] : memref<3840000xf32, #tpu.memory_space<hbm>> -> memref<40000xf32, #tpu.memory_space<hbm>>
      tpu.wait_dma2 semaphore(%run_scoped3A : memref<!tpu.dma_semaphore, #tpu.memory_space<semaphore_mem>>) src(%arg6 : memref<40000xf32, #tpu.memory_space<vmem>>) dst(%dma_wait3A_147 : memref<40000xf32, #tpu.memory_space<hbm>>)
      tpu.yield
    }) : () -> ()
    %mul3A_69 = arith.constant 4 : i32
    %mul3A_70 = arith.muli %mul3A_69, %select_n3A_9 : i32
    %add3A_71 = arith.constant 32 : i32
    %add3A_72 = arith.addi %add3A_71, %mul3A_70 : i32
    %mul3A_73 = arith.constant 10000 : i32
    %mul3A_74 = arith.muli %add3A_72, %mul3A_73 : i32
    "tpu.region"() ({
      %run_scoped3A = tpu.sem_alloc : memref<!tpu.dma_semaphore, #tpu.memory_space<semaphore_mem>>
      %dma_start3A_145 = tpu.memref_slice %arg2[%mul3A_74] : memref<960000xf32, #tpu.memory_space<hbm>> -> memref<40000xf32, #tpu.memory_space<hbm>>
      %dma_start3A_146 = tpu.memref_slice %arg2[%mul3A_74] : memref<960000xf32, #tpu.memory_space<hbm>> -> memref<40000xf32, #tpu.memory_space<hbm>>
      tpu.enqueue_dma source(%dma_start3A_146 : memref<40000xf32, #tpu.memory_space<hbm>>) target(%arg5 : memref<40000xf32, #tpu.memory_space<vmem>>) target_semaphore(%run_scoped3A : memref<!tpu.dma_semaphore, #tpu.memory_space<semaphore_mem>>)
      %dma_wait3A = tpu.memref_slice %arg2[%mul3A_74] : memref<960000xf32, #tpu.memory_space<hbm>> -> memref<40000xf32, #tpu.memory_space<hbm>>
      %dma_wait3A_147 = tpu.memref_slice %arg2[%mul3A_74] : memref<960000xf32, #tpu.memory_space<hbm>> -> memref<40000xf32, #tpu.memory_space<hbm>>
      tpu.wait_dma2 semaphore(%run_scoped3A : memref<!tpu.dma_semaphore, #tpu.memory_space<semaphore_mem>>) src(%dma_wait3A_147 : memref<40000xf32, #tpu.memory_space<hbm>>) dst(%arg5 : memref<40000xf32, #tpu.memory_space<vmem>>)
      tpu.yield
    }) : () -> ()
    %parallel_loop3A_75 = arith.constant 0 : i32
    %parallel_loop3A_76 = arith.constant 2500 : i32
    %parallel_loop3A_77 = arith.constant 1 : i32
    scf.for %parallel_loop3A_145 = %parallel_loop3A_75 to %parallel_loop3A_76 step %parallel_loop3A_77  : i32 {
      %parallel_loop3A_146 = arith.constant 16 : i32
      %parallel_loop3A_147 = arith.muli %parallel_loop3A_145, %parallel_loop3A_146 : i32
      %parallel_loop3A_148 = arith.index_cast %parallel_loop3A_147 : i32 to index
      %parallel_loop3A_149 = tpu.vector_load %arg6[%parallel_loop3A_148] {strides = array<i32>} : memref<40000xf32, #tpu.memory_space<vmem>>, vector<16xf32>,
      tpu.vector_store %arg6[%parallel_loop3A_148], %broadcast_in_dim3A_31 {strides = array<i32>} : memref<40000xf32, #tpu.memory_space<vmem>>, vector<16xf32>,
    } {sc.loop_unroll_factor = 8 : i64, sc.parallel_access}
    %mul3A_78 = arith.constant 80000 : i32
    %mul3A_79 = arith.muli %select_n3A_30, %mul3A_78 : i32
    %add3A_80 = arith.constant 640000 : i32
    %add3A_81 = arith.addi %add3A_80, %mul3A_79 : i32
    %add3A_82 = arith.constant 0 : i32
    %add3A_83 = arith.addi %add3A_81, %add3A_82 : i32
    %dma_start3A_84 = tpu.memref_slice %arg3[%add3A_83] : memref<1920000xi32, #tpu.memory_space<hbm>> -> memref<10000xi32, #tpu.memory_space<hbm>>
    %dma_start3A_85 = tpu.memref_slice %arg3[%add3A_83] : memref<1920000xi32, #tpu.memory_space<hbm>> -> memref<10000xi32, #tpu.memory_space<hbm>>
    tpu.enqueue_dma source(%dma_start3A_85 : memref<10000xi32, #tpu.memory_space<hbm>>) target(%arg7 : memref<10000xi32, #tpu.memory_space<vmem>>) target_semaphore(%arg11 : memref<!tpu.dma_semaphore, #tpu.memory_space<semaphore_mem>>)
    %add3A_86 = arith.constant 320000 : i32
    %add3A_87 = arith.addi %add3A_83, %add3A_86 : i32
    %dma_start3A_88 = tpu.memref_slice %arg3[%add3A_87] : memref<1920000xi32, #tpu.memory_space<hbm>> -> memref<10000xi32, #tpu.memory_space<hbm>>
    %dma_start3A_89 = tpu.memref_slice %arg3[%add3A_87] : memref<1920000xi32, #tpu.memory_space<hbm>> -> memref<10000xi32, #tpu.memory_space<hbm>>
    tpu.enqueue_dma source(%dma_start3A_89 : memref<10000xi32, #tpu.memory_space<hbm>>) target(%arg8 : memref<10000xi32, #tpu.memory_space<vmem>>) target_semaphore(%arg11 : memref<!tpu.dma_semaphore, #tpu.memory_space<semaphore_mem>>)
    %scan3A_90 = arith.constant 0 : i32
    %scan3A_91 = arith.constant 0 : i32
    %scan3A_92 = arith.constant 4 : i32
    %scan3A_93 = arith.addi %scan3A_91, %scan3A_92 : i32
    %scan3A_94 = arith.constant 1 : i32
    scf.for %scan3A_145 = %scan3A_91 to %scan3A_93 step %scan3A_94  : i32 {
      %mul3A_146 = arith.constant 2 : i32
      %mul3A_147 = arith.muli %mul3A_146, %scan3A_145 : i32
      %add3A_148 = arith.constant 1 : i32
      %add3A_149 = arith.addi %mul3A_147, %add3A_148 : i32
      %mul3A_150 = arith.constant 80000 : i32
      %mul3A_151 = arith.muli %select_n3A_30, %mul3A_150 : i32
      %add3A_152 = arith.constant 640000 : i32
      %add3A_153 = arith.addi %add3A_152, %mul3A_151 : i32
      %mul3A_154 = arith.constant 10000 : i32
      %mul3A_155 = arith.muli %add3A_149, %mul3A_154 : i32
      %add3A_156 = arith.addi %add3A_153, %mul3A_155 : i32
      %dma_start3A_157 = tpu.memref_slice %arg3[%add3A_156] : memref<1920000xi32, #tpu.memory_space<hbm>> -> memref<10000xi32, #tpu.memory_space<hbm>>
      %dma_start3A_158 = tpu.memref_slice %arg3[%add3A_156] : memref<1920000xi32, #tpu.memory_space<hbm>> -> memref<10000xi32, #tpu.memory_space<hbm>>
      tpu.enqueue_dma source(%dma_start3A_158 : memref<10000xi32, #tpu.memory_space<hbm>>) target(%arg9 : memref<10000xi32, #tpu.memory_space<vmem>>) target_semaphore(%arg12 : memref<!tpu.dma_semaphore, #tpu.memory_space<semaphore_mem>>)
      %add3A_159 = arith.constant 320000 : i32
      %add3A_160 = arith.addi %add3A_156, %add3A_159 : i32
      %dma_start3A_161 = tpu.memref_slice %arg3[%add3A_160] : memref<1920000xi32, #tpu.memory_space<hbm>> -> memref<10000xi32, #tpu.memory_space<hbm>>
      %dma_start3A_162 = tpu.memref_slice %arg3[%add3A_160] : memref<1920000xi32, #tpu.memory_space<hbm>> -> memref<10000xi32, #tpu.memory_space<hbm>>
      tpu.enqueue_dma source(%dma_start3A_162 : memref<10000xi32, #tpu.memory_space<hbm>>) target(%arg10 : memref<10000xi32, #tpu.memory_space<vmem>>) target_semaphore(%arg12 : memref<!tpu.dma_semaphore, #tpu.memory_space<semaphore_mem>>)
      %dma_wait3A = arith.constant 0 : i32
      %dma_wait3A_163 = tpu.memref_slice %arg3[%dma_wait3A] : memref<1920000xi32, #tpu.memory_space<hbm>> -> memref<10000xi32, #tpu.memory_space<hbm>>
      %dma_wait3A_164 = arith.constant 0 : i32
      %dma_wait3A_165 = tpu.memref_slice %arg3[%dma_wait3A_164] : memref<1920000xi32, #tpu.memory_space<hbm>> -> memref<10000xi32, #tpu.memory_space<hbm>>
      tpu.wait_dma2 semaphore(%arg11 : memref<!tpu.dma_semaphore, #tpu.memory_space<semaphore_mem>>) src(%dma_wait3A_165 : memref<10000xi32, #tpu.memory_space<hbm>>) dst(%arg7 : memref<10000xi32, #tpu.memory_space<vmem>>)
      %dma_wait3A_166 = arith.constant 0 : i32
      %dma_wait3A_167 = tpu.memref_slice %arg3[%dma_wait3A_166] : memref<1920000xi32, #tpu.memory_space<hbm>> -> memref<10000xi32, #tpu.memory_space<hbm>>
      %dma_wait3A_168 = arith.constant 0 : i32
      %dma_wait3A_169 = tpu.memref_slice %arg3[%dma_wait3A_168] : memref<1920000xi32, #tpu.memory_space<hbm>> -> memref<10000xi32, #tpu.memory_space<hbm>>
      tpu.wait_dma2 semaphore(%arg11 : memref<!tpu.dma_semaphore, #tpu.memory_space<semaphore_mem>>) src(%dma_wait3A_169 : memref<10000xi32, #tpu.memory_space<hbm>>) dst(%arg8 : memref<10000xi32, #tpu.memory_space<vmem>>)
      %parallel_loop3A_170 = arith.constant 0 : i32
      %parallel_loop3A_171 = arith.constant 625 : i32
      %parallel_loop3A_172 = arith.constant 1 : i32
      scf.for %parallel_loop3A_189 = %parallel_loop3A_170 to %parallel_loop3A_171 step %parallel_loop3A_172  : i32 {
        %parallel_loop3A_190 = arith.constant 16 : i32
        %parallel_loop3A_191 = arith.muli %parallel_loop3A_189, %parallel_loop3A_190 : i32
        %parallel_loop3A_192 = arith.index_cast %parallel_loop3A_191 : i32 to index
        %parallel_loop3A_193 = tpu.vector_load %arg7[%parallel_loop3A_192] {strides = array<i32>} : memref<10000xi32, #tpu.memory_space<vmem>>, vector<16xi32>,
        %parallel_loop3A_194 = arith.constant 16 : i32
        %parallel_loop3A_195 = arith.muli %parallel_loop3A_189, %parallel_loop3A_194 : i32
        %parallel_loop3A_196 = arith.index_cast %parallel_loop3A_195 : i32 to index
        %parallel_loop3A_197 = tpu.vector_load %arg8[%parallel_loop3A_196] {strides = array<i32>} : memref<10000xi32, #tpu.memory_space<vmem>>, vector<16xi32>,
        %parallel_loop3A_198 = tpu.vector_load_idx %arg5[%parallel_loop3A_193] : memref<40000xf32, #tpu.memory_space<vmem>>[vector<16xi32>], vector<16xf32>,
        tpu.vector_store_idx %arg6[%parallel_loop3A_197], %parallel_loop3A_198 {add = true} : memref<40000xf32, #tpu.memory_space<vmem>>[vector<16xi32>], vector<16xf32>,
        %parallel_loop3A_199 = arith.addi %parallel_loop3A_193, %broadcast_in_dim3A_33 : vector<16xi32>
        %parallel_loop3A_200 = arith.addi %parallel_loop3A_197, %broadcast_in_dim3A_33 : vector<16xi32>
        %parallel_loop3A_201 = tpu.vector_load_idx %arg5[%parallel_loop3A_199] : memref<40000xf32, #tpu.memory_space<vmem>>[vector<16xi32>], vector<16xf32>,
        tpu.vector_store_idx %arg6[%parallel_loop3A_200], %parallel_loop3A_201 {add = true} : memref<40000xf32, #tpu.memory_space<vmem>>[vector<16xi32>], vector<16xf32>,
        %parallel_loop3A_202 = arith.addi %parallel_loop3A_199, %broadcast_in_dim3A_33 : vector<16xi32>
        %parallel_loop3A_203 = arith.addi %parallel_loop3A_200, %broadcast_in_dim3A_33 : vector<16xi32>
        %parallel_loop3A_204 = tpu.vector_load_idx %arg5[%parallel_loop3A_202] : memref<40000xf32, #tpu.memory_space<vmem>>[vector<16xi32>], vector<16xf32>,
        tpu.vector_store_idx %arg6[%parallel_loop3A_203], %parallel_loop3A_204 {add = true} : memref<40000xf32, #tpu.memory_space<vmem>>[vector<16xi32>], vector<16xf32>,
        %parallel_loop3A_205 = arith.addi %parallel_loop3A_202, %broadcast_in_dim3A_33 : vector<16xi32>
        %parallel_loop3A_206 = arith.addi %parallel_loop3A_203, %broadcast_in_dim3A_33 : vector<16xi32>
        %parallel_loop3A_207 = tpu.vector_load_idx %arg5[%parallel_loop3A_205] : memref<40000xf32, #tpu.memory_space<vmem>>[vector<16xi32>], vector<16xf32>,
        tpu.vector_store_idx %arg6[%parallel_loop3A_206], %parallel_loop3A_207 {add = true} : memref<40000xf32, #tpu.memory_space<vmem>>[vector<16xi32>], vector<16xf32>,
      } {sc.loop_unroll_factor = 1 : i64, sc.parallel_access}
      %add3A_173 = arith.constant 1 : i32
      %add3A_174 = arith.addi %scan3A_145, %add3A_173 : i32
      %lt3A_175 = arith.constant 4 : i32
      %lt3A_176 = arith.cmpi slt, %add3A_174, %lt3A_175 : i32
      %convert_element_type3A = arith.extui %lt3A_176 : i1 to i32
      %cond3A = arith.constant 0 : i32
      %cond3A_177 = arith.cmpi ne, %convert_element_type3A, %cond3A : i32
      scf.if %cond3A_177 {
        %add3A_189 = arith.constant 2 : i32
        %add3A_190 = arith.addi %mul3A_147, %add3A_189 : i32
        %mul3A_191 = arith.constant 80000 : i32
        %mul3A_192 = arith.muli %select_n3A_30, %mul3A_191 : i32
        %add3A_193 = arith.constant 640000 : i32
        %add3A_194 = arith.addi %add3A_193, %mul3A_192 : i32
        %mul3A_195 = arith.constant 10000 : i32
        %mul3A_196 = arith.muli %add3A_190, %mul3A_195 : i32
        %add3A_197 = arith.addi %add3A_194, %mul3A_196 : i32
        %dma_start3A_198 = tpu.memref_slice %arg3[%add3A_197] : memref<1920000xi32, #tpu.memory_space<hbm>> -> memref<10000xi32, #tpu.memory_space<hbm>>
        %dma_start3A_199 = tpu.memref_slice %arg3[%add3A_197] : memref<1920000xi32, #tpu.memory_space<hbm>> -> memref<10000xi32, #tpu.memory_space<hbm>>
        tpu.enqueue_dma source(%dma_start3A_199 : memref<10000xi32, #tpu.memory_space<hbm>>) target(%arg7 : memref<10000xi32, #tpu.memory_space<vmem>>) target_semaphore(%arg11 : memref<!tpu.dma_semaphore, #tpu.memory_space<semaphore_mem>>)
        %add3A_200 = arith.constant 320000 : i32
        %add3A_201 = arith.addi %add3A_197, %add3A_200 : i32
        %dma_start3A_202 = tpu.memref_slice %arg3[%add3A_201] : memref<1920000xi32, #tpu.memory_space<hbm>> -> memref<10000xi32, #tpu.memory_space<hbm>>
        %dma_start3A_203 = tpu.memref_slice %arg3[%add3A_201] : memref<1920000xi32, #tpu.memory_space<hbm>> -> memref<10000xi32, #tpu.memory_space<hbm>>
        tpu.enqueue_dma source(%dma_start3A_203 : memref<10000xi32, #tpu.memory_space<hbm>>) target(%arg8 : memref<10000xi32, #tpu.memory_space<vmem>>) target_semaphore(%arg11 : memref<!tpu.dma_semaphore, #tpu.memory_space<semaphore_mem>>)
      } else {
      }
      %dma_wait3A_178 = arith.constant 0 : i32
      %dma_wait3A_179 = tpu.memref_slice %arg3[%dma_wait3A_178] : memref<1920000xi32, #tpu.memory_space<hbm>> -> memref<10000xi32, #tpu.memory_space<hbm>>
      %dma_wait3A_180 = arith.constant 0 : i32
      %dma_wait3A_181 = tpu.memref_slice %arg3[%dma_wait3A_180] : memref<1920000xi32, #tpu.memory_space<hbm>> -> memref<10000xi32, #tpu.memory_space<hbm>>
      tpu.wait_dma2 semaphore(%arg12 : memref<!tpu.dma_semaphore, #tpu.memory_space<semaphore_mem>>) src(%dma_wait3A_181 : memref<10000xi32, #tpu.memory_space<hbm>>) dst(%arg9 : memref<10000xi32, #tpu.memory_space<vmem>>)
      %dma_wait3A_182 = arith.constant 0 : i32
      %dma_wait3A_183 = tpu.memref_slice %arg3[%dma_wait3A_182] : memref<1920000xi32, #tpu.memory_space<hbm>> -> memref<10000xi32, #tpu.memory_space<hbm>>
      %dma_wait3A_184 = arith.constant 0 : i32
      %dma_wait3A_185 = tpu.memref_slice %arg3[%dma_wait3A_184] : memref<1920000xi32, #tpu.memory_space<hbm>> -> memref<10000xi32, #tpu.memory_space<hbm>>
      tpu.wait_dma2 semaphore(%arg12 : memref<!tpu.dma_semaphore, #tpu.memory_space<semaphore_mem>>) src(%dma_wait3A_185 : memref<10000xi32, #tpu.memory_space<hbm>>) dst(%arg10 : memref<10000xi32, #tpu.memory_space<vmem>>)
      %parallel_loop3A_186 = arith.constant 0 : i32
      %parallel_loop3A_187 = arith.constant 625 : i32
      %parallel_loop3A_188 = arith.constant 1 : i32
      scf.for %parallel_loop3A_189 = %parallel_loop3A_186 to %parallel_loop3A_187 step %parallel_loop3A_188  : i32 {
        %parallel_loop3A_190 = arith.constant 16 : i32
        %parallel_loop3A_191 = arith.muli %parallel_loop3A_189, %parallel_loop3A_190 : i32
        %parallel_loop3A_192 = arith.index_cast %parallel_loop3A_191 : i32 to index
        %parallel_loop3A_193 = tpu.vector_load %arg9[%parallel_loop3A_192] {strides = array<i32>} : memref<10000xi32, #tpu.memory_space<vmem>>, vector<16xi32>,
        %parallel_loop3A_194 = arith.constant 16 : i32
        %parallel_loop3A_195 = arith.muli %parallel_loop3A_189, %parallel_loop3A_194 : i32
        %parallel_loop3A_196 = arith.index_cast %parallel_loop3A_195 : i32 to index
        %parallel_loop3A_197 = tpu.vector_load %arg10[%parallel_loop3A_196] {strides = array<i32>} : memref<10000xi32, #tpu.memory_space<vmem>>, vector<16xi32>,
        %parallel_loop3A_198 = tpu.vector_load_idx %arg5[%parallel_loop3A_193] : memref<40000xf32, #tpu.memory_space<vmem>>[vector<16xi32>], vector<16xf32>,
        tpu.vector_store_idx %arg6[%parallel_loop3A_197], %parallel_loop3A_198 {add = true} : memref<40000xf32, #tpu.memory_space<vmem>>[vector<16xi32>], vector<16xf32>,
        %parallel_loop3A_199 = arith.addi %parallel_loop3A_193, %broadcast_in_dim3A_33 : vector<16xi32>
        %parallel_loop3A_200 = arith.addi %parallel_loop3A_197, %broadcast_in_dim3A_33 : vector<16xi32>
        %parallel_loop3A_201 = tpu.vector_load_idx %arg5[%parallel_loop3A_199] : memref<40000xf32, #tpu.memory_space<vmem>>[vector<16xi32>], vector<16xf32>,
        tpu.vector_store_idx %arg6[%parallel_loop3A_200], %parallel_loop3A_201 {add = true} : memref<40000xf32, #tpu.memory_space<vmem>>[vector<16xi32>], vector<16xf32>,
        %parallel_loop3A_202 = arith.addi %parallel_loop3A_199, %broadcast_in_dim3A_33 : vector<16xi32>
        %parallel_loop3A_203 = arith.addi %parallel_loop3A_200, %broadcast_in_dim3A_33 : vector<16xi32>
        %parallel_loop3A_204 = tpu.vector_load_idx %arg5[%parallel_loop3A_202] : memref<40000xf32, #tpu.memory_space<vmem>>[vector<16xi32>], vector<16xf32>,
        tpu.vector_store_idx %arg6[%parallel_loop3A_203], %parallel_loop3A_204 {add = true} : memref<40000xf32, #tpu.memory_space<vmem>>[vector<16xi32>], vector<16xf32>,
        %parallel_loop3A_205 = arith.addi %parallel_loop3A_202, %broadcast_in_dim3A_33 : vector<16xi32>
        %parallel_loop3A_206 = arith.addi %parallel_loop3A_203, %broadcast_in_dim3A_33 : vector<16xi32>
        %parallel_loop3A_207 = tpu.vector_load_idx %arg5[%parallel_loop3A_205] : memref<40000xf32, #tpu.memory_space<vmem>>[vector<16xi32>], vector<16xf32>,
        tpu.vector_store_idx %arg6[%parallel_loop3A_206], %parallel_loop3A_207 {add = true} : memref<40000xf32, #tpu.memory_space<vmem>>[vector<16xi32>], vector<16xf32>,
      } {sc.loop_unroll_factor = 1 : i64, sc.parallel_access}
    }
    %scan3A_95 = arith.constant 4 : i32
    %mul3A_96 = arith.constant 3 : i32
    %mul3A_97 = arith.muli %select_n3A_30, %mul3A_96 : i32
    %add3A_98 = arith.constant 1 : i32
    %add3A_99 = arith.addi %mul3A_97, %add3A_98 : i32
    %mul3A_100 = arith.constant 32 : i32
    %mul3A_101 = arith.muli %add3A_99, %mul3A_100 : i32
    %mul3A_102 = arith.constant 4 : i32
    %mul3A_103 = arith.muli %mul3A_102, %select_n3A_9 : i32
    %add3A_104 = arith.addi %mul3A_101, %mul3A_103 : i32
    %mul3A_105 = arith.constant 10000 : i32
    %mul3A_106 = arith.muli %add3A_104, %mul3A_105 : i32
    "tpu.region"() ({
      %run_scoped3A = tpu.sem_alloc : memref<!tpu.dma_semaphore, #tpu.memory_space<semaphore_mem>>
      %dma_start3A_145 = tpu.memref_slice %arg4[%mul3A_106] : memref<3840000xf32, #tpu.memory_space<hbm>> -> memref<40000xf32, #tpu.memory_space<hbm>>
      %dma_start3A_146 = tpu.memref_slice %arg4[%mul3A_106] : memref<3840000xf32, #tpu.memory_space<hbm>> -> memref<40000xf32, #tpu.memory_space<hbm>>
      tpu.enqueue_dma source(%arg6 : memref<40000xf32, #tpu.memory_space<vmem>>) target(%dma_start3A_146 : memref<40000xf32, #tpu.memory_space<hbm>>) target_semaphore(%run_scoped3A : memref<!tpu.dma_semaphore, #tpu.memory_space<semaphore_mem>>)
      %dma_wait3A = tpu.memref_slice %arg4[%mul3A_106] : memref<3840000xf32, #tpu.memory_space<hbm>> -> memref<40000xf32, #tpu.memory_space<hbm>>
      %dma_wait3A_147 = tpu.memref_slice %arg4[%mul3A_106] : memref<3840000xf32, #tpu.memory_space<hbm>> -> memref<40000xf32, #tpu.memory_space<hbm>>
      tpu.wait_dma2 semaphore(%run_scoped3A : memref<!tpu.dma_semaphore, #tpu.memory_space<semaphore_mem>>) src(%arg6 : memref<40000xf32, #tpu.memory_space<vmem>>) dst(%dma_wait3A_147 : memref<40000xf32, #tpu.memory_space<hbm>>)
      tpu.yield
    }) : () -> ()
    %mul3A_107 = arith.constant 4 : i32
    %mul3A_108 = arith.muli %mul3A_107, %select_n3A_9 : i32
    %add3A_109 = arith.constant 64 : i32
    %add3A_110 = arith.addi %add3A_109, %mul3A_108 : i32
    %mul3A_111 = arith.constant 10000 : i32
    %mul3A_112 = arith.muli %add3A_110, %mul3A_111 : i32
    "tpu.region"() ({
      %run_scoped3A = tpu.sem_alloc : memref<!tpu.dma_semaphore, #tpu.memory_space<semaphore_mem>>
      %dma_start3A_145 = tpu.memref_slice %arg2[%mul3A_112] : memref<960000xf32, #tpu.memory_space<hbm>> -> memref<40000xf32, #tpu.memory_space<hbm>>
      %dma_start3A_146 = tpu.memref_slice %arg2[%mul3A_112] : memref<960000xf32, #tpu.memory_space<hbm>> -> memref<40000xf32, #tpu.memory_space<hbm>>
      tpu.enqueue_dma source(%dma_start3A_146 : memref<40000xf32, #tpu.memory_space<hbm>>) target(%arg5 : memref<40000xf32, #tpu.memory_space<vmem>>) target_semaphore(%run_scoped3A : memref<!tpu.dma_semaphore, #tpu.memory_space<semaphore_mem>>)
      %dma_wait3A = tpu.memref_slice %arg2[%mul3A_112] : memref<960000xf32, #tpu.memory_space<hbm>> -> memref<40000xf32, #tpu.memory_space<hbm>>
      %dma_wait3A_147 = tpu.memref_slice %arg2[%mul3A_112] : memref<960000xf32, #tpu.memory_space<hbm>> -> memref<40000xf32, #tpu.memory_space<hbm>>
      tpu.wait_dma2 semaphore(%run_scoped3A : memref<!tpu.dma_semaphore, #tpu.memory_space<semaphore_mem>>) src(%dma_wait3A_147 : memref<40000xf32, #tpu.memory_space<hbm>>) dst(%arg5 : memref<40000xf32, #tpu.memory_space<vmem>>)
      tpu.yield
    }) : () -> ()
    %parallel_loop3A_113 = arith.constant 0 : i32
    %parallel_loop3A_114 = arith.constant 2500 : i32
    %parallel_loop3A_115 = arith.constant 1 : i32
    scf.for %parallel_loop3A_145 = %parallel_loop3A_113 to %parallel_loop3A_114 step %parallel_loop3A_115  : i32 {
      %parallel_loop3A_146 = arith.constant 16 : i32
      %parallel_loop3A_147 = arith.muli %parallel_loop3A_145, %parallel_loop3A_146 : i32
      %parallel_loop3A_148 = arith.index_cast %parallel_loop3A_147 : i32 to index
      %parallel_loop3A_149 = tpu.vector_load %arg6[%parallel_loop3A_148] {strides = array<i32>} : memref<40000xf32, #tpu.memory_space<vmem>>, vector<16xf32>,
      tpu.vector_store %arg6[%parallel_loop3A_148], %broadcast_in_dim3A_31 {strides = array<i32>} : memref<40000xf32, #tpu.memory_space<vmem>>, vector<16xf32>,
    } {sc.loop_unroll_factor = 8 : i64, sc.parallel_access}
    %mul3A_116 = arith.constant 80000 : i32
    %mul3A_117 = arith.muli %select_n3A_30, %mul3A_116 : i32
    %add3A_118 = arith.constant 1280000 : i32
    %add3A_119 = arith.addi %add3A_118, %mul3A_117 : i32
    %add3A_120 = arith.constant 0 : i32
    %add3A_121 = arith.addi %add3A_119, %add3A_120 : i32
    %dma_start3A_122 = tpu.memref_slice %arg3[%add3A_121] : memref<1920000xi32, #tpu.memory_space<hbm>> -> memref<10000xi32, #tpu.memory_space<hbm>>
    %dma_start3A_123 = tpu.memref_slice %arg3[%add3A_121] : memref<1920000xi32, #tpu.memory_space<hbm>> -> memref<10000xi32, #tpu.memory_space<hbm>>
    tpu.enqueue_dma source(%dma_start3A_123 : memref<10000xi32, #tpu.memory_space<hbm>>) target(%arg7 : memref<10000xi32, #tpu.memory_space<vmem>>) target_semaphore(%arg11 : memref<!tpu.dma_semaphore, #tpu.memory_space<semaphore_mem>>)
    %add3A_124 = arith.constant 320000 : i32
    %add3A_125 = arith.addi %add3A_121, %add3A_124 : i32
    %dma_start3A_126 = tpu.memref_slice %arg3[%add3A_125] : memref<1920000xi32, #tpu.memory_space<hbm>> -> memref<10000xi32, #tpu.memory_space<hbm>>
    %dma_start3A_127 = tpu.memref_slice %arg3[%add3A_125] : memref<1920000xi32, #tpu.memory_space<hbm>> -> memref<10000xi32, #tpu.memory_space<hbm>>
    tpu.enqueue_dma source(%dma_start3A_127 : memref<10000xi32, #tpu.memory_space<hbm>>) target(%arg8 : memref<10000xi32, #tpu.memory_space<vmem>>) target_semaphore(%arg11 : memref<!tpu.dma_semaphore, #tpu.memory_space<semaphore_mem>>)
    %scan3A_128 = arith.constant 0 : i32
    %scan3A_129 = arith.constant 0 : i32
    %scan3A_130 = arith.constant 4 : i32
    %scan3A_131 = arith.addi %scan3A_129, %scan3A_130 : i32
    %scan3A_132 = arith.constant 1 : i32
    scf.for %scan3A_145 = %scan3A_129 to %scan3A_131 step %scan3A_132  : i32 {
      %mul3A_146 = arith.constant 2 : i32
      %mul3A_147 = arith.muli %mul3A_146, %scan3A_145 : i32
      %add3A_148 = arith.constant 1 : i32
      %add3A_149 = arith.addi %mul3A_147, %add3A_148 : i32
      %mul3A_150 = arith.constant 80000 : i32
      %mul3A_151 = arith.muli %select_n3A_30, %mul3A_150 : i32
      %add3A_152 = arith.constant 1280000 : i32
      %add3A_153 = arith.addi %add3A_152, %mul3A_151 : i32
      %mul3A_154 = arith.constant 10000 : i32
      %mul3A_155 = arith.muli %add3A_149, %mul3A_154 : i32
      %add3A_156 = arith.addi %add3A_153, %mul3A_155 : i32
      %dma_start3A_157 = tpu.memref_slice %arg3[%add3A_156] : memref<1920000xi32, #tpu.memory_space<hbm>> -> memref<10000xi32, #tpu.memory_space<hbm>>
      %dma_start3A_158 = tpu.memref_slice %arg3[%add3A_156] : memref<1920000xi32, #tpu.memory_space<hbm>> -> memref<10000xi32, #tpu.memory_space<hbm>>
      tpu.enqueue_dma source(%dma_start3A_158 : memref<10000xi32, #tpu.memory_space<hbm>>) target(%arg9 : memref<10000xi32, #tpu.memory_space<vmem>>) target_semaphore(%arg12 : memref<!tpu.dma_semaphore, #tpu.memory_space<semaphore_mem>>)
      %add3A_159 = arith.constant 320000 : i32
      %add3A_160 = arith.addi %add3A_156, %add3A_159 : i32
      %dma_start3A_161 = tpu.memref_slice %arg3[%add3A_160] : memref<1920000xi32, #tpu.memory_space<hbm>> -> memref<10000xi32, #tpu.memory_space<hbm>>
      %dma_start3A_162 = tpu.memref_slice %arg3[%add3A_160] : memref<1920000xi32, #tpu.memory_space<hbm>> -> memref<10000xi32, #tpu.memory_space<hbm>>
      tpu.enqueue_dma source(%dma_start3A_162 : memref<10000xi32, #tpu.memory_space<hbm>>) target(%arg10 : memref<10000xi32, #tpu.memory_space<vmem>>) target_semaphore(%arg12 : memref<!tpu.dma_semaphore, #tpu.memory_space<semaphore_mem>>)
      %dma_wait3A = arith.constant 0 : i32
      %dma_wait3A_163 = tpu.memref_slice %arg3[%dma_wait3A] : memref<1920000xi32, #tpu.memory_space<hbm>> -> memref<10000xi32, #tpu.memory_space<hbm>>
      %dma_wait3A_164 = arith.constant 0 : i32
      %dma_wait3A_165 = tpu.memref_slice %arg3[%dma_wait3A_164] : memref<1920000xi32, #tpu.memory_space<hbm>> -> memref<10000xi32, #tpu.memory_space<hbm>>
      tpu.wait_dma2 semaphore(%arg11 : memref<!tpu.dma_semaphore, #tpu.memory_space<semaphore_mem>>) src(%dma_wait3A_165 : memref<10000xi32, #tpu.memory_space<hbm>>) dst(%arg7 : memref<10000xi32, #tpu.memory_space<vmem>>)
      %dma_wait3A_166 = arith.constant 0 : i32
      %dma_wait3A_167 = tpu.memref_slice %arg3[%dma_wait3A_166] : memref<1920000xi32, #tpu.memory_space<hbm>> -> memref<10000xi32, #tpu.memory_space<hbm>>
      %dma_wait3A_168 = arith.constant 0 : i32
      %dma_wait3A_169 = tpu.memref_slice %arg3[%dma_wait3A_168] : memref<1920000xi32, #tpu.memory_space<hbm>> -> memref<10000xi32, #tpu.memory_space<hbm>>
      tpu.wait_dma2 semaphore(%arg11 : memref<!tpu.dma_semaphore, #tpu.memory_space<semaphore_mem>>) src(%dma_wait3A_169 : memref<10000xi32, #tpu.memory_space<hbm>>) dst(%arg8 : memref<10000xi32, #tpu.memory_space<vmem>>)
      %parallel_loop3A_170 = arith.constant 0 : i32
      %parallel_loop3A_171 = arith.constant 625 : i32
      %parallel_loop3A_172 = arith.constant 1 : i32
      scf.for %parallel_loop3A_189 = %parallel_loop3A_170 to %parallel_loop3A_171 step %parallel_loop3A_172  : i32 {
        %parallel_loop3A_190 = arith.constant 16 : i32
        %parallel_loop3A_191 = arith.muli %parallel_loop3A_189, %parallel_loop3A_190 : i32
        %parallel_loop3A_192 = arith.index_cast %parallel_loop3A_191 : i32 to index
        %parallel_loop3A_193 = tpu.vector_load %arg7[%parallel_loop3A_192] {strides = array<i32>} : memref<10000xi32, #tpu.memory_space<vmem>>, vector<16xi32>,
        %parallel_loop3A_194 = arith.constant 16 : i32
        %parallel_loop3A_195 = arith.muli %parallel_loop3A_189, %parallel_loop3A_194 : i32
        %parallel_loop3A_196 = arith.index_cast %parallel_loop3A_195 : i32 to index
        %parallel_loop3A_197 = tpu.vector_load %arg8[%parallel_loop3A_196] {strides = array<i32>} : memref<10000xi32, #tpu.memory_space<vmem>>, vector<16xi32>,
        %parallel_loop3A_198 = tpu.vector_load_idx %arg5[%parallel_loop3A_193] : memref<40000xf32, #tpu.memory_space<vmem>>[vector<16xi32>], vector<16xf32>,
        tpu.vector_store_idx %arg6[%parallel_loop3A_197], %parallel_loop3A_198 {add = true} : memref<40000xf32, #tpu.memory_space<vmem>>[vector<16xi32>], vector<16xf32>,
        %parallel_loop3A_199 = arith.addi %parallel_loop3A_193, %broadcast_in_dim3A_33 : vector<16xi32>
        %parallel_loop3A_200 = arith.addi %parallel_loop3A_197, %broadcast_in_dim3A_33 : vector<16xi32>
        %parallel_loop3A_201 = tpu.vector_load_idx %arg5[%parallel_loop3A_199] : memref<40000xf32, #tpu.memory_space<vmem>>[vector<16xi32>], vector<16xf32>,
        tpu.vector_store_idx %arg6[%parallel_loop3A_200], %parallel_loop3A_201 {add = true} : memref<40000xf32, #tpu.memory_space<vmem>>[vector<16xi32>], vector<16xf32>,
        %parallel_loop3A_202 = arith.addi %parallel_loop3A_199, %broadcast_in_dim3A_33 : vector<16xi32>
        %parallel_loop3A_203 = arith.addi %parallel_loop3A_200, %broadcast_in_dim3A_33 : vector<16xi32>
        %parallel_loop3A_204 = tpu.vector_load_idx %arg5[%parallel_loop3A_202] : memref<40000xf32, #tpu.memory_space<vmem>>[vector<16xi32>], vector<16xf32>,
        tpu.vector_store_idx %arg6[%parallel_loop3A_203], %parallel_loop3A_204 {add = true} : memref<40000xf32, #tpu.memory_space<vmem>>[vector<16xi32>], vector<16xf32>,
        %parallel_loop3A_205 = arith.addi %parallel_loop3A_202, %broadcast_in_dim3A_33 : vector<16xi32>
        %parallel_loop3A_206 = arith.addi %parallel_loop3A_203, %broadcast_in_dim3A_33 : vector<16xi32>
        %parallel_loop3A_207 = tpu.vector_load_idx %arg5[%parallel_loop3A_205] : memref<40000xf32, #tpu.memory_space<vmem>>[vector<16xi32>], vector<16xf32>,
        tpu.vector_store_idx %arg6[%parallel_loop3A_206], %parallel_loop3A_207 {add = true} : memref<40000xf32, #tpu.memory_space<vmem>>[vector<16xi32>], vector<16xf32>,
      } {sc.loop_unroll_factor = 1 : i64, sc.parallel_access}
      %add3A_173 = arith.constant 1 : i32
      %add3A_174 = arith.addi %scan3A_145, %add3A_173 : i32
      %lt3A_175 = arith.constant 4 : i32
      %lt3A_176 = arith.cmpi slt, %add3A_174, %lt3A_175 : i32
      %convert_element_type3A = arith.extui %lt3A_176 : i1 to i32
      %cond3A = arith.constant 0 : i32
      %cond3A_177 = arith.cmpi ne, %convert_element_type3A, %cond3A : i32
      scf.if %cond3A_177 {
        %add3A_189 = arith.constant 2 : i32
        %add3A_190 = arith.addi %mul3A_147, %add3A_189 : i32
        %mul3A_191 = arith.constant 80000 : i32
        %mul3A_192 = arith.muli %select_n3A_30, %mul3A_191 : i32
        %add3A_193 = arith.constant 1280000 : i32
        %add3A_194 = arith.addi %add3A_193, %mul3A_192 : i32
        %mul3A_195 = arith.constant 10000 : i32
        %mul3A_196 = arith.muli %add3A_190, %mul3A_195 : i32
        %add3A_197 = arith.addi %add3A_194, %mul3A_196 : i32
        %dma_start3A_198 = tpu.memref_slice %arg3[%add3A_197] : memref<1920000xi32, #tpu.memory_space<hbm>> -> memref<10000xi32, #tpu.memory_space<hbm>>
        %dma_start3A_199 = tpu.memref_slice %arg3[%add3A_197] : memref<1920000xi32, #tpu.memory_space<hbm>> -> memref<10000xi32, #tpu.memory_space<hbm>>
        tpu.enqueue_dma source(%dma_start3A_199 : memref<10000xi32, #tpu.memory_space<hbm>>) target(%arg7 : memref<10000xi32, #tpu.memory_space<vmem>>) target_semaphore(%arg11 : memref<!tpu.dma_semaphore, #tpu.memory_space<semaphore_mem>>)
        %add3A_200 = arith.constant 320000 : i32
        %add3A_201 = arith.addi %add3A_197, %add3A_200 : i32
        %dma_start3A_202 = tpu.memref_slice %arg3[%add3A_201] : memref<1920000xi32, #tpu.memory_space<hbm>> -> memref<10000xi32, #tpu.memory_space<hbm>>
        %dma_start3A_203 = tpu.memref_slice %arg3[%add3A_201] : memref<1920000xi32, #tpu.memory_space<hbm>> -> memref<10000xi32, #tpu.memory_space<hbm>>
        tpu.enqueue_dma source(%dma_start3A_203 : memref<10000xi32, #tpu.memory_space<hbm>>) target(%arg8 : memref<10000xi32, #tpu.memory_space<vmem>>) target_semaphore(%arg11 : memref<!tpu.dma_semaphore, #tpu.memory_space<semaphore_mem>>)
      } else {
      }
      %dma_wait3A_178 = arith.constant 0 : i32
      %dma_wait3A_179 = tpu.memref_slice %arg3[%dma_wait3A_178] : memref<1920000xi32, #tpu.memory_space<hbm>> -> memref<10000xi32, #tpu.memory_space<hbm>>
      %dma_wait3A_180 = arith.constant 0 : i32
      %dma_wait3A_181 = tpu.memref_slice %arg3[%dma_wait3A_180] : memref<1920000xi32, #tpu.memory_space<hbm>> -> memref<10000xi32, #tpu.memory_space<hbm>>
      tpu.wait_dma2 semaphore(%arg12 : memref<!tpu.dma_semaphore, #tpu.memory_space<semaphore_mem>>) src(%dma_wait3A_181 : memref<10000xi32, #tpu.memory_space<hbm>>) dst(%arg9 : memref<10000xi32, #tpu.memory_space<vmem>>)
      %dma_wait3A_182 = arith.constant 0 : i32
      %dma_wait3A_183 = tpu.memref_slice %arg3[%dma_wait3A_182] : memref<1920000xi32, #tpu.memory_space<hbm>> -> memref<10000xi32, #tpu.memory_space<hbm>>
      %dma_wait3A_184 = arith.constant 0 : i32
      %dma_wait3A_185 = tpu.memref_slice %arg3[%dma_wait3A_184] : memref<1920000xi32, #tpu.memory_space<hbm>> -> memref<10000xi32, #tpu.memory_space<hbm>>
      tpu.wait_dma2 semaphore(%arg12 : memref<!tpu.dma_semaphore, #tpu.memory_space<semaphore_mem>>) src(%dma_wait3A_185 : memref<10000xi32, #tpu.memory_space<hbm>>) dst(%arg10 : memref<10000xi32, #tpu.memory_space<vmem>>)
      %parallel_loop3A_186 = arith.constant 0 : i32
      %parallel_loop3A_187 = arith.constant 625 : i32
      %parallel_loop3A_188 = arith.constant 1 : i32
      scf.for %parallel_loop3A_189 = %parallel_loop3A_186 to %parallel_loop3A_187 step %parallel_loop3A_188  : i32 {
        %parallel_loop3A_190 = arith.constant 16 : i32
        %parallel_loop3A_191 = arith.muli %parallel_loop3A_189, %parallel_loop3A_190 : i32
        %parallel_loop3A_192 = arith.index_cast %parallel_loop3A_191 : i32 to index
        %parallel_loop3A_193 = tpu.vector_load %arg9[%parallel_loop3A_192] {strides = array<i32>} : memref<10000xi32, #tpu.memory_space<vmem>>, vector<16xi32>,
        %parallel_loop3A_194 = arith.constant 16 : i32
        %parallel_loop3A_195 = arith.muli %parallel_loop3A_189, %parallel_loop3A_194 : i32
        %parallel_loop3A_196 = arith.index_cast %parallel_loop3A_195 : i32 to index
        %parallel_loop3A_197 = tpu.vector_load %arg10[%parallel_loop3A_196] {strides = array<i32>} : memref<10000xi32, #tpu.memory_space<vmem>>, vector<16xi32>,
        %parallel_loop3A_198 = tpu.vector_load_idx %arg5[%parallel_loop3A_193] : memref<40000xf32, #tpu.memory_space<vmem>>[vector<16xi32>], vector<16xf32>,
        tpu.vector_store_idx %arg6[%parallel_loop3A_197], %parallel_loop3A_198 {add = true} : memref<40000xf32, #tpu.memory_space<vmem>>[vector<16xi32>], vector<16xf32>,
        %parallel_loop3A_199 = arith.addi %parallel_loop3A_193, %broadcast_in_dim3A_33 : vector<16xi32>
        %parallel_loop3A_200 = arith.addi %parallel_loop3A_197, %broadcast_in_dim3A_33 : vector<16xi32>
        %parallel_loop3A_201 = tpu.vector_load_idx %arg5[%parallel_loop3A_199] : memref<40000xf32, #tpu.memory_space<vmem>>[vector<16xi32>], vector<16xf32>,
        tpu.vector_store_idx %arg6[%parallel_loop3A_200], %parallel_loop3A_201 {add = true} : memref<40000xf32, #tpu.memory_space<vmem>>[vector<16xi32>], vector<16xf32>,
        %parallel_loop3A_202 = arith.addi %parallel_loop3A_199, %broadcast_in_dim3A_33 : vector<16xi32>
        %parallel_loop3A_203 = arith.addi %parallel_loop3A_200, %broadcast_in_dim3A_33 : vector<16xi32>
        %parallel_loop3A_204 = tpu.vector_load_idx %arg5[%parallel_loop3A_202] : memref<40000xf32, #tpu.memory_space<vmem>>[vector<16xi32>], vector<16xf32>,
        tpu.vector_store_idx %arg6[%parallel_loop3A_203], %parallel_loop3A_204 {add = true} : memref<40000xf32, #tpu.memory_space<vmem>>[vector<16xi32>], vector<16xf32>,
        %parallel_loop3A_205 = arith.addi %parallel_loop3A_202, %broadcast_in_dim3A_33 : vector<16xi32>
        %parallel_loop3A_206 = arith.addi %parallel_loop3A_203, %broadcast_in_dim3A_33 : vector<16xi32>
        %parallel_loop3A_207 = tpu.vector_load_idx %arg5[%parallel_loop3A_205] : memref<40000xf32, #tpu.memory_space<vmem>>[vector<16xi32>], vector<16xf32>,
        tpu.vector_store_idx %arg6[%parallel_loop3A_206], %parallel_loop3A_207 {add = true} : memref<40000xf32, #tpu.memory_space<vmem>>[vector<16xi32>], vector<16xf32>,
      } {sc.loop_unroll_factor = 1 : i64, sc.parallel_access}
    }
    %scan3A_133 = arith.constant 4 : i32
    %mul3A_134 = arith.constant 3 : i32
    %mul3A_135 = arith.muli %select_n3A_30, %mul3A_134 : i32
    %add3A_136 = arith.constant 2 : i32
    %add3A_137 = arith.addi %mul3A_135, %add3A_136 : i32
    %mul3A_138 = arith.constant 32 : i32
    %mul3A_139 = arith.muli %add3A_137, %mul3A_138 : i32
    %mul3A_140 = arith.constant 4 : i32
    %mul3A_141 = arith.muli %mul3A_140, %select_n3A_9 : i32
    %add3A_142 = arith.addi %mul3A_139, %mul3A_141 : i32
    %mul3A_143 = arith.constant 10000 : i32
    %mul3A_144 = arith.muli %add3A_142, %mul3A_143 : i32
    "tpu.region"() ({
      %run_scoped3A = tpu.sem_alloc : memref<!tpu.dma_semaphore, #tpu.memory_space<semaphore_mem>>
      %dma_start3A_145 = tpu.memref_slice %arg4[%mul3A_144] : memref<3840000xf32, #tpu.memory_space<hbm>> -> memref<40000xf32, #tpu.memory_space<hbm>>
      %dma_start3A_146 = tpu.memref_slice %arg4[%mul3A_144] : memref<3840000xf32, #tpu.memory_space<hbm>> -> memref<40000xf32, #tpu.memory_space<hbm>>
      tpu.enqueue_dma source(%arg6 : memref<40000xf32, #tpu.memory_space<vmem>>) target(%dma_start3A_146 : memref<40000xf32, #tpu.memory_space<hbm>>) target_semaphore(%run_scoped3A : memref<!tpu.dma_semaphore, #tpu.memory_space<semaphore_mem>>)
      %dma_wait3A = tpu.memref_slice %arg4[%mul3A_144] : memref<3840000xf32, #tpu.memory_space<hbm>> -> memref<40000xf32, #tpu.memory_space<hbm>>
      %dma_wait3A_147 = tpu.memref_slice %arg4[%mul3A_144] : memref<3840000xf32, #tpu.memory_space<hbm>> -> memref<40000xf32, #tpu.memory_space<hbm>>
      tpu.wait_dma2 semaphore(%run_scoped3A : memref<!tpu.dma_semaphore, #tpu.memory_space<semaphore_mem>>) src(%arg6 : memref<40000xf32, #tpu.memory_space<vmem>>) dst(%dma_wait3A_147 : memref<40000xf32, #tpu.memory_space<hbm>>)
      tpu.yield
    }) : () -> ()
    return
  }
}

module attributes {stable_mosaic.version = 14 : i64} {
  func.func @_tcb_body(%arg0: memref<32x3x10000xf32, #tpu.memory_space<vmem>>, %arg1: memref<10000x128xf32, #tpu.memory_space<vmem>>, %arg2: memref<32x128xf32, #tpu.memory_space<vmem>>, %arg3: memref<3x10000xf32, #tpu.memory_space<vmem>>, %arg4: memref<3x32x10000xf32, #tpu.memory_space<vmem>>) attributes {dimension_semantics = [], scalar_prefetch = 0 : i64, scratch_operands = 0 : i64, tpu.core_type = #tpu.core_type<tc>} {
    %get3A = arith.constant 0 : index
    %get3A_0 = arith.constant 0 : index
    %get3A_1 = arith.constant 0 : index
    %get3A_2 = vector.load %arg0[%get3A, %get3A_0, %get3A_1] : memref<32x3x10000xf32, #tpu.memory_space<vmem>>, vector<32x3x10000xf32>
    %reduce_sum3A = arith.constant dense<0.000000e+00> : vector<3x10000xf32>
    %reduce_sum3A_3 = vector.multi_reduction <add>, %get3A_2, %reduce_sum3A [0] : vector<32x3x10000xf32> to vector<3x10000xf32>
    %add3A = arith.constant 1.000000e+00 : f32
    %add3A_4 = vector.broadcast %add3A : f32 to vector<3x10000xf32>
    %add3A_5 = arith.addf %reduce_sum3A_3, %add3A_4 : vector<3x10000xf32>
    %rsqrt3A = math.rsqrt %add3A_5 : vector<3x10000xf32>
    %swap3A = arith.constant 0 : index
    %swap3A_6 = arith.constant 0 : index
    %swap3A_7 = vector.load %arg3[%swap3A, %swap3A_6] : memref<3x10000xf32, #tpu.memory_space<vmem>>, vector<3x10000xf32>
    tpu.vector_store %arg3[%swap3A, %swap3A_6], %rsqrt3A {strides = array<i32>} : memref<3x10000xf32, #tpu.memory_space<vmem>>, vector<3x10000xf32>,
    %get3A_8 = arith.constant 0 : index
    %get3A_9 = arith.constant 0 : index
    %get3A_10 = vector.load %arg2[%get3A_8, %get3A_9] : memref<32x128xf32, #tpu.memory_space<vmem>>, vector<32x128xf32>
    %get3A_11 = arith.constant 0 : index
    %get3A_12 = arith.constant 0 : index
    %get3A_13 = vector.load %arg1[%get3A_11, %get3A_12] : memref<10000x128xf32, #tpu.memory_space<vmem>>, vector<10000x128xf32>
    %dot_general3A = arith.constant dense<0.000000e+00> : vector<32x10000xf32>
    %dot_general3A_14 = tpu.matmul %get3A_10, %get3A_13, %dot_general3A {dimension_numbers = #tpu.dot_dimension_numbers<[1], [1], [0], [0], [0, 0, 1, 0], [], []>, transpose_lhs_hint = false} : vector<32x128xf32>, vector<10000x128xf32>, vector<32x10000xf32> -> vector<32x10000xf32>
    %slice3A = vector.extract_strided_slice %rsqrt3A {offsets = [0, 0], sizes = [1, 10000], strides = [1, 1]} : vector<3x10000xf32> to vector<1x10000xf32>
    %mul3A = vector.broadcast %slice3A : vector<1x10000xf32> to vector<32x10000xf32>
    %mul3A_15 = arith.mulf %dot_general3A_14, %mul3A : vector<32x10000xf32>
    %swap3A_16 = arith.constant 0 : index
    %swap3A_17 = arith.constant 0 : index
    %swap3A_18 = arith.constant 0 : index
    %swap3A_19 = vector.load %arg4[%swap3A_16, %swap3A_17, %swap3A_18] : memref<3x32x10000xf32, #tpu.memory_space<vmem>>, vector<1x32x10000xf32>
    %swap3A_20 = vector.shape_cast %swap3A_19 : vector<1x32x10000xf32> to vector<32x10000xf32>
    %swap3A_21 = vector.shape_cast %mul3A_15 : vector<32x10000xf32> to vector<1x32x10000xf32>
    tpu.vector_store %arg4[%swap3A_16, %swap3A_17, %swap3A_18], %swap3A_21 {strides = array<i32>} : memref<3x32x10000xf32, #tpu.memory_space<vmem>>, vector<1x32x10000xf32>,
    %slice3A_22 = vector.extract_strided_slice %rsqrt3A {offsets = [1, 0], sizes = [1, 10000], strides = [1, 1]} : vector<3x10000xf32> to vector<1x10000xf32>
    %mul3A_23 = vector.broadcast %slice3A_22 : vector<1x10000xf32> to vector<32x10000xf32>
    %mul3A_24 = arith.mulf %dot_general3A_14, %mul3A_23 : vector<32x10000xf32>
    %swap3A_25 = arith.constant 1 : index
    %swap3A_26 = arith.constant 0 : index
    %swap3A_27 = arith.constant 0 : index
    %swap3A_28 = vector.load %arg4[%swap3A_25, %swap3A_26, %swap3A_27] : memref<3x32x10000xf32, #tpu.memory_space<vmem>>, vector<1x32x10000xf32>
    %swap3A_29 = vector.shape_cast %swap3A_28 : vector<1x32x10000xf32> to vector<32x10000xf32>
    %swap3A_30 = vector.shape_cast %mul3A_24 : vector<32x10000xf32> to vector<1x32x10000xf32>
    tpu.vector_store %arg4[%swap3A_25, %swap3A_26, %swap3A_27], %swap3A_30 {strides = array<i32>} : memref<3x32x10000xf32, #tpu.memory_space<vmem>>, vector<1x32x10000xf32>,
    %slice3A_31 = vector.extract_strided_slice %rsqrt3A {offsets = [2, 0], sizes = [1, 10000], strides = [1, 1]} : vector<3x10000xf32> to vector<1x10000xf32>
    %mul3A_32 = vector.broadcast %slice3A_31 : vector<1x10000xf32> to vector<32x10000xf32>
    %mul3A_33 = arith.mulf %dot_general3A_14, %mul3A_32 : vector<32x10000xf32>
    %swap3A_34 = arith.constant 2 : index
    %swap3A_35 = arith.constant 0 : index
    %swap3A_36 = arith.constant 0 : index
    %swap3A_37 = vector.load %arg4[%swap3A_34, %swap3A_35, %swap3A_36] : memref<3x32x10000xf32, #tpu.memory_space<vmem>>, vector<1x32x10000xf32>
    %swap3A_38 = vector.shape_cast %swap3A_37 : vector<1x32x10000xf32> to vector<32x10000xf32>
    %swap3A_39 = vector.shape_cast %mul3A_33 : vector<32x10000xf32> to vector<1x32x10000xf32>
    tpu.vector_store %arg4[%swap3A_34, %swap3A_35, %swap3A_36], %swap3A_39 {strides = array<i32>} : memref<3x32x10000xf32, #tpu.memory_space<vmem>>, vector<1x32x10000xf32>,
    return
  }
}

module attributes {stable_mosaic.version = 14 : i64} {
  func.func @_tcd_body(%arg0: memref<4x3x32x10000xf32, #tpu.memory_space<vmem>>, %arg1: memref<3x32x10000xf32, #tpu.memory_space<vmem>>, %arg2: memref<3x10000xf32, #tpu.memory_space<vmem>>, %arg3: memref<32x1xf32, #tpu.memory_space<vmem>>, %arg4: memref<32x32xf32, #tpu.memory_space<vmem>>, %arg5: memref<3x32x10000xf32, #tpu.memory_space<vmem>>) attributes {dimension_semantics = [], scalar_prefetch = 0 : i64, scratch_operands = 0 : i64, tpu.core_type = #tpu.core_type<tc>} {
    %get3A = arith.constant 0 : index
    %get3A_0 = arith.constant 0 : index
    %get3A_1 = vector.load %arg2[%get3A, %get3A_0] : memref<3x10000xf32, #tpu.memory_space<vmem>>, vector<3x10000xf32>
    %get3A_2 = arith.constant 0 : index
    %get3A_3 = arith.constant 0 : index
    %get3A_4 = vector.load %arg4[%get3A_2, %get3A_3] : memref<32x32xf32, #tpu.memory_space<vmem>>, vector<32x32xf32>
    %get3A_5 = arith.constant 0 : index
    %get3A_6 = arith.constant 0 : index
    %get3A_7 = vector.load %arg3[%get3A_5, %get3A_6] : memref<32x1xf32, #tpu.memory_space<vmem>>, vector<32x1xf32>
    %get3A_8 = arith.constant 0 : index
    %get3A_9 = arith.constant 0 : index
    %get3A_10 = arith.constant 0 : index
    %get3A_11 = arith.constant 0 : index
    %get3A_12 = vector.load %arg0[%get3A_8, %get3A_9, %get3A_10, %get3A_11] : memref<4x3x32x10000xf32, #tpu.memory_space<vmem>>, vector<1x1x32x10000xf32>
    %get3A_13 = vector.shape_cast %get3A_12 : vector<1x1x32x10000xf32> to vector<32x10000xf32>
    %get3A_14 = arith.constant 1 : index
    %get3A_15 = arith.constant 0 : index
    %get3A_16 = arith.constant 0 : index
    %get3A_17 = arith.constant 0 : index
    %get3A_18 = vector.load %arg0[%get3A_14, %get3A_15, %get3A_16, %get3A_17] : memref<4x3x32x10000xf32, #tpu.memory_space<vmem>>, vector<1x1x32x10000xf32>
    %get3A_19 = vector.shape_cast %get3A_18 : vector<1x1x32x10000xf32> to vector<32x10000xf32>
    %add3A = arith.addf %get3A_13, %get3A_19 : vector<32x10000xf32>
    %get3A_20 = arith.constant 2 : index
    %get3A_21 = arith.constant 0 : index
    %get3A_22 = arith.constant 0 : index
    %get3A_23 = arith.constant 0 : index
    %get3A_24 = vector.load %arg0[%get3A_20, %get3A_21, %get3A_22, %get3A_23] : memref<4x3x32x10000xf32, #tpu.memory_space<vmem>>, vector<1x1x32x10000xf32>
    %get3A_25 = vector.shape_cast %get3A_24 : vector<1x1x32x10000xf32> to vector<32x10000xf32>
    %add3A_26 = arith.addf %add3A, %get3A_25 : vector<32x10000xf32>
    %get3A_27 = arith.constant 3 : index
    %get3A_28 = arith.constant 0 : index
    %get3A_29 = arith.constant 0 : index
    %get3A_30 = arith.constant 0 : index
    %get3A_31 = vector.load %arg0[%get3A_27, %get3A_28, %get3A_29, %get3A_30] : memref<4x3x32x10000xf32, #tpu.memory_space<vmem>>, vector<1x1x32x10000xf32>
    %get3A_32 = vector.shape_cast %get3A_31 : vector<1x1x32x10000xf32> to vector<32x10000xf32>
    %add3A_33 = arith.addf %add3A_26, %get3A_32 : vector<32x10000xf32>
    %get3A_34 = arith.constant 0 : index
    %get3A_35 = arith.constant 0 : index
    %get3A_36 = arith.constant 0 : index
    %get3A_37 = vector.load %arg1[%get3A_34, %get3A_35, %get3A_36] : memref<3x32x10000xf32, #tpu.memory_space<vmem>>, vector<1x32x10000xf32>
    %get3A_38 = vector.shape_cast %get3A_37 : vector<1x32x10000xf32> to vector<32x10000xf32>
    %add3A_39 = arith.addf %add3A_33, %get3A_38 : vector<32x10000xf32>
    %slice3A = vector.extract_strided_slice %get3A_1 {offsets = [0, 0], sizes = [1, 10000], strides = [1, 1]} : vector<3x10000xf32> to vector<1x10000xf32>
    %mul3A = vector.broadcast %slice3A : vector<1x10000xf32> to vector<32x10000xf32>
    %mul3A_40 = arith.mulf %add3A_39, %mul3A : vector<32x10000xf32>
    %add3A_41 = vector.broadcast %get3A_7 : vector<32x1xf32> to vector<32x10000xf32>
    %add3A_42 = arith.addf %mul3A_40, %add3A_41 : vector<32x10000xf32>
    %max3A = arith.constant 0.000000e+00 : f32
    %max3A_43 = vector.broadcast %max3A : f32 to vector<32x10000xf32>
    %max3A_44 = arith.maximumf %add3A_42, %max3A_43 : vector<32x10000xf32>
    %dot_general3A = arith.constant dense<0.000000e+00> : vector<32x10000xf32>
    %dot_general3A_45 = tpu.matmul %get3A_4, %max3A_44, %dot_general3A {dimension_numbers = #tpu.dot_dimension_numbers<[1], [0], [0], [1], [0, 0, 1, 1], [], []>, transpose_lhs_hint = false} : vector<32x32xf32>, vector<32x10000xf32>, vector<32x10000xf32> -> vector<32x10000xf32>
    %slice3A_46 = vector.extract_strided_slice %get3A_1 {offsets = [0, 0], sizes = [1, 10000], strides = [1, 1]} : vector<3x10000xf32> to vector<1x10000xf32>
    %mul3A_47 = vector.broadcast %slice3A_46 : vector<1x10000xf32> to vector<32x10000xf32>
    %mul3A_48 = arith.mulf %dot_general3A_45, %mul3A_47 : vector<32x10000xf32>
    %swap3A = arith.constant 0 : index
    %swap3A_49 = arith.constant 0 : index
    %swap3A_50 = arith.constant 0 : index
    %swap3A_51 = vector.load %arg5[%swap3A, %swap3A_49, %swap3A_50] : memref<3x32x10000xf32, #tpu.memory_space<vmem>>, vector<1x32x10000xf32>
    %swap3A_52 = vector.shape_cast %swap3A_51 : vector<1x32x10000xf32> to vector<32x10000xf32>
    %swap3A_53 = vector.shape_cast %mul3A_48 : vector<32x10000xf32> to vector<1x32x10000xf32>
    tpu.vector_store %arg5[%swap3A, %swap3A_49, %swap3A_50], %swap3A_53 {strides = array<i32>} : memref<3x32x10000xf32, #tpu.memory_space<vmem>>, vector<1x32x10000xf32>,
    %get3A_54 = arith.constant 0 : index
    %get3A_55 = arith.constant 1 : index
    %get3A_56 = arith.constant 0 : index
    %get3A_57 = arith.constant 0 : index
    %get3A_58 = vector.load %arg0[%get3A_54, %get3A_55, %get3A_56, %get3A_57] : memref<4x3x32x10000xf32, #tpu.memory_space<vmem>>, vector<1x1x32x10000xf32>
    %get3A_59 = vector.shape_cast %get3A_58 : vector<1x1x32x10000xf32> to vector<32x10000xf32>
    %get3A_60 = arith.constant 1 : index
    %get3A_61 = arith.constant 1 : index
    %get3A_62 = arith.constant 0 : index
    %get3A_63 = arith.constant 0 : index
    %get3A_64 = vector.load %arg0[%get3A_60, %get3A_61, %get3A_62, %get3A_63] : memref<4x3x32x10000xf32, #tpu.memory_space<vmem>>, vector<1x1x32x10000xf32>
    %get3A_65 = vector.shape_cast %get3A_64 : vector<1x1x32x10000xf32> to vector<32x10000xf32>
    %add3A_66 = arith.addf %get3A_59, %get3A_65 : vector<32x10000xf32>
    %get3A_67 = arith.constant 2 : index
    %get3A_68 = arith.constant 1 : index
    %get3A_69 = arith.constant 0 : index
    %get3A_70 = arith.constant 0 : index
    %get3A_71 = vector.load %arg0[%get3A_67, %get3A_68, %get3A_69, %get3A_70] : memref<4x3x32x10000xf32, #tpu.memory_space<vmem>>, vector<1x1x32x10000xf32>
    %get3A_72 = vector.shape_cast %get3A_71 : vector<1x1x32x10000xf32> to vector<32x10000xf32>
    %add3A_73 = arith.addf %add3A_66, %get3A_72 : vector<32x10000xf32>
    %get3A_74 = arith.constant 3 : index
    %get3A_75 = arith.constant 1 : index
    %get3A_76 = arith.constant 0 : index
    %get3A_77 = arith.constant 0 : index
    %get3A_78 = vector.load %arg0[%get3A_74, %get3A_75, %get3A_76, %get3A_77] : memref<4x3x32x10000xf32, #tpu.memory_space<vmem>>, vector<1x1x32x10000xf32>
    %get3A_79 = vector.shape_cast %get3A_78 : vector<1x1x32x10000xf32> to vector<32x10000xf32>
    %add3A_80 = arith.addf %add3A_73, %get3A_79 : vector<32x10000xf32>
    %get3A_81 = arith.constant 1 : index
    %get3A_82 = arith.constant 0 : index
    %get3A_83 = arith.constant 0 : index
    %get3A_84 = vector.load %arg1[%get3A_81, %get3A_82, %get3A_83] : memref<3x32x10000xf32, #tpu.memory_space<vmem>>, vector<1x32x10000xf32>
    %get3A_85 = vector.shape_cast %get3A_84 : vector<1x32x10000xf32> to vector<32x10000xf32>
    %add3A_86 = arith.addf %add3A_80, %get3A_85 : vector<32x10000xf32>
    %slice3A_87 = vector.extract_strided_slice %get3A_1 {offsets = [1, 0], sizes = [1, 10000], strides = [1, 1]} : vector<3x10000xf32> to vector<1x10000xf32>
    %mul3A_88 = vector.broadcast %slice3A_87 : vector<1x10000xf32> to vector<32x10000xf32>
    %mul3A_89 = arith.mulf %add3A_86, %mul3A_88 : vector<32x10000xf32>
    %add3A_90 = vector.broadcast %get3A_7 : vector<32x1xf32> to vector<32x10000xf32>
    %add3A_91 = arith.addf %mul3A_89, %add3A_90 : vector<32x10000xf32>
    %max3A_92 = arith.constant 0.000000e+00 : f32
    %max3A_93 = vector.broadcast %max3A_92 : f32 to vector<32x10000xf32>
    %max3A_94 = arith.maximumf %add3A_91, %max3A_93 : vector<32x10000xf32>
    %dot_general3A_95 = arith.constant dense<0.000000e+00> : vector<32x10000xf32>
    %dot_general3A_96 = tpu.matmul %get3A_4, %max3A_94, %dot_general3A_95 {dimension_numbers = #tpu.dot_dimension_numbers<[1], [0], [0], [1], [0, 0, 1, 1], [], []>, transpose_lhs_hint = false} : vector<32x32xf32>, vector<32x10000xf32>, vector<32x10000xf32> -> vector<32x10000xf32>
    %slice3A_97 = vector.extract_strided_slice %get3A_1 {offsets = [1, 0], sizes = [1, 10000], strides = [1, 1]} : vector<3x10000xf32> to vector<1x10000xf32>
    %mul3A_98 = vector.broadcast %slice3A_97 : vector<1x10000xf32> to vector<32x10000xf32>
    %mul3A_99 = arith.mulf %dot_general3A_96, %mul3A_98 : vector<32x10000xf32>
    %swap3A_100 = arith.constant 1 : index
    %swap3A_101 = arith.constant 0 : index
    %swap3A_102 = arith.constant 0 : index
    %swap3A_103 = vector.load %arg5[%swap3A_100, %swap3A_101, %swap3A_102] : memref<3x32x10000xf32, #tpu.memory_space<vmem>>, vector<1x32x10000xf32>
    %swap3A_104 = vector.shape_cast %swap3A_103 : vector<1x32x10000xf32> to vector<32x10000xf32>
    %swap3A_105 = vector.shape_cast %mul3A_99 : vector<32x10000xf32> to vector<1x32x10000xf32>
    tpu.vector_store %arg5[%swap3A_100, %swap3A_101, %swap3A_102], %swap3A_105 {strides = array<i32>} : memref<3x32x10000xf32, #tpu.memory_space<vmem>>, vector<1x32x10000xf32>,
    %get3A_106 = arith.constant 0 : index
    %get3A_107 = arith.constant 2 : index
    %get3A_108 = arith.constant 0 : index
    %get3A_109 = arith.constant 0 : index
    %get3A_110 = vector.load %arg0[%get3A_106, %get3A_107, %get3A_108, %get3A_109] : memref<4x3x32x10000xf32, #tpu.memory_space<vmem>>, vector<1x1x32x10000xf32>
    %get3A_111 = vector.shape_cast %get3A_110 : vector<1x1x32x10000xf32> to vector<32x10000xf32>
    %get3A_112 = arith.constant 1 : index
    %get3A_113 = arith.constant 2 : index
    %get3A_114 = arith.constant 0 : index
    %get3A_115 = arith.constant 0 : index
    %get3A_116 = vector.load %arg0[%get3A_112, %get3A_113, %get3A_114, %get3A_115] : memref<4x3x32x10000xf32, #tpu.memory_space<vmem>>, vector<1x1x32x10000xf32>
    %get3A_117 = vector.shape_cast %get3A_116 : vector<1x1x32x10000xf32> to vector<32x10000xf32>
    %add3A_118 = arith.addf %get3A_111, %get3A_117 : vector<32x10000xf32>
    %get3A_119 = arith.constant 2 : index
    %get3A_120 = arith.constant 2 : index
    %get3A_121 = arith.constant 0 : index
    %get3A_122 = arith.constant 0 : index
    %get3A_123 = vector.load %arg0[%get3A_119, %get3A_120, %get3A_121, %get3A_122] : memref<4x3x32x10000xf32, #tpu.memory_space<vmem>>, vector<1x1x32x10000xf32>
    %get3A_124 = vector.shape_cast %get3A_123 : vector<1x1x32x10000xf32> to vector<32x10000xf32>
    %add3A_125 = arith.addf %add3A_118, %get3A_124 : vector<32x10000xf32>
    %get3A_126 = arith.constant 3 : index
    %get3A_127 = arith.constant 2 : index
    %get3A_128 = arith.constant 0 : index
    %get3A_129 = arith.constant 0 : index
    %get3A_130 = vector.load %arg0[%get3A_126, %get3A_127, %get3A_128, %get3A_129] : memref<4x3x32x10000xf32, #tpu.memory_space<vmem>>, vector<1x1x32x10000xf32>
    %get3A_131 = vector.shape_cast %get3A_130 : vector<1x1x32x10000xf32> to vector<32x10000xf32>
    %add3A_132 = arith.addf %add3A_125, %get3A_131 : vector<32x10000xf32>
    %get3A_133 = arith.constant 2 : index
    %get3A_134 = arith.constant 0 : index
    %get3A_135 = arith.constant 0 : index
    %get3A_136 = vector.load %arg1[%get3A_133, %get3A_134, %get3A_135] : memref<3x32x10000xf32, #tpu.memory_space<vmem>>, vector<1x32x10000xf32>
    %get3A_137 = vector.shape_cast %get3A_136 : vector<1x32x10000xf32> to vector<32x10000xf32>
    %add3A_138 = arith.addf %add3A_132, %get3A_137 : vector<32x10000xf32>
    %slice3A_139 = vector.extract_strided_slice %get3A_1 {offsets = [2, 0], sizes = [1, 10000], strides = [1, 1]} : vector<3x10000xf32> to vector<1x10000xf32>
    %mul3A_140 = vector.broadcast %slice3A_139 : vector<1x10000xf32> to vector<32x10000xf32>
    %mul3A_141 = arith.mulf %add3A_138, %mul3A_140 : vector<32x10000xf32>
    %add3A_142 = vector.broadcast %get3A_7 : vector<32x1xf32> to vector<32x10000xf32>
    %add3A_143 = arith.addf %mul3A_141, %add3A_142 : vector<32x10000xf32>
    %max3A_144 = arith.constant 0.000000e+00 : f32
    %max3A_145 = vector.broadcast %max3A_144 : f32 to vector<32x10000xf32>
    %max3A_146 = arith.maximumf %add3A_143, %max3A_145 : vector<32x10000xf32>
    %dot_general3A_147 = arith.constant dense<0.000000e+00> : vector<32x10000xf32>
    %dot_general3A_148 = tpu.matmul %get3A_4, %max3A_146, %dot_general3A_147 {dimension_numbers = #tpu.dot_dimension_numbers<[1], [0], [0], [1], [0, 0, 1, 1], [], []>, transpose_lhs_hint = false} : vector<32x32xf32>, vector<32x10000xf32>, vector<32x10000xf32> -> vector<32x10000xf32>
    %slice3A_149 = vector.extract_strided_slice %get3A_1 {offsets = [2, 0], sizes = [1, 10000], strides = [1, 1]} : vector<3x10000xf32> to vector<1x10000xf32>
    %mul3A_150 = vector.broadcast %slice3A_149 : vector<1x10000xf32> to vector<32x10000xf32>
    %mul3A_151 = arith.mulf %dot_general3A_148, %mul3A_150 : vector<32x10000xf32>
    %swap3A_152 = arith.constant 2 : index
    %swap3A_153 = arith.constant 0 : index
    %swap3A_154 = arith.constant 0 : index
    %swap3A_155 = vector.load %arg5[%swap3A_152, %swap3A_153, %swap3A_154] : memref<3x32x10000xf32, #tpu.memory_space<vmem>>, vector<1x32x10000xf32>
    %swap3A_156 = vector.shape_cast %swap3A_155 : vector<1x32x10000xf32> to vector<32x10000xf32>
    %swap3A_157 = vector.shape_cast %mul3A_151 : vector<32x10000xf32> to vector<1x32x10000xf32>
    tpu.vector_store %arg5[%swap3A_152, %swap3A_153, %swap3A_154], %swap3A_157 {strides = array<i32>} : memref<3x32x10000xf32, #tpu.memory_space<vmem>>, vector<1x32x10000xf32>,
    return
  }
}

module attributes {stable_mosaic.version = 14 : i64} {
  func.func @_tcf_body(%arg0: memref<4x3x32x10000xf32, #tpu.memory_space<vmem>>, %arg1: memref<3x32x10000xf32, #tpu.memory_space<vmem>>, %arg2: memref<3x10000xf32, #tpu.memory_space<vmem>>, %arg3: memref<32x1xf32, #tpu.memory_space<vmem>>, %arg4: memref<96x32xf32, #tpu.memory_space<vmem>>, %arg5: memref<96x32xf32, #tpu.memory_space<vmem>>, %arg6: memref<96x1xf32, #tpu.memory_space<vmem>>, %arg7: memref<96x1xf32, #tpu.memory_space<vmem>>, %arg8: memref<16x32xf32, #tpu.memory_space<vmem>>, %arg9: memref<16x1xf32, #tpu.memory_space<vmem>>, %arg10: memref<3x16x10000xf32, #tpu.memory_space<vmem>>) attributes {dimension_semantics = [], scalar_prefetch = 0 : i64, scratch_operands = 0 : i64, tpu.core_type = #tpu.core_type<tc>} {
    %get3A = arith.constant 0 : index
    %get3A_0 = arith.constant 0 : index
    %get3A_1 = vector.load %arg2[%get3A, %get3A_0] : memref<3x10000xf32, #tpu.memory_space<vmem>>, vector<3x10000xf32>
    %get3A_2 = arith.constant 0 : index
    %get3A_3 = arith.constant 0 : index
    %get3A_4 = vector.load %arg3[%get3A_2, %get3A_3] : memref<32x1xf32, #tpu.memory_space<vmem>>, vector<32x1xf32>
    %get3A_5 = arith.constant 0 : index
    %get3A_6 = arith.constant 0 : index
    %get3A_7 = vector.load %arg4[%get3A_5, %get3A_6] : memref<96x32xf32, #tpu.memory_space<vmem>>, vector<96x32xf32>
    %get3A_8 = arith.constant 0 : index
    %get3A_9 = arith.constant 0 : index
    %get3A_10 = vector.load %arg5[%get3A_8, %get3A_9] : memref<96x32xf32, #tpu.memory_space<vmem>>, vector<96x32xf32>
    %get3A_11 = arith.constant 0 : index
    %get3A_12 = arith.constant 0 : index
    %get3A_13 = vector.load %arg6[%get3A_11, %get3A_12] : memref<96x1xf32, #tpu.memory_space<vmem>>, vector<96x1xf32>
    %get3A_14 = arith.constant 0 : index
    %get3A_15 = arith.constant 0 : index
    %get3A_16 = vector.load %arg7[%get3A_14, %get3A_15] : memref<96x1xf32, #tpu.memory_space<vmem>>, vector<96x1xf32>
    %get3A_17 = arith.constant 0 : index
    %get3A_18 = arith.constant 0 : index
    %get3A_19 = vector.load %arg8[%get3A_17, %get3A_18] : memref<16x32xf32, #tpu.memory_space<vmem>>, vector<16x32xf32>
    %get3A_20 = arith.constant 0 : index
    %get3A_21 = arith.constant 0 : index
    %get3A_22 = vector.load %arg9[%get3A_20, %get3A_21] : memref<16x1xf32, #tpu.memory_space<vmem>>, vector<16x1xf32>
    %broadcast_in_dim3A = arith.constant 0.000000e+00 : f32
    %broadcast_in_dim3A_23 = vector.broadcast %broadcast_in_dim3A : f32 to vector<32x10000xf32>
    %get3A_24 = arith.constant 0 : index
    %get3A_25 = arith.constant 0 : index
    %get3A_26 = arith.constant 0 : index
    %get3A_27 = arith.constant 0 : index
    %get3A_28 = vector.load %arg0[%get3A_24, %get3A_25, %get3A_26, %get3A_27] : memref<4x3x32x10000xf32, #tpu.memory_space<vmem>>, vector<1x1x32x10000xf32>
    %get3A_29 = vector.shape_cast %get3A_28 : vector<1x1x32x10000xf32> to vector<32x10000xf32>
    %get3A_30 = arith.constant 1 : index
    %get3A_31 = arith.constant 0 : index
    %get3A_32 = arith.constant 0 : index
    %get3A_33 = arith.constant 0 : index
    %get3A_34 = vector.load %arg0[%get3A_30, %get3A_31, %get3A_32, %get3A_33] : memref<4x3x32x10000xf32, #tpu.memory_space<vmem>>, vector<1x1x32x10000xf32>
    %get3A_35 = vector.shape_cast %get3A_34 : vector<1x1x32x10000xf32> to vector<32x10000xf32>
    %add3A = arith.addf %get3A_29, %get3A_35 : vector<32x10000xf32>
    %get3A_36 = arith.constant 2 : index
    %get3A_37 = arith.constant 0 : index
    %get3A_38 = arith.constant 0 : index
    %get3A_39 = arith.constant 0 : index
    %get3A_40 = vector.load %arg0[%get3A_36, %get3A_37, %get3A_38, %get3A_39] : memref<4x3x32x10000xf32, #tpu.memory_space<vmem>>, vector<1x1x32x10000xf32>
    %get3A_41 = vector.shape_cast %get3A_40 : vector<1x1x32x10000xf32> to vector<32x10000xf32>
    %add3A_42 = arith.addf %add3A, %get3A_41 : vector<32x10000xf32>
    %get3A_43 = arith.constant 3 : index
    %get3A_44 = arith.constant 0 : index
    %get3A_45 = arith.constant 0 : index
    %get3A_46 = arith.constant 0 : index
    %get3A_47 = vector.load %arg0[%get3A_43, %get3A_44, %get3A_45, %get3A_46] : memref<4x3x32x10000xf32, #tpu.memory_space<vmem>>, vector<1x1x32x10000xf32>
    %get3A_48 = vector.shape_cast %get3A_47 : vector<1x1x32x10000xf32> to vector<32x10000xf32>
    %add3A_49 = arith.addf %add3A_42, %get3A_48 : vector<32x10000xf32>
    %get3A_50 = arith.constant 0 : index
    %get3A_51 = arith.constant 0 : index
    %get3A_52 = arith.constant 0 : index
    %get3A_53 = vector.load %arg1[%get3A_50, %get3A_51, %get3A_52] : memref<3x32x10000xf32, #tpu.memory_space<vmem>>, vector<1x32x10000xf32>
    %get3A_54 = vector.shape_cast %get3A_53 : vector<1x32x10000xf32> to vector<32x10000xf32>
    %add3A_55 = arith.addf %add3A_49, %get3A_54 : vector<32x10000xf32>
    %slice3A = vector.extract_strided_slice %get3A_1 {offsets = [0, 0], sizes = [1, 10000], strides = [1, 1]} : vector<3x10000xf32> to vector<1x10000xf32>
    %mul3A = vector.broadcast %slice3A : vector<1x10000xf32> to vector<32x10000xf32>
    %mul3A_56 = arith.mulf %add3A_55, %mul3A : vector<32x10000xf32>
    %add3A_57 = vector.broadcast %get3A_4 : vector<32x1xf32> to vector<32x10000xf32>
    %add3A_58 = arith.addf %mul3A_56, %add3A_57 : vector<32x10000xf32>
    %tanh3A = math.tanh %add3A_58 : vector<32x10000xf32>
    %dot_general3A = arith.constant dense<0.000000e+00> : vector<96x10000xf32>
    %dot_general3A_59 = tpu.matmul %get3A_7, %tanh3A, %dot_general3A {dimension_numbers = #tpu.dot_dimension_numbers<[1], [0], [0], [1], [0, 0, 1, 1], [], []>, transpose_lhs_hint = false} : vector<96x32xf32>, vector<32x10000xf32>, vector<96x10000xf32> -> vector<96x10000xf32>
    %add3A_60 = vector.broadcast %get3A_13 : vector<96x1xf32> to vector<96x10000xf32>
    %add3A_61 = arith.addf %dot_general3A_59, %add3A_60 : vector<96x10000xf32>
    %dot_general3A_62 = arith.constant dense<0.000000e+00> : vector<96x10000xf32>
    %dot_general3A_63 = tpu.matmul %get3A_10, %broadcast_in_dim3A_23, %dot_general3A_62 {dimension_numbers = #tpu.dot_dimension_numbers<[1], [0], [0], [1], [0, 0, 1, 1], [], []>, transpose_lhs_hint = false} : vector<96x32xf32>, vector<32x10000xf32>, vector<96x10000xf32> -> vector<96x10000xf32>
    %add3A_64 = vector.broadcast %get3A_16 : vector<96x1xf32> to vector<96x10000xf32>
    %add3A_65 = arith.addf %dot_general3A_63, %add3A_64 : vector<96x10000xf32>
    %slice3A_66 = vector.extract_strided_slice %add3A_61 {offsets = [0, 0], sizes = [32, 10000], strides = [1, 1]} : vector<96x10000xf32> to vector<32x10000xf32>
    %slice3A_67 = vector.extract_strided_slice %add3A_61 {offsets = [32, 0], sizes = [32, 10000], strides = [1, 1]} : vector<96x10000xf32> to vector<32x10000xf32>
    %slice3A_68 = vector.extract_strided_slice %add3A_61 {offsets = [64, 0], sizes = [32, 10000], strides = [1, 1]} : vector<96x10000xf32> to vector<32x10000xf32>
    %slice3A_69 = vector.extract_strided_slice %add3A_65 {offsets = [0, 0], sizes = [32, 10000], strides = [1, 1]} : vector<96x10000xf32> to vector<32x10000xf32>
    %slice3A_70 = vector.extract_strided_slice %add3A_65 {offsets = [32, 0], sizes = [32, 10000], strides = [1, 1]} : vector<96x10000xf32> to vector<32x10000xf32>
    %slice3A_71 = vector.extract_strided_slice %add3A_65 {offsets = [64, 0], sizes = [32, 10000], strides = [1, 1]} : vector<96x10000xf32> to vector<32x10000xf32>
    %add3A_72 = arith.addf %slice3A_66, %slice3A_69 : vector<32x10000xf32>
    %logistic3A = arith.negf %add3A_72 : vector<32x10000xf32>
    %logistic3A_73 = math.exp %logistic3A : vector<32x10000xf32>
    %logistic3A_74 = arith.constant 1.000000e+00 : f32
    %logistic3A_75 = vector.broadcast %logistic3A_74 : f32 to vector<32x10000xf32>
    %logistic3A_76 = arith.addf %logistic3A_75, %logistic3A_73 : vector<32x10000xf32>
    %logistic3A_77 = arith.divf %logistic3A_75, %logistic3A_76 : vector<32x10000xf32>
    %add3A_78 = arith.addf %slice3A_67, %slice3A_70 : vector<32x10000xf32>
    %logistic3A_79 = arith.negf %add3A_78 : vector<32x10000xf32>
    %logistic3A_80 = math.exp %logistic3A_79 : vector<32x10000xf32>
    %logistic3A_81 = arith.constant 1.000000e+00 : f32
    %logistic3A_82 = vector.broadcast %logistic3A_81 : f32 to vector<32x10000xf32>
    %logistic3A_83 = arith.addf %logistic3A_82, %logistic3A_80 : vector<32x10000xf32>
    %logistic3A_84 = arith.divf %logistic3A_82, %logistic3A_83 : vector<32x10000xf32>
    %mul3A_85 = arith.mulf %logistic3A_77, %slice3A_71 : vector<32x10000xf32>
    %add3A_86 = arith.addf %slice3A_68, %mul3A_85 : vector<32x10000xf32>
    %tanh3A_87 = math.tanh %add3A_86 : vector<32x10000xf32>
    %sub3A = arith.constant 1.000000e+00 : f32
    %sub3A_88 = vector.broadcast %sub3A : f32 to vector<32x10000xf32>
    %sub3A_89 = arith.subf %sub3A_88, %logistic3A_84 : vector<32x10000xf32>
    %mul3A_90 = arith.mulf %sub3A_89, %tanh3A_87 : vector<32x10000xf32>
    %mul3A_91 = arith.mulf %logistic3A_84, %broadcast_in_dim3A_23 : vector<32x10000xf32>
    %add3A_92 = arith.addf %mul3A_90, %mul3A_91 : vector<32x10000xf32>
    %dot_general3A_93 = arith.constant dense<0.000000e+00> : vector<16x10000xf32>
    %dot_general3A_94 = tpu.matmul %get3A_19, %add3A_92, %dot_general3A_93 {dimension_numbers = #tpu.dot_dimension_numbers<[1], [0], [0], [1], [0, 0, 1, 1], [], []>, transpose_lhs_hint = false} : vector<16x32xf32>, vector<32x10000xf32>, vector<16x10000xf32> -> vector<16x10000xf32>
    %add3A_95 = vector.broadcast %get3A_22 : vector<16x1xf32> to vector<16x10000xf32>
    %add3A_96 = arith.addf %dot_general3A_94, %add3A_95 : vector<16x10000xf32>
    %swap3A = arith.constant 0 : index
    %swap3A_97 = arith.constant 0 : index
    %swap3A_98 = arith.constant 0 : index
    %swap3A_99 = vector.load %arg10[%swap3A, %swap3A_97, %swap3A_98] : memref<3x16x10000xf32, #tpu.memory_space<vmem>>, vector<1x16x10000xf32>
    %swap3A_100 = vector.shape_cast %swap3A_99 : vector<1x16x10000xf32> to vector<16x10000xf32>
    %swap3A_101 = vector.shape_cast %add3A_96 : vector<16x10000xf32> to vector<1x16x10000xf32>
    tpu.vector_store %arg10[%swap3A, %swap3A_97, %swap3A_98], %swap3A_101 {strides = array<i32>} : memref<3x16x10000xf32, #tpu.memory_space<vmem>>, vector<1x16x10000xf32>,
    %get3A_102 = arith.constant 0 : index
    %get3A_103 = arith.constant 1 : index
    %get3A_104 = arith.constant 0 : index
    %get3A_105 = arith.constant 0 : index
    %get3A_106 = vector.load %arg0[%get3A_102, %get3A_103, %get3A_104, %get3A_105] : memref<4x3x32x10000xf32, #tpu.memory_space<vmem>>, vector<1x1x32x10000xf32>
    %get3A_107 = vector.shape_cast %get3A_106 : vector<1x1x32x10000xf32> to vector<32x10000xf32>
    %get3A_108 = arith.constant 1 : index
    %get3A_109 = arith.constant 1 : index
    %get3A_110 = arith.constant 0 : index
    %get3A_111 = arith.constant 0 : index
    %get3A_112 = vector.load %arg0[%get3A_108, %get3A_109, %get3A_110, %get3A_111] : memref<4x3x32x10000xf32, #tpu.memory_space<vmem>>, vector<1x1x32x10000xf32>
    %get3A_113 = vector.shape_cast %get3A_112 : vector<1x1x32x10000xf32> to vector<32x10000xf32>
    %add3A_114 = arith.addf %get3A_107, %get3A_113 : vector<32x10000xf32>
    %get3A_115 = arith.constant 2 : index
    %get3A_116 = arith.constant 1 : index
    %get3A_117 = arith.constant 0 : index
    %get3A_118 = arith.constant 0 : index
    %get3A_119 = vector.load %arg0[%get3A_115, %get3A_116, %get3A_117, %get3A_118] : memref<4x3x32x10000xf32, #tpu.memory_space<vmem>>, vector<1x1x32x10000xf32>
    %get3A_120 = vector.shape_cast %get3A_119 : vector<1x1x32x10000xf32> to vector<32x10000xf32>
    %add3A_121 = arith.addf %add3A_114, %get3A_120 : vector<32x10000xf32>
    %get3A_122 = arith.constant 3 : index
    %get3A_123 = arith.constant 1 : index
    %get3A_124 = arith.constant 0 : index
    %get3A_125 = arith.constant 0 : index
    %get3A_126 = vector.load %arg0[%get3A_122, %get3A_123, %get3A_124, %get3A_125] : memref<4x3x32x10000xf32, #tpu.memory_space<vmem>>, vector<1x1x32x10000xf32>
    %get3A_127 = vector.shape_cast %get3A_126 : vector<1x1x32x10000xf32> to vector<32x10000xf32>
    %add3A_128 = arith.addf %add3A_121, %get3A_127 : vector<32x10000xf32>
    %get3A_129 = arith.constant 1 : index
    %get3A_130 = arith.constant 0 : index
    %get3A_131 = arith.constant 0 : index
    %get3A_132 = vector.load %arg1[%get3A_129, %get3A_130, %get3A_131] : memref<3x32x10000xf32, #tpu.memory_space<vmem>>, vector<1x32x10000xf32>
    %get3A_133 = vector.shape_cast %get3A_132 : vector<1x32x10000xf32> to vector<32x10000xf32>
    %add3A_134 = arith.addf %add3A_128, %get3A_133 : vector<32x10000xf32>
    %slice3A_135 = vector.extract_strided_slice %get3A_1 {offsets = [1, 0], sizes = [1, 10000], strides = [1, 1]} : vector<3x10000xf32> to vector<1x10000xf32>
    %mul3A_136 = vector.broadcast %slice3A_135 : vector<1x10000xf32> to vector<32x10000xf32>
    %mul3A_137 = arith.mulf %add3A_134, %mul3A_136 : vector<32x10000xf32>
    %add3A_138 = vector.broadcast %get3A_4 : vector<32x1xf32> to vector<32x10000xf32>
    %add3A_139 = arith.addf %mul3A_137, %add3A_138 : vector<32x10000xf32>
    %tanh3A_140 = math.tanh %add3A_139 : vector<32x10000xf32>
    %dot_general3A_141 = arith.constant dense<0.000000e+00> : vector<96x10000xf32>
    %dot_general3A_142 = tpu.matmul %get3A_7, %tanh3A_140, %dot_general3A_141 {dimension_numbers = #tpu.dot_dimension_numbers<[1], [0], [0], [1], [0, 0, 1, 1], [], []>, transpose_lhs_hint = false} : vector<96x32xf32>, vector<32x10000xf32>, vector<96x10000xf32> -> vector<96x10000xf32>
    %add3A_143 = vector.broadcast %get3A_13 : vector<96x1xf32> to vector<96x10000xf32>
    %add3A_144 = arith.addf %dot_general3A_142, %add3A_143 : vector<96x10000xf32>
    %dot_general3A_145 = arith.constant dense<0.000000e+00> : vector<96x10000xf32>
    %dot_general3A_146 = tpu.matmul %get3A_10, %add3A_92, %dot_general3A_145 {dimension_numbers = #tpu.dot_dimension_numbers<[1], [0], [0], [1], [0, 0, 1, 1], [], []>, transpose_lhs_hint = false} : vector<96x32xf32>, vector<32x10000xf32>, vector<96x10000xf32> -> vector<96x10000xf32>
    %add3A_147 = vector.broadcast %get3A_16 : vector<96x1xf32> to vector<96x10000xf32>
    %add3A_148 = arith.addf %dot_general3A_146, %add3A_147 : vector<96x10000xf32>
    %slice3A_149 = vector.extract_strided_slice %add3A_144 {offsets = [0, 0], sizes = [32, 10000], strides = [1, 1]} : vector<96x10000xf32> to vector<32x10000xf32>
    %slice3A_150 = vector.extract_strided_slice %add3A_144 {offsets = [32, 0], sizes = [32, 10000], strides = [1, 1]} : vector<96x10000xf32> to vector<32x10000xf32>
    %slice3A_151 = vector.extract_strided_slice %add3A_144 {offsets = [64, 0], sizes = [32, 10000], strides = [1, 1]} : vector<96x10000xf32> to vector<32x10000xf32>
    %slice3A_152 = vector.extract_strided_slice %add3A_148 {offsets = [0, 0], sizes = [32, 10000], strides = [1, 1]} : vector<96x10000xf32> to vector<32x10000xf32>
    %slice3A_153 = vector.extract_strided_slice %add3A_148 {offsets = [32, 0], sizes = [32, 10000], strides = [1, 1]} : vector<96x10000xf32> to vector<32x10000xf32>
    %slice3A_154 = vector.extract_strided_slice %add3A_148 {offsets = [64, 0], sizes = [32, 10000], strides = [1, 1]} : vector<96x10000xf32> to vector<32x10000xf32>
    %add3A_155 = arith.addf %slice3A_149, %slice3A_152 : vector<32x10000xf32>
    %logistic3A_156 = arith.negf %add3A_155 : vector<32x10000xf32>
    %logistic3A_157 = math.exp %logistic3A_156 : vector<32x10000xf32>
    %logistic3A_158 = arith.constant 1.000000e+00 : f32
    %logistic3A_159 = vector.broadcast %logistic3A_158 : f32 to vector<32x10000xf32>
    %logistic3A_160 = arith.addf %logistic3A_159, %logistic3A_157 : vector<32x10000xf32>
    %logistic3A_161 = arith.divf %logistic3A_159, %logistic3A_160 : vector<32x10000xf32>
    %add3A_162 = arith.addf %slice3A_150, %slice3A_153 : vector<32x10000xf32>
    %logistic3A_163 = arith.negf %add3A_162 : vector<32x10000xf32>
    %logistic3A_164 = math.exp %logistic3A_163 : vector<32x10000xf32>
    %logistic3A_165 = arith.constant 1.000000e+00 : f32
    %logistic3A_166 = vector.broadcast %logistic3A_165 : f32 to vector<32x10000xf32>
    %logistic3A_167 = arith.addf %logistic3A_166, %logistic3A_164 : vector<32x10000xf32>
    %logistic3A_168 = arith.divf %logistic3A_166, %logistic3A_167 : vector<32x10000xf32>
    %mul3A_169 = arith.mulf %logistic3A_161, %slice3A_154 : vector<32x10000xf32>
    %add3A_170 = arith.addf %slice3A_151, %mul3A_169 : vector<32x10000xf32>
    %tanh3A_171 = math.tanh %add3A_170 : vector<32x10000xf32>
    %sub3A_172 = arith.constant 1.000000e+00 : f32
    %sub3A_173 = vector.broadcast %sub3A_172 : f32 to vector<32x10000xf32>
    %sub3A_174 = arith.subf %sub3A_173, %logistic3A_168 : vector<32x10000xf32>
    %mul3A_175 = arith.mulf %sub3A_174, %tanh3A_171 : vector<32x10000xf32>
    %mul3A_176 = arith.mulf %logistic3A_168, %add3A_92 : vector<32x10000xf32>
    %add3A_177 = arith.addf %mul3A_175, %mul3A_176 : vector<32x10000xf32>
    %dot_general3A_178 = arith.constant dense<0.000000e+00> : vector<16x10000xf32>
    %dot_general3A_179 = tpu.matmul %get3A_19, %add3A_177, %dot_general3A_178 {dimension_numbers = #tpu.dot_dimension_numbers<[1], [0], [0], [1], [0, 0, 1, 1], [], []>, transpose_lhs_hint = false} : vector<16x32xf32>, vector<32x10000xf32>, vector<16x10000xf32> -> vector<16x10000xf32>
    %add3A_180 = vector.broadcast %get3A_22 : vector<16x1xf32> to vector<16x10000xf32>
    %add3A_181 = arith.addf %dot_general3A_179, %add3A_180 : vector<16x10000xf32>
    %swap3A_182 = arith.constant 1 : index
    %swap3A_183 = arith.constant 0 : index
    %swap3A_184 = arith.constant 0 : index
    %swap3A_185 = vector.load %arg10[%swap3A_182, %swap3A_183, %swap3A_184] : memref<3x16x10000xf32, #tpu.memory_space<vmem>>, vector<1x16x10000xf32>
    %swap3A_186 = vector.shape_cast %swap3A_185 : vector<1x16x10000xf32> to vector<16x10000xf32>
    %swap3A_187 = vector.shape_cast %add3A_181 : vector<16x10000xf32> to vector<1x16x10000xf32>
    tpu.vector_store %arg10[%swap3A_182, %swap3A_183, %swap3A_184], %swap3A_187 {strides = array<i32>} : memref<3x16x10000xf32, #tpu.memory_space<vmem>>, vector<1x16x10000xf32>,
    %get3A_188 = arith.constant 0 : index
    %get3A_189 = arith.constant 2 : index
    %get3A_190 = arith.constant 0 : index
    %get3A_191 = arith.constant 0 : index
    %get3A_192 = vector.load %arg0[%get3A_188, %get3A_189, %get3A_190, %get3A_191] : memref<4x3x32x10000xf32, #tpu.memory_space<vmem>>, vector<1x1x32x10000xf32>
    %get3A_193 = vector.shape_cast %get3A_192 : vector<1x1x32x10000xf32> to vector<32x10000xf32>
    %get3A_194 = arith.constant 1 : index
    %get3A_195 = arith.constant 2 : index
    %get3A_196 = arith.constant 0 : index
    %get3A_197 = arith.constant 0 : index
    %get3A_198 = vector.load %arg0[%get3A_194, %get3A_195, %get3A_196, %get3A_197] : memref<4x3x32x10000xf32, #tpu.memory_space<vmem>>, vector<1x1x32x10000xf32>
    %get3A_199 = vector.shape_cast %get3A_198 : vector<1x1x32x10000xf32> to vector<32x10000xf32>
    %add3A_200 = arith.addf %get3A_193, %get3A_199 : vector<32x10000xf32>
    %get3A_201 = arith.constant 2 : index
    %get3A_202 = arith.constant 2 : index
    %get3A_203 = arith.constant 0 : index
    %get3A_204 = arith.constant 0 : index
    %get3A_205 = vector.load %arg0[%get3A_201, %get3A_202, %get3A_203, %get3A_204] : memref<4x3x32x10000xf32, #tpu.memory_space<vmem>>, vector<1x1x32x10000xf32>
    %get3A_206 = vector.shape_cast %get3A_205 : vector<1x1x32x10000xf32> to vector<32x10000xf32>
    %add3A_207 = arith.addf %add3A_200, %get3A_206 : vector<32x10000xf32>
    %get3A_208 = arith.constant 3 : index
    %get3A_209 = arith.constant 2 : index
    %get3A_210 = arith.constant 0 : index
    %get3A_211 = arith.constant 0 : index
    %get3A_212 = vector.load %arg0[%get3A_208, %get3A_209, %get3A_210, %get3A_211] : memref<4x3x32x10000xf32, #tpu.memory_space<vmem>>, vector<1x1x32x10000xf32>
    %get3A_213 = vector.shape_cast %get3A_212 : vector<1x1x32x10000xf32> to vector<32x10000xf32>
    %add3A_214 = arith.addf %add3A_207, %get3A_213 : vector<32x10000xf32>
    %get3A_215 = arith.constant 2 : index
    %get3A_216 = arith.constant 0 : index
    %get3A_217 = arith.constant 0 : index
    %get3A_218 = vector.load %arg1[%get3A_215, %get3A_216, %get3A_217] : memref<3x32x10000xf32, #tpu.memory_space<vmem>>, vector<1x32x10000xf32>
    %get3A_219 = vector.shape_cast %get3A_218 : vector<1x32x10000xf32> to vector<32x10000xf32>
    %add3A_220 = arith.addf %add3A_214, %get3A_219 : vector<32x10000xf32>
    %slice3A_221 = vector.extract_strided_slice %get3A_1 {offsets = [2, 0], sizes = [1, 10000], strides = [1, 1]} : vector<3x10000xf32> to vector<1x10000xf32>
    %mul3A_222 = vector.broadcast %slice3A_221 : vector<1x10000xf32> to vector<32x10000xf32>
    %mul3A_223 = arith.mulf %add3A_220, %mul3A_222 : vector<32x10000xf32>
    %add3A_224 = vector.broadcast %get3A_4 : vector<32x1xf32> to vector<32x10000xf32>
    %add3A_225 = arith.addf %mul3A_223, %add3A_224 : vector<32x10000xf32>
    %tanh3A_226 = math.tanh %add3A_225 : vector<32x10000xf32>
    %dot_general3A_227 = arith.constant dense<0.000000e+00> : vector<96x10000xf32>
    %dot_general3A_228 = tpu.matmul %get3A_7, %tanh3A_226, %dot_general3A_227 {dimension_numbers = #tpu.dot_dimension_numbers<[1], [0], [0], [1], [0, 0, 1, 1], [], []>, transpose_lhs_hint = false} : vector<96x32xf32>, vector<32x10000xf32>, vector<96x10000xf32> -> vector<96x10000xf32>
    %add3A_229 = vector.broadcast %get3A_13 : vector<96x1xf32> to vector<96x10000xf32>
    %add3A_230 = arith.addf %dot_general3A_228, %add3A_229 : vector<96x10000xf32>
    %dot_general3A_231 = arith.constant dense<0.000000e+00> : vector<96x10000xf32>
    %dot_general3A_232 = tpu.matmul %get3A_10, %add3A_177, %dot_general3A_231 {dimension_numbers = #tpu.dot_dimension_numbers<[1], [0], [0], [1], [0, 0, 1, 1], [], []>, transpose_lhs_hint = false} : vector<96x32xf32>, vector<32x10000xf32>, vector<96x10000xf32> -> vector<96x10000xf32>
    %add3A_233 = vector.broadcast %get3A_16 : vector<96x1xf32> to vector<96x10000xf32>
    %add3A_234 = arith.addf %dot_general3A_232, %add3A_233 : vector<96x10000xf32>
    %slice3A_235 = vector.extract_strided_slice %add3A_230 {offsets = [0, 0], sizes = [32, 10000], strides = [1, 1]} : vector<96x10000xf32> to vector<32x10000xf32>
    %slice3A_236 = vector.extract_strided_slice %add3A_230 {offsets = [32, 0], sizes = [32, 10000], strides = [1, 1]} : vector<96x10000xf32> to vector<32x10000xf32>
    %slice3A_237 = vector.extract_strided_slice %add3A_230 {offsets = [64, 0], sizes = [32, 10000], strides = [1, 1]} : vector<96x10000xf32> to vector<32x10000xf32>
    %slice3A_238 = vector.extract_strided_slice %add3A_234 {offsets = [0, 0], sizes = [32, 10000], strides = [1, 1]} : vector<96x10000xf32> to vector<32x10000xf32>
    %slice3A_239 = vector.extract_strided_slice %add3A_234 {offsets = [32, 0], sizes = [32, 10000], strides = [1, 1]} : vector<96x10000xf32> to vector<32x10000xf32>
    %slice3A_240 = vector.extract_strided_slice %add3A_234 {offsets = [64, 0], sizes = [32, 10000], strides = [1, 1]} : vector<96x10000xf32> to vector<32x10000xf32>
    %add3A_241 = arith.addf %slice3A_235, %slice3A_238 : vector<32x10000xf32>
    %logistic3A_242 = arith.negf %add3A_241 : vector<32x10000xf32>
    %logistic3A_243 = math.exp %logistic3A_242 : vector<32x10000xf32>
    %logistic3A_244 = arith.constant 1.000000e+00 : f32
    %logistic3A_245 = vector.broadcast %logistic3A_244 : f32 to vector<32x10000xf32>
    %logistic3A_246 = arith.addf %logistic3A_245, %logistic3A_243 : vector<32x10000xf32>
    %logistic3A_247 = arith.divf %logistic3A_245, %logistic3A_246 : vector<32x10000xf32>
    %add3A_248 = arith.addf %slice3A_236, %slice3A_239 : vector<32x10000xf32>
    %logistic3A_249 = arith.negf %add3A_248 : vector<32x10000xf32>
    %logistic3A_250 = math.exp %logistic3A_249 : vector<32x10000xf32>
    %logistic3A_251 = arith.constant 1.000000e+00 : f32
    %logistic3A_252 = vector.broadcast %logistic3A_251 : f32 to vector<32x10000xf32>
    %logistic3A_253 = arith.addf %logistic3A_252, %logistic3A_250 : vector<32x10000xf32>
    %logistic3A_254 = arith.divf %logistic3A_252, %logistic3A_253 : vector<32x10000xf32>
    %mul3A_255 = arith.mulf %logistic3A_247, %slice3A_240 : vector<32x10000xf32>
    %add3A_256 = arith.addf %slice3A_237, %mul3A_255 : vector<32x10000xf32>
    %tanh3A_257 = math.tanh %add3A_256 : vector<32x10000xf32>
    %sub3A_258 = arith.constant 1.000000e+00 : f32
    %sub3A_259 = vector.broadcast %sub3A_258 : f32 to vector<32x10000xf32>
    %sub3A_260 = arith.subf %sub3A_259, %logistic3A_254 : vector<32x10000xf32>
    %mul3A_261 = arith.mulf %sub3A_260, %tanh3A_257 : vector<32x10000xf32>
    %mul3A_262 = arith.mulf %logistic3A_254, %add3A_177 : vector<32x10000xf32>
    %add3A_263 = arith.addf %mul3A_261, %mul3A_262 : vector<32x10000xf32>
    %dot_general3A_264 = arith.constant dense<0.000000e+00> : vector<16x10000xf32>
    %dot_general3A_265 = tpu.matmul %get3A_19, %add3A_263, %dot_general3A_264 {dimension_numbers = #tpu.dot_dimension_numbers<[1], [0], [0], [1], [0, 0, 1, 1], [], []>, transpose_lhs_hint = false} : vector<16x32xf32>, vector<32x10000xf32>, vector<16x10000xf32> -> vector<16x10000xf32>
    %add3A_266 = vector.broadcast %get3A_22 : vector<16x1xf32> to vector<16x10000xf32>
    %add3A_267 = arith.addf %dot_general3A_265, %add3A_266 : vector<16x10000xf32>
    %swap3A_268 = arith.constant 2 : index
    %swap3A_269 = arith.constant 0 : index
    %swap3A_270 = arith.constant 0 : index
    %swap3A_271 = vector.load %arg10[%swap3A_268, %swap3A_269, %swap3A_270] : memref<3x16x10000xf32, #tpu.memory_space<vmem>>, vector<1x16x10000xf32>
    %swap3A_272 = vector.shape_cast %swap3A_271 : vector<1x16x10000xf32> to vector<16x10000xf32>
    %swap3A_273 = vector.shape_cast %add3A_267 : vector<16x10000xf32> to vector<1x16x10000xf32>
    tpu.vector_store %arg10[%swap3A_268, %swap3A_269, %swap3A_270], %swap3A_273 {strides = array<i32>} : memref<3x16x10000xf32, #tpu.memory_space<vmem>>, vector<1x16x10000xf32>,
    return
  }
}

</mosaic_0001>

<sc_bundles>
// kernel: kernel.11.cloned.1.call-start
scs
__scs_entry_jumppad:
0x0: {  	(pc) =	sbr.rel $0x88, $3  }
0x1: {  	(tag) =	ssettag $0x0;
	lr =	simm.s32 $0x1  }
0x2: {  	[smem:$0x3F95] =	sst lr;
	_ =	strace $0xD0000000  }
0x3: {  	_ = 	snop  }
0x4: {  	_ = 	snop  }
0x5: {  	_ = 	snop  }
0x6: {  	_ = 	snop  }
0x7: {  	_ = 	snop  }
__scs_overlays_trampoline_lowered:
0x8: {  	[smem:$0x3FA4] =	sst s0  }
0x9: {  	[smem:$0x3FA5] =	sst s1  }
0xa: {  	[smem:$0x3FA6] =	sst s2  }
0xb: {  	[smem:$0x3FA7] =	sst s3  }
0xc: {  	[smem:$0x3FA8] =	sst s4  }
0xd: {  	[smem:$0x3FA9] =	sst s5  }
0xe: {  	[smem:$0x3FAA] =	sst s6  }
0xf: {  	[smem:$0x3FAB] =	sst s7  }
0x10: {  	[smem:$0x3FAC] =	sst s8  }
0x11: {  	[smem:$0x3FAD] =	sst s9;
	s0 =	simm.s32 @!p0 $0x0  }
0x12: {  	s1 =	sld [smem:$0x3F93];
	s0 =	simm.s32 @p0 $0x1  }
0x13: {  	[smem:$0x3FAE] =	sst s0;
	s0 =	simm.s32 @!p1 $0x0  }
0x14: {  	s2 =	sld [smem:$0x3F92];
	s0 =	simm.s32 @p1 $0x1  }
0x15: {  	[smem:$0x3FAF] =	sst s0;
	s0 =	simm.s32 @!p2 $0x0  }
0x16: {  	s3 =	sld [smem:$0x3FDB];
	s0 =	simm.s32 @p2 $0x1  }
0x17: {  	s4 =	simm.s32 $0x1BF5;
	[smem:$0x3FB1] =	sst s0  }
0x18: {  	s0 =	sld [smem:$0x3F94];
	_ =	swait.ge [sflag:s4], $0x0  }
0x19: {  	s7 =	sld [smem:$0x3F95]  }
0x1a: {  	s8 =	sadd.s32 $0xFFFFE003, lr  }
0x1b: {  	s9 =	sadd.s32 $0xFFFFFEF7, lr;
	s5 =	simm.s32 $0xFFFFFFFF;
	p2 =	slt.u32 s8, $0xFFFFF086  }
0x1c: {  	p1 =	slt.u32 s9, $0xF7A;
	s5 =	simm.s32 @!p2 $0x0  }
0x1d: {  	s5 =	simm.s32 @p1 $0x1;
	p0 =	seq.s32 s7, s2  }
0x1e: {  	s7 =	smul.u32 @!p0 $0xF7A, s2;
	p2 =	seq.s32 @!p0 s5, $0x0  }
0x1f: {  	s9 =	smul.u32 $0xF7A, s1;
	s8 =	simm.s32 @!p0 $0x1BF5;
	p2 =	por !p2, p0  }
0x20: {  	[sflag:s8] =	ssyncset.s32 @!p0 $0xFFFFF086;
	s6 =	sadd.s32 @!p0 s3, s7;
	s7 =	simm.s32 @!p0 $0x108  }
0x21: {  	s3 =	sadd.s32 s3, s9;
	s6 =	sadd.s32 @!p0 $0x88, s6;
	s7 =	simm.s32 @p2 $0x1082  }
0x22: {  	[simem:s7], [sflag:s8] =	dma.local @!p0 [hbm:s6], $0xF7A  }
0x23: {  	s9 =	sor.u32 $0xD0000000, s2;
	s6 =	simm.s32 $0x108;
	_ =	swait.ge @!p0 [sflag:s8], $0x0  }
0x24: {  	s3 =	sadd.s32 $0x88, s3;
	s6 =	simm.s32 @!p1 $0x1082;
	[sflag:s4] =	ssyncset.s32 $0xFFFFF086  }
0x25: {  	[simem:s6], [sflag:s4] =	dma.local [hbm:s3], $0xF7A  }
0x26: {  	[smem:$0x3F95] =	sst s1;
	(tag) =	ssettag s2;
	_ =	strace s9  }
0x27: {  	s1 =	sld [smem:$0x3FA5]  }
0x28: {  	s2 =	sld [smem:$0x3FA6]  }
0x29: {  	s4 =	sld [smem:$0x3FA8]  }
0x2a: {  	p0 =	seq.s32 s5, $0x0;
	s5 =	sld [smem:$0x3FA9]  }
0x2b: {  	s6 =	sld [smem:$0x3FAA]  }
0x2c: {  	s7 =	sld [smem:$0x3FAB]  }
0x2d: {  	s3 =	simm.s32 $0x108;
	s8 =	sld [smem:$0x3FAC]  }
0x2e: {  	s3 =	simm.s32 @!p0 $0x1082;
	s9 =	sld [smem:$0x3FAD]  }
0x2f: {  	lr =	sadd.s32 s0, s3;
	s0 =	sld [smem:$0x3FA4]  }
0x30: {  	s3 =	sld [smem:$0x3FA7]  }
0x31: {  	[smem:$0x3FB0] =	sst s10  }
0x32: {  	s10 =	sld [smem:$0x3FAE];
	_ =	sdelay $0x3  }
0x33: {  	p0 =	seq.s32 s10, $0x1;
	s10 =	sld [smem:$0x3FB0];
	_ =	sdelay $0x3  }
0x34: {  	[smem:$0x3FB0] =	sst s10  }
0x35: {  	s10 =	sld [smem:$0x3FAF];
	_ =	sdelay $0x3  }
0x36: {  	p1 =	seq.s32 s10, $0x1;
	s10 =	sld [smem:$0x3FB0];
	_ =	sdelay $0x3  }
0x37: {  	[smem:$0x3FB0] =	sst s10  }
0x38: {  	s10 =	sld [smem:$0x3FB1]  }
0x39: {  	_ = 	snop;
	(pc) =	sbr.ind lr, $3  }
0x3a: {  	_ = 	snop  }
0x3b: {  	_ = 	snop  }
0x3c: {  	p2 =	seq.s32 s10, $0x1;
	s10 =	sld [smem:$0x3FB0]  }
0x3d: {  	_ =	shalt  }
0x3e: {  	_ =	shalt  }
0x3f: {  	_ =	shalt  }
0x40: {  	_ =	shalt  }
0x41: {  	_ =	shalt  }
0x42: {  	_ =	shalt  }
0x43: {  	_ =	shalt  }
0x44: {  	_ =	shalt  }
0x45: {  	_ =	shalt  }
0x46: {  	_ =	shalt  }
0x47: {  	_ =	shalt  }
0x48: {  	_ =	shalt  }
0x49: {  	_ =	shalt  }
0x4a: {  	_ =	shalt  }
0x4b: {  	_ =	shalt  }
0x4c: {  	_ =	shalt  }
0x4d: {  	_ =	shalt  }
0x4e: {  	_ =	shalt  }
0x4f: {  	_ =	shalt  }
0x50: {  	_ =	shalt  }
0x51: {  	_ =	shalt  }
0x52: {  	_ =	shalt  }
0x53: {  	_ =	shalt  }
0x54: {  	_ =	shalt  }
0x55: {  	_ =	shalt  }
0x56: {  	_ =	shalt  }
0x57: {  	_ =	shalt  }
0x58: {  	_ =	shalt  }
0x59: {  	_ =	shalt  }
0x5a: {  	_ =	shalt  }
0x5b: {  	_ =	shalt  }
0x5c: {  	_ =	shalt  }
0x5d: {  	_ =	shalt  }
0x5e: {  	_ =	shalt  }
0x5f: {  	_ =	shalt  }
0x60: {  	_ =	shalt  }
0x61: {  	_ =	shalt  }
0x62: {  	_ =	shalt  }
0x63: {  	_ =	shalt  }
0x64: {  	_ =	shalt  }
0x65: {  	_ =	shalt  }
0x66: {  	_ =	shalt  }
0x67: {  	_ =	shalt  }
0x68: {  	_ =	shalt  }
0x69: {  	_ =	shalt  }
0x6a: {  	_ =	shalt  }
0x6b: {  	_ =	shalt  }
0x6c: {  	_ =	shalt  }
0x6d: {  	_ =	shalt  }
0x6e: {  	_ =	shalt  }
0x6f: {  	_ =	shalt  }
0x70: {  	_ =	shalt  }
0x71: {  	_ =	shalt  }
0x72: {  	_ =	shalt  }
0x73: {  	_ =	shalt  }
0x74: {  	_ =	shalt  }
0x75: {  	_ =	shalt  }
0x76: {  	_ =	shalt  }
0x77: {  	_ =	shalt  }
0x78: {  	_ =	shalt  }
0x79: {  	_ =	shalt  }
0x7a: {  	_ =	shalt  }
0x7b: {  	_ =	shalt  }
0x7c: {  	_ =	shalt  }
0x7d: {  	_ =	shalt  }
0x7e: {  	_ =	shalt  }
0x7f: {  	_ =	shalt  }
0x80: {  	_ =	shalt  }
0x81: {  	_ =	shalt  }
0x82: {  	_ =	shalt  }
0x83: {  	_ =	shalt  }
0x84: {  	_ =	shalt  }
0x85: {  	_ =	shalt  }
0x86: {  	_ =	shalt  }
0x87: {  	_ =	shalt  }
.Lfunc_end0:
.L_simem_size_0:
called_computation.1_lowered:
.L_overlay_start_0:
0x88: {  	s2 =	sld [smem:$0x3FD9]  }
0x89: {  	s3 =	sld [smem:$0x3FFE];
	_ =	sdelay $0x1  }
0x8a: {  	s1 =	srdreg.scid  }
0x8b: {  	s0 =	sand.u32 $0x1, s1  }
0x8c: {  	s16 =	sshll.u32 s0, $0xA;
	s2 =	sadd.s32 s3, s2  }
0x8d: {  	s2 =	sadd.s32 s2, s16  }
0x8e: {  	[smem:$0x3FBC] =	sst s2  }
0x8f: {  	_ = 	snop  }
0x90: {  	(tm) =	ssettm $0x1  }
0x91: {  	s17 =	sld [smem:$0x3FFB];
	_ =	sdelay $0x3  }
0x92: {  	_ =	strace s17  }
0x93: {  	s2 =	sld [smem:$0x3FFC];
	_ =	sdelay $0x3  }
0x94: {  	_ =	strace s2  }
0x95: {  	s2 =	sld [smem:$0x3FFD];
	_ =	sdelay $0x3  }
0x96: {  	_ =	strace s2  }
0x97: {  	_ =	strace $0x8FFFFFFF  }
0x98: {  	s18 =	sld [smem:$0x3FDB];
	_ =	sdelay $0x1  }
0x99: {  	s19 =	simm.s32 $_scs_section_size  }
0x9a: {  	s4 =	simm.s32 $_size__tile_overlayer_lowered;
	s5 =	simm.s32 $_tile_overlayer_lowered  }
0x9b: {  	s22 =	simm.s32 $0x1BFF;
	s21 =	sshll.u32 s5, $0x1;
	s2 =	sadd.s32 s19, s18  }
0x9c: {  	s6 =	simm.s32 $0x0;
	s20 =	sshll.u32 s4, $0x1;
	s4 =	sadd.s32 s21, s2  }
0x9d: {  	[timem:s6], [sflag:s22] =	dma.local [hbm:s4], s20  }
0x9e: {  	_ =	swait.ge [sflag:s22], s20  }
0x9f: {  	s3 =	ssub.s32 $0x0, s20;
	[sflag:s22] =	ssyncset.done $0x0  }
0xa0: {  	[sflag:s22] =	ssyncadd.s32 s3;
	_ =	sdelay $0x1  }
0xa1: {  	s23 =	simm.s32 $0x1B8B  }
0xa2: {  	_ =	swait.ge [sflag:s23], $0x1  }
0xa3: {  	[sflag:s23] =	ssyncset.done $0x0  }
0xa4: {  	s25 =	simm.s32 $0x1B8E;
	s24 =	sld [smem:$0x3FFE];
	[sflag:s23] =	ssyncadd.s32 $0xFFFFFFFF  }
0xa5: {  	s26 =	simm.s32 $execute0_lowered;
	[smem:$0x3FD2] =	sst s25  }
0xa6: {  	s4 =	sshll.u32 s26, $0x1;
	_ =	strace $0x80000049;
	[dreg:$0x1] =	wrdreg $0xFFFFFFFF  }
0xa7: {  	s28 =	simm.s32 $_size_execute0_lowered;
	s2 =	sadd.s32 s2, s4;
	[dreg:$0x0] =	wrdreg $0x0  }
0xa8: {  	s4 =	sshll.u32 s28, $0x1;
	[dreg:$0x2] =	wrdreg s2  }
0xa9: {  	[dreg:$0x3] =	wrdreg s4  }
0xaa: {  	[dreg:$0x4] =	wrdreg $0xC0  }
0xab: {  	_ =	task [dreg:s6], $0x5FFFF  }
0xac: {  	[dreg:$0x1] =	wrdreg $0xFFFFFFFF  }
0xad: {  	[dreg:$0x0] =	wrdreg $0x60  }
0xae: {  	[dreg:$0x2] =	wrdreg s24  }
0xaf: {  	[dreg:$0x3] =	wrdreg $0x9  }
0xb0: {  	_ =	task.clear_ibuf [dreg:s6], $0x4FFFF;
	_ =	strace $0x90000049  }
0xb1: {  	s29 =	simm.s32 $0x9;
	_ =	strace $0x8000004B  }
0xb2: {  	_ =	swait.ge [sflag:s29], $0x1  }
0xb3: {  	[sflag:s29] =	ssyncadd.s32 $0xFFFFFFFF  }
0xb4: {  	_ =	strace $0x9000004B  }
0xb5: {  	_ =	sfence  }
0xb6: {  	s30 =	sld [smem:$0x0];
	_ =	sdelay $0x2  }
0xb7: {  	s31 =	sshll.u32 s1, $0xD;
	s1 =	sshrl.u32 s1, $0x2  }
0xb8: {  	s3 =	sand.u32 $0x4000, s31;
	s1 =	sadd.s32 s1, s30  }
0xb9: {  	s0 =	sor.u32 s3, s0;
	s1 =	sshll.u32 s1, $0x11  }
0xba: {  	s0 =	sor.u32 s1, s0  }
0xbb: {  	s0 =	sadd.s32 $0x8F2B, s0  }
0xbc: {  	[sflag:s0] =	ssyncadd.remote.s32 $0x1  }
0xbd: {  	_ =	sfence.sel $0xFFFF  }
0xbe: {  	[dreg:$0x0] =	wrdreg $0xFFFFFFFF;
	(pc) =	sbr.abs _section_cstart, $3  }
0xbf: {  	[dreg:$0x1] =	wrdreg $0xFFFFFFFF  }
0xc0: {  	_ =	task.clear_ibuf [dreg:s6], $0x2FFFF;
	_ =	strace $0x9FFFFFFF  }
0xc1: {  	(tm) =	ssettm $0x7FFFFFFF  }
tec
execute0_lowered:
.L_overlay_start_1:
0x0: {  	(tag) =	ssettag $0x1  }
0x1: {  	s0 =	srdreg.scid  }
0x2: {  	s2 =	stileid.u32;
	s4 =	rddreg [dreg:$0x0];
	s3 =	simm.s32 $0x1  }
0x3: {  	s28 =	simm.s32 $0x18800;
	s29 =	simm.s32 $0x1AF80;
	s30 =	simm.s32 $0x9C80  }
0x4: {  	s31 =	simm.s32 $0x2;
	s0 =	sand.u32 $0x1, s0;
	s5 =	sand.u32 $0x7, s2  }
0x5: {  	s6 =	sadd.s32 $0x3D400, s4;
	s22 =	sadd.s32 $0x5AA00, s4;
	s1 =	sshll.u32 s0, $0x4  }
0x6: {  	p0 =	sne.s32 s5, $0x0;
	s7 =	smul.u32 $0x1388, s5;
	s1 =	sor.u32 s2, s1  }
0x7: {  	s0 =	ssub.s32 $0x2, s0;
	s8 =	sshll.u32 s5, $0x2;
	p1 =	seq.s32 s1, $0x0  }
0x8: {  	s5 =	smul.u32 $0x9C40, s5;
	s2 =	simm.s32 $0x0;
	p0 =	por !p0, !p1  }
0x9: {  	s15 =	sshrl.u32 s0, $0x1;
	[smem:$0x7FF] =	sst s2;
	p0 =	por !p0, !p0  }
0xa: {  	s1 =	sshrl.u32 s1, $0x3;
	s0 =	ssub.s32 s0, s15;
	s3 =	simm.s32 @!p0 $0x0  }
0xb: {  	s7 =	sadd.s32 s6, s7;
	s5 =	sshrl.u32 s5, $0x3;
	s1 =	ssub.s32 s1, s3  }
0xc: {  	_ =	strace $0x8000004A;
	s5 =	sadd.s32 s6, s5;
	s10 =	smul.u32 $0x13880, s1  }
0xd: {  	[dreg:$0x2] =	wrdreg s7;
	s11 =	sadd.s32 $0x9C40, s5;
	s1 =	smul.u32 $0x60, s1  }
0xe: {  	[dreg:$0x6] =	wrdreg s11;
	s3 =	sadd.s32 $0x2A00, s4;
	s4 =	simm.s32 $0x1  }
0xf: {  	s16 =	sadd.s32 $0x4E200, s10;
	s1 =	sor.u32 s8, s1;
	s17 =	sshrl.u32 s10, $0x3  }
0x10: {  	s9 =	sadd.s32 $0x4E20, s10;
	s19 =	sadd.s32 $0x9C400, s10;
	s21 =	sadd.s32 $0xEA600, s10  }
0x11: {  	s14 =	sadd.s32 $0x9EB10, s10;
	s15 =	sadd.s32 $0xA1220, s10;
	s25 =	sadd.s32 $0x138800, s10  }
0x12: {  	s26 =	sadd.s32 $0x186A00, s10;
	s7 =	sshrl.u32 s16, $0x3;
	s1 =	smul.u32 $0x2710, s1  }
0x13: {  	s8 =	sadd.s32 s3, s17;
	s20 =	sshrl.u32 s19, $0x3;
	s23 =	sshrl.u32 s21, $0x3  }
0x14: {  	s16 =	sadd.s32 $0x13880, s5;
	s5 =	sshrl.u32 s25, $0x3;
	s21 =	sadd.s32 $0x13D620, s10  }
0x15: {  	s25 =	simm.s32 $0x13900;
	[dreg:$0x3] =	wrdreg s8;
	s7 =	sadd.s32 s3, s7  }
0x16: {  	s8 =	sadd.s32 $0x2710, s10;
	s12 =	sadd.s32 s3, s20;
	s13 =	sadd.s32 s3, s23  }
0x17: {  	s20 =	sadd.s32 $0x13AF10, s10;
	s23 =	smax.u32 s0, $0x1;
	[dreg:$0x4] =	wrdreg s7  }
0x18: {  	s18 =	sshrl.u32 s1, $0x3;
	s24 =	sadd.s32 $0x4E200, s1;
	s1 =	sadd.s32 $0x9C400, s1  }
0x19: {  	s7 =	sadd.s32 s22, s18;
	s6 =	sshrl.u32 s24, $0x3;
	s18 =	sadd.s32 s3, s5  }
0x1a: {  	s1 =	sshrl.u32 s1, $0x3;
	s24 =	simm.s32 $0x3;
	[dreg:$0x5] =	wrdreg s7  }
0x1b: {  	s17 =	sadd.s32 s22, s6;
	s6 =	sshrl.u32 s26, $0x3;
	s22 =	sadd.s32 s22, s1  }
0x1c: {  	v0 =	vimm.f32 $0.0e+00;
	s26 =	simm.s32 $0x16080;
	s1 =	simm.s32 $0x0;
	s19 =	sadd.s32 s3, s6  }
.LBB2_1:
0x1d: {  	s0 =	rddreg [dreg:$0x2]  }
0x1e: {  	[tilespmem:s2], [sflag:$0x3] =	stream.linear.gather [hbm4b:s0+s2], $0x9C40, $0x38;
	[tilespmem:$0x1D700] =	vst v63  }
0x1f: {  	_ =	swait.ge [sflag:s24], $0x9C40  }
0x20: {  	[sflag:s24] =	ssyncset.done $0x0  }
0x21: {  	s0 =	simm.s32 $0x9CC0;
	[sflag:s24] =	ssyncadd.s32 $0xFFFF63C0  }
0x22: {  	[tilespmem:s0+$0xFFFFFFC0] =	vst v0  }
0x23: {  	[tilespmem:s0+$0x30] =	vst v0  }
0x24: {  	[tilespmem:s0+$0x20] =	vst v0  }
0x25: {  	[tilespmem:s0+$0x10] =	vst v0  }
0x26: {  	[tilespmem:s0+$0x0] =	vst v0  }
0x27: {  	[tilespmem:s0+$0xFFFFFFF0] =	vst v0  }
0x28: {  	s5 =	simm.s32 $0x0;
	[tilespmem:s0+$0xFFFFFFE0] =	vst v0  }
.LBB2_2:
0x29: {  	s5 =	sadd.s32 $0x8, s5;
	[tilespmem:s0+$0xFFFFFFD0] =	vst v0;
	s0 =	sadd.s32 $0x80, s0  }
0x2a: {  	[tilespmem:s0+$0xFFFFFFC0] =	vst v0;
	p0 =	slt.u32 s5, $0x9B8  }
0x2b: {  	[tilespmem:s0+$0x30] =	vst v0  }
.Ltmp0:
0x2c: {  	[tilespmem:s0+$0x20] =	vst v0;
	(pc) =	sbr.rel @p0 .LBB2_2-.Ltmp0, $4  }
0x2d: {  	[tilespmem:s0+$0x10] =	vst v0  }
0x2e: {  	[tilespmem:s0+$0x0] =	vst v0  }
0x2f: {  	[tilespmem:s0+$0xFFFFFFF0] =	vst v0  }
0x30: {  	[tilespmem:s0+$0xFFFFFFE0] =	vst v0  }
0x31: {  	[tilespmem:s0+$0xFFFFFFD0] =	vst v0;
	s0 =	simm.s32 $0x0  }
.LBB2_4:
0x32: {  	p0 =	sne.s32 s0, $0xC0  }
.Ltmp1:
0x33: {  	_ = 	snop;
	(pc) =	sbr.rel @p0 .LBB2_4-.Ltmp1, $3  }
0x34: {  	_ =	sdelay $0x1  }
0x35: {  	s5 =	sshra.s32 s0, $0x2  }
0x36: {  	s0 =	sadd.s32 $0x40, s0;
	[tilespmem:s5+$0x13880] =	vst v0  }
0x37: {  	s0 =	simm.s32 $0x0;
	s5 =	rddreg [dreg:$0x3]  }
0x38: {  	[tilespmem:s25], [sflag:$0x1] =	stream.linear.gather [hbm4b:s5+s0], $0x2710, $0x38;
	[tilespmem:$0x1D700] =	vst v63  }
0x39: {  	s11 =	rddreg [dreg:$0x4];
	s5 =	simm.s32 $0x0  }
0x3a: {  	[tilespmem:s26], [sflag:$0x1] =	stream.linear.gather [hbm4b:s11+s0], $0x2710, $0x38;
	[tilespmem:$0x1D700] =	vst v63  }
.LBB2_7:
0x3b: {  	s6 =	smul.u32 $0x4E20, s5;
	_ =	sdelay $0x1  }
0x3c: {  	s7 =	sadd.s32 s6, s8  }
0x3d: {  	s10 =	sshrl.u32 s7, $0x3;
	s7 =	sadd.s32 $0x4E200, s7  }
0x3e: {  	s10 =	sadd.s32 s3, s10;
	s7 =	sshrl.u32 s7, $0x3  }
0x3f: {  	[tilespmem:s28], [sflag:$0x2] =	stream.linear.gather [hbm4b:s10+s0], $0x2710, $0x38;
	[tilespmem:$0x1D700] =	vst v63  }
0x40: {  	s7 =	sadd.s32 s3, s7  }
0x41: {  	[tilespmem:s29], [sflag:$0x2] =	stream.linear.gather [hbm4b:s7+s0], $0x2710, $0x38;
	[tilespmem:$0x1D700] =	vst v63  }
0x42: {  	_ =	swait.ge [sflag:s4], $0x2710  }
0x43: {  	[sflag:s4] =	ssyncset.done $0x0  }
0x44: {  	[sflag:s4] =	ssyncadd.s32 $0xFFFFD8F0  }
0x45: {  	_ =	swait.ge [sflag:s4], $0x2710  }
0x46: {  	[sflag:s4] =	ssyncset.done $0x0  }
0x47: {  	s11 =	simm.s32 $0x0;
	[sflag:s4] =	ssyncadd.s32 $0xFFFFD8F0  }
0x48: {  	v6 =	vld [tilespmem:s11+$0x13900];
	_ =	sdelay $0x4  }
0x49: {  	v1 =	vld [tilespmem:s11+$0x16080];
	_ =	sdelay $0x2  }
0x4a: {  	s10 =	simm.s32 $0x10;
	v3 =	vld.idx.msk [tilespmem:v6+s2+$0x0], $0xffff  }
0x4b: {  	v4 =	vld [tilespmem:s10+$0x13900];
	v5 =	vadd.s32 $0x2710, v6;
	_ =	sdelay $0x2  }
0x4c: {  	v2 =	vld [tilespmem:s10+$0x16080]  }
0x4d: {  	[tilespmem:v1+s30+$0x0] =	vst.idx.add.f32.msk $0xffff, v3  }
0x4e: {  	v8 =	vadd.s32 $0x2710, v1;
	v7 =	vld.idx.msk [tilespmem:v5+s2+$0x0], $0xffff  }
0x4f: {  	s11 =	simm.s32 $0x20;
	v9 =	vadd.s32 $0x4E20, v6  }
0x50: {  	v5 =	vld [tilespmem:s11+$0x13900]  }
0x51: {  	s10 =	simm.s32 $0x30;
	v10 =	vld.idx.msk [tilespmem:v4+s2+$0x0], $0xffff  }
0x52: {  	v11 =	vadd.s32 $0x2710, v4;
	v12 =	vadd.s32 $0x7530, v6;
	v6 =	vld [tilespmem:s10+$0x13900]  }
0x53: {  	[tilespmem:v8+s30+$0x0] =	vst.idx.add.f32.msk $0xffff, v7  }
0x54: {  	v7 =	vld.idx.msk [tilespmem:v9+s2+$0x0], $0xffff;
	v9 =	vadd.s32 $0x4E20, v1  }
0x55: {  	v3 =	vld [tilespmem:s11+$0x16080]  }
0x56: {  	[tilespmem:v2+s30+$0x0] =	vst.idx.add.f32.msk $0xffff, v10  }
0x57: {  	v8 =	vld.idx.msk [tilespmem:v11+s2+$0x0], $0xffff  }
0x58: {  	v10 =	vadd.s32 $0x2710, v2;
	v11 =	vld.idx.msk [tilespmem:v5+s2+$0x0], $0xffff  }
0x59: {  	[tilespmem:v9+s30+$0x0] =	vst.idx.add.f32.msk $0xffff, v7;
	v9 =	vadd.s32 $0x4E20, v4  }
0x5a: {  	v7 =	vld.idx.msk [tilespmem:v12+s2+$0x0], $0xffff;
	v12 =	vmov v3  }
0x5b: {  	s7 =	simm.s32 $0x100;
	v13 =	vadd.s32 $0x2710, v5  }
.LBB2_8:
0x5c: {  	p0 =	sne.s32 s7, $0x9C00;
	v14 =	vadd.s32 $0x7530, v1;
	v1 =	vmov v2;
	v2 =	vmov v3;
	v3 =	vld [tilespmem:s10+$0x16080]  }
0x5d: {  	[tilespmem:v10+s30+$0x0] =	vst.idx.add.f32.msk $0xffff, v8;
	v15 =	vmov v6  }
0x5e: {  	v16 =	vld.idx.msk [tilespmem:v9+s2+$0x0], $0xffff  }
0x5f: {  	v17 =	vadd.s32 $0x4E20, v1;
	[tilespmem:v12+s30+$0x0] =	vst.idx.add.f32.msk $0xffff, v11  }
0x60: {  	v18 =	vadd.s32 $0x7530, v4;
	v4 =	vmov v5;
	v5 =	vmov v6;
	v8 =	vld.idx.msk [tilespmem:v13+s2+$0x0], $0xffff  }
.Ltmp2:
0x61: {  	s10 =	sshra.s32 s7, $0x2;
	[tilespmem:v14+s30+$0x0] =	vst.idx.add.f32.msk $0xffff, v7;
	v12 =	vmov v3;
	(pc) =	sbr.rel @p0 .LBB2_8-.Ltmp2, $4  }
0x62: {  	v10 =	vadd.s32 $0x2710, v2;
	v6 =	vld [tilespmem:s10+$0x13900]  }
0x63: {  	v9 =	vadd.s32 $0x4E20, v4;
	v11 =	vld.idx.msk [tilespmem:v15+s2+$0x0], $0xffff  }
0x64: {  	[tilespmem:v17+s30+$0x0] =	vst.idx.add.f32.msk $0xffff, v16  }
0x65: {  	s7 =	sadd.s32 $0x40, s7;
	v13 =	vadd.s32 $0x2710, v5;
	v7 =	vld.idx.msk [tilespmem:v18+s2+$0x0], $0xffff  }
0x66: {  	_ =	sdelay $0x1  }
0x67: {  	v14 =	vld [tilespmem:s10+$0x16080];
	_ =	sdelay $0x2  }
0x68: {  	v15 =	vld.idx.msk [tilespmem:v6+s2+$0x0], $0xffff  }
0x69: {  	v16 =	vadd.s32 $0x2710, v6;
	_ =	sdelay $0x1  }
0x6a: {  	[tilespmem:v12+s30+$0x0] =	vst.idx.add.f32.msk $0xffff, v11  }
0x6b: {  	v12 =	vadd.s32 $0x2710, v3;
	v11 =	vld.idx.msk [tilespmem:v13+s2+$0x0], $0xffff  }
0x6c: {  	v13 =	vadd.s32 $0x4E20, v5;
	[tilespmem:v14+s30+$0x0] =	vst.idx.add.f32.msk $0xffff, v15  }
0x6d: {  	v63 =	vadd.s32 $0x2710, v14;
	v15 =	vld.idx.msk [tilespmem:v16+s2+$0x0], $0xffff  }
0x6e: {  	[tilespmem:v10+s30+$0x0] =	vst.idx.add.f32.msk $0xffff, v8;
	v8 =	vadd.s32 $0x4E20, v6  }
0x6f: {  	v10 =	vadd.s32 $0x4E20, v2;
	v9 =	vld.idx.msk [tilespmem:v9+s2+$0x0], $0xffff  }
0x70: {  	v4 =	vadd.s32 $0x7530, v4;
	[tilespmem:v12+s30+$0x0] =	vst.idx.add.f32.msk $0xffff, v11  }
0x71: {  	v12 =	vadd.s32 $0x4E20, v3;
	v11 =	vld.idx.msk [tilespmem:v13+s2+$0x0], $0xffff  }
0x72: {  	v5 =	vadd.s32 $0x7530, v5;
	[tilespmem:v63+s30+$0x0] =	vst.idx.add.f32.msk $0xffff, v15  }
0x73: {  	v13 =	vadd.s32 $0x4E20, v14;
	v8 =	vld.idx.msk [tilespmem:v8+s2+$0x0], $0xffff  }
0x74: {  	v6 =	vadd.s32 $0x7530, v6;
	[tilespmem:v10+s30+$0x0] =	vst.idx.add.f32.msk $0xffff, v9  }
0x75: {  	v4 =	vld.idx.msk [tilespmem:v4+s2+$0x0], $0xffff  }
0x76: {  	v1 =	vadd.s32 $0x7530, v1;
	[tilespmem:v12+s30+$0x0] =	vst.idx.add.f32.msk $0xffff, v11  }
0x77: {  	v2 =	vadd.s32 $0x7530, v2;
	v5 =	vld.idx.msk [tilespmem:v5+s2+$0x0], $0xffff  }
0x78: {  	v3 =	vadd.s32 $0x7530, v3;
	[tilespmem:v13+s30+$0x0] =	vst.idx.add.f32.msk $0xffff, v8  }
0x79: {  	v8 =	vadd.s32 $0x7530, v14;
	v6 =	vld.idx.msk [tilespmem:v6+s2+$0x0], $0xffff;
	_ =	sdelay $0x1  }
0x7a: {  	p0 =	seq.s32 s5, $0x3;
	[tilespmem:v1+s30+$0x0] =	vst.idx.add.f32.msk $0xffff, v7  }
0x7b: {  	s6 =	sadd.s32 @!p0 s6, s9;
	[tilespmem:v2+s30+$0x0] =	vst.idx.add.f32.msk $0xffff, v4  }
0x7c: {  	s10 =	simm.s32 @!p0 $0x0;
	s7 =	sshrl.u32 @!p0 s6, $0x3;
	s6 =	sadd.s32 @!p0 $0x4E200, s6;
	[tilespmem:v3+s30+$0x0] =	vst.idx.add.f32.msk $0xffff, v5  }
0x7d: {  	s11 =	simm.s32 @!p0 $0x13900;
	s7 =	sadd.s32 @!p0 s3, s7;
	s6 =	sshrl.u32 @!p0 s6, $0x3;
	[tilespmem:v8+s30+$0x0] =	vst.idx.add.f32.msk $0xffff, v6  }
0x7e: {  	[tilespmem:s11], [sflag:$0x1] =	stream.linear.gather @!p0 [hbm4b:s7+s10], $0x2710, $0x38;
	[tilespmem:$0x1D700] =	vst v63  }
0x7f: {  	s6 =	sadd.s32 @!p0 s3, s6;
	s7 =	simm.s32 @!p0 $0x16080  }
0x80: {  	[tilespmem:s7], [sflag:$0x1] =	stream.linear.gather @!p0 [hbm4b:s6+s10], $0x2710, $0x38;
	[tilespmem:$0x1D700] =	vst v63  }
0x81: {  	_ =	swait.ge [sflag:s31], $0x2710  }
0x82: {  	[sflag:s31] =	ssyncset.done $0x0  }
0x83: {  	[sflag:s31] =	ssyncadd.s32 $0xFFFFD8F0  }
0x84: {  	_ =	swait.ge [sflag:s31], $0x2710  }
0x85: {  	[sflag:s31] =	ssyncset.done $0x0  }
0x86: {  	s7 =	simm.s32 $0x0;
	[sflag:s31] =	ssyncadd.s32 $0xFFFFD8F0  }
0x87: {  	v6 =	vld [tilespmem:s7+$0x18800];
	_ =	sdelay $0x4  }
0x88: {  	v1 =	vld [tilespmem:s7+$0x1AF80];
	_ =	sdelay $0x2  }
0x89: {  	s10 =	simm.s32 $0x10;
	v3 =	vld.idx.msk [tilespmem:v6+s2+$0x0], $0xffff  }
0x8a: {  	v4 =	vld [tilespmem:s10+$0x18800];
	v5 =	vadd.s32 $0x2710, v6;
	_ =	sdelay $0x2  }
0x8b: {  	v2 =	vld [tilespmem:s10+$0x1AF80]  }
0x8c: {  	[tilespmem:v1+s30+$0x0] =	vst.idx.add.f32.msk $0xffff, v3  }
0x8d: {  	v8 =	vadd.s32 $0x2710, v1;
	v7 =	vld.idx.msk [tilespmem:v5+s2+$0x0], $0xffff  }
0x8e: {  	s11 =	simm.s32 $0x20;
	v9 =	vadd.s32 $0x4E20, v6  }
0x8f: {  	v5 =	vld [tilespmem:s11+$0x18800]  }
0x90: {  	s7 =	simm.s32 $0x30;
	v10 =	vld.idx.msk [tilespmem:v4+s2+$0x0], $0xffff  }
0x91: {  	v11 =	vadd.s32 $0x2710, v4;
	v12 =	vadd.s32 $0x7530, v6;
	v6 =	vld [tilespmem:s7+$0x18800]  }
0x92: {  	[tilespmem:v8+s30+$0x0] =	vst.idx.add.f32.msk $0xffff, v7  }
0x93: {  	v7 =	vld.idx.msk [tilespmem:v9+s2+$0x0], $0xffff;
	v9 =	vadd.s32 $0x4E20, v1  }
0x94: {  	v3 =	vld [tilespmem:s11+$0x1AF80]  }
0x95: {  	[tilespmem:v2+s30+$0x0] =	vst.idx.add.f32.msk $0xffff, v10  }
0x96: {  	v8 =	vld.idx.msk [tilespmem:v11+s2+$0x0], $0xffff  }
0x97: {  	v10 =	vadd.s32 $0x2710, v2;
	v11 =	vld.idx.msk [tilespmem:v5+s2+$0x0], $0xffff  }
0x98: {  	[tilespmem:v9+s30+$0x0] =	vst.idx.add.f32.msk $0xffff, v7;
	v9 =	vadd.s32 $0x4E20, v4  }
0x99: {  	v7 =	vld.idx.msk [tilespmem:v12+s2+$0x0], $0xffff;
	v12 =	vmov v3  }
0x9a: {  	s5 =	sadd.s32 $0x1, s5;
	s6 =	simm.s32 $0x100;
	v13 =	vadd.s32 $0x2710, v5  }
.LBB2_10:
0x9b: {  	p0 =	seq.s32 s6, $0x9C00;
	v14 =	vadd.s32 $0x7530, v1;
	v1 =	vmov v2;
	v2 =	vmov v3;
	v3 =	vld [tilespmem:s7+$0x1AF80]  }
0x9c: {  	[tilespmem:v10+s30+$0x0] =	vst.idx.add.f32.msk $0xffff, v8;
	v15 =	vmov v6  }
0x9d: {  	v16 =	vld.idx.msk [tilespmem:v9+s2+$0x0], $0xffff  }
0x9e: {  	v17 =	vadd.s32 $0x4E20, v1;
	[tilespmem:v12+s30+$0x0] =	vst.idx.add.f32.msk $0xffff, v11  }
0x9f: {  	v18 =	vadd.s32 $0x7530, v4;
	v4 =	vmov v5;
	v5 =	vmov v6;
	v8 =	vld.idx.msk [tilespmem:v13+s2+$0x0], $0xffff  }
.Ltmp3:
0xa0: {  	s7 =	sshra.s32 s6, $0x2;
	[tilespmem:v14+s30+$0x0] =	vst.idx.add.f32.msk $0xffff, v7;
	v12 =	vmov v3;
	(pc) =	sbr.rel @!p0 .LBB2_10-.Ltmp3, $4  }
0xa1: {  	v10 =	vadd.s32 $0x2710, v2;
	v6 =	vld [tilespmem:s7+$0x18800]  }
0xa2: {  	v9 =	vadd.s32 $0x4E20, v4;
	v11 =	vld.idx.msk [tilespmem:v15+s2+$0x0], $0xffff  }
0xa3: {  	[tilespmem:v17+s30+$0x0] =	vst.idx.add.f32.msk $0xffff, v16  }
0xa4: {  	s6 =	sadd.s32 $0x40, s6;
	v13 =	vadd.s32 $0x2710, v5;
	v7 =	vld.idx.msk [tilespmem:v18+s2+$0x0], $0xffff  }
0xa5: {  	_ =	sdelay $0x1  }
0xa6: {  	v14 =	vld [tilespmem:s7+$0x1AF80];
	_ =	sdelay $0x2  }
0xa7: {  	v15 =	vld.idx.msk [tilespmem:v6+s2+$0x0], $0xffff  }
0xa8: {  	v16 =	vadd.s32 $0x2710, v6;
	_ =	sdelay $0x1  }
0xa9: {  	[tilespmem:v12+s30+$0x0] =	vst.idx.add.f32.msk $0xffff, v11  }
0xaa: {  	v54 =	vadd.s32 $0x2710, v3;
	v11 =	vld.idx.msk [tilespmem:v13+s2+$0x0], $0xffff  }
0xab: {  	v55 =	vadd.s32 $0x4E20, v5;
	[tilespmem:v14+s30+$0x0] =	vst.idx.add.f32.msk $0xffff, v15  }
0xac: {  	v56 =	vadd.s32 $0x2710, v14;
	v15 =	vld.idx.msk [tilespmem:v16+s2+$0x0], $0xffff  }
0xad: {  	[tilespmem:v10+s30+$0x0] =	vst.idx.add.f32.msk $0xffff, v8;
	v57 =	vadd.s32 $0x4E20, v6  }
0xae: {  	v58 =	vadd.s32 $0x4E20, v2;
	v9 =	vld.idx.msk [tilespmem:v9+s2+$0x0], $0xffff  }
0xaf: {  	v4 =	vadd.s32 $0x7530, v4;
	[tilespmem:v54+s30+$0x0] =	vst.idx.add.f32.msk $0xffff, v11  }
0xb0: {  	v59 =	vadd.s32 $0x4E20, v3;
	v11 =	vld.idx.msk [tilespmem:v55+s2+$0x0], $0xffff  }
0xb1: {  	v60 =	vadd.s32 $0x7530, v5;
	[tilespmem:v56+s30+$0x0] =	vst.idx.add.f32.msk $0xffff, v15  }
0xb2: {  	v61 =	vadd.s32 $0x4E20, v14;
	v8 =	vld.idx.msk [tilespmem:v57+s2+$0x0], $0xffff  }
0xb3: {  	v62 =	vadd.s32 $0x7530, v6;
	[tilespmem:v58+s30+$0x0] =	vst.idx.add.f32.msk $0xffff, v9  }
0xb4: {  	v4 =	vld.idx.msk [tilespmem:v4+s2+$0x0], $0xffff  }
0xb5: {  	v1 =	vadd.s32 $0x7530, v1;
	[tilespmem:v59+s30+$0x0] =	vst.idx.add.f32.msk $0xffff, v11  }
0xb6: {  	v2 =	vadd.s32 $0x7530, v2;
	v5 =	vld.idx.msk [tilespmem:v60+s2+$0x0], $0xffff  }
0xb7: {  	v3 =	vadd.s32 $0x7530, v3;
	[tilespmem:v61+s30+$0x0] =	vst.idx.add.f32.msk $0xffff, v8  }
0xb8: {  	v63 =	vadd.s32 $0x7530, v14;
	v6 =	vld.idx.msk [tilespmem:v62+s2+$0x0], $0xffff;
	_ =	sdelay $0x1  }
0xb9: {  	[tilespmem:v1+s30+$0x0] =	vst.idx.add.f32.msk $0xffff, v7  }
0xba: {  	[tilespmem:v2+s30+$0x0] =	vst.idx.add.f32.msk $0xffff, v4  }
0xbb: {  	[tilespmem:v3+s30+$0x0] =	vst.idx.add.f32.msk $0xffff, v5  }
0xbc: {  	[tilespmem:v63+s30+$0x0] =	vst.idx.add.f32.msk $0xffff, v6  }
0xbd: {  	p0 =	seq.s32 s5, $0x4  }
.Ltmp4:
0xbe: {  	_ = 	snop;
	(pc) =	sbr.rel @!p0 .LBB2_7-.Ltmp4, $1  }
0xbf: {  	_ =	sdelay $0x3  }
0xc0: {  	s0 =	rddreg [dreg:$0x5]  }
0xc1: {  	[hbm4b:s0+s2] =	stream.linear.scatter [tilespmem:s30], [sflag:$0x3], $0x9C40, $0x38;
	[tilespmem:$0x1D700] =	vst v63  }
0xc2: {  	_ =	swait.ge [sflag:s24], $0x9C40  }
0xc3: {  	[sflag:s24] =	ssyncset.done $0x0  }
0xc4: {  	s11 =	rddreg [dreg:$0x6];
	[sflag:s24] =	ssyncadd.s32 $0xFFFF63C0  }
0xc5: {  	[tilespmem:s2], [sflag:$0x3] =	stream.linear.gather [hbm4b:s11+s2], $0x9C40, $0x38;
	[tilespmem:$0x1D700] =	vst v63  }
0xc6: {  	_ =	swait.ge [sflag:s24], $0x9C40  }
0xc7: {  	[sflag:s24] =	ssyncset.done $0x0  }
0xc8: {  	s0 =	simm.s32 $0x9CC0;
	[sflag:s24] =	ssyncadd.s32 $0xFFFF63C0  }
0xc9: {  	[tilespmem:s0+$0xFFFFFFC0] =	vst v0  }
0xca: {  	[tilespmem:s0+$0x30] =	vst v0  }
0xcb: {  	[tilespmem:s0+$0x20] =	vst v0  }
0xcc: {  	[tilespmem:s0+$0x10] =	vst v0  }
0xcd: {  	[tilespmem:s0+$0x0] =	vst v0  }
0xce: {  	[tilespmem:s0+$0xFFFFFFF0] =	vst v0  }
0xcf: {  	s5 =	simm.s32 $0x0;
	[tilespmem:s0+$0xFFFFFFE0] =	vst v0  }
.LBB2_13:
0xd0: {  	s5 =	sadd.s32 $0x8, s5;
	[tilespmem:s0+$0xFFFFFFD0] =	vst v0;
	s0 =	sadd.s32 $0x80, s0  }
0xd1: {  	[tilespmem:s0+$0xFFFFFFC0] =	vst v0;
	p0 =	slt.u32 s5, $0x9B8  }
0xd2: {  	[tilespmem:s0+$0x30] =	vst v0  }
.Ltmp5:
0xd3: {  	[tilespmem:s0+$0x20] =	vst v0;
	(pc) =	sbr.rel @p0 .LBB2_13-.Ltmp5, $4  }
0xd4: {  	[tilespmem:s0+$0x10] =	vst v0  }
0xd5: {  	[tilespmem:s0+$0x0] =	vst v0  }
0xd6: {  	[tilespmem:s0+$0xFFFFFFF0] =	vst v0  }
0xd7: {  	[tilespmem:s0+$0xFFFFFFE0] =	vst v0  }
0xd8: {  	[tilespmem:s0+$0xFFFFFFD0] =	vst v0;
	s0 =	simm.s32 $0x0  }
.LBB2_15:
0xd9: {  	p0 =	sne.s32 s0, $0xC0  }
.Ltmp6:
0xda: {  	_ = 	snop;
	(pc) =	sbr.rel @p0 .LBB2_15-.Ltmp6, $3  }
0xdb: {  	_ =	sdelay $0x1  }
0xdc: {  	s5 =	sshra.s32 s0, $0x2  }
0xdd: {  	s0 =	sadd.s32 $0x40, s0;
	[tilespmem:s5+$0x13880] =	vst v0  }
0xde: {  	s0 =	simm.s32 $0x0  }
0xdf: {  	[tilespmem:s25], [sflag:$0x1] =	stream.linear.gather [hbm4b:s12+s0], $0x2710, $0x38;
	[tilespmem:$0x1D700] =	vst v63  }
0xe0: {  	s5 =	simm.s32 $0x0  }
0xe1: {  	[tilespmem:s26], [sflag:$0x1] =	stream.linear.gather [hbm4b:s13+s0], $0x2710, $0x38;
	[tilespmem:$0x1D700] =	vst v63  }
.LBB2_18:
0xe2: {  	s6 =	smul.u32 $0x4E20, s5;
	_ =	sdelay $0x1  }
0xe3: {  	s7 =	sadd.s32 s6, s14  }
0xe4: {  	s7 =	sshrl.u32 s7, $0x3  }
0xe5: {  	s7 =	sadd.s32 s3, s7  }
0xe6: {  	[tilespmem:s28], [sflag:$0x2] =	stream.linear.gather [hbm4b:s7+s0], $0x2710, $0x38;
	[tilespmem:$0x1D700] =	vst v63  }
0xe7: {  	s7 =	sadd.s32 $0x9C40, s7  }
0xe8: {  	[tilespmem:s29], [sflag:$0x2] =	stream.linear.gather [hbm4b:s7+s0], $0x2710, $0x38;
	[tilespmem:$0x1D700] =	vst v63  }
0xe9: {  	_ =	swait.ge [sflag:s4], $0x2710  }
0xea: {  	[sflag:s4] =	ssyncset.done $0x0  }
0xeb: {  	[sflag:s4] =	ssyncadd.s32 $0xFFFFD8F0  }
0xec: {  	_ =	swait.ge [sflag:s4], $0x2710  }
0xed: {  	[sflag:s4] =	ssyncset.done $0x0  }
0xee: {  	s11 =	simm.s32 $0x0;
	[sflag:s4] =	ssyncadd.s32 $0xFFFFD8F0  }
0xef: {  	v6 =	vld [tilespmem:s11+$0x13900];
	_ =	sdelay $0x4  }
0xf0: {  	v1 =	vld [tilespmem:s11+$0x16080];
	_ =	sdelay $0x2  }
0xf1: {  	s10 =	simm.s32 $0x10;
	v3 =	vld.idx.msk [tilespmem:v6+s2+$0x0], $0xffff  }
0xf2: {  	v4 =	vld [tilespmem:s10+$0x13900];
	v5 =	vadd.s32 $0x2710, v6;
	_ =	sdelay $0x2  }
0xf3: {  	v2 =	vld [tilespmem:s10+$0x16080]  }
0xf4: {  	[tilespmem:v1+s30+$0x0] =	vst.idx.add.f32.msk $0xffff, v3  }
0xf5: {  	v8 =	vadd.s32 $0x2710, v1;
	v7 =	vld.idx.msk [tilespmem:v5+s2+$0x0], $0xffff  }
0xf6: {  	s11 =	simm.s32 $0x20;
	v9 =	vadd.s32 $0x4E20, v6  }
0xf7: {  	v5 =	vld [tilespmem:s11+$0x13900]  }
0xf8: {  	s10 =	simm.s32 $0x30;
	v10 =	vld.idx.msk [tilespmem:v4+s2+$0x0], $0xffff  }
0xf9: {  	v11 =	vadd.s32 $0x2710, v4;
	v12 =	vadd.s32 $0x7530, v6;
	v6 =	vld [tilespmem:s10+$0x13900]  }
0xfa: {  	[tilespmem:v8+s30+$0x0] =	vst.idx.add.f32.msk $0xffff, v7  }
0xfb: {  	v7 =	vld.idx.msk [tilespmem:v9+s2+$0x0], $0xffff;
	v9 =	vadd.s32 $0x4E20, v1  }
0xfc: {  	v3 =	vld [tilespmem:s11+$0x16080]  }
0xfd: {  	[tilespmem:v2+s30+$0x0] =	vst.idx.add.f32.msk $0xffff, v10  }
0xfe: {  	v8 =	vld.idx.msk [tilespmem:v11+s2+$0x0], $0xffff  }
0xff: {  	v10 =	vadd.s32 $0x2710, v2;
	v11 =	vld.idx.msk [tilespmem:v5+s2+$0x0], $0xffff  }
0x100: {  	[tilespmem:v9+s30+$0x0] =	vst.idx.add.f32.msk $0xffff, v7;
	v9 =	vadd.s32 $0x4E20, v4  }
0x101: {  	v7 =	vld.idx.msk [tilespmem:v12+s2+$0x0], $0xffff;
	v12 =	vmov v3  }
0x102: {  	s7 =	simm.s32 $0x100;
	v13 =	vadd.s32 $0x2710, v5  }
.LBB2_19:
0x103: {  	p0 =	sne.s32 s7, $0x9C00;
	v14 =	vadd.s32 $0x7530, v1;
	v1 =	vmov v2;
	v2 =	vmov v3;
	v3 =	vld [tilespmem:s10+$0x16080]  }
0x104: {  	[tilespmem:v10+s30+$0x0] =	vst.idx.add.f32.msk $0xffff, v8;
	v15 =	vmov v6  }
0x105: {  	v16 =	vld.idx.msk [tilespmem:v9+s2+$0x0], $0xffff  }
0x106: {  	v17 =	vadd.s32 $0x4E20, v1;
	[tilespmem:v12+s30+$0x0] =	vst.idx.add.f32.msk $0xffff, v11  }
0x107: {  	v18 =	vadd.s32 $0x7530, v4;
	v4 =	vmov v5;
	v5 =	vmov v6;
	v8 =	vld.idx.msk [tilespmem:v13+s2+$0x0], $0xffff  }
.Ltmp7:
0x108: {  	s10 =	sshra.s32 s7, $0x2;
	[tilespmem:v14+s30+$0x0] =	vst.idx.add.f32.msk $0xffff, v7;
	v12 =	vmov v3;
	(pc) =	sbr.rel @p0 .LBB2_19-.Ltmp7, $4  }
0x109: {  	v10 =	vadd.s32 $0x2710, v2;
	v6 =	vld [tilespmem:s10+$0x13900]  }
0x10a: {  	v9 =	vadd.s32 $0x4E20, v4;
	v11 =	vld.idx.msk [tilespmem:v15+s2+$0x0], $0xffff  }
0x10b: {  	[tilespmem:v17+s30+$0x0] =	vst.idx.add.f32.msk $0xffff, v16  }
0x10c: {  	s7 =	sadd.s32 $0x40, s7;
	v13 =	vadd.s32 $0x2710, v5;
	v7 =	vld.idx.msk [tilespmem:v18+s2+$0x0], $0xffff  }
0x10d: {  	_ =	sdelay $0x1  }
0x10e: {  	v14 =	vld [tilespmem:s10+$0x16080];
	_ =	sdelay $0x2  }
0x10f: {  	v15 =	vld.idx.msk [tilespmem:v6+s2+$0x0], $0xffff  }
0x110: {  	v16 =	vadd.s32 $0x2710, v6;
	_ =	sdelay $0x1  }
0x111: {  	[tilespmem:v12+s30+$0x0] =	vst.idx.add.f32.msk $0xffff, v11  }
0x112: {  	v12 =	vadd.s32 $0x2710, v3;
	v11 =	vld.idx.msk [tilespmem:v13+s2+$0x0], $0xffff  }
0x113: {  	v13 =	vadd.s32 $0x4E20, v5;
	[tilespmem:v14+s30+$0x0] =	vst.idx.add.f32.msk $0xffff, v15  }
0x114: {  	v63 =	vadd.s32 $0x2710, v14;
	v15 =	vld.idx.msk [tilespmem:v16+s2+$0x0], $0xffff  }
0x115: {  	[tilespmem:v10+s30+$0x0] =	vst.idx.add.f32.msk $0xffff, v8;
	v8 =	vadd.s32 $0x4E20, v6  }
0x116: {  	v10 =	vadd.s32 $0x4E20, v2;
	v9 =	vld.idx.msk [tilespmem:v9+s2+$0x0], $0xffff  }
0x117: {  	v4 =	vadd.s32 $0x7530, v4;
	[tilespmem:v12+s30+$0x0] =	vst.idx.add.f32.msk $0xffff, v11  }
0x118: {  	v12 =	vadd.s32 $0x4E20, v3;
	v11 =	vld.idx.msk [tilespmem:v13+s2+$0x0], $0xffff  }
0x119: {  	v5 =	vadd.s32 $0x7530, v5;
	[tilespmem:v63+s30+$0x0] =	vst.idx.add.f32.msk $0xffff, v15  }
0x11a: {  	v13 =	vadd.s32 $0x4E20, v14;
	v8 =	vld.idx.msk [tilespmem:v8+s2+$0x0], $0xffff  }
0x11b: {  	v6 =	vadd.s32 $0x7530, v6;
	[tilespmem:v10+s30+$0x0] =	vst.idx.add.f32.msk $0xffff, v9  }
0x11c: {  	v4 =	vld.idx.msk [tilespmem:v4+s2+$0x0], $0xffff  }
0x11d: {  	v1 =	vadd.s32 $0x7530, v1;
	[tilespmem:v12+s30+$0x0] =	vst.idx.add.f32.msk $0xffff, v11  }
0x11e: {  	v2 =	vadd.s32 $0x7530, v2;
	v5 =	vld.idx.msk [tilespmem:v5+s2+$0x0], $0xffff  }
0x11f: {  	v3 =	vadd.s32 $0x7530, v3;
	[tilespmem:v13+s30+$0x0] =	vst.idx.add.f32.msk $0xffff, v8  }
0x120: {  	v8 =	vadd.s32 $0x7530, v14;
	v6 =	vld.idx.msk [tilespmem:v6+s2+$0x0], $0xffff;
	_ =	sdelay $0x1  }
0x121: {  	p0 =	seq.s32 s5, $0x3;
	[tilespmem:v1+s30+$0x0] =	vst.idx.add.f32.msk $0xffff, v7  }
0x122: {  	s6 =	sadd.s32 @!p0 s6, s15;
	[tilespmem:v2+s30+$0x0] =	vst.idx.add.f32.msk $0xffff, v4  }
0x123: {  	s6 =	sshrl.u32 @!p0 s6, $0x3;
	[tilespmem:v3+s30+$0x0] =	vst.idx.add.f32.msk $0xffff, v5  }
0x124: {  	s7 =	simm.s32 @!p0 $0x0;
	s10 =	simm.s32 @!p0 $0x13900;
	s6 =	sadd.s32 @!p0 s3, s6;
	[tilespmem:v8+s30+$0x0] =	vst.idx.add.f32.msk $0xffff, v6  }
0x125: {  	[tilespmem:s10], [sflag:$0x1] =	stream.linear.gather @!p0 [hbm4b:s6+s7], $0x2710, $0x38;
	[tilespmem:$0x1D700] =	vst v63  }
0x126: {  	s6 =	sadd.s32 @!p0 $0x9C40, s6;
	s10 =	simm.s32 @!p0 $0x16080  }
0x127: {  	[tilespmem:s10], [sflag:$0x1] =	stream.linear.gather @!p0 [hbm4b:s6+s7], $0x2710, $0x38;
	[tilespmem:$0x1D700] =	vst v63  }
0x128: {  	_ =	swait.ge [sflag:s31], $0x2710  }
0x129: {  	[sflag:s31] =	ssyncset.done $0x0  }
0x12a: {  	[sflag:s31] =	ssyncadd.s32 $0xFFFFD8F0  }
0x12b: {  	_ =	swait.ge [sflag:s31], $0x2710  }
0x12c: {  	[sflag:s31] =	ssyncset.done $0x0  }
0x12d: {  	s7 =	simm.s32 $0x0;
	[sflag:s31] =	ssyncadd.s32 $0xFFFFD8F0  }
0x12e: {  	v6 =	vld [tilespmem:s7+$0x18800];
	_ =	sdelay $0x4  }
0x12f: {  	v1 =	vld [tilespmem:s7+$0x1AF80];
	_ =	sdelay $0x2  }
0x130: {  	s10 =	simm.s32 $0x10;
	v3 =	vld.idx.msk [tilespmem:v6+s2+$0x0], $0xffff  }
0x131: {  	v4 =	vld [tilespmem:s10+$0x18800];
	v5 =	vadd.s32 $0x2710, v6;
	_ =	sdelay $0x2  }
0x132: {  	v2 =	vld [tilespmem:s10+$0x1AF80]  }
0x133: {  	[tilespmem:v1+s30+$0x0] =	vst.idx.add.f32.msk $0xffff, v3  }
0x134: {  	v8 =	vadd.s32 $0x2710, v1;
	v7 =	vld.idx.msk [tilespmem:v5+s2+$0x0], $0xffff  }
0x135: {  	s11 =	simm.s32 $0x20;
	v9 =	vadd.s32 $0x4E20, v6  }
0x136: {  	v5 =	vld [tilespmem:s11+$0x18800]  }
0x137: {  	s7 =	simm.s32 $0x30;
	v10 =	vld.idx.msk [tilespmem:v4+s2+$0x0], $0xffff  }
0x138: {  	v11 =	vadd.s32 $0x2710, v4;
	v12 =	vadd.s32 $0x7530, v6;
	v6 =	vld [tilespmem:s7+$0x18800]  }
0x139: {  	[tilespmem:v8+s30+$0x0] =	vst.idx.add.f32.msk $0xffff, v7  }
0x13a: {  	v7 =	vld.idx.msk [tilespmem:v9+s2+$0x0], $0xffff;
	v9 =	vadd.s32 $0x4E20, v1  }
0x13b: {  	v3 =	vld [tilespmem:s11+$0x1AF80]  }
0x13c: {  	[tilespmem:v2+s30+$0x0] =	vst.idx.add.f32.msk $0xffff, v10  }
0x13d: {  	v8 =	vld.idx.msk [tilespmem:v11+s2+$0x0], $0xffff  }
0x13e: {  	v10 =	vadd.s32 $0x2710, v2;
	v11 =	vld.idx.msk [tilespmem:v5+s2+$0x0], $0xffff  }
0x13f: {  	[tilespmem:v9+s30+$0x0] =	vst.idx.add.f32.msk $0xffff, v7;
	v9 =	vadd.s32 $0x4E20, v4  }
0x140: {  	v7 =	vld.idx.msk [tilespmem:v12+s2+$0x0], $0xffff;
	v12 =	vmov v3  }
0x141: {  	s5 =	sadd.s32 $0x1, s5;
	s6 =	simm.s32 $0x100;
	v13 =	vadd.s32 $0x2710, v5  }
.LBB2_21:
0x142: {  	p0 =	seq.s32 s6, $0x9C00;
	v14 =	vadd.s32 $0x7530, v1;
	v1 =	vmov v2;
	v2 =	vmov v3;
	v3 =	vld [tilespmem:s7+$0x1AF80]  }
0x143: {  	[tilespmem:v10+s30+$0x0] =	vst.idx.add.f32.msk $0xffff, v8;
	v15 =	vmov v6  }
0x144: {  	v16 =	vld.idx.msk [tilespmem:v9+s2+$0x0], $0xffff  }
0x145: {  	v17 =	vadd.s32 $0x4E20, v1;
	[tilespmem:v12+s30+$0x0] =	vst.idx.add.f32.msk $0xffff, v11  }
0x146: {  	v18 =	vadd.s32 $0x7530, v4;
	v4 =	vmov v5;
	v5 =	vmov v6;
	v8 =	vld.idx.msk [tilespmem:v13+s2+$0x0], $0xffff  }
.Ltmp8:
0x147: {  	s7 =	sshra.s32 s6, $0x2;
	[tilespmem:v14+s30+$0x0] =	vst.idx.add.f32.msk $0xffff, v7;
	v12 =	vmov v3;
	(pc) =	sbr.rel @!p0 .LBB2_21-.Ltmp8, $4  }
0x148: {  	v10 =	vadd.s32 $0x2710, v2;
	v6 =	vld [tilespmem:s7+$0x18800]  }
0x149: {  	v9 =	vadd.s32 $0x4E20, v4;
	v11 =	vld.idx.msk [tilespmem:v15+s2+$0x0], $0xffff  }
0x14a: {  	[tilespmem:v17+s30+$0x0] =	vst.idx.add.f32.msk $0xffff, v16  }
0x14b: {  	s6 =	sadd.s32 $0x40, s6;
	v13 =	vadd.s32 $0x2710, v5;
	v7 =	vld.idx.msk [tilespmem:v18+s2+$0x0], $0xffff  }
0x14c: {  	_ =	sdelay $0x1  }
0x14d: {  	v14 =	vld [tilespmem:s7+$0x1AF80];
	_ =	sdelay $0x2  }
0x14e: {  	v15 =	vld.idx.msk [tilespmem:v6+s2+$0x0], $0xffff  }
0x14f: {  	v16 =	vadd.s32 $0x2710, v6;
	_ =	sdelay $0x1  }
0x150: {  	[tilespmem:v12+s30+$0x0] =	vst.idx.add.f32.msk $0xffff, v11  }
0x151: {  	v54 =	vadd.s32 $0x2710, v3;
	v11 =	vld.idx.msk [tilespmem:v13+s2+$0x0], $0xffff  }
0x152: {  	v55 =	vadd.s32 $0x4E20, v5;
	[tilespmem:v14+s30+$0x0] =	vst.idx.add.f32.msk $0xffff, v15  }
0x153: {  	v56 =	vadd.s32 $0x2710, v14;
	v15 =	vld.idx.msk [tilespmem:v16+s2+$0x0], $0xffff  }
0x154: {  	[tilespmem:v10+s30+$0x0] =	vst.idx.add.f32.msk $0xffff, v8;
	v57 =	vadd.s32 $0x4E20, v6  }
0x155: {  	v58 =	vadd.s32 $0x4E20, v2;
	v9 =	vld.idx.msk [tilespmem:v9+s2+$0x0], $0xffff  }
0x156: {  	v4 =	vadd.s32 $0x7530, v4;
	[tilespmem:v54+s30+$0x0] =	vst.idx.add.f32.msk $0xffff, v11  }
0x157: {  	v59 =	vadd.s32 $0x4E20, v3;
	v11 =	vld.idx.msk [tilespmem:v55+s2+$0x0], $0xffff  }
0x158: {  	v60 =	vadd.s32 $0x7530, v5;
	[tilespmem:v56+s30+$0x0] =	vst.idx.add.f32.msk $0xffff, v15  }
0x159: {  	v61 =	vadd.s32 $0x4E20, v14;
	v8 =	vld.idx.msk [tilespmem:v57+s2+$0x0], $0xffff  }
0x15a: {  	v62 =	vadd.s32 $0x7530, v6;
	[tilespmem:v58+s30+$0x0] =	vst.idx.add.f32.msk $0xffff, v9  }
0x15b: {  	v4 =	vld.idx.msk [tilespmem:v4+s2+$0x0], $0xffff  }
0x15c: {  	v1 =	vadd.s32 $0x7530, v1;
	[tilespmem:v59+s30+$0x0] =	vst.idx.add.f32.msk $0xffff, v11  }
0x15d: {  	v2 =	vadd.s32 $0x7530, v2;
	v5 =	vld.idx.msk [tilespmem:v60+s2+$0x0], $0xffff  }
0x15e: {  	v3 =	vadd.s32 $0x7530, v3;
	[tilespmem:v61+s30+$0x0] =	vst.idx.add.f32.msk $0xffff, v8  }
0x15f: {  	v63 =	vadd.s32 $0x7530, v14;
	v6 =	vld.idx.msk [tilespmem:v62+s2+$0x0], $0xffff;
	_ =	sdelay $0x1  }
0x160: {  	[tilespmem:v1+s30+$0x0] =	vst.idx.add.f32.msk $0xffff, v7  }
0x161: {  	[tilespmem:v2+s30+$0x0] =	vst.idx.add.f32.msk $0xffff, v4  }
0x162: {  	[tilespmem:v3+s30+$0x0] =	vst.idx.add.f32.msk $0xffff, v5  }
0x163: {  	[tilespmem:v63+s30+$0x0] =	vst.idx.add.f32.msk $0xffff, v6  }
0x164: {  	p0 =	seq.s32 s5, $0x4  }
.Ltmp9:
0x165: {  	_ = 	snop;
	(pc) =	sbr.rel @!p0 .LBB2_18-.Ltmp9, $1  }
0x166: {  	_ =	sdelay $0x3  }
0x167: {  	[hbm4b:s17+s2] =	stream.linear.scatter [tilespmem:s30], [sflag:$0x3], $0x9C40, $0x38;
	[tilespmem:$0x1D700] =	vst v63  }
0x168: {  	_ =	swait.ge [sflag:s24], $0x9C40  }
0x169: {  	[sflag:s24] =	ssyncset.done $0x0  }
0x16a: {  	[sflag:s24] =	ssyncadd.s32 $0xFFFF63C0  }
0x16b: {  	[tilespmem:s2], [sflag:$0x3] =	stream.linear.gather [hbm4b:s16+s2], $0x9C40, $0x38;
	[tilespmem:$0x1D700] =	vst v63  }
0x16c: {  	_ =	swait.ge [sflag:s24], $0x9C40  }
0x16d: {  	[sflag:s24] =	ssyncset.done $0x0  }
0x16e: {  	s0 =	simm.s32 $0x9CC0;
	[sflag:s24] =	ssyncadd.s32 $0xFFFF63C0  }
0x16f: {  	[tilespmem:s0+$0xFFFFFFC0] =	vst v0  }
0x170: {  	[tilespmem:s0+$0x30] =	vst v0  }
0x171: {  	[tilespmem:s0+$0x20] =	vst v0  }
0x172: {  	[tilespmem:s0+$0x10] =	vst v0  }
0x173: {  	[tilespmem:s0+$0x0] =	vst v0  }
0x174: {  	[tilespmem:s0+$0xFFFFFFF0] =	vst v0  }
0x175: {  	s5 =	simm.s32 $0x0;
	[tilespmem:s0+$0xFFFFFFE0] =	vst v0  }
.LBB2_24:
0x176: {  	s5 =	sadd.s32 $0x8, s5;
	[tilespmem:s0+$0xFFFFFFD0] =	vst v0;
	s0 =	sadd.s32 $0x80, s0  }
0x177: {  	[tilespmem:s0+$0xFFFFFFC0] =	vst v0;
	p0 =	slt.u32 s5, $0x9B8  }
0x178: {  	[tilespmem:s0+$0x30] =	vst v0  }
.Ltmp10:
0x179: {  	[tilespmem:s0+$0x20] =	vst v0;
	(pc) =	sbr.rel @p0 .LBB2_24-.Ltmp10, $4  }
0x17a: {  	[tilespmem:s0+$0x10] =	vst v0  }
0x17b: {  	[tilespmem:s0+$0x0] =	vst v0  }
0x17c: {  	[tilespmem:s0+$0xFFFFFFF0] =	vst v0  }
0x17d: {  	[tilespmem:s0+$0xFFFFFFE0] =	vst v0  }
0x17e: {  	[tilespmem:s0+$0xFFFFFFD0] =	vst v0;
	s0 =	simm.s32 $0x0  }
.LBB2_26:
0x17f: {  	p0 =	sne.s32 s0, $0xC0  }
.Ltmp11:
0x180: {  	_ = 	snop;
	(pc) =	sbr.rel @p0 .LBB2_26-.Ltmp11, $3  }
0x181: {  	_ =	sdelay $0x1  }
0x182: {  	s5 =	sshra.s32 s0, $0x2  }
0x183: {  	s0 =	sadd.s32 $0x40, s0;
	[tilespmem:s5+$0x13880] =	vst v0  }
0x184: {  	s0 =	simm.s32 $0x0  }
0x185: {  	[tilespmem:s25], [sflag:$0x1] =	stream.linear.gather [hbm4b:s18+s0], $0x2710, $0x38;
	[tilespmem:$0x1D700] =	vst v63  }
0x186: {  	s5 =	simm.s32 $0x0  }
0x187: {  	[tilespmem:s26], [sflag:$0x1] =	stream.linear.gather [hbm4b:s19+s0], $0x2710, $0x38;
	[tilespmem:$0x1D700] =	vst v63  }
.LBB2_29:
0x188: {  	s6 =	smul.u32 $0x4E20, s5;
	_ =	sdelay $0x1  }
0x189: {  	s7 =	sadd.s32 s6, s20  }
0x18a: {  	s7 =	sshrl.u32 s7, $0x3  }
0x18b: {  	s7 =	sadd.s32 s3, s7  }
0x18c: {  	[tilespmem:s28], [sflag:$0x2] =	stream.linear.gather [hbm4b:s7+s0], $0x2710, $0x38;
	[tilespmem:$0x1D700] =	vst v63  }
0x18d: {  	s7 =	sadd.s32 $0x9C40, s7  }
0x18e: {  	[tilespmem:s29], [sflag:$0x2] =	stream.linear.gather [hbm4b:s7+s0], $0x2710, $0x38;
	[tilespmem:$0x1D700] =	vst v63  }
0x18f: {  	_ =	swait.ge [sflag:s4], $0x2710  }
0x190: {  	[sflag:s4] =	ssyncset.done $0x0  }
0x191: {  	[sflag:s4] =	ssyncadd.s32 $0xFFFFD8F0  }
0x192: {  	_ =	swait.ge [sflag:s4], $0x2710  }
0x193: {  	[sflag:s4] =	ssyncset.done $0x0  }
0x194: {  	s11 =	simm.s32 $0x0;
	[sflag:s4] =	ssyncadd.s32 $0xFFFFD8F0  }
0x195: {  	v6 =	vld [tilespmem:s11+$0x13900];
	_ =	sdelay $0x4  }
0x196: {  	v1 =	vld [tilespmem:s11+$0x16080];
	_ =	sdelay $0x2  }
0x197: {  	s10 =	simm.s32 $0x10;
	v3 =	vld.idx.msk [tilespmem:v6+s2+$0x0], $0xffff  }
0x198: {  	v4 =	vld [tilespmem:s10+$0x13900];
	v5 =	vadd.s32 $0x2710, v6;
	_ =	sdelay $0x2  }
0x199: {  	v2 =	vld [tilespmem:s10+$0x16080]  }
0x19a: {  	[tilespmem:v1+s30+$0x0] =	vst.idx.add.f32.msk $0xffff, v3  }
0x19b: {  	v8 =	vadd.s32 $0x2710, v1;
	v7 =	vld.idx.msk [tilespmem:v5+s2+$0x0], $0xffff  }
0x19c: {  	s11 =	simm.s32 $0x20;
	v9 =	vadd.s32 $0x4E20, v6  }
0x19d: {  	v5 =	vld [tilespmem:s11+$0x13900]  }
0x19e: {  	s10 =	simm.s32 $0x30;
	v10 =	vld.idx.msk [tilespmem:v4+s2+$0x0], $0xffff  }
0x19f: {  	v11 =	vadd.s32 $0x2710, v4;
	v12 =	vadd.s32 $0x7530, v6;
	v6 =	vld [tilespmem:s10+$0x13900]  }
0x1a0: {  	[tilespmem:v8+s30+$0x0] =	vst.idx.add.f32.msk $0xffff, v7  }
0x1a1: {  	v7 =	vld.idx.msk [tilespmem:v9+s2+$0x0], $0xffff;
	v9 =	vadd.s32 $0x4E20, v1  }
0x1a2: {  	v3 =	vld [tilespmem:s11+$0x16080]  }
0x1a3: {  	[tilespmem:v2+s30+$0x0] =	vst.idx.add.f32.msk $0xffff, v10  }
0x1a4: {  	v8 =	vld.idx.msk [tilespmem:v11+s2+$0x0], $0xffff  }
0x1a5: {  	v10 =	vadd.s32 $0x2710, v2;
	v11 =	vld.idx.msk [tilespmem:v5+s2+$0x0], $0xffff  }
0x1a6: {  	[tilespmem:v9+s30+$0x0] =	vst.idx.add.f32.msk $0xffff, v7;
	v9 =	vadd.s32 $0x4E20, v4  }
0x1a7: {  	v7 =	vld.idx.msk [tilespmem:v12+s2+$0x0], $0xffff;
	v12 =	vmov v3  }
0x1a8: {  	s7 =	simm.s32 $0x100;
	v13 =	vadd.s32 $0x2710, v5  }
.LBB2_30:
0x1a9: {  	p0 =	sne.s32 s7, $0x9C00;
	v14 =	vadd.s32 $0x7530, v1;
	v1 =	vmov v2;
	v2 =	vmov v3;
	v3 =	vld [tilespmem:s10+$0x16080]  }
0x1aa: {  	[tilespmem:v10+s30+$0x0] =	vst.idx.add.f32.msk $0xffff, v8;
	v15 =	vmov v6  }
0x1ab: {  	v16 =	vld.idx.msk [tilespmem:v9+s2+$0x0], $0xffff  }
0x1ac: {  	v17 =	vadd.s32 $0x4E20, v1;
	[tilespmem:v12+s30+$0x0] =	vst.idx.add.f32.msk $0xffff, v11  }
0x1ad: {  	v18 =	vadd.s32 $0x7530, v4;
	v4 =	vmov v5;
	v5 =	vmov v6;
	v8 =	vld.idx.msk [tilespmem:v13+s2+$0x0], $0xffff  }
.Ltmp12:
0x1ae: {  	s10 =	sshra.s32 s7, $0x2;
	[tilespmem:v14+s30+$0x0] =	vst.idx.add.f32.msk $0xffff, v7;
	v12 =	vmov v3;
	(pc) =	sbr.rel @p0 .LBB2_30-.Ltmp12, $4  }
0x1af: {  	v10 =	vadd.s32 $0x2710, v2;
	v6 =	vld [tilespmem:s10+$0x13900]  }
0x1b0: {  	v9 =	vadd.s32 $0x4E20, v4;
	v11 =	vld.idx.msk [tilespmem:v15+s2+$0x0], $0xffff  }
0x1b1: {  	[tilespmem:v17+s30+$0x0] =	vst.idx.add.f32.msk $0xffff, v16  }
0x1b2: {  	s7 =	sadd.s32 $0x40, s7;
	v13 =	vadd.s32 $0x2710, v5;
	v7 =	vld.idx.msk [tilespmem:v18+s2+$0x0], $0xffff  }
0x1b3: {  	_ =	sdelay $0x1  }
0x1b4: {  	v14 =	vld [tilespmem:s10+$0x16080];
	_ =	sdelay $0x2  }
0x1b5: {  	v15 =	vld.idx.msk [tilespmem:v6+s2+$0x0], $0xffff  }
0x1b6: {  	v16 =	vadd.s32 $0x2710, v6;
	_ =	sdelay $0x1  }
0x1b7: {  	[tilespmem:v12+s30+$0x0] =	vst.idx.add.f32.msk $0xffff, v11  }
0x1b8: {  	v12 =	vadd.s32 $0x2710, v3;
	v11 =	vld.idx.msk [tilespmem:v13+s2+$0x0], $0xffff  }
0x1b9: {  	v13 =	vadd.s32 $0x4E20, v5;
	[tilespmem:v14+s30+$0x0] =	vst.idx.add.f32.msk $0xffff, v15  }
0x1ba: {  	v63 =	vadd.s32 $0x2710, v14;
	v15 =	vld.idx.msk [tilespmem:v16+s2+$0x0], $0xffff  }
0x1bb: {  	[tilespmem:v10+s30+$0x0] =	vst.idx.add.f32.msk $0xffff, v8;
	v8 =	vadd.s32 $0x4E20, v6  }
0x1bc: {  	v10 =	vadd.s32 $0x4E20, v2;
	v9 =	vld.idx.msk [tilespmem:v9+s2+$0x0], $0xffff  }
0x1bd: {  	v4 =	vadd.s32 $0x7530, v4;
	[tilespmem:v12+s30+$0x0] =	vst.idx.add.f32.msk $0xffff, v11  }
0x1be: {  	v12 =	vadd.s32 $0x4E20, v3;
	v11 =	vld.idx.msk [tilespmem:v13+s2+$0x0], $0xffff  }
0x1bf: {  	v5 =	vadd.s32 $0x7530, v5;
	[tilespmem:v63+s30+$0x0] =	vst.idx.add.f32.msk $0xffff, v15  }
0x1c0: {  	v13 =	vadd.s32 $0x4E20, v14;
	v8 =	vld.idx.msk [tilespmem:v8+s2+$0x0], $0xffff  }
0x1c1: {  	v6 =	vadd.s32 $0x7530, v6;
	[tilespmem:v10+s30+$0x0] =	vst.idx.add.f32.msk $0xffff, v9  }
0x1c2: {  	v4 =	vld.idx.msk [tilespmem:v4+s2+$0x0], $0xffff  }
0x1c3: {  	v1 =	vadd.s32 $0x7530, v1;
	[tilespmem:v12+s30+$0x0] =	vst.idx.add.f32.msk $0xffff, v11  }
0x1c4: {  	v2 =	vadd.s32 $0x7530, v2;
	v5 =	vld.idx.msk [tilespmem:v5+s2+$0x0], $0xffff  }
0x1c5: {  	v3 =	vadd.s32 $0x7530, v3;
	[tilespmem:v13+s30+$0x0] =	vst.idx.add.f32.msk $0xffff, v8  }
0x1c6: {  	v8 =	vadd.s32 $0x7530, v14;
	v6 =	vld.idx.msk [tilespmem:v6+s2+$0x0], $0xffff;
	_ =	sdelay $0x1  }
0x1c7: {  	p0 =	seq.s32 s5, $0x3;
	[tilespmem:v1+s30+$0x0] =	vst.idx.add.f32.msk $0xffff, v7  }
0x1c8: {  	s6 =	sadd.s32 @!p0 s6, s21;
	[tilespmem:v2+s30+$0x0] =	vst.idx.add.f32.msk $0xffff, v4  }
0x1c9: {  	s6 =	sshrl.u32 @!p0 s6, $0x3;
	[tilespmem:v3+s30+$0x0] =	vst.idx.add.f32.msk $0xffff, v5  }
0x1ca: {  	s7 =	simm.s32 @!p0 $0x0;
	s10 =	simm.s32 @!p0 $0x13900;
	s6 =	sadd.s32 @!p0 s3, s6;
	[tilespmem:v8+s30+$0x0] =	vst.idx.add.f32.msk $0xffff, v6  }
0x1cb: {  	[tilespmem:s10], [sflag:$0x1] =	stream.linear.gather @!p0 [hbm4b:s6+s7], $0x2710, $0x38;
	[tilespmem:$0x1D700] =	vst v63  }
0x1cc: {  	s6 =	sadd.s32 @!p0 $0x9C40, s6;
	s10 =	simm.s32 @!p0 $0x16080  }
0x1cd: {  	[tilespmem:s10], [sflag:$0x1] =	stream.linear.gather @!p0 [hbm4b:s6+s7], $0x2710, $0x38;
	[tilespmem:$0x1D700] =	vst v63  }
0x1ce: {  	_ =	swait.ge [sflag:s31], $0x2710  }
0x1cf: {  	[sflag:s31] =	ssyncset.done $0x0  }
0x1d0: {  	[sflag:s31] =	ssyncadd.s32 $0xFFFFD8F0  }
0x1d1: {  	_ =	swait.ge [sflag:s31], $0x2710  }
0x1d2: {  	[sflag:s31] =	ssyncset.done $0x0  }
0x1d3: {  	s7 =	simm.s32 $0x0;
	[sflag:s31] =	ssyncadd.s32 $0xFFFFD8F0  }
0x1d4: {  	v6 =	vld [tilespmem:s7+$0x18800];
	_ =	sdelay $0x4  }
0x1d5: {  	v1 =	vld [tilespmem:s7+$0x1AF80];
	_ =	sdelay $0x2  }
0x1d6: {  	s10 =	simm.s32 $0x10;
	v3 =	vld.idx.msk [tilespmem:v6+s2+$0x0], $0xffff  }
0x1d7: {  	v4 =	vld [tilespmem:s10+$0x18800];
	v5 =	vadd.s32 $0x2710, v6;
	_ =	sdelay $0x2  }
0x1d8: {  	v2 =	vld [tilespmem:s10+$0x1AF80]  }
0x1d9: {  	[tilespmem:v1+s30+$0x0] =	vst.idx.add.f32.msk $0xffff, v3  }
0x1da: {  	v8 =	vadd.s32 $0x2710, v1;
	v7 =	vld.idx.msk [tilespmem:v5+s2+$0x0], $0xffff  }
0x1db: {  	s11 =	simm.s32 $0x20;
	v9 =	vadd.s32 $0x4E20, v6  }
0x1dc: {  	v5 =	vld [tilespmem:s11+$0x18800]  }
0x1dd: {  	s7 =	simm.s32 $0x30;
	v10 =	vld.idx.msk [tilespmem:v4+s2+$0x0], $0xffff  }
0x1de: {  	v11 =	vadd.s32 $0x2710, v4;
	v12 =	vadd.s32 $0x7530, v6;
	v6 =	vld [tilespmem:s7+$0x18800]  }
0x1df: {  	[tilespmem:v8+s30+$0x0] =	vst.idx.add.f32.msk $0xffff, v7  }
0x1e0: {  	v7 =	vld.idx.msk [tilespmem:v9+s2+$0x0], $0xffff;
	v9 =	vadd.s32 $0x4E20, v1  }
0x1e1: {  	v3 =	vld [tilespmem:s11+$0x1AF80]  }
0x1e2: {  	[tilespmem:v2+s30+$0x0] =	vst.idx.add.f32.msk $0xffff, v10  }
0x1e3: {  	v8 =	vld.idx.msk [tilespmem:v11+s2+$0x0], $0xffff  }
0x1e4: {  	v10 =	vadd.s32 $0x2710, v2;
	v11 =	vld.idx.msk [tilespmem:v5+s2+$0x0], $0xffff  }
0x1e5: {  	[tilespmem:v9+s30+$0x0] =	vst.idx.add.f32.msk $0xffff, v7;
	v9 =	vadd.s32 $0x4E20, v4  }
0x1e6: {  	v7 =	vld.idx.msk [tilespmem:v12+s2+$0x0], $0xffff;
	v12 =	vmov v3  }
0x1e7: {  	s5 =	sadd.s32 $0x1, s5;
	s6 =	simm.s32 $0x100;
	v13 =	vadd.s32 $0x2710, v5  }
.LBB2_32:
0x1e8: {  	p0 =	seq.s32 s6, $0x9C00;
	v14 =	vadd.s32 $0x7530, v1;
	v1 =	vmov v2;
	v2 =	vmov v3;
	v3 =	vld [tilespmem:s7+$0x1AF80]  }
0x1e9: {  	[tilespmem:v10+s30+$0x0] =	vst.idx.add.f32.msk $0xffff, v8;
	v15 =	vmov v6  }
0x1ea: {  	v16 =	vld.idx.msk [tilespmem:v9+s2+$0x0], $0xffff  }
0x1eb: {  	v17 =	vadd.s32 $0x4E20, v1;
	[tilespmem:v12+s30+$0x0] =	vst.idx.add.f32.msk $0xffff, v11  }
0x1ec: {  	v18 =	vadd.s32 $0x7530, v4;
	v4 =	vmov v5;
	v5 =	vmov v6;
	v8 =	vld.idx.msk [tilespmem:v13+s2+$0x0], $0xffff  }
.Ltmp13:
0x1ed: {  	s7 =	sshra.s32 s6, $0x2;
	[tilespmem:v14+s30+$0x0] =	vst.idx.add.f32.msk $0xffff, v7;
	v12 =	vmov v3;
	(pc) =	sbr.rel @!p0 .LBB2_32-.Ltmp13, $4  }
0x1ee: {  	v10 =	vadd.s32 $0x2710, v2;
	v6 =	vld [tilespmem:s7+$0x18800]  }
0x1ef: {  	v9 =	vadd.s32 $0x4E20, v4;
	v11 =	vld.idx.msk [tilespmem:v15+s2+$0x0], $0xffff  }
0x1f0: {  	[tilespmem:v17+s30+$0x0] =	vst.idx.add.f32.msk $0xffff, v16  }
0x1f1: {  	s6 =	sadd.s32 $0x40, s6;
	v13 =	vadd.s32 $0x2710, v5;
	v7 =	vld.idx.msk [tilespmem:v18+s2+$0x0], $0xffff  }
0x1f2: {  	_ =	sdelay $0x1  }
0x1f3: {  	v14 =	vld [tilespmem:s7+$0x1AF80];
	_ =	sdelay $0x2  }
0x1f4: {  	v15 =	vld.idx.msk [tilespmem:v6+s2+$0x0], $0xffff  }
0x1f5: {  	v16 =	vadd.s32 $0x2710, v6;
	_ =	sdelay $0x1  }
0x1f6: {  	[tilespmem:v12+s30+$0x0] =	vst.idx.add.f32.msk $0xffff, v11  }
0x1f7: {  	v54 =	vadd.s32 $0x2710, v3;
	v11 =	vld.idx.msk [tilespmem:v13+s2+$0x0], $0xffff  }
0x1f8: {  	v55 =	vadd.s32 $0x4E20, v5;
	[tilespmem:v14+s30+$0x0] =	vst.idx.add.f32.msk $0xffff, v15  }
0x1f9: {  	v56 =	vadd.s32 $0x2710, v14;
	v15 =	vld.idx.msk [tilespmem:v16+s2+$0x0], $0xffff  }
0x1fa: {  	[tilespmem:v10+s30+$0x0] =	vst.idx.add.f32.msk $0xffff, v8;
	v57 =	vadd.s32 $0x4E20, v6  }
0x1fb: {  	v58 =	vadd.s32 $0x4E20, v2;
	v9 =	vld.idx.msk [tilespmem:v9+s2+$0x0], $0xffff  }
0x1fc: {  	v4 =	vadd.s32 $0x7530, v4;
	[tilespmem:v54+s30+$0x0] =	vst.idx.add.f32.msk $0xffff, v11  }
0x1fd: {  	v59 =	vadd.s32 $0x4E20, v3;
	v11 =	vld.idx.msk [tilespmem:v55+s2+$0x0], $0xffff  }
0x1fe: {  	v60 =	vadd.s32 $0x7530, v5;
	[tilespmem:v56+s30+$0x0] =	vst.idx.add.f32.msk $0xffff, v15  }
0x1ff: {  	v61 =	vadd.s32 $0x4E20, v14;
	v8 =	vld.idx.msk [tilespmem:v57+s2+$0x0], $0xffff  }
0x200: {  	v62 =	vadd.s32 $0x7530, v6;
	[tilespmem:v58+s30+$0x0] =	vst.idx.add.f32.msk $0xffff, v9  }
0x201: {  	v4 =	vld.idx.msk [tilespmem:v4+s2+$0x0], $0xffff  }
0x202: {  	v1 =	vadd.s32 $0x7530, v1;
	[tilespmem:v59+s30+$0x0] =	vst.idx.add.f32.msk $0xffff, v11  }
0x203: {  	v2 =	vadd.s32 $0x7530, v2;
	v5 =	vld.idx.msk [tilespmem:v60+s2+$0x0], $0xffff  }
0x204: {  	v3 =	vadd.s32 $0x7530, v3;
	[tilespmem:v61+s30+$0x0] =	vst.idx.add.f32.msk $0xffff, v8  }
0x205: {  	v63 =	vadd.s32 $0x7530, v14;
	v6 =	vld.idx.msk [tilespmem:v62+s2+$0x0], $0xffff;
	_ =	sdelay $0x1  }
0x206: {  	[tilespmem:v1+s30+$0x0] =	vst.idx.add.f32.msk $0xffff, v7  }
0x207: {  	[tilespmem:v2+s30+$0x0] =	vst.idx.add.f32.msk $0xffff, v4  }
0x208: {  	[tilespmem:v3+s30+$0x0] =	vst.idx.add.f32.msk $0xffff, v5  }
0x209: {  	[tilespmem:v63+s30+$0x0] =	vst.idx.add.f32.msk $0xffff, v6  }
0x20a: {  	p0 =	seq.s32 s5, $0x4  }
.Ltmp14:
0x20b: {  	_ = 	snop;
	(pc) =	sbr.rel @!p0 .LBB2_29-.Ltmp14, $1  }
0x20c: {  	_ =	sdelay $0x3  }
0x20d: {  	s1 =	sadd.s32 $0x1, s1  }
0x20e: {  	p0 =	sne.s32 s1, s23  }
.Ltmp15:
0x20f: {  	_ = 	snop;
	(pc) =	sbr.rel @p0 .LBB2_1-.Ltmp15, $4  }
0x210: {  	[hbm4b:s22+s2] =	stream.linear.scatter [tilespmem:s30], [sflag:$0x3], $0x9C40, $0x38;
	[tilespmem:$0x1D700] =	vst v63  }
0x211: {  	_ =	swait.ge [sflag:s24], $0x9C40  }
0x212: {  	[sflag:s24] =	ssyncset.done $0x0  }
0x213: {  	[sflag:s24] =	ssyncadd.s32 $0xFFFF63C0  }
0x214: {  	_ =	sfence.sel $0x180000  }
0x215: {  	[bflag:$0x0] =	sbarrier.arrive $0xFFFF  }
0x216: {  	_ =	strace $0x9000004A  }
0x217: {  	s0 =	stileid.u32;
	[bflag:$0x2] =	sbarrier.arrive $0xFFFF  }
0x218: {  	p0 =	sne.s32 s0, $0x0;
	s0 =	rddreg [dreg:$0x1]  }
0x219: {  	s0 =	sadd.s32 @!p0 $0x100000, s0  }
0x21a: {  	[sflag:s0] =	ssyncadd.tile.s32 @!p0 $0x1;
	_ =	shalt  }
.Lfunc_end2:
_tile_overlayer_lowered:
.L_overlay_start_2:
0x21b: {  	(tag) =	ssettag $0x2  }
0x21c: {  	s0 =	rddreg [dreg:$0x0];
	s2 =	stileid.u32  }
0x21d: {  	s1 =	rddreg [dreg:$0x1];
	p0 =	sne.s32 s2, $0x0  }
0x21e: {  	s3 =	rddreg [dreg:$0x2];
	[bflag:$0x3] =	sbarrier.arrive $0xFFFF;
	s2 =	simm.s32 @!p0 $0x1C03  }
0x21f: {  	[timem:s3], [sflag:s2] =	dma.local @!p0 [hbm:s0], s1  }
0x220: {  	s0 =	simm.s32 @!p0 $0x3  }
0x221: {  	_ =	swait.ge @!p0 [sflag:s0], s1  }
0x222: {  	s1 =	ssub.s32 @!p0 $0x0, s1;
	[sflag:s0] =	ssyncset.done @!p0 $0x0  }
0x223: {  	[sflag:s0] =	ssyncadd.s32 @!p0 s1  }
0x224: {  	[bflag:$0x3] =	sbarrier.arrive $0xFFFF  }
0x225: {  	_ =	shalt  }

// kernel: kernel.14.cloned.1.call-start
scs
__scs_entry_jumppad:
0x0: {  	(pc) =	sbr.rel $0x88, $3  }
0x1: {  	(tag) =	ssettag $0x0;
	lr =	simm.s32 $0x1  }
0x2: {  	[smem:$0x3F95] =	sst lr;
	_ =	strace $0xD0000000  }
0x3: {  	_ = 	snop  }
0x4: {  	_ = 	snop  }
0x5: {  	_ = 	snop  }
0x6: {  	_ = 	snop  }
0x7: {  	_ = 	snop  }
__scs_overlays_trampoline_lowered:
0x8: {  	[smem:$0x3FA4] =	sst s0  }
0x9: {  	[smem:$0x3FA5] =	sst s1  }
0xa: {  	[smem:$0x3FA6] =	sst s2  }
0xb: {  	[smem:$0x3FA7] =	sst s3  }
0xc: {  	[smem:$0x3FA8] =	sst s4  }
0xd: {  	[smem:$0x3FA9] =	sst s5  }
0xe: {  	[smem:$0x3FAA] =	sst s6  }
0xf: {  	[smem:$0x3FAB] =	sst s7  }
0x10: {  	[smem:$0x3FAC] =	sst s8  }
0x11: {  	[smem:$0x3FAD] =	sst s9;
	s0 =	simm.s32 @!p0 $0x0  }
0x12: {  	s1 =	sld [smem:$0x3F93];
	s0 =	simm.s32 @p0 $0x1  }
0x13: {  	[smem:$0x3FAE] =	sst s0;
	s0 =	simm.s32 @!p1 $0x0  }
0x14: {  	s2 =	sld [smem:$0x3F92];
	s0 =	simm.s32 @p1 $0x1  }
0x15: {  	[smem:$0x3FAF] =	sst s0;
	s0 =	simm.s32 @!p2 $0x0  }
0x16: {  	s3 =	sld [smem:$0x3FDB];
	s0 =	simm.s32 @p2 $0x1  }
0x17: {  	s4 =	simm.s32 $0x1BF5;
	[smem:$0x3FB1] =	sst s0  }
0x18: {  	s0 =	sld [smem:$0x3F94];
	_ =	swait.ge [sflag:s4], $0x0  }
0x19: {  	s7 =	sld [smem:$0x3F95]  }
0x1a: {  	s8 =	sadd.s32 $0xFFFFE003, lr  }
0x1b: {  	s9 =	sadd.s32 $0xFFFFFEF7, lr;
	s5 =	simm.s32 $0xFFFFFFFF;
	p2 =	slt.u32 s8, $0xFFFFF086  }
0x1c: {  	p1 =	slt.u32 s9, $0xF7A;
	s5 =	simm.s32 @!p2 $0x0  }
0x1d: {  	s5 =	simm.s32 @p1 $0x1;
	p0 =	seq.s32 s7, s2  }
0x1e: {  	s7 =	smul.u32 @!p0 $0xF7A, s2;
	p2 =	seq.s32 @!p0 s5, $0x0  }
0x1f: {  	s9 =	smul.u32 $0xF7A, s1;
	s8 =	simm.s32 @!p0 $0x1BF5;
	p2 =	por !p2, p0  }
0x20: {  	[sflag:s8] =	ssyncset.s32 @!p0 $0xFFFFF086;
	s6 =	sadd.s32 @!p0 s3, s7;
	s7 =	simm.s32 @!p0 $0x108  }
0x21: {  	s3 =	sadd.s32 s3, s9;
	s6 =	sadd.s32 @!p0 $0x88, s6;
	s7 =	simm.s32 @p2 $0x1082  }
0x22: {  	[simem:s7], [sflag:s8] =	dma.local @!p0 [hbm:s6], $0xF7A  }
0x23: {  	s9 =	sor.u32 $0xD0000000, s2;
	s6 =	simm.s32 $0x108;
	_ =	swait.ge @!p0 [sflag:s8], $0x0  }
0x24: {  	s3 =	sadd.s32 $0x88, s3;
	s6 =	simm.s32 @!p1 $0x1082;
	[sflag:s4] =	ssyncset.s32 $0xFFFFF086  }
0x25: {  	[simem:s6], [sflag:s4] =	dma.local [hbm:s3], $0xF7A  }
0x26: {  	[smem:$0x3F95] =	sst s1;
	(tag) =	ssettag s2;
	_ =	strace s9  }
0x27: {  	s1 =	sld [smem:$0x3FA5]  }
0x28: {  	s2 =	sld [smem:$0x3FA6]  }
0x29: {  	s4 =	sld [smem:$0x3FA8]  }
0x2a: {  	p0 =	seq.s32 s5, $0x0;
	s5 =	sld [smem:$0x3FA9]  }
0x2b: {  	s6 =	sld [smem:$0x3FAA]  }
0x2c: {  	s7 =	sld [smem:$0x3FAB]  }
0x2d: {  	s3 =	simm.s32 $0x108;
	s8 =	sld [smem:$0x3FAC]  }
0x2e: {  	s3 =	simm.s32 @!p0 $0x1082;
	s9 =	sld [smem:$0x3FAD]  }
0x2f: {  	lr =	sadd.s32 s0, s3;
	s0 =	sld [smem:$0x3FA4]  }
0x30: {  	s3 =	sld [smem:$0x3FA7]  }
0x31: {  	[smem:$0x3FB0] =	sst s10  }
0x32: {  	s10 =	sld [smem:$0x3FAE];
	_ =	sdelay $0x3  }
0x33: {  	p0 =	seq.s32 s10, $0x1;
	s10 =	sld [smem:$0x3FB0];
	_ =	sdelay $0x3  }
0x34: {  	[smem:$0x3FB0] =	sst s10  }
0x35: {  	s10 =	sld [smem:$0x3FAF];
	_ =	sdelay $0x3  }
0x36: {  	p1 =	seq.s32 s10, $0x1;
	s10 =	sld [smem:$0x3FB0];
	_ =	sdelay $0x3  }
0x37: {  	[smem:$0x3FB0] =	sst s10  }
0x38: {  	s10 =	sld [smem:$0x3FB1]  }
0x39: {  	_ = 	snop;
	(pc) =	sbr.ind lr, $3  }
0x3a: {  	_ = 	snop  }
0x3b: {  	_ = 	snop  }
0x3c: {  	p2 =	seq.s32 s10, $0x1;
	s10 =	sld [smem:$0x3FB0]  }
0x3d: {  	_ =	shalt  }
0x3e: {  	_ =	shalt  }
0x3f: {  	_ =	shalt  }
0x40: {  	_ =	shalt  }
0x41: {  	_ =	shalt  }
0x42: {  	_ =	shalt  }
0x43: {  	_ =	shalt  }
0x44: {  	_ =	shalt  }
0x45: {  	_ =	shalt  }
0x46: {  	_ =	shalt  }
0x47: {  	_ =	shalt  }
0x48: {  	_ =	shalt  }
0x49: {  	_ =	shalt  }
0x4a: {  	_ =	shalt  }
0x4b: {  	_ =	shalt  }
0x4c: {  	_ =	shalt  }
0x4d: {  	_ =	shalt  }
0x4e: {  	_ =	shalt  }
0x4f: {  	_ =	shalt  }
0x50: {  	_ =	shalt  }
0x51: {  	_ =	shalt  }
0x52: {  	_ =	shalt  }
0x53: {  	_ =	shalt  }
0x54: {  	_ =	shalt  }
0x55: {  	_ =	shalt  }
0x56: {  	_ =	shalt  }
0x57: {  	_ =	shalt  }
0x58: {  	_ =	shalt  }
0x59: {  	_ =	shalt  }
0x5a: {  	_ =	shalt  }
0x5b: {  	_ =	shalt  }
0x5c: {  	_ =	shalt  }
0x5d: {  	_ =	shalt  }
0x5e: {  	_ =	shalt  }
0x5f: {  	_ =	shalt  }
0x60: {  	_ =	shalt  }
0x61: {  	_ =	shalt  }
0x62: {  	_ =	shalt  }
0x63: {  	_ =	shalt  }
0x64: {  	_ =	shalt  }
0x65: {  	_ =	shalt  }
0x66: {  	_ =	shalt  }
0x67: {  	_ =	shalt  }
0x68: {  	_ =	shalt  }
0x69: {  	_ =	shalt  }
0x6a: {  	_ =	shalt  }
0x6b: {  	_ =	shalt  }
0x6c: {  	_ =	shalt  }
0x6d: {  	_ =	shalt  }
0x6e: {  	_ =	shalt  }
0x6f: {  	_ =	shalt  }
0x70: {  	_ =	shalt  }
0x71: {  	_ =	shalt  }
0x72: {  	_ =	shalt  }
0x73: {  	_ =	shalt  }
0x74: {  	_ =	shalt  }
0x75: {  	_ =	shalt  }
0x76: {  	_ =	shalt  }
0x77: {  	_ =	shalt  }
0x78: {  	_ =	shalt  }
0x79: {  	_ =	shalt  }
0x7a: {  	_ =	shalt  }
0x7b: {  	_ =	shalt  }
0x7c: {  	_ =	shalt  }
0x7d: {  	_ =	shalt  }
0x7e: {  	_ =	shalt  }
0x7f: {  	_ =	shalt  }
0x80: {  	_ =	shalt  }
0x81: {  	_ =	shalt  }
0x82: {  	_ =	shalt  }
0x83: {  	_ =	shalt  }
0x84: {  	_ =	shalt  }
0x85: {  	_ =	shalt  }
0x86: {  	_ =	shalt  }
0x87: {  	_ =	shalt  }
.Lfunc_end0:
.L_simem_size_0:
called_computation.2_lowered:
.L_overlay_start_0:
0x88: {  	s2 =	sld [smem:$0x3FD9]  }
0x89: {  	s3 =	sld [smem:$0x3FFE];
	_ =	sdelay $0x1  }
0x8a: {  	s1 =	srdreg.scid  }
0x8b: {  	s0 =	sand.u32 $0x1, s1  }
0x8c: {  	s16 =	sshll.u32 s0, $0xA;
	s2 =	sadd.s32 s3, s2  }
0x8d: {  	s2 =	sadd.s32 s2, s16  }
0x8e: {  	[smem:$0x3FBC] =	sst s2  }
0x8f: {  	_ = 	snop  }
0x90: {  	(tm) =	ssettm $0x1  }
0x91: {  	s17 =	sld [smem:$0x3FFB];
	_ =	sdelay $0x3  }
0x92: {  	_ =	strace s17  }
0x93: {  	s2 =	sld [smem:$0x3FFC];
	_ =	sdelay $0x3  }
0x94: {  	_ =	strace s2  }
0x95: {  	s2 =	sld [smem:$0x3FFD];
	_ =	sdelay $0x3  }
0x96: {  	_ =	strace s2  }
0x97: {  	_ =	strace $0x8FFFFFFF  }
0x98: {  	s18 =	sld [smem:$0x3FDB];
	_ =	sdelay $0x1  }
0x99: {  	s19 =	simm.s32 $_scs_section_size  }
0x9a: {  	s4 =	simm.s32 $_size__tile_overlayer_lowered;
	s5 =	simm.s32 $_tile_overlayer_lowered  }
0x9b: {  	s22 =	simm.s32 $0x1BFF;
	s21 =	sshll.u32 s5, $0x1;
	s2 =	sadd.s32 s19, s18  }
0x9c: {  	s6 =	simm.s32 $0x0;
	s20 =	sshll.u32 s4, $0x1;
	s4 =	sadd.s32 s21, s2  }
0x9d: {  	[timem:s6], [sflag:s22] =	dma.local [hbm:s4], s20  }
0x9e: {  	_ =	swait.ge [sflag:s22], s20  }
0x9f: {  	s3 =	ssub.s32 $0x0, s20;
	[sflag:s22] =	ssyncset.done $0x0  }
0xa0: {  	[sflag:s22] =	ssyncadd.s32 s3;
	_ =	sdelay $0x1  }
0xa1: {  	s23 =	simm.s32 $0x1B8B  }
0xa2: {  	_ =	swait.ge [sflag:s23], $0x1  }
0xa3: {  	[sflag:s23] =	ssyncset.done $0x0  }
0xa4: {  	s25 =	simm.s32 $0x1B8E;
	s24 =	sld [smem:$0x3FFE];
	[sflag:s23] =	ssyncadd.s32 $0xFFFFFFFF  }
0xa5: {  	s26 =	simm.s32 $execute0_lowered;
	[smem:$0x3FD2] =	sst s25  }
0xa6: {  	s4 =	sshll.u32 s26, $0x1;
	_ =	strace $0x8000004C;
	[dreg:$0x1] =	wrdreg $0xFFFFFFFF  }
0xa7: {  	s28 =	simm.s32 $_size_execute0_lowered;
	s2 =	sadd.s32 s2, s4;
	[dreg:$0x0] =	wrdreg $0x0  }
0xa8: {  	s4 =	sshll.u32 s28, $0x1;
	[dreg:$0x2] =	wrdreg s2  }
0xa9: {  	[dreg:$0x3] =	wrdreg s4  }
0xaa: {  	[dreg:$0x4] =	wrdreg $0xC0  }
0xab: {  	_ =	task [dreg:s6], $0x5FFFF  }
0xac: {  	[dreg:$0x1] =	wrdreg $0xFFFFFFFF  }
0xad: {  	[dreg:$0x0] =	wrdreg $0x60  }
0xae: {  	[dreg:$0x2] =	wrdreg s24  }
0xaf: {  	[dreg:$0x3] =	wrdreg $0x9  }
0xb0: {  	_ =	task.clear_ibuf [dreg:s6], $0x4FFFF;
	_ =	strace $0x9000004C  }
0xb1: {  	s29 =	simm.s32 $0x9;
	_ =	strace $0x8000004E  }
0xb2: {  	_ =	swait.ge [sflag:s29], $0x1  }
0xb3: {  	[sflag:s29] =	ssyncadd.s32 $0xFFFFFFFF  }
0xb4: {  	_ =	strace $0x9000004E  }
0xb5: {  	_ =	sfence  }
0xb6: {  	s30 =	sld [smem:$0x0];
	_ =	sdelay $0x2  }
0xb7: {  	s31 =	sshll.u32 s1, $0xD;
	s1 =	sshrl.u32 s1, $0x2  }
0xb8: {  	s3 =	sand.u32 $0x4000, s31;
	s1 =	sadd.s32 s1, s30  }
0xb9: {  	s0 =	sor.u32 s3, s0;
	s1 =	sshll.u32 s1, $0x11  }
0xba: {  	s0 =	sor.u32 s1, s0  }
0xbb: {  	s0 =	sadd.s32 $0x8F2B, s0  }
0xbc: {  	[sflag:s0] =	ssyncadd.remote.s32 $0x1  }
0xbd: {  	_ =	sfence.sel $0xFFFF  }
0xbe: {  	[dreg:$0x0] =	wrdreg $0xFFFFFFFF;
	(pc) =	sbr.abs _section_cstart, $3  }
0xbf: {  	[dreg:$0x1] =	wrdreg $0xFFFFFFFF  }
0xc0: {  	_ =	task.clear_ibuf [dreg:s6], $0x2FFFF;
	_ =	strace $0x9FFFFFFF  }
0xc1: {  	(tm) =	ssettm $0x7FFFFFFF  }
tec
execute0_lowered:
.L_overlay_start_1:
0x0: {  	(tag) =	ssettag $0x1  }
0x1: {  	s0 =	srdreg.scid  }
0x2: {  	s2 =	stileid.u32;
	s4 =	rddreg [dreg:$0x0];
	s3 =	simm.s32 $0x1  }
0x3: {  	s28 =	simm.s32 $0x18800;
	s29 =	simm.s32 $0x1AF80;
	s30 =	simm.s32 $0x9C80  }
0x4: {  	s31 =	simm.s32 $0x2;
	s0 =	sand.u32 $0x1, s0;
	s5 =	sand.u32 $0x7, s2  }
0x5: {  	s6 =	sadd.s32 $0x3D400, s4;
	s22 =	sadd.s32 $0x5AA00, s4;
	s1 =	sshll.u32 s0, $0x4  }
0x6: {  	p0 =	sne.s32 s5, $0x0;
	s7 =	smul.u32 $0x1388, s5;
	s1 =	sor.u32 s2, s1  }
0x7: {  	s0 =	ssub.s32 $0x2, s0;
	s8 =	sshll.u32 s5, $0x2;
	p1 =	seq.s32 s1, $0x0  }
0x8: {  	s5 =	smul.u32 $0x9C40, s5;
	s2 =	simm.s32 $0x0;
	p0 =	por !p0, !p1  }
0x9: {  	s15 =	sshrl.u32 s0, $0x1;
	[smem:$0x7FF] =	sst s2;
	p0 =	por !p0, !p0  }
0xa: {  	s1 =	sshrl.u32 s1, $0x3;
	s0 =	ssub.s32 s0, s15;
	s3 =	simm.s32 @!p0 $0x0  }
0xb: {  	s7 =	sadd.s32 s6, s7;
	s5 =	sshrl.u32 s5, $0x3;
	s1 =	ssub.s32 s1, s3  }
0xc: {  	_ =	strace $0x8000004D;
	s5 =	sadd.s32 s6, s5;
	s10 =	smul.u32 $0x13880, s1  }
0xd: {  	[dreg:$0x2] =	wrdreg s7;
	s11 =	sadd.s32 $0x9C40, s5;
	s1 =	smul.u32 $0x60, s1  }
0xe: {  	[dreg:$0x6] =	wrdreg s11;
	s3 =	sadd.s32 $0x2A00, s4;
	s4 =	simm.s32 $0x1  }
0xf: {  	s16 =	sadd.s32 $0x4E200, s10;
	s1 =	sor.u32 s8, s1;
	s17 =	sshrl.u32 s10, $0x3  }
0x10: {  	s9 =	sadd.s32 $0x4E20, s10;
	s19 =	sadd.s32 $0x9C400, s10;
	s21 =	sadd.s32 $0xEA600, s10  }
0x11: {  	s14 =	sadd.s32 $0x9EB10, s10;
	s15 =	sadd.s32 $0xA1220, s10;
	s25 =	sadd.s32 $0x138800, s10  }
0x12: {  	s26 =	sadd.s32 $0x186A00, s10;
	s7 =	sshrl.u32 s16, $0x3;
	s1 =	smul.u32 $0x2710, s1  }
0x13: {  	s8 =	sadd.s32 s3, s17;
	s20 =	sshrl.u32 s19, $0x3;
	s23 =	sshrl.u32 s21, $0x3  }
0x14: {  	s16 =	sadd.s32 $0x13880, s5;
	s5 =	sshrl.u32 s25, $0x3;
	s21 =	sadd.s32 $0x13D620, s10  }
0x15: {  	s25 =	simm.s32 $0x13900;
	[dreg:$0x3] =	wrdreg s8;
	s7 =	sadd.s32 s3, s7  }
0x16: {  	s8 =	sadd.s32 $0x2710, s10;
	s12 =	sadd.s32 s3, s20;
	s13 =	sadd.s32 s3, s23  }
0x17: {  	s20 =	sadd.s32 $0x13AF10, s10;
	s23 =	smax.u32 s0, $0x1;
	[dreg:$0x4] =	wrdreg s7  }
0x18: {  	s18 =	sshrl.u32 s1, $0x3;
	s24 =	sadd.s32 $0x4E200, s1;
	s1 =	sadd.s32 $0x9C400, s1  }
0x19: {  	s7 =	sadd.s32 s22, s18;
	s6 =	sshrl.u32 s24, $0x3;
	s18 =	sadd.s32 s3, s5  }
0x1a: {  	s1 =	sshrl.u32 s1, $0x3;
	s24 =	simm.s32 $0x3;
	[dreg:$0x5] =	wrdreg s7  }
0x1b: {  	s17 =	sadd.s32 s22, s6;
	s6 =	sshrl.u32 s26, $0x3;
	s22 =	sadd.s32 s22, s1  }
0x1c: {  	v0 =	vimm.f32 $0.0e+00;
	s26 =	simm.s32 $0x16080;
	s1 =	simm.s32 $0x0;
	s19 =	sadd.s32 s3, s6  }
.LBB2_1:
0x1d: {  	s0 =	rddreg [dreg:$0x2]  }
0x1e: {  	[tilespmem:s2], [sflag:$0x3] =	stream.linear.gather [hbm4b:s0+s2], $0x9C40, $0x38;
	[tilespmem:$0x1D700] =	vst v63  }
0x1f: {  	_ =	swait.ge [sflag:s24], $0x9C40  }
0x20: {  	[sflag:s24] =	ssyncset.done $0x0  }
0x21: {  	s0 =	simm.s32 $0x9CC0;
	[sflag:s24] =	ssyncadd.s32 $0xFFFF63C0  }
0x22: {  	[tilespmem:s0+$0xFFFFFFC0] =	vst v0  }
0x23: {  	[tilespmem:s0+$0x30] =	vst v0  }
0x24: {  	[tilespmem:s0+$0x20] =	vst v0  }
0x25: {  	[tilespmem:s0+$0x10] =	vst v0  }
0x26: {  	[tilespmem:s0+$0x0] =	vst v0  }
0x27: {  	[tilespmem:s0+$0xFFFFFFF0] =	vst v0  }
0x28: {  	s5 =	simm.s32 $0x0;
	[tilespmem:s0+$0xFFFFFFE0] =	vst v0  }
.LBB2_2:
0x29: {  	s5 =	sadd.s32 $0x8, s5;
	[tilespmem:s0+$0xFFFFFFD0] =	vst v0;
	s0 =	sadd.s32 $0x80, s0  }
0x2a: {  	[tilespmem:s0+$0xFFFFFFC0] =	vst v0;
	p0 =	slt.u32 s5, $0x9B8  }
0x2b: {  	[tilespmem:s0+$0x30] =	vst v0  }
.Ltmp0:
0x2c: {  	[tilespmem:s0+$0x20] =	vst v0;
	(pc) =	sbr.rel @p0 .LBB2_2-.Ltmp0, $4  }
0x2d: {  	[tilespmem:s0+$0x10] =	vst v0  }
0x2e: {  	[tilespmem:s0+$0x0] =	vst v0  }
0x2f: {  	[tilespmem:s0+$0xFFFFFFF0] =	vst v0  }
0x30: {  	[tilespmem:s0+$0xFFFFFFE0] =	vst v0  }
0x31: {  	[tilespmem:s0+$0xFFFFFFD0] =	vst v0;
	s0 =	simm.s32 $0x0  }
.LBB2_4:
0x32: {  	p0 =	sne.s32 s0, $0xC0  }
.Ltmp1:
0x33: {  	_ = 	snop;
	(pc) =	sbr.rel @p0 .LBB2_4-.Ltmp1, $3  }
0x34: {  	_ =	sdelay $0x1  }
0x35: {  	s5 =	sshra.s32 s0, $0x2  }
0x36: {  	s0 =	sadd.s32 $0x40, s0;
	[tilespmem:s5+$0x13880] =	vst v0  }
0x37: {  	s0 =	simm.s32 $0x0;
	s5 =	rddreg [dreg:$0x3]  }
0x38: {  	[tilespmem:s25], [sflag:$0x1] =	stream.linear.gather [hbm4b:s5+s0], $0x2710, $0x38;
	[tilespmem:$0x1D700] =	vst v63  }
0x39: {  	s11 =	rddreg [dreg:$0x4];
	s5 =	simm.s32 $0x0  }
0x3a: {  	[tilespmem:s26], [sflag:$0x1] =	stream.linear.gather [hbm4b:s11+s0], $0x2710, $0x38;
	[tilespmem:$0x1D700] =	vst v63  }
.LBB2_7:
0x3b: {  	s6 =	smul.u32 $0x4E20, s5;
	_ =	sdelay $0x1  }
0x3c: {  	s7 =	sadd.s32 s6, s8  }
0x3d: {  	s10 =	sshrl.u32 s7, $0x3;
	s7 =	sadd.s32 $0x4E200, s7  }
0x3e: {  	s10 =	sadd.s32 s3, s10;
	s7 =	sshrl.u32 s7, $0x3  }
0x3f: {  	[tilespmem:s28], [sflag:$0x2] =	stream.linear.gather [hbm4b:s10+s0], $0x2710, $0x38;
	[tilespmem:$0x1D700] =	vst v63  }
0x40: {  	s7 =	sadd.s32 s3, s7  }
0x41: {  	[tilespmem:s29], [sflag:$0x2] =	stream.linear.gather [hbm4b:s7+s0], $0x2710, $0x38;
	[tilespmem:$0x1D700] =	vst v63  }
0x42: {  	_ =	swait.ge [sflag:s4], $0x2710  }
0x43: {  	[sflag:s4] =	ssyncset.done $0x0  }
0x44: {  	[sflag:s4] =	ssyncadd.s32 $0xFFFFD8F0  }
0x45: {  	_ =	swait.ge [sflag:s4], $0x2710  }
0x46: {  	[sflag:s4] =	ssyncset.done $0x0  }
0x47: {  	s11 =	simm.s32 $0x0;
	[sflag:s4] =	ssyncadd.s32 $0xFFFFD8F0  }
0x48: {  	v6 =	vld [tilespmem:s11+$0x13900];
	_ =	sdelay $0x4  }
0x49: {  	v1 =	vld [tilespmem:s11+$0x16080];
	_ =	sdelay $0x2  }
0x4a: {  	s10 =	simm.s32 $0x10;
	v3 =	vld.idx.msk [tilespmem:v6+s2+$0x0], $0xffff  }
0x4b: {  	v4 =	vld [tilespmem:s10+$0x13900];
	v5 =	vadd.s32 $0x2710, v6;
	_ =	sdelay $0x2  }
0x4c: {  	v2 =	vld [tilespmem:s10+$0x16080]  }
0x4d: {  	[tilespmem:v1+s30+$0x0] =	vst.idx.add.f32.msk $0xffff, v3  }
0x4e: {  	v8 =	vadd.s32 $0x2710, v1;
	v7 =	vld.idx.msk [tilespmem:v5+s2+$0x0], $0xffff  }
0x4f: {  	s11 =	simm.s32 $0x20;
	v9 =	vadd.s32 $0x4E20, v6  }
0x50: {  	v5 =	vld [tilespmem:s11+$0x13900]  }
0x51: {  	s10 =	simm.s32 $0x30;
	v10 =	vld.idx.msk [tilespmem:v4+s2+$0x0], $0xffff  }
0x52: {  	v11 =	vadd.s32 $0x2710, v4;
	v12 =	vadd.s32 $0x7530, v6;
	v6 =	vld [tilespmem:s10+$0x13900]  }
0x53: {  	[tilespmem:v8+s30+$0x0] =	vst.idx.add.f32.msk $0xffff, v7  }
0x54: {  	v7 =	vld.idx.msk [tilespmem:v9+s2+$0x0], $0xffff;
	v9 =	vadd.s32 $0x4E20, v1  }
0x55: {  	v3 =	vld [tilespmem:s11+$0x16080]  }
0x56: {  	[tilespmem:v2+s30+$0x0] =	vst.idx.add.f32.msk $0xffff, v10  }
0x57: {  	v8 =	vld.idx.msk [tilespmem:v11+s2+$0x0], $0xffff  }
0x58: {  	v10 =	vadd.s32 $0x2710, v2;
	v11 =	vld.idx.msk [tilespmem:v5+s2+$0x0], $0xffff  }
0x59: {  	[tilespmem:v9+s30+$0x0] =	vst.idx.add.f32.msk $0xffff, v7;
	v9 =	vadd.s32 $0x4E20, v4  }
0x5a: {  	v7 =	vld.idx.msk [tilespmem:v12+s2+$0x0], $0xffff;
	v12 =	vmov v3  }
0x5b: {  	s7 =	simm.s32 $0x100;
	v13 =	vadd.s32 $0x2710, v5  }
.LBB2_8:
0x5c: {  	p0 =	sne.s32 s7, $0x9C00;
	v14 =	vadd.s32 $0x7530, v1;
	v1 =	vmov v2;
	v2 =	vmov v3;
	v3 =	vld [tilespmem:s10+$0x16080]  }
0x5d: {  	[tilespmem:v10+s30+$0x0] =	vst.idx.add.f32.msk $0xffff, v8;
	v15 =	vmov v6  }
0x5e: {  	v16 =	vld.idx.msk [tilespmem:v9+s2+$0x0], $0xffff  }
0x5f: {  	v17 =	vadd.s32 $0x4E20, v1;
	[tilespmem:v12+s30+$0x0] =	vst.idx.add.f32.msk $0xffff, v11  }
0x60: {  	v18 =	vadd.s32 $0x7530, v4;
	v4 =	vmov v5;
	v5 =	vmov v6;
	v8 =	vld.idx.msk [tilespmem:v13+s2+$0x0], $0xffff  }
.Ltmp2:
0x61: {  	s10 =	sshra.s32 s7, $0x2;
	[tilespmem:v14+s30+$0x0] =	vst.idx.add.f32.msk $0xffff, v7;
	v12 =	vmov v3;
	(pc) =	sbr.rel @p0 .LBB2_8-.Ltmp2, $4  }
0x62: {  	v10 =	vadd.s32 $0x2710, v2;
	v6 =	vld [tilespmem:s10+$0x13900]  }
0x63: {  	v9 =	vadd.s32 $0x4E20, v4;
	v11 =	vld.idx.msk [tilespmem:v15+s2+$0x0], $0xffff  }
0x64: {  	[tilespmem:v17+s30+$0x0] =	vst.idx.add.f32.msk $0xffff, v16  }
0x65: {  	s7 =	sadd.s32 $0x40, s7;
	v13 =	vadd.s32 $0x2710, v5;
	v7 =	vld.idx.msk [tilespmem:v18+s2+$0x0], $0xffff  }
0x66: {  	_ =	sdelay $0x1  }
0x67: {  	v14 =	vld [tilespmem:s10+$0x16080];
	_ =	sdelay $0x2  }
0x68: {  	v15 =	vld.idx.msk [tilespmem:v6+s2+$0x0], $0xffff  }
0x69: {  	v16 =	vadd.s32 $0x2710, v6;
	_ =	sdelay $0x1  }
0x6a: {  	[tilespmem:v12+s30+$0x0] =	vst.idx.add.f32.msk $0xffff, v11  }
0x6b: {  	v12 =	vadd.s32 $0x2710, v3;
	v11 =	vld.idx.msk [tilespmem:v13+s2+$0x0], $0xffff  }
0x6c: {  	v13 =	vadd.s32 $0x4E20, v5;
	[tilespmem:v14+s30+$0x0] =	vst.idx.add.f32.msk $0xffff, v15  }
0x6d: {  	v63 =	vadd.s32 $0x2710, v14;
	v15 =	vld.idx.msk [tilespmem:v16+s2+$0x0], $0xffff  }
0x6e: {  	[tilespmem:v10+s30+$0x0] =	vst.idx.add.f32.msk $0xffff, v8;
	v8 =	vadd.s32 $0x4E20, v6  }
0x6f: {  	v10 =	vadd.s32 $0x4E20, v2;
	v9 =	vld.idx.msk [tilespmem:v9+s2+$0x0], $0xffff  }
0x70: {  	v4 =	vadd.s32 $0x7530, v4;
	[tilespmem:v12+s30+$0x0] =	vst.idx.add.f32.msk $0xffff, v11  }
0x71: {  	v12 =	vadd.s32 $0x4E20, v3;
	v11 =	vld.idx.msk [tilespmem:v13+s2+$0x0], $0xffff  }
0x72: {  	v5 =	vadd.s32 $0x7530, v5;
	[tilespmem:v63+s30+$0x0] =	vst.idx.add.f32.msk $0xffff, v15  }
0x73: {  	v13 =	vadd.s32 $0x4E20, v14;
	v8 =	vld.idx.msk [tilespmem:v8+s2+$0x0], $0xffff  }
0x74: {  	v6 =	vadd.s32 $0x7530, v6;
	[tilespmem:v10+s30+$0x0] =	vst.idx.add.f32.msk $0xffff, v9  }
0x75: {  	v4 =	vld.idx.msk [tilespmem:v4+s2+$0x0], $0xffff  }
0x76: {  	v1 =	vadd.s32 $0x7530, v1;
	[tilespmem:v12+s30+$0x0] =	vst.idx.add.f32.msk $0xffff, v11  }
0x77: {  	v2 =	vadd.s32 $0x7530, v2;
	v5 =	vld.idx.msk [tilespmem:v5+s2+$0x0], $0xffff  }
0x78: {  	v3 =	vadd.s32 $0x7530, v3;
	[tilespmem:v13+s30+$0x0] =	vst.idx.add.f32.msk $0xffff, v8  }
0x79: {  	v8 =	vadd.s32 $0x7530, v14;
	v6 =	vld.idx.msk [tilespmem:v6+s2+$0x0], $0xffff;
	_ =	sdelay $0x1  }
0x7a: {  	p0 =	seq.s32 s5, $0x3;
	[tilespmem:v1+s30+$0x0] =	vst.idx.add.f32.msk $0xffff, v7  }
0x7b: {  	s6 =	sadd.s32 @!p0 s6, s9;
	[tilespmem:v2+s30+$0x0] =	vst.idx.add.f32.msk $0xffff, v4  }
0x7c: {  	s10 =	simm.s32 @!p0 $0x0;
	s7 =	sshrl.u32 @!p0 s6, $0x3;
	s6 =	sadd.s32 @!p0 $0x4E200, s6;
	[tilespmem:v3+s30+$0x0] =	vst.idx.add.f32.msk $0xffff, v5  }
0x7d: {  	s11 =	simm.s32 @!p0 $0x13900;
	s7 =	sadd.s32 @!p0 s3, s7;
	s6 =	sshrl.u32 @!p0 s6, $0x3;
	[tilespmem:v8+s30+$0x0] =	vst.idx.add.f32.msk $0xffff, v6  }
0x7e: {  	[tilespmem:s11], [sflag:$0x1] =	stream.linear.gather @!p0 [hbm4b:s7+s10], $0x2710, $0x38;
	[tilespmem:$0x1D700] =	vst v63  }
0x7f: {  	s6 =	sadd.s32 @!p0 s3, s6;
	s7 =	simm.s32 @!p0 $0x16080  }
0x80: {  	[tilespmem:s7], [sflag:$0x1] =	stream.linear.gather @!p0 [hbm4b:s6+s10], $0x2710, $0x38;
	[tilespmem:$0x1D700] =	vst v63  }
0x81: {  	_ =	swait.ge [sflag:s31], $0x2710  }
0x82: {  	[sflag:s31] =	ssyncset.done $0x0  }
0x83: {  	[sflag:s31] =	ssyncadd.s32 $0xFFFFD8F0  }
0x84: {  	_ =	swait.ge [sflag:s31], $0x2710  }
0x85: {  	[sflag:s31] =	ssyncset.done $0x0  }
0x86: {  	s7 =	simm.s32 $0x0;
	[sflag:s31] =	ssyncadd.s32 $0xFFFFD8F0  }
0x87: {  	v6 =	vld [tilespmem:s7+$0x18800];
	_ =	sdelay $0x4  }
0x88: {  	v1 =	vld [tilespmem:s7+$0x1AF80];
	_ =	sdelay $0x2  }
0x89: {  	s10 =	simm.s32 $0x10;
	v3 =	vld.idx.msk [tilespmem:v6+s2+$0x0], $0xffff  }
0x8a: {  	v4 =	vld [tilespmem:s10+$0x18800];
	v5 =	vadd.s32 $0x2710, v6;
	_ =	sdelay $0x2  }
0x8b: {  	v2 =	vld [tilespmem:s10+$0x1AF80]  }
0x8c: {  	[tilespmem:v1+s30+$0x0] =	vst.idx.add.f32.msk $0xffff, v3  }
0x8d: {  	v8 =	vadd.s32 $0x2710, v1;
	v7 =	vld.idx.msk [tilespmem:v5+s2+$0x0], $0xffff  }
0x8e: {  	s11 =	simm.s32 $0x20;
	v9 =	vadd.s32 $0x4E20, v6  }
0x8f: {  	v5 =	vld [tilespmem:s11+$0x18800]  }
0x90: {  	s7 =	simm.s32 $0x30;
	v10 =	vld.idx.msk [tilespmem:v4+s2+$0x0], $0xffff  }
0x91: {  	v11 =	vadd.s32 $0x2710, v4;
	v12 =	vadd.s32 $0x7530, v6;
	v6 =	vld [tilespmem:s7+$0x18800]  }
0x92: {  	[tilespmem:v8+s30+$0x0] =	vst.idx.add.f32.msk $0xffff, v7  }
0x93: {  	v7 =	vld.idx.msk [tilespmem:v9+s2+$0x0], $0xffff;
	v9 =	vadd.s32 $0x4E20, v1  }
0x94: {  	v3 =	vld [tilespmem:s11+$0x1AF80]  }
0x95: {  	[tilespmem:v2+s30+$0x0] =	vst.idx.add.f32.msk $0xffff, v10  }
0x96: {  	v8 =	vld.idx.msk [tilespmem:v11+s2+$0x0], $0xffff  }
0x97: {  	v10 =	vadd.s32 $0x2710, v2;
	v11 =	vld.idx.msk [tilespmem:v5+s2+$0x0], $0xffff  }
0x98: {  	[tilespmem:v9+s30+$0x0] =	vst.idx.add.f32.msk $0xffff, v7;
	v9 =	vadd.s32 $0x4E20, v4  }
0x99: {  	v7 =	vld.idx.msk [tilespmem:v12+s2+$0x0], $0xffff;
	v12 =	vmov v3  }
0x9a: {  	s5 =	sadd.s32 $0x1, s5;
	s6 =	simm.s32 $0x100;
	v13 =	vadd.s32 $0x2710, v5  }
.LBB2_10:
0x9b: {  	p0 =	seq.s32 s6, $0x9C00;
	v14 =	vadd.s32 $0x7530, v1;
	v1 =	vmov v2;
	v2 =	vmov v3;
	v3 =	vld [tilespmem:s7+$0x1AF80]  }
0x9c: {  	[tilespmem:v10+s30+$0x0] =	vst.idx.add.f32.msk $0xffff, v8;
	v15 =	vmov v6  }
0x9d: {  	v16 =	vld.idx.msk [tilespmem:v9+s2+$0x0], $0xffff  }
0x9e: {  	v17 =	vadd.s32 $0x4E20, v1;
	[tilespmem:v12+s30+$0x0] =	vst.idx.add.f32.msk $0xffff, v11  }
0x9f: {  	v18 =	vadd.s32 $0x7530, v4;
	v4 =	vmov v5;
	v5 =	vmov v6;
	v8 =	vld.idx.msk [tilespmem:v13+s2+$0x0], $0xffff  }
.Ltmp3:
0xa0: {  	s7 =	sshra.s32 s6, $0x2;
	[tilespmem:v14+s30+$0x0] =	vst.idx.add.f32.msk $0xffff, v7;
	v12 =	vmov v3;
	(pc) =	sbr.rel @!p0 .LBB2_10-.Ltmp3, $4  }
0xa1: {  	v10 =	vadd.s32 $0x2710, v2;
	v6 =	vld [tilespmem:s7+$0x18800]  }
0xa2: {  	v9 =	vadd.s32 $0x4E20, v4;
	v11 =	vld.idx.msk [tilespmem:v15+s2+$0x0], $0xffff  }
0xa3: {  	[tilespmem:v17+s30+$0x0] =	vst.idx.add.f32.msk $0xffff, v16  }
0xa4: {  	s6 =	sadd.s32 $0x40, s6;
	v13 =	vadd.s32 $0x2710, v5;
	v7 =	vld.idx.msk [tilespmem:v18+s2+$0x0], $0xffff  }
0xa5: {  	_ =	sdelay $0x1  }
0xa6: {  	v14 =	vld [tilespmem:s7+$0x1AF80];
	_ =	sdelay $0x2  }
0xa7: {  	v15 =	vld.idx.msk [tilespmem:v6+s2+$0x0], $0xffff  }
0xa8: {  	v16 =	vadd.s32 $0x2710, v6;
	_ =	sdelay $0x1  }
0xa9: {  	[tilespmem:v12+s30+$0x0] =	vst.idx.add.f32.msk $0xffff, v11  }
0xaa: {  	v54 =	vadd.s32 $0x2710, v3;
	v11 =	vld.idx.msk [tilespmem:v13+s2+$0x0], $0xffff  }
0xab: {  	v55 =	vadd.s32 $0x4E20, v5;
	[tilespmem:v14+s30+$0x0] =	vst.idx.add.f32.msk $0xffff, v15  }
0xac: {  	v56 =	vadd.s32 $0x2710, v14;
	v15 =	vld.idx.msk [tilespmem:v16+s2+$0x0], $0xffff  }
0xad: {  	[tilespmem:v10+s30+$0x0] =	vst.idx.add.f32.msk $0xffff, v8;
	v57 =	vadd.s32 $0x4E20, v6  }
0xae: {  	v58 =	vadd.s32 $0x4E20, v2;
	v9 =	vld.idx.msk [tilespmem:v9+s2+$0x0], $0xffff  }
0xaf: {  	v4 =	vadd.s32 $0x7530, v4;
	[tilespmem:v54+s30+$0x0] =	vst.idx.add.f32.msk $0xffff, v11  }
0xb0: {  	v59 =	vadd.s32 $0x4E20, v3;
	v11 =	vld.idx.msk [tilespmem:v55+s2+$0x0], $0xffff  }
0xb1: {  	v60 =	vadd.s32 $0x7530, v5;
	[tilespmem:v56+s30+$0x0] =	vst.idx.add.f32.msk $0xffff, v15  }
0xb2: {  	v61 =	vadd.s32 $0x4E20, v14;
	v8 =	vld.idx.msk [tilespmem:v57+s2+$0x0], $0xffff  }
0xb3: {  	v62 =	vadd.s32 $0x7530, v6;
	[tilespmem:v58+s30+$0x0] =	vst.idx.add.f32.msk $0xffff, v9  }
0xb4: {  	v4 =	vld.idx.msk [tilespmem:v4+s2+$0x0], $0xffff  }
0xb5: {  	v1 =	vadd.s32 $0x7530, v1;
	[tilespmem:v59+s30+$0x0] =	vst.idx.add.f32.msk $0xffff, v11  }
0xb6: {  	v2 =	vadd.s32 $0x7530, v2;
	v5 =	vld.idx.msk [tilespmem:v60+s2+$0x0], $0xffff  }
0xb7: {  	v3 =	vadd.s32 $0x7530, v3;
	[tilespmem:v61+s30+$0x0] =	vst.idx.add.f32.msk $0xffff, v8  }
0xb8: {  	v63 =	vadd.s32 $0x7530, v14;
	v6 =	vld.idx.msk [tilespmem:v62+s2+$0x0], $0xffff;
	_ =	sdelay $0x1  }
0xb9: {  	[tilespmem:v1+s30+$0x0] =	vst.idx.add.f32.msk $0xffff, v7  }
0xba: {  	[tilespmem:v2+s30+$0x0] =	vst.idx.add.f32.msk $0xffff, v4  }
0xbb: {  	[tilespmem:v3+s30+$0x0] =	vst.idx.add.f32.msk $0xffff, v5  }
0xbc: {  	[tilespmem:v63+s30+$0x0] =	vst.idx.add.f32.msk $0xffff, v6  }
0xbd: {  	p0 =	seq.s32 s5, $0x4  }
.Ltmp4:
0xbe: {  	_ = 	snop;
	(pc) =	sbr.rel @!p0 .LBB2_7-.Ltmp4, $1  }
0xbf: {  	_ =	sdelay $0x3  }
0xc0: {  	s0 =	rddreg [dreg:$0x5]  }
0xc1: {  	[hbm4b:s0+s2] =	stream.linear.scatter [tilespmem:s30], [sflag:$0x3], $0x9C40, $0x38;
	[tilespmem:$0x1D700] =	vst v63  }
0xc2: {  	_ =	swait.ge [sflag:s24], $0x9C40  }
0xc3: {  	[sflag:s24] =	ssyncset.done $0x0  }
0xc4: {  	s11 =	rddreg [dreg:$0x6];
	[sflag:s24] =	ssyncadd.s32 $0xFFFF63C0  }
0xc5: {  	[tilespmem:s2], [sflag:$0x3] =	stream.linear.gather [hbm4b:s11+s2], $0x9C40, $0x38;
	[tilespmem:$0x1D700] =	vst v63  }
0xc6: {  	_ =	swait.ge [sflag:s24], $0x9C40  }
0xc7: {  	[sflag:s24] =	ssyncset.done $0x0  }
0xc8: {  	s0 =	simm.s32 $0x9CC0;
	[sflag:s24] =	ssyncadd.s32 $0xFFFF63C0  }
0xc9: {  	[tilespmem:s0+$0xFFFFFFC0] =	vst v0  }
0xca: {  	[tilespmem:s0+$0x30] =	vst v0  }
0xcb: {  	[tilespmem:s0+$0x20] =	vst v0  }
0xcc: {  	[tilespmem:s0+$0x10] =	vst v0  }
0xcd: {  	[tilespmem:s0+$0x0] =	vst v0  }
0xce: {  	[tilespmem:s0+$0xFFFFFFF0] =	vst v0  }
0xcf: {  	s5 =	simm.s32 $0x0;
	[tilespmem:s0+$0xFFFFFFE0] =	vst v0  }
.LBB2_13:
0xd0: {  	s5 =	sadd.s32 $0x8, s5;
	[tilespmem:s0+$0xFFFFFFD0] =	vst v0;
	s0 =	sadd.s32 $0x80, s0  }
0xd1: {  	[tilespmem:s0+$0xFFFFFFC0] =	vst v0;
	p0 =	slt.u32 s5, $0x9B8  }
0xd2: {  	[tilespmem:s0+$0x30] =	vst v0  }
.Ltmp5:
0xd3: {  	[tilespmem:s0+$0x20] =	vst v0;
	(pc) =	sbr.rel @p0 .LBB2_13-.Ltmp5, $4  }
0xd4: {  	[tilespmem:s0+$0x10] =	vst v0  }
0xd5: {  	[tilespmem:s0+$0x0] =	vst v0  }
0xd6: {  	[tilespmem:s0+$0xFFFFFFF0] =	vst v0  }
0xd7: {  	[tilespmem:s0+$0xFFFFFFE0] =	vst v0  }
0xd8: {  	[tilespmem:s0+$0xFFFFFFD0] =	vst v0;
	s0 =	simm.s32 $0x0  }
.LBB2_15:
0xd9: {  	p0 =	sne.s32 s0, $0xC0  }
.Ltmp6:
0xda: {  	_ = 	snop;
	(pc) =	sbr.rel @p0 .LBB2_15-.Ltmp6, $3  }
0xdb: {  	_ =	sdelay $0x1  }
0xdc: {  	s5 =	sshra.s32 s0, $0x2  }
0xdd: {  	s0 =	sadd.s32 $0x40, s0;
	[tilespmem:s5+$0x13880] =	vst v0  }
0xde: {  	s0 =	simm.s32 $0x0  }
0xdf: {  	[tilespmem:s25], [sflag:$0x1] =	stream.linear.gather [hbm4b:s12+s0], $0x2710, $0x38;
	[tilespmem:$0x1D700] =	vst v63  }
0xe0: {  	s5 =	simm.s32 $0x0  }
0xe1: {  	[tilespmem:s26], [sflag:$0x1] =	stream.linear.gather [hbm4b:s13+s0], $0x2710, $0x38;
	[tilespmem:$0x1D700] =	vst v63  }
.LBB2_18:
0xe2: {  	s6 =	smul.u32 $0x4E20, s5;
	_ =	sdelay $0x1  }
0xe3: {  	s7 =	sadd.s32 s6, s14  }
0xe4: {  	s7 =	sshrl.u32 s7, $0x3  }
0xe5: {  	s7 =	sadd.s32 s3, s7  }
0xe6: {  	[tilespmem:s28], [sflag:$0x2] =	stream.linear.gather [hbm4b:s7+s0], $0x2710, $0x38;
	[tilespmem:$0x1D700] =	vst v63  }
0xe7: {  	s7 =	sadd.s32 $0x9C40, s7  }
0xe8: {  	[tilespmem:s29], [sflag:$0x2] =	stream.linear.gather [hbm4b:s7+s0], $0x2710, $0x38;
	[tilespmem:$0x1D700] =	vst v63  }
0xe9: {  	_ =	swait.ge [sflag:s4], $0x2710  }
0xea: {  	[sflag:s4] =	ssyncset.done $0x0  }
0xeb: {  	[sflag:s4] =	ssyncadd.s32 $0xFFFFD8F0  }
0xec: {  	_ =	swait.ge [sflag:s4], $0x2710  }
0xed: {  	[sflag:s4] =	ssyncset.done $0x0  }
0xee: {  	s11 =	simm.s32 $0x0;
	[sflag:s4] =	ssyncadd.s32 $0xFFFFD8F0  }
0xef: {  	v6 =	vld [tilespmem:s11+$0x13900];
	_ =	sdelay $0x4  }
0xf0: {  	v1 =	vld [tilespmem:s11+$0x16080];
	_ =	sdelay $0x2  }
0xf1: {  	s10 =	simm.s32 $0x10;
	v3 =	vld.idx.msk [tilespmem:v6+s2+$0x0], $0xffff  }
0xf2: {  	v4 =	vld [tilespmem:s10+$0x13900];
	v5 =	vadd.s32 $0x2710, v6;
	_ =	sdelay $0x2  }
0xf3: {  	v2 =	vld [tilespmem:s10+$0x16080]  }
0xf4: {  	[tilespmem:v1+s30+$0x0] =	vst.idx.add.f32.msk $0xffff, v3  }
0xf5: {  	v8 =	vadd.s32 $0x2710, v1;
	v7 =	vld.idx.msk [tilespmem:v5+s2+$0x0], $0xffff  }
0xf6: {  	s11 =	simm.s32 $0x20;
	v9 =	vadd.s32 $0x4E20, v6  }
0xf7: {  	v5 =	vld [tilespmem:s11+$0x13900]  }
0xf8: {  	s10 =	simm.s32 $0x30;
	v10 =	vld.idx.msk [tilespmem:v4+s2+$0x0], $0xffff  }
0xf9: {  	v11 =	vadd.s32 $0x2710, v4;
	v12 =	vadd.s32 $0x7530, v6;
	v6 =	vld [tilespmem:s10+$0x13900]  }
0xfa: {  	[tilespmem:v8+s30+$0x0] =	vst.idx.add.f32.msk $0xffff, v7  }
0xfb: {  	v7 =	vld.idx.msk [tilespmem:v9+s2+$0x0], $0xffff;
	v9 =	vadd.s32 $0x4E20, v1  }
0xfc: {  	v3 =	vld [tilespmem:s11+$0x16080]  }
0xfd: {  	[tilespmem:v2+s30+$0x0] =	vst.idx.add.f32.msk $0xffff, v10  }
0xfe: {  	v8 =	vld.idx.msk [tilespmem:v11+s2+$0x0], $0xffff  }
0xff: {  	v10 =	vadd.s32 $0x2710, v2;
	v11 =	vld.idx.msk [tilespmem:v5+s2+$0x0], $0xffff  }
0x100: {  	[tilespmem:v9+s30+$0x0] =	vst.idx.add.f32.msk $0xffff, v7;
	v9 =	vadd.s32 $0x4E20, v4  }
0x101: {  	v7 =	vld.idx.msk [tilespmem:v12+s2+$0x0], $0xffff;
	v12 =	vmov v3  }
0x102: {  	s7 =	simm.s32 $0x100;
	v13 =	vadd.s32 $0x2710, v5  }
.LBB2_19:
0x103: {  	p0 =	sne.s32 s7, $0x9C00;
	v14 =	vadd.s32 $0x7530, v1;
	v1 =	vmov v2;
	v2 =	vmov v3;
	v3 =	vld [tilespmem:s10+$0x16080]  }
0x104: {  	[tilespmem:v10+s30+$0x0] =	vst.idx.add.f32.msk $0xffff, v8;
	v15 =	vmov v6  }
0x105: {  	v16 =	vld.idx.msk [tilespmem:v9+s2+$0x0], $0xffff  }
0x106: {  	v17 =	vadd.s32 $0x4E20, v1;
	[tilespmem:v12+s30+$0x0] =	vst.idx.add.f32.msk $0xffff, v11  }
0x107: {  	v18 =	vadd.s32 $0x7530, v4;
	v4 =	vmov v5;
	v5 =	vmov v6;
	v8 =	vld.idx.msk [tilespmem:v13+s2+$0x0], $0xffff  }
.Ltmp7:
0x108: {  	s10 =	sshra.s32 s7, $0x2;
	[tilespmem:v14+s30+$0x0] =	vst.idx.add.f32.msk $0xffff, v7;
	v12 =	vmov v3;
	(pc) =	sbr.rel @p0 .LBB2_19-.Ltmp7, $4  }
0x109: {  	v10 =	vadd.s32 $0x2710, v2;
	v6 =	vld [tilespmem:s10+$0x13900]  }
0x10a: {  	v9 =	vadd.s32 $0x4E20, v4;
	v11 =	vld.idx.msk [tilespmem:v15+s2+$0x0], $0xffff  }
0x10b: {  	[tilespmem:v17+s30+$0x0] =	vst.idx.add.f32.msk $0xffff, v16  }
0x10c: {  	s7 =	sadd.s32 $0x40, s7;
	v13 =	vadd.s32 $0x2710, v5;
	v7 =	vld.idx.msk [tilespmem:v18+s2+$0x0], $0xffff  }
0x10d: {  	_ =	sdelay $0x1  }
0x10e: {  	v14 =	vld [tilespmem:s10+$0x16080];
	_ =	sdelay $0x2  }
0x10f: {  	v15 =	vld.idx.msk [tilespmem:v6+s2+$0x0], $0xffff  }
0x110: {  	v16 =	vadd.s32 $0x2710, v6;
	_ =	sdelay $0x1  }
0x111: {  	[tilespmem:v12+s30+$0x0] =	vst.idx.add.f32.msk $0xffff, v11  }
0x112: {  	v12 =	vadd.s32 $0x2710, v3;
	v11 =	vld.idx.msk [tilespmem:v13+s2+$0x0], $0xffff  }
0x113: {  	v13 =	vadd.s32 $0x4E20, v5;
	[tilespmem:v14+s30+$0x0] =	vst.idx.add.f32.msk $0xffff, v15  }
0x114: {  	v63 =	vadd.s32 $0x2710, v14;
	v15 =	vld.idx.msk [tilespmem:v16+s2+$0x0], $0xffff  }
0x115: {  	[tilespmem:v10+s30+$0x0] =	vst.idx.add.f32.msk $0xffff, v8;
	v8 =	vadd.s32 $0x4E20, v6  }
0x116: {  	v10 =	vadd.s32 $0x4E20, v2;
	v9 =	vld.idx.msk [tilespmem:v9+s2+$0x0], $0xffff  }
0x117: {  	v4 =	vadd.s32 $0x7530, v4;
	[tilespmem:v12+s30+$0x0] =	vst.idx.add.f32.msk $0xffff, v11  }
0x118: {  	v12 =	vadd.s32 $0x4E20, v3;
	v11 =	vld.idx.msk [tilespmem:v13+s2+$0x0], $0xffff  }
0x119: {  	v5 =	vadd.s32 $0x7530, v5;
	[tilespmem:v63+s30+$0x0] =	vst.idx.add.f32.msk $0xffff, v15  }
0x11a: {  	v13 =	vadd.s32 $0x4E20, v14;
	v8 =	vld.idx.msk [tilespmem:v8+s2+$0x0], $0xffff  }
0x11b: {  	v6 =	vadd.s32 $0x7530, v6;
	[tilespmem:v10+s30+$0x0] =	vst.idx.add.f32.msk $0xffff, v9  }
0x11c: {  	v4 =	vld.idx.msk [tilespmem:v4+s2+$0x0], $0xffff  }
0x11d: {  	v1 =	vadd.s32 $0x7530, v1;
	[tilespmem:v12+s30+$0x0] =	vst.idx.add.f32.msk $0xffff, v11  }
0x11e: {  	v2 =	vadd.s32 $0x7530, v2;
	v5 =	vld.idx.msk [tilespmem:v5+s2+$0x0], $0xffff  }
0x11f: {  	v3 =	vadd.s32 $0x7530, v3;
	[tilespmem:v13+s30+$0x0] =	vst.idx.add.f32.msk $0xffff, v8  }
0x120: {  	v8 =	vadd.s32 $0x7530, v14;
	v6 =	vld.idx.msk [tilespmem:v6+s2+$0x0], $0xffff;
	_ =	sdelay $0x1  }
0x121: {  	p0 =	seq.s32 s5, $0x3;
	[tilespmem:v1+s30+$0x0] =	vst.idx.add.f32.msk $0xffff, v7  }
0x122: {  	s6 =	sadd.s32 @!p0 s6, s15;
	[tilespmem:v2+s30+$0x0] =	vst.idx.add.f32.msk $0xffff, v4  }
0x123: {  	s6 =	sshrl.u32 @!p0 s6, $0x3;
	[tilespmem:v3+s30+$0x0] =	vst.idx.add.f32.msk $0xffff, v5  }
0x124: {  	s7 =	simm.s32 @!p0 $0x0;
	s10 =	simm.s32 @!p0 $0x13900;
	s6 =	sadd.s32 @!p0 s3, s6;
	[tilespmem:v8+s30+$0x0] =	vst.idx.add.f32.msk $0xffff, v6  }
0x125: {  	[tilespmem:s10], [sflag:$0x1] =	stream.linear.gather @!p0 [hbm4b:s6+s7], $0x2710, $0x38;
	[tilespmem:$0x1D700] =	vst v63  }
0x126: {  	s6 =	sadd.s32 @!p0 $0x9C40, s6;
	s10 =	simm.s32 @!p0 $0x16080  }
0x127: {  	[tilespmem:s10], [sflag:$0x1] =	stream.linear.gather @!p0 [hbm4b:s6+s7], $0x2710, $0x38;
	[tilespmem:$0x1D700] =	vst v63  }
0x128: {  	_ =	swait.ge [sflag:s31], $0x2710  }
0x129: {  	[sflag:s31] =	ssyncset.done $0x0  }
0x12a: {  	[sflag:s31] =	ssyncadd.s32 $0xFFFFD8F0  }
0x12b: {  	_ =	swait.ge [sflag:s31], $0x2710  }
0x12c: {  	[sflag:s31] =	ssyncset.done $0x0  }
0x12d: {  	s7 =	simm.s32 $0x0;
	[sflag:s31] =	ssyncadd.s32 $0xFFFFD8F0  }
0x12e: {  	v6 =	vld [tilespmem:s7+$0x18800];
	_ =	sdelay $0x4  }
0x12f: {  	v1 =	vld [tilespmem:s7+$0x1AF80];
	_ =	sdelay $0x2  }
0x130: {  	s10 =	simm.s32 $0x10;
	v3 =	vld.idx.msk [tilespmem:v6+s2+$0x0], $0xffff  }
0x131: {  	v4 =	vld [tilespmem:s10+$0x18800];
	v5 =	vadd.s32 $0x2710, v6;
	_ =	sdelay $0x2  }
0x132: {  	v2 =	vld [tilespmem:s10+$0x1AF80]  }
0x133: {  	[tilespmem:v1+s30+$0x0] =	vst.idx.add.f32.msk $0xffff, v3  }
0x134: {  	v8 =	vadd.s32 $0x2710, v1;
	v7 =	vld.idx.msk [tilespmem:v5+s2+$0x0], $0xffff  }
0x135: {  	s11 =	simm.s32 $0x20;
	v9 =	vadd.s32 $0x4E20, v6  }
0x136: {  	v5 =	vld [tilespmem:s11+$0x18800]  }
0x137: {  	s7 =	simm.s32 $0x30;
	v10 =	vld.idx.msk [tilespmem:v4+s2+$0x0], $0xffff  }
0x138: {  	v11 =	vadd.s32 $0x2710, v4;
	v12 =	vadd.s32 $0x7530, v6;
	v6 =	vld [tilespmem:s7+$0x18800]  }
0x139: {  	[tilespmem:v8+s30+$0x0] =	vst.idx.add.f32.msk $0xffff, v7  }
0x13a: {  	v7 =	vld.idx.msk [tilespmem:v9+s2+$0x0], $0xffff;
	v9 =	vadd.s32 $0x4E20, v1  }
0x13b: {  	v3 =	vld [tilespmem:s11+$0x1AF80]  }
0x13c: {  	[tilespmem:v2+s30+$0x0] =	vst.idx.add.f32.msk $0xffff, v10  }
0x13d: {  	v8 =	vld.idx.msk [tilespmem:v11+s2+$0x0], $0xffff  }
0x13e: {  	v10 =	vadd.s32 $0x2710, v2;
	v11 =	vld.idx.msk [tilespmem:v5+s2+$0x0], $0xffff  }
0x13f: {  	[tilespmem:v9+s30+$0x0] =	vst.idx.add.f32.msk $0xffff, v7;
	v9 =	vadd.s32 $0x4E20, v4  }
0x140: {  	v7 =	vld.idx.msk [tilespmem:v12+s2+$0x0], $0xffff;
	v12 =	vmov v3  }
0x141: {  	s5 =	sadd.s32 $0x1, s5;
	s6 =	simm.s32 $0x100;
	v13 =	vadd.s32 $0x2710, v5  }
.LBB2_21:
0x142: {  	p0 =	seq.s32 s6, $0x9C00;
	v14 =	vadd.s32 $0x7530, v1;
	v1 =	vmov v2;
	v2 =	vmov v3;
	v3 =	vld [tilespmem:s7+$0x1AF80]  }
0x143: {  	[tilespmem:v10+s30+$0x0] =	vst.idx.add.f32.msk $0xffff, v8;
	v15 =	vmov v6  }
0x144: {  	v16 =	vld.idx.msk [tilespmem:v9+s2+$0x0], $0xffff  }
0x145: {  	v17 =	vadd.s32 $0x4E20, v1;
	[tilespmem:v12+s30+$0x0] =	vst.idx.add.f32.msk $0xffff, v11  }
0x146: {  	v18 =	vadd.s32 $0x7530, v4;
	v4 =	vmov v5;
	v5 =	vmov v6;
	v8 =	vld.idx.msk [tilespmem:v13+s2+$0x0], $0xffff  }
.Ltmp8:
0x147: {  	s7 =	sshra.s32 s6, $0x2;
	[tilespmem:v14+s30+$0x0] =	vst.idx.add.f32.msk $0xffff, v7;
	v12 =	vmov v3;
	(pc) =	sbr.rel @!p0 .LBB2_21-.Ltmp8, $4  }
0x148: {  	v10 =	vadd.s32 $0x2710, v2;
	v6 =	vld [tilespmem:s7+$0x18800]  }
0x149: {  	v9 =	vadd.s32 $0x4E20, v4;
	v11 =	vld.idx.msk [tilespmem:v15+s2+$0x0], $0xffff  }
0x14a: {  	[tilespmem:v17+s30+$0x0] =	vst.idx.add.f32.msk $0xffff, v16  }
0x14b: {  	s6 =	sadd.s32 $0x40, s6;
	v13 =	vadd.s32 $0x2710, v5;
	v7 =	vld.idx.msk [tilespmem:v18+s2+$0x0], $0xffff  }
0x14c: {  	_ =	sdelay $0x1  }
0x14d: {  	v14 =	vld [tilespmem:s7+$0x1AF80];
	_ =	sdelay $0x2  }
0x14e: {  	v15 =	vld.idx.msk [tilespmem:v6+s2+$0x0], $0xffff  }
0x14f: {  	v16 =	vadd.s32 $0x2710, v6;
	_ =	sdelay $0x1  }
0x150: {  	[tilespmem:v12+s30+$0x0] =	vst.idx.add.f32.msk $0xffff, v11  }
0x151: {  	v54 =	vadd.s32 $0x2710, v3;
	v11 =	vld.idx.msk [tilespmem:v13+s2+$0x0], $0xffff  }
0x152: {  	v55 =	vadd.s32 $0x4E20, v5;
	[tilespmem:v14+s30+$0x0] =	vst.idx.add.f32.msk $0xffff, v15  }
0x153: {  	v56 =	vadd.s32 $0x2710, v14;
	v15 =	vld.idx.msk [tilespmem:v16+s2+$0x0], $0xffff  }
0x154: {  	[tilespmem:v10+s30+$0x0] =	vst.idx.add.f32.msk $0xffff, v8;
	v57 =	vadd.s32 $0x4E20, v6  }
0x155: {  	v58 =	vadd.s32 $0x4E20, v2;
	v9 =	vld.idx.msk [tilespmem:v9+s2+$0x0], $0xffff  }
0x156: {  	v4 =	vadd.s32 $0x7530, v4;
	[tilespmem:v54+s30+$0x0] =	vst.idx.add.f32.msk $0xffff, v11  }
0x157: {  	v59 =	vadd.s32 $0x4E20, v3;
	v11 =	vld.idx.msk [tilespmem:v55+s2+$0x0], $0xffff  }
0x158: {  	v60 =	vadd.s32 $0x7530, v5;
	[tilespmem:v56+s30+$0x0] =	vst.idx.add.f32.msk $0xffff, v15  }
0x159: {  	v61 =	vadd.s32 $0x4E20, v14;
	v8 =	vld.idx.msk [tilespmem:v57+s2+$0x0], $0xffff  }
0x15a: {  	v62 =	vadd.s32 $0x7530, v6;
	[tilespmem:v58+s30+$0x0] =	vst.idx.add.f32.msk $0xffff, v9  }
0x15b: {  	v4 =	vld.idx.msk [tilespmem:v4+s2+$0x0], $0xffff  }
0x15c: {  	v1 =	vadd.s32 $0x7530, v1;
	[tilespmem:v59+s30+$0x0] =	vst.idx.add.f32.msk $0xffff, v11  }
0x15d: {  	v2 =	vadd.s32 $0x7530, v2;
	v5 =	vld.idx.msk [tilespmem:v60+s2+$0x0], $0xffff  }
0x15e: {  	v3 =	vadd.s32 $0x7530, v3;
	[tilespmem:v61+s30+$0x0] =	vst.idx.add.f32.msk $0xffff, v8  }
0x15f: {  	v63 =	vadd.s32 $0x7530, v14;
	v6 =	vld.idx.msk [tilespmem:v62+s2+$0x0], $0xffff;
	_ =	sdelay $0x1  }
0x160: {  	[tilespmem:v1+s30+$0x0] =	vst.idx.add.f32.msk $0xffff, v7  }
0x161: {  	[tilespmem:v2+s30+$0x0] =	vst.idx.add.f32.msk $0xffff, v4  }
0x162: {  	[tilespmem:v3+s30+$0x0] =	vst.idx.add.f32.msk $0xffff, v5  }
0x163: {  	[tilespmem:v63+s30+$0x0] =	vst.idx.add.f32.msk $0xffff, v6  }
0x164: {  	p0 =	seq.s32 s5, $0x4  }
.Ltmp9:
0x165: {  	_ = 	snop;
	(pc) =	sbr.rel @!p0 .LBB2_18-.Ltmp9, $1  }
0x166: {  	_ =	sdelay $0x3  }
0x167: {  	[hbm4b:s17+s2] =	stream.linear.scatter [tilespmem:s30], [sflag:$0x3], $0x9C40, $0x38;
	[tilespmem:$0x1D700] =	vst v63  }
0x168: {  	_ =	swait.ge [sflag:s24], $0x9C40  }
0x169: {  	[sflag:s24] =	ssyncset.done $0x0  }
0x16a: {  	[sflag:s24] =	ssyncadd.s32 $0xFFFF63C0  }
0x16b: {  	[tilespmem:s2], [sflag:$0x3] =	stream.linear.gather [hbm4b:s16+s2], $0x9C40, $0x38;
	[tilespmem:$0x1D700] =	vst v63  }
0x16c: {  	_ =	swait.ge [sflag:s24], $0x9C40  }
0x16d: {  	[sflag:s24] =	ssyncset.done $0x0  }
0x16e: {  	s0 =	simm.s32 $0x9CC0;
	[sflag:s24] =	ssyncadd.s32 $0xFFFF63C0  }
0x16f: {  	[tilespmem:s0+$0xFFFFFFC0] =	vst v0  }
0x170: {  	[tilespmem:s0+$0x30] =	vst v0  }
0x171: {  	[tilespmem:s0+$0x20] =	vst v0  }
0x172: {  	[tilespmem:s0+$0x10] =	vst v0  }
0x173: {  	[tilespmem:s0+$0x0] =	vst v0  }
0x174: {  	[tilespmem:s0+$0xFFFFFFF0] =	vst v0  }
0x175: {  	s5 =	simm.s32 $0x0;
	[tilespmem:s0+$0xFFFFFFE0] =	vst v0  }
.LBB2_24:
0x176: {  	s5 =	sadd.s32 $0x8, s5;
	[tilespmem:s0+$0xFFFFFFD0] =	vst v0;
	s0 =	sadd.s32 $0x80, s0  }
0x177: {  	[tilespmem:s0+$0xFFFFFFC0] =	vst v0;
	p0 =	slt.u32 s5, $0x9B8  }
0x178: {  	[tilespmem:s0+$0x30] =	vst v0  }
.Ltmp10:
0x179: {  	[tilespmem:s0+$0x20] =	vst v0;
	(pc) =	sbr.rel @p0 .LBB2_24-.Ltmp10, $4  }
0x17a: {  	[tilespmem:s0+$0x10] =	vst v0  }
0x17b: {  	[tilespmem:s0+$0x0] =	vst v0  }
0x17c: {  	[tilespmem:s0+$0xFFFFFFF0] =	vst v0  }
0x17d: {  	[tilespmem:s0+$0xFFFFFFE0] =	vst v0  }
0x17e: {  	[tilespmem:s0+$0xFFFFFFD0] =	vst v0;
	s0 =	simm.s32 $0x0  }
.LBB2_26:
0x17f: {  	p0 =	sne.s32 s0, $0xC0  }
.Ltmp11:
0x180: {  	_ = 	snop;
	(pc) =	sbr.rel @p0 .LBB2_26-.Ltmp11, $3  }
0x181: {  	_ =	sdelay $0x1  }
0x182: {  	s5 =	sshra.s32 s0, $0x2  }
0x183: {  	s0 =	sadd.s32 $0x40, s0;
	[tilespmem:s5+$0x13880] =	vst v0  }
0x184: {  	s0 =	simm.s32 $0x0  }
0x185: {  	[tilespmem:s25], [sflag:$0x1] =	stream.linear.gather [hbm4b:s18+s0], $0x2710, $0x38;
	[tilespmem:$0x1D700] =	vst v63  }
0x186: {  	s5 =	simm.s32 $0x0  }
0x187: {  	[tilespmem:s26], [sflag:$0x1] =	stream.linear.gather [hbm4b:s19+s0], $0x2710, $0x38;
	[tilespmem:$0x1D700] =	vst v63  }
.LBB2_29:
0x188: {  	s6 =	smul.u32 $0x4E20, s5;
	_ =	sdelay $0x1  }
0x189: {  	s7 =	sadd.s32 s6, s20  }
0x18a: {  	s7 =	sshrl.u32 s7, $0x3  }
0x18b: {  	s7 =	sadd.s32 s3, s7  }
0x18c: {  	[tilespmem:s28], [sflag:$0x2] =	stream.linear.gather [hbm4b:s7+s0], $0x2710, $0x38;
	[tilespmem:$0x1D700] =	vst v63  }
0x18d: {  	s7 =	sadd.s32 $0x9C40, s7  }
0x18e: {  	[tilespmem:s29], [sflag:$0x2] =	stream.linear.gather [hbm4b:s7+s0], $0x2710, $0x38;
	[tilespmem:$0x1D700] =	vst v63  }
0x18f: {  	_ =	swait.ge [sflag:s4], $0x2710  }
0x190: {  	[sflag:s4] =	ssyncset.done $0x0  }
0x191: {  	[sflag:s4] =	ssyncadd.s32 $0xFFFFD8F0  }
0x192: {  	_ =	swait.ge [sflag:s4], $0x2710  }
0x193: {  	[sflag:s4] =	ssyncset.done $0x0  }
0x194: {  	s11 =	simm.s32 $0x0;
	[sflag:s4] =	ssyncadd.s32 $0xFFFFD8F0  }
0x195: {  	v6 =	vld [tilespmem:s11+$0x13900];
	_ =	sdelay $0x4  }
0x196: {  	v1 =	vld [tilespmem:s11+$0x16080];
	_ =	sdelay $0x2  }
0x197: {  	s10 =	simm.s32 $0x10;
	v3 =	vld.idx.msk [tilespmem:v6+s2+$0x0], $0xffff  }
0x198: {  	v4 =	vld [tilespmem:s10+$0x13900];
	v5 =	vadd.s32 $0x2710, v6;
	_ =	sdelay $0x2  }
0x199: {  	v2 =	vld [tilespmem:s10+$0x16080]  }
0x19a: {  	[tilespmem:v1+s30+$0x0] =	vst.idx.add.f32.msk $0xffff, v3  }
0x19b: {  	v8 =	vadd.s32 $0x2710, v1;
	v7 =	vld.idx.msk [tilespmem:v5+s2+$0x0], $0xffff  }
0x19c: {  	s11 =	simm.s32 $0x20;
	v9 =	vadd.s32 $0x4E20, v6  }
0x19d: {  	v5 =	vld [tilespmem:s11+$0x13900]  }
0x19e: {  	s10 =	simm.s32 $0x30;
	v10 =	vld.idx.msk [tilespmem:v4+s2+$0x0], $0xffff  }
0x19f: {  	v11 =	vadd.s32 $0x2710, v4;
	v12 =	vadd.s32 $0x7530, v6;
	v6 =	vld [tilespmem:s10+$0x13900]  }
0x1a0: {  	[tilespmem:v8+s30+$0x0] =	vst.idx.add.f32.msk $0xffff, v7  }
0x1a1: {  	v7 =	vld.idx.msk [tilespmem:v9+s2+$0x0], $0xffff;
	v9 =	vadd.s32 $0x4E20, v1  }
0x1a2: {  	v3 =	vld [tilespmem:s11+$0x16080]  }
0x1a3: {  	[tilespmem:v2+s30+$0x0] =	vst.idx.add.f32.msk $0xffff, v10  }
0x1a4: {  	v8 =	vld.idx.msk [tilespmem:v11+s2+$0x0], $0xffff  }
0x1a5: {  	v10 =	vadd.s32 $0x2710, v2;
	v11 =	vld.idx.msk [tilespmem:v5+s2+$0x0], $0xffff  }
0x1a6: {  	[tilespmem:v9+s30+$0x0] =	vst.idx.add.f32.msk $0xffff, v7;
	v9 =	vadd.s32 $0x4E20, v4  }
0x1a7: {  	v7 =	vld.idx.msk [tilespmem:v12+s2+$0x0], $0xffff;
	v12 =	vmov v3  }
0x1a8: {  	s7 =	simm.s32 $0x100;
	v13 =	vadd.s32 $0x2710, v5  }
.LBB2_30:
0x1a9: {  	p0 =	sne.s32 s7, $0x9C00;
	v14 =	vadd.s32 $0x7530, v1;
	v1 =	vmov v2;
	v2 =	vmov v3;
	v3 =	vld [tilespmem:s10+$0x16080]  }
0x1aa: {  	[tilespmem:v10+s30+$0x0] =	vst.idx.add.f32.msk $0xffff, v8;
	v15 =	vmov v6  }
0x1ab: {  	v16 =	vld.idx.msk [tilespmem:v9+s2+$0x0], $0xffff  }
0x1ac: {  	v17 =	vadd.s32 $0x4E20, v1;
	[tilespmem:v12+s30+$0x0] =	vst.idx.add.f32.msk $0xffff, v11  }
0x1ad: {  	v18 =	vadd.s32 $0x7530, v4;
	v4 =	vmov v5;
	v5 =	vmov v6;
	v8 =	vld.idx.msk [tilespmem:v13+s2+$0x0], $0xffff  }
.Ltmp12:
0x1ae: {  	s10 =	sshra.s32 s7, $0x2;
	[tilespmem:v14+s30+$0x0] =	vst.idx.add.f32.msk $0xffff, v7;
	v12 =	vmov v3;
	(pc) =	sbr.rel @p0 .LBB2_30-.Ltmp12, $4  }
0x1af: {  	v10 =	vadd.s32 $0x2710, v2;
	v6 =	vld [tilespmem:s10+$0x13900]  }
0x1b0: {  	v9 =	vadd.s32 $0x4E20, v4;
	v11 =	vld.idx.msk [tilespmem:v15+s2+$0x0], $0xffff  }
0x1b1: {  	[tilespmem:v17+s30+$0x0] =	vst.idx.add.f32.msk $0xffff, v16  }
0x1b2: {  	s7 =	sadd.s32 $0x40, s7;
	v13 =	vadd.s32 $0x2710, v5;
	v7 =	vld.idx.msk [tilespmem:v18+s2+$0x0], $0xffff  }
0x1b3: {  	_ =	sdelay $0x1  }
0x1b4: {  	v14 =	vld [tilespmem:s10+$0x16080];
	_ =	sdelay $0x2  }
0x1b5: {  	v15 =	vld.idx.msk [tilespmem:v6+s2+$0x0], $0xffff  }
0x1b6: {  	v16 =	vadd.s32 $0x2710, v6;
	_ =	sdelay $0x1  }
0x1b7: {  	[tilespmem:v12+s30+$0x0] =	vst.idx.add.f32.msk $0xffff, v11  }
0x1b8: {  	v12 =	vadd.s32 $0x2710, v3;
	v11 =	vld.idx.msk [tilespmem:v13+s2+$0x0], $0xffff  }
0x1b9: {  	v13 =	vadd.s32 $0x4E20, v5;
	[tilespmem:v14+s30+$0x0] =	vst.idx.add.f32.msk $0xffff, v15  }
0x1ba: {  	v63 =	vadd.s32 $0x2710, v14;
	v15 =	vld.idx.msk [tilespmem:v16+s2+$0x0], $0xffff  }
0x1bb: {  	[tilespmem:v10+s30+$0x0] =	vst.idx.add.f32.msk $0xffff, v8;
	v8 =	vadd.s32 $0x4E20, v6  }
0x1bc: {  	v10 =	vadd.s32 $0x4E20, v2;
	v9 =	vld.idx.msk [tilespmem:v9+s2+$0x0], $0xffff  }
0x1bd: {  	v4 =	vadd.s32 $0x7530, v4;
	[tilespmem:v12+s30+$0x0] =	vst.idx.add.f32.msk $0xffff, v11  }
0x1be: {  	v12 =	vadd.s32 $0x4E20, v3;
	v11 =	vld.idx.msk [tilespmem:v13+s2+$0x0], $0xffff  }
0x1bf: {  	v5 =	vadd.s32 $0x7530, v5;
	[tilespmem:v63+s30+$0x0] =	vst.idx.add.f32.msk $0xffff, v15  }
0x1c0: {  	v13 =	vadd.s32 $0x4E20, v14;
	v8 =	vld.idx.msk [tilespmem:v8+s2+$0x0], $0xffff  }
0x1c1: {  	v6 =	vadd.s32 $0x7530, v6;
	[tilespmem:v10+s30+$0x0] =	vst.idx.add.f32.msk $0xffff, v9  }
0x1c2: {  	v4 =	vld.idx.msk [tilespmem:v4+s2+$0x0], $0xffff  }
0x1c3: {  	v1 =	vadd.s32 $0x7530, v1;
	[tilespmem:v12+s30+$0x0] =	vst.idx.add.f32.msk $0xffff, v11  }
0x1c4: {  	v2 =	vadd.s32 $0x7530, v2;
	v5 =	vld.idx.msk [tilespmem:v5+s2+$0x0], $0xffff  }
0x1c5: {  	v3 =	vadd.s32 $0x7530, v3;
	[tilespmem:v13+s30+$0x0] =	vst.idx.add.f32.msk $0xffff, v8  }
0x1c6: {  	v8 =	vadd.s32 $0x7530, v14;
	v6 =	vld.idx.msk [tilespmem:v6+s2+$0x0], $0xffff;
	_ =	sdelay $0x1  }
0x1c7: {  	p0 =	seq.s32 s5, $0x3;
	[tilespmem:v1+s30+$0x0] =	vst.idx.add.f32.msk $0xffff, v7  }
0x1c8: {  	s6 =	sadd.s32 @!p0 s6, s21;
	[tilespmem:v2+s30+$0x0] =	vst.idx.add.f32.msk $0xffff, v4  }
0x1c9: {  	s6 =	sshrl.u32 @!p0 s6, $0x3;
	[tilespmem:v3+s30+$0x0] =	vst.idx.add.f32.msk $0xffff, v5  }
0x1ca: {  	s7 =	simm.s32 @!p0 $0x0;
	s10 =	simm.s32 @!p0 $0x13900;
	s6 =	sadd.s32 @!p0 s3, s6;
	[tilespmem:v8+s30+$0x0] =	vst.idx.add.f32.msk $0xffff, v6  }
0x1cb: {  	[tilespmem:s10], [sflag:$0x1] =	stream.linear.gather @!p0 [hbm4b:s6+s7], $0x2710, $0x38;
	[tilespmem:$0x1D700] =	vst v63  }
0x1cc: {  	s6 =	sadd.s32 @!p0 $0x9C40, s6;
	s10 =	simm.s32 @!p0 $0x16080  }
0x1cd: {  	[tilespmem:s10], [sflag:$0x1] =	stream.linear.gather @!p0 [hbm4b:s6+s7], $0x2710, $0x38;
	[tilespmem:$0x1D700] =	vst v63  }
0x1ce: {  	_ =	swait.ge [sflag:s31], $0x2710  }
0x1cf: {  	[sflag:s31] =	ssyncset.done $0x0  }
0x1d0: {  	[sflag:s31] =	ssyncadd.s32 $0xFFFFD8F0  }
0x1d1: {  	_ =	swait.ge [sflag:s31], $0x2710  }
0x1d2: {  	[sflag:s31] =	ssyncset.done $0x0  }
0x1d3: {  	s7 =	simm.s32 $0x0;
	[sflag:s31] =	ssyncadd.s32 $0xFFFFD8F0  }
0x1d4: {  	v6 =	vld [tilespmem:s7+$0x18800];
	_ =	sdelay $0x4  }
0x1d5: {  	v1 =	vld [tilespmem:s7+$0x1AF80];
	_ =	sdelay $0x2  }
0x1d6: {  	s10 =	simm.s32 $0x10;
	v3 =	vld.idx.msk [tilespmem:v6+s2+$0x0], $0xffff  }
0x1d7: {  	v4 =	vld [tilespmem:s10+$0x18800];
	v5 =	vadd.s32 $0x2710, v6;
	_ =	sdelay $0x2  }
0x1d8: {  	v2 =	vld [tilespmem:s10+$0x1AF80]  }
0x1d9: {  	[tilespmem:v1+s30+$0x0] =	vst.idx.add.f32.msk $0xffff, v3  }
0x1da: {  	v8 =	vadd.s32 $0x2710, v1;
	v7 =	vld.idx.msk [tilespmem:v5+s2+$0x0], $0xffff  }
0x1db: {  	s11 =	simm.s32 $0x20;
	v9 =	vadd.s32 $0x4E20, v6  }
0x1dc: {  	v5 =	vld [tilespmem:s11+$0x18800]  }
0x1dd: {  	s7 =	simm.s32 $0x30;
	v10 =	vld.idx.msk [tilespmem:v4+s2+$0x0], $0xffff  }
0x1de: {  	v11 =	vadd.s32 $0x2710, v4;
	v12 =	vadd.s32 $0x7530, v6;
	v6 =	vld [tilespmem:s7+$0x18800]  }
0x1df: {  	[tilespmem:v8+s30+$0x0] =	vst.idx.add.f32.msk $0xffff, v7  }
0x1e0: {  	v7 =	vld.idx.msk [tilespmem:v9+s2+$0x0], $0xffff;
	v9 =	vadd.s32 $0x4E20, v1  }
0x1e1: {  	v3 =	vld [tilespmem:s11+$0x1AF80]  }
0x1e2: {  	[tilespmem:v2+s30+$0x0] =	vst.idx.add.f32.msk $0xffff, v10  }
0x1e3: {  	v8 =	vld.idx.msk [tilespmem:v11+s2+$0x0], $0xffff  }
0x1e4: {  	v10 =	vadd.s32 $0x2710, v2;
	v11 =	vld.idx.msk [tilespmem:v5+s2+$0x0], $0xffff  }
0x1e5: {  	[tilespmem:v9+s30+$0x0] =	vst.idx.add.f32.msk $0xffff, v7;
	v9 =	vadd.s32 $0x4E20, v4  }
0x1e6: {  	v7 =	vld.idx.msk [tilespmem:v12+s2+$0x0], $0xffff;
	v12 =	vmov v3  }
0x1e7: {  	s5 =	sadd.s32 $0x1, s5;
	s6 =	simm.s32 $0x100;
	v13 =	vadd.s32 $0x2710, v5  }
.LBB2_32:
0x1e8: {  	p0 =	seq.s32 s6, $0x9C00;
	v14 =	vadd.s32 $0x7530, v1;
	v1 =	vmov v2;
	v2 =	vmov v3;
	v3 =	vld [tilespmem:s7+$0x1AF80]  }
0x1e9: {  	[tilespmem:v10+s30+$0x0] =	vst.idx.add.f32.msk $0xffff, v8;
	v15 =	vmov v6  }
0x1ea: {  	v16 =	vld.idx.msk [tilespmem:v9+s2+$0x0], $0xffff  }
0x1eb: {  	v17 =	vadd.s32 $0x4E20, v1;
	[tilespmem:v12+s30+$0x0] =	vst.idx.add.f32.msk $0xffff, v11  }
0x1ec: {  	v18 =	vadd.s32 $0x7530, v4;
	v4 =	vmov v5;
	v5 =	vmov v6;
	v8 =	vld.idx.msk [tilespmem:v13+s2+$0x0], $0xffff  }
.Ltmp13:
0x1ed: {  	s7 =	sshra.s32 s6, $0x2;
	[tilespmem:v14+s30+$0x0] =	vst.idx.add.f32.msk $0xffff, v7;
	v12 =	vmov v3;
	(pc) =	sbr.rel @!p0 .LBB2_32-.Ltmp13, $4  }
0x1ee: {  	v10 =	vadd.s32 $0x2710, v2;
	v6 =	vld [tilespmem:s7+$0x18800]  }
0x1ef: {  	v9 =	vadd.s32 $0x4E20, v4;
	v11 =	vld.idx.msk [tilespmem:v15+s2+$0x0], $0xffff  }
0x1f0: {  	[tilespmem:v17+s30+$0x0] =	vst.idx.add.f32.msk $0xffff, v16  }
0x1f1: {  	s6 =	sadd.s32 $0x40, s6;
	v13 =	vadd.s32 $0x2710, v5;
	v7 =	vld.idx.msk [tilespmem:v18+s2+$0x0], $0xffff  }
0x1f2: {  	_ =	sdelay $0x1  }
0x1f3: {  	v14 =	vld [tilespmem:s7+$0x1AF80];
	_ =	sdelay $0x2  }
0x1f4: {  	v15 =	vld.idx.msk [tilespmem:v6+s2+$0x0], $0xffff  }
0x1f5: {  	v16 =	vadd.s32 $0x2710, v6;
	_ =	sdelay $0x1  }
0x1f6: {  	[tilespmem:v12+s30+$0x0] =	vst.idx.add.f32.msk $0xffff, v11  }
0x1f7: {  	v54 =	vadd.s32 $0x2710, v3;
	v11 =	vld.idx.msk [tilespmem:v13+s2+$0x0], $0xffff  }
0x1f8: {  	v55 =	vadd.s32 $0x4E20, v5;
	[tilespmem:v14+s30+$0x0] =	vst.idx.add.f32.msk $0xffff, v15  }
0x1f9: {  	v56 =	vadd.s32 $0x2710, v14;
	v15 =	vld.idx.msk [tilespmem:v16+s2+$0x0], $0xffff  }
0x1fa: {  	[tilespmem:v10+s30+$0x0] =	vst.idx.add.f32.msk $0xffff, v8;
	v57 =	vadd.s32 $0x4E20, v6  }
0x1fb: {  	v58 =	vadd.s32 $0x4E20, v2;
	v9 =	vld.idx.msk [tilespmem:v9+s2+$0x0], $0xffff  }
0x1fc: {  	v4 =	vadd.s32 $0x7530, v4;
	[tilespmem:v54+s30+$0x0] =	vst.idx.add.f32.msk $0xffff, v11  }
0x1fd: {  	v59 =	vadd.s32 $0x4E20, v3;
	v11 =	vld.idx.msk [tilespmem:v55+s2+$0x0], $0xffff  }
0x1fe: {  	v60 =	vadd.s32 $0x7530, v5;
	[tilespmem:v56+s30+$0x0] =	vst.idx.add.f32.msk $0xffff, v15  }
0x1ff: {  	v61 =	vadd.s32 $0x4E20, v14;
	v8 =	vld.idx.msk [tilespmem:v57+s2+$0x0], $0xffff  }
0x200: {  	v62 =	vadd.s32 $0x7530, v6;
	[tilespmem:v58+s30+$0x0] =	vst.idx.add.f32.msk $0xffff, v9  }
0x201: {  	v4 =	vld.idx.msk [tilespmem:v4+s2+$0x0], $0xffff  }
0x202: {  	v1 =	vadd.s32 $0x7530, v1;
	[tilespmem:v59+s30+$0x0] =	vst.idx.add.f32.msk $0xffff, v11  }
0x203: {  	v2 =	vadd.s32 $0x7530, v2;
	v5 =	vld.idx.msk [tilespmem:v60+s2+$0x0], $0xffff  }
0x204: {  	v3 =	vadd.s32 $0x7530, v3;
	[tilespmem:v61+s30+$0x0] =	vst.idx.add.f32.msk $0xffff, v8  }
0x205: {  	v63 =	vadd.s32 $0x7530, v14;
	v6 =	vld.idx.msk [tilespmem:v62+s2+$0x0], $0xffff;
	_ =	sdelay $0x1  }
0x206: {  	[tilespmem:v1+s30+$0x0] =	vst.idx.add.f32.msk $0xffff, v7  }
0x207: {  	[tilespmem:v2+s30+$0x0] =	vst.idx.add.f32.msk $0xffff, v4  }
0x208: {  	[tilespmem:v3+s30+$0x0] =	vst.idx.add.f32.msk $0xffff, v5  }
0x209: {  	[tilespmem:v63+s30+$0x0] =	vst.idx.add.f32.msk $0xffff, v6  }
0x20a: {  	p0 =	seq.s32 s5, $0x4  }
.Ltmp14:
0x20b: {  	_ = 	snop;
	(pc) =	sbr.rel @!p0 .LBB2_29-.Ltmp14, $1  }
0x20c: {  	_ =	sdelay $0x3  }
0x20d: {  	s1 =	sadd.s32 $0x1, s1  }
0x20e: {  	p0 =	sne.s32 s1, s23  }
.Ltmp15:
0x20f: {  	_ = 	snop;
	(pc) =	sbr.rel @p0 .LBB2_1-.Ltmp15, $4  }
0x210: {  	[hbm4b:s22+s2] =	stream.linear.scatter [tilespmem:s30], [sflag:$0x3], $0x9C40, $0x38;
	[tilespmem:$0x1D700] =	vst v63  }
0x211: {  	_ =	swait.ge [sflag:s24], $0x9C40  }
0x212: {  	[sflag:s24] =	ssyncset.done $0x0  }
0x213: {  	[sflag:s24] =	ssyncadd.s32 $0xFFFF63C0  }
0x214: {  	_ =	sfence.sel $0x180000  }
0x215: {  	[bflag:$0x0] =	sbarrier.arrive $0xFFFF  }
0x216: {  	_ =	strace $0x9000004D  }
0x217: {  	s0 =	stileid.u32;
	[bflag:$0x2] =	sbarrier.arrive $0xFFFF  }
0x218: {  	p0 =	sne.s32 s0, $0x0;
	s0 =	rddreg [dreg:$0x1]  }
0x219: {  	s0 =	sadd.s32 @!p0 $0x100000, s0  }
0x21a: {  	[sflag:s0] =	ssyncadd.tile.s32 @!p0 $0x1;
	_ =	shalt  }
.Lfunc_end2:
_tile_overlayer_lowered:
.L_overlay_start_2:
0x21b: {  	(tag) =	ssettag $0x2  }
0x21c: {  	s0 =	rddreg [dreg:$0x0];
	s2 =	stileid.u32  }
0x21d: {  	s1 =	rddreg [dreg:$0x1];
	p0 =	sne.s32 s2, $0x0  }
0x21e: {  	s3 =	rddreg [dreg:$0x2];
	[bflag:$0x3] =	sbarrier.arrive $0xFFFF;
	s2 =	simm.s32 @!p0 $0x1C03  }
0x21f: {  	[timem:s3], [sflag:s2] =	dma.local @!p0 [hbm:s0], s1  }
0x220: {  	s0 =	simm.s32 @!p0 $0x3  }
0x221: {  	_ =	swait.ge @!p0 [sflag:s0], s1  }
0x222: {  	s1 =	ssub.s32 @!p0 $0x0, s1;
	[sflag:s0] =	ssyncset.done @!p0 $0x0  }
0x223: {  	[sflag:s0] =	ssyncadd.s32 @!p0 s1  }
0x224: {  	[bflag:$0x3] =	sbarrier.arrive $0xFFFF  }
0x225: {  	_ =	shalt  }

// kernel: kernel.8.cloned.1.call-start
scs
__scs_entry_jumppad:
0x0: {  	(pc) =	sbr.rel $0x88, $3  }
0x1: {  	(tag) =	ssettag $0x0;
	lr =	simm.s32 $0x1  }
0x2: {  	[smem:$0x3F95] =	sst lr;
	_ =	strace $0xD0000000  }
0x3: {  	_ = 	snop  }
0x4: {  	_ = 	snop  }
0x5: {  	_ = 	snop  }
0x6: {  	_ = 	snop  }
0x7: {  	_ = 	snop  }
__scs_overlays_trampoline_lowered:
0x8: {  	[smem:$0x3FA4] =	sst s0  }
0x9: {  	[smem:$0x3FA5] =	sst s1  }
0xa: {  	[smem:$0x3FA6] =	sst s2  }
0xb: {  	[smem:$0x3FA7] =	sst s3  }
0xc: {  	[smem:$0x3FA8] =	sst s4  }
0xd: {  	[smem:$0x3FA9] =	sst s5  }
0xe: {  	[smem:$0x3FAA] =	sst s6  }
0xf: {  	[smem:$0x3FAB] =	sst s7  }
0x10: {  	[smem:$0x3FAC] =	sst s8  }
0x11: {  	[smem:$0x3FAD] =	sst s9;
	s0 =	simm.s32 @!p0 $0x0  }
0x12: {  	s1 =	sld [smem:$0x3F93];
	s0 =	simm.s32 @p0 $0x1  }
0x13: {  	[smem:$0x3FAE] =	sst s0;
	s0 =	simm.s32 @!p1 $0x0  }
0x14: {  	s2 =	sld [smem:$0x3F92];
	s0 =	simm.s32 @p1 $0x1  }
0x15: {  	[smem:$0x3FAF] =	sst s0;
	s0 =	simm.s32 @!p2 $0x0  }
0x16: {  	s3 =	sld [smem:$0x3FDB];
	s0 =	simm.s32 @p2 $0x1  }
0x17: {  	s4 =	simm.s32 $0x1BF5;
	[smem:$0x3FB1] =	sst s0  }
0x18: {  	s0 =	sld [smem:$0x3F94];
	_ =	swait.ge [sflag:s4], $0x0  }
0x19: {  	s7 =	sld [smem:$0x3F95]  }
0x1a: {  	s8 =	sadd.s32 $0xFFFFE003, lr  }
0x1b: {  	s9 =	sadd.s32 $0xFFFFFEF7, lr;
	s5 =	simm.s32 $0xFFFFFFFF;
	p2 =	slt.u32 s8, $0xFFFFF086  }
0x1c: {  	p1 =	slt.u32 s9, $0xF7A;
	s5 =	simm.s32 @!p2 $0x0  }
0x1d: {  	s5 =	simm.s32 @p1 $0x1;
	p0 =	seq.s32 s7, s2  }
0x1e: {  	s7 =	smul.u32 @!p0 $0xF7A, s2;
	p2 =	seq.s32 @!p0 s5, $0x0  }
0x1f: {  	s9 =	smul.u32 $0xF7A, s1;
	s8 =	simm.s32 @!p0 $0x1BF5;
	p2 =	por !p2, p0  }
0x20: {  	[sflag:s8] =	ssyncset.s32 @!p0 $0xFFFFF086;
	s6 =	sadd.s32 @!p0 s3, s7;
	s7 =	simm.s32 @!p0 $0x108  }
0x21: {  	s3 =	sadd.s32 s3, s9;
	s6 =	sadd.s32 @!p0 $0x88, s6;
	s7 =	simm.s32 @p2 $0x1082  }
0x22: {  	[simem:s7], [sflag:s8] =	dma.local @!p0 [hbm:s6], $0xF7A  }
0x23: {  	s9 =	sor.u32 $0xD0000000, s2;
	s6 =	simm.s32 $0x108;
	_ =	swait.ge @!p0 [sflag:s8], $0x0  }
0x24: {  	s3 =	sadd.s32 $0x88, s3;
	s6 =	simm.s32 @!p1 $0x1082;
	[sflag:s4] =	ssyncset.s32 $0xFFFFF086  }
0x25: {  	[simem:s6], [sflag:s4] =	dma.local [hbm:s3], $0xF7A  }
0x26: {  	[smem:$0x3F95] =	sst s1;
	(tag) =	ssettag s2;
	_ =	strace s9  }
0x27: {  	s1 =	sld [smem:$0x3FA5]  }
0x28: {  	s2 =	sld [smem:$0x3FA6]  }
0x29: {  	s4 =	sld [smem:$0x3FA8]  }
0x2a: {  	p0 =	seq.s32 s5, $0x0;
	s5 =	sld [smem:$0x3FA9]  }
0x2b: {  	s6 =	sld [smem:$0x3FAA]  }
0x2c: {  	s7 =	sld [smem:$0x3FAB]  }
0x2d: {  	s3 =	simm.s32 $0x108;
	s8 =	sld [smem:$0x3FAC]  }
0x2e: {  	s3 =	simm.s32 @!p0 $0x1082;
	s9 =	sld [smem:$0x3FAD]  }
0x2f: {  	lr =	sadd.s32 s0, s3;
	s0 =	sld [smem:$0x3FA4]  }
0x30: {  	s3 =	sld [smem:$0x3FA7]  }
0x31: {  	[smem:$0x3FB0] =	sst s10  }
0x32: {  	s10 =	sld [smem:$0x3FAE];
	_ =	sdelay $0x3  }
0x33: {  	p0 =	seq.s32 s10, $0x1;
	s10 =	sld [smem:$0x3FB0];
	_ =	sdelay $0x3  }
0x34: {  	[smem:$0x3FB0] =	sst s10  }
0x35: {  	s10 =	sld [smem:$0x3FAF];
	_ =	sdelay $0x3  }
0x36: {  	p1 =	seq.s32 s10, $0x1;
	s10 =	sld [smem:$0x3FB0];
	_ =	sdelay $0x3  }
0x37: {  	[smem:$0x3FB0] =	sst s10  }
0x38: {  	s10 =	sld [smem:$0x3FB1]  }
0x39: {  	_ = 	snop;
	(pc) =	sbr.ind lr, $3  }
0x3a: {  	_ = 	snop  }
0x3b: {  	_ = 	snop  }
0x3c: {  	p2 =	seq.s32 s10, $0x1;
	s10 =	sld [smem:$0x3FB0]  }
0x3d: {  	_ =	shalt  }
0x3e: {  	_ =	shalt  }
0x3f: {  	_ =	shalt  }
0x40: {  	_ =	shalt  }
0x41: {  	_ =	shalt  }
0x42: {  	_ =	shalt  }
0x43: {  	_ =	shalt  }
0x44: {  	_ =	shalt  }
0x45: {  	_ =	shalt  }
0x46: {  	_ =	shalt  }
0x47: {  	_ =	shalt  }
0x48: {  	_ =	shalt  }
0x49: {  	_ =	shalt  }
0x4a: {  	_ =	shalt  }
0x4b: {  	_ =	shalt  }
0x4c: {  	_ =	shalt  }
0x4d: {  	_ =	shalt  }
0x4e: {  	_ =	shalt  }
0x4f: {  	_ =	shalt  }
0x50: {  	_ =	shalt  }
0x51: {  	_ =	shalt  }
0x52: {  	_ =	shalt  }
0x53: {  	_ =	shalt  }
0x54: {  	_ =	shalt  }
0x55: {  	_ =	shalt  }
0x56: {  	_ =	shalt  }
0x57: {  	_ =	shalt  }
0x58: {  	_ =	shalt  }
0x59: {  	_ =	shalt  }
0x5a: {  	_ =	shalt  }
0x5b: {  	_ =	shalt  }
0x5c: {  	_ =	shalt  }
0x5d: {  	_ =	shalt  }
0x5e: {  	_ =	shalt  }
0x5f: {  	_ =	shalt  }
0x60: {  	_ =	shalt  }
0x61: {  	_ =	shalt  }
0x62: {  	_ =	shalt  }
0x63: {  	_ =	shalt  }
0x64: {  	_ =	shalt  }
0x65: {  	_ =	shalt  }
0x66: {  	_ =	shalt  }
0x67: {  	_ =	shalt  }
0x68: {  	_ =	shalt  }
0x69: {  	_ =	shalt  }
0x6a: {  	_ =	shalt  }
0x6b: {  	_ =	shalt  }
0x6c: {  	_ =	shalt  }
0x6d: {  	_ =	shalt  }
0x6e: {  	_ =	shalt  }
0x6f: {  	_ =	shalt  }
0x70: {  	_ =	shalt  }
0x71: {  	_ =	shalt  }
0x72: {  	_ =	shalt  }
0x73: {  	_ =	shalt  }
0x74: {  	_ =	shalt  }
0x75: {  	_ =	shalt  }
0x76: {  	_ =	shalt  }
0x77: {  	_ =	shalt  }
0x78: {  	_ =	shalt  }
0x79: {  	_ =	shalt  }
0x7a: {  	_ =	shalt  }
0x7b: {  	_ =	shalt  }
0x7c: {  	_ =	shalt  }
0x7d: {  	_ =	shalt  }
0x7e: {  	_ =	shalt  }
0x7f: {  	_ =	shalt  }
0x80: {  	_ =	shalt  }
0x81: {  	_ =	shalt  }
0x82: {  	_ =	shalt  }
0x83: {  	_ =	shalt  }
0x84: {  	_ =	shalt  }
0x85: {  	_ =	shalt  }
0x86: {  	_ =	shalt  }
0x87: {  	_ =	shalt  }
.Lfunc_end0:
.L_simem_size_0:
called_computation_lowered:
.L_overlay_start_0:
0x88: {  	s2 =	sld [smem:$0x3FD9]  }
0x89: {  	s3 =	sld [smem:$0x3FFE];
	_ =	sdelay $0x1  }
0x8a: {  	s1 =	srdreg.scid  }
0x8b: {  	s0 =	sand.u32 $0x1, s1  }
0x8c: {  	s16 =	sshll.u32 s0, $0xA;
	s2 =	sadd.s32 s3, s2  }
0x8d: {  	s2 =	sadd.s32 s2, s16  }
0x8e: {  	[smem:$0x3FBC] =	sst s2  }
0x8f: {  	_ = 	snop  }
0x90: {  	(tm) =	ssettm $0x1  }
0x91: {  	s17 =	sld [smem:$0x3FFB];
	_ =	sdelay $0x3  }
0x92: {  	_ =	strace s17  }
0x93: {  	s2 =	sld [smem:$0x3FFC];
	_ =	sdelay $0x3  }
0x94: {  	_ =	strace s2  }
0x95: {  	s2 =	sld [smem:$0x3FFD];
	_ =	sdelay $0x3  }
0x96: {  	_ =	strace s2  }
0x97: {  	_ =	strace $0x8FFFFFFF  }
0x98: {  	s18 =	sld [smem:$0x3FDB];
	_ =	sdelay $0x1  }
0x99: {  	s19 =	simm.s32 $_scs_section_size  }
0x9a: {  	s4 =	simm.s32 $_size__tile_overlayer_lowered;
	s5 =	simm.s32 $_tile_overlayer_lowered  }
0x9b: {  	s22 =	simm.s32 $0x1BFF;
	s21 =	sshll.u32 s5, $0x1;
	s2 =	sadd.s32 s19, s18  }
0x9c: {  	s6 =	simm.s32 $0x0;
	s20 =	sshll.u32 s4, $0x1;
	s4 =	sadd.s32 s21, s2  }
0x9d: {  	[timem:s6], [sflag:s22] =	dma.local [hbm:s4], s20  }
0x9e: {  	_ =	swait.ge [sflag:s22], s20  }
0x9f: {  	s3 =	ssub.s32 $0x0, s20;
	[sflag:s22] =	ssyncset.done $0x0  }
0xa0: {  	[sflag:s22] =	ssyncadd.s32 s3;
	_ =	sdelay $0x1  }
0xa1: {  	s23 =	simm.s32 $0x1B8B  }
0xa2: {  	_ =	swait.ge [sflag:s23], $0x1  }
0xa3: {  	[sflag:s23] =	ssyncset.done $0x0  }
0xa4: {  	s25 =	simm.s32 $0x1B8E;
	s24 =	sld [smem:$0x3FFE];
	[sflag:s23] =	ssyncadd.s32 $0xFFFFFFFF  }
0xa5: {  	s26 =	simm.s32 $execute0_lowered;
	[smem:$0x3FD2] =	sst s25  }
0xa6: {  	s4 =	sshll.u32 s26, $0x1;
	_ =	strace $0x80000046;
	[dreg:$0x1] =	wrdreg $0xFFFFFFFF  }
0xa7: {  	s28 =	simm.s32 $_size_execute0_lowered;
	s2 =	sadd.s32 s2, s4;
	[dreg:$0x0] =	wrdreg $0x0  }
0xa8: {  	s4 =	sshll.u32 s28, $0x1;
	[dreg:$0x2] =	wrdreg s2  }
0xa9: {  	[dreg:$0x3] =	wrdreg s4  }
0xaa: {  	[dreg:$0x4] =	wrdreg $0xC0  }
0xab: {  	_ =	task [dreg:s6], $0x5FFFF  }
0xac: {  	[dreg:$0x1] =	wrdreg $0xFFFFFFFF  }
0xad: {  	[dreg:$0x0] =	wrdreg $0x60  }
0xae: {  	[dreg:$0x2] =	wrdreg s24  }
0xaf: {  	[dreg:$0x3] =	wrdreg $0x9  }
0xb0: {  	_ =	task.clear_ibuf [dreg:s6], $0x4FFFF;
	_ =	strace $0x90000046  }
0xb1: {  	s29 =	simm.s32 $0x9;
	_ =	strace $0x80000048  }
0xb2: {  	_ =	swait.ge [sflag:s29], $0x1  }
0xb3: {  	[sflag:s29] =	ssyncadd.s32 $0xFFFFFFFF  }
0xb4: {  	_ =	strace $0x90000048  }
0xb5: {  	_ =	sfence  }
0xb6: {  	s30 =	sld [smem:$0x0];
	_ =	sdelay $0x2  }
0xb7: {  	s31 =	sshll.u32 s1, $0xD;
	s1 =	sshrl.u32 s1, $0x2  }
0xb8: {  	s3 =	sand.u32 $0x4000, s31;
	s1 =	sadd.s32 s1, s30  }
0xb9: {  	s0 =	sor.u32 s3, s0;
	s1 =	sshll.u32 s1, $0x11  }
0xba: {  	s0 =	sor.u32 s1, s0  }
0xbb: {  	s0 =	sadd.s32 $0x8F2B, s0  }
0xbc: {  	[sflag:s0] =	ssyncadd.remote.s32 $0x1  }
0xbd: {  	_ =	sfence.sel $0xFFFF  }
0xbe: {  	[dreg:$0x0] =	wrdreg $0xFFFFFFFF;
	(pc) =	sbr.abs _section_cstart, $3  }
0xbf: {  	[dreg:$0x1] =	wrdreg $0xFFFFFFFF  }
0xc0: {  	_ =	task.clear_ibuf [dreg:s6], $0x2FFFF;
	_ =	strace $0x9FFFFFFF  }
0xc1: {  	(tm) =	ssettm $0x7FFFFFFF  }
tec
execute0_lowered:
.L_overlay_start_1:
0x0: {  	(tag) =	ssettag $0x1  }
0x1: {  	s0 =	srdreg.scid  }
0x2: {  	s4 =	rddreg [dreg:$0x0];
	s2 =	simm.s32 $0x0;
	s3 =	sand.u32 $0x1, s0  }
0x3: {  	s11 =	simm.s32 $0x2780;
	s0 =	stileid.u32;
	s1 =	sshll.u32 s3, $0x4  }
0x4: {  	s12 =	simm.s32 $0x0;
	[smem:$0x7FF] =	sst s2;
	s5 =	sor.u32 s0, s1  }
0x5: {  	s3 =	ssub.s32 $0x2, s3;
	s1 =	rddreg [dreg:$0x1];
	s6 =	smul.u32 $0x2710, s5  }
0x6: {  	_ =	strace $0x80000047;
	s31 =	sshrl.u32 s3, $0x1;
	s7 =	smul.u32 $0x7530, s5  }
0x7: {  	s5 =	smul.u32 $0xEA6, s5;
	s9 =	ssub.s32 s3, s31;
	s6 =	sshrl.u32 s6, $0x3  }
0x8: {  	s7 =	sshrl.u32 s7, $0x3;
	s8 =	sadd.s32 s6, s4;
	s4 =	sadd.s32 $0x3D400, s4  }
0x9: {  	s9 =	smax.u32 s9, $0x1;
	s3 =	sadd.s32 $0xC640, s8;
	s10 =	sadd.s32 s4, s7  }
0xa: {  	s4 =	sadd.s32 s4, s5;
	s5 =	sadd.s32 $0x1FEC0, s8;
	s7 =	sadd.s32 $0x33740, s8  }
0xb: {  	v0 =	vimm.f32 $0.0e+00;
	v1 =	vimm.f32 $1.000000000e+00;
	s6 =	sadd.s32 $0x4E2, s10;
	s8 =	sadd.s32 $0x9C4, s10;
	s10 =	simm.s32 $0x1  }
.LBB2_1:
0xc: {  	s13 =	simm.s32 $0x27C0  }
0xd: {  	[tilespmem:s13+$0xFFFFFFC0] =	vst v0  }
0xe: {  	[tilespmem:s13+$0x30] =	vst v0  }
0xf: {  	[tilespmem:s13+$0x20] =	vst v0  }
0x10: {  	[tilespmem:s13+$0x10] =	vst v0  }
0x11: {  	[tilespmem:s13+$0x0] =	vst v0  }
0x12: {  	[tilespmem:s13+$0xFFFFFFF0] =	vst v0  }
0x13: {  	s14 =	simm.s32 $0x0;
	[tilespmem:s13+$0xFFFFFFE0] =	vst v0  }
.LBB2_2:
0x14: {  	s14 =	sadd.s32 $0x8, s14;
	[tilespmem:s13+$0xFFFFFFD0] =	vst v0;
	s13 =	sadd.s32 $0x80, s13  }
0x15: {  	[tilespmem:s13+$0xFFFFFFC0] =	vst v0;
	p0 =	slt.u32 s14, $0x268  }
0x16: {  	[tilespmem:s13+$0x30] =	vst v0  }
.Ltmp0:
0x17: {  	[tilespmem:s13+$0x20] =	vst v0;
	(pc) =	sbr.rel @p0 .LBB2_2-.Ltmp0, $4  }
0x18: {  	[tilespmem:s13+$0x10] =	vst v0  }
0x19: {  	[tilespmem:s13+$0x0] =	vst v0  }
0x1a: {  	[tilespmem:s13+$0xFFFFFFF0] =	vst v0  }
0x1b: {  	[tilespmem:s13+$0xFFFFFFE0] =	vst v0  }
0x1c: {  	[tilespmem:s13+$0xFFFFFFD0] =	vst v0  }
0x1d: {  	[tilespmem:$0x4E80] =	vst v0  }
0x1e: {  	[tilespmem:s2], [sflag:$0x1] =	stream.linear.gather [hbm4b:s3+s2], $0x2710, $0x38;
	[tilespmem:$0x4F00] =	vst v63  }
0x1f: {  	_ =	swait.ge [sflag:s10], $0x2710  }
0x20: {  	[sflag:s10] =	ssyncset.done $0x0  }
0x21: {  	s13 =	simm.s32 $0x40;
	[sflag:s10] =	ssyncadd.s32 $0xFFFFD8F0  }
0x22: {  	v3 =	vld [tilespmem:s13+$0xFFFFFFC0]  }
0x23: {  	v4 =	vld [tilespmem:s13+$0x30]  }
0x24: {  	v5 =	vld [tilespmem:s13+$0x20]  }
0x25: {  	v6 =	vld [tilespmem:s13+$0x10]  }
0x26: {  	v7 =	vld [tilespmem:s13+$0x0]  }
0x27: {  	v8 =	vld [tilespmem:s13+$0xFFFFFFF0]  }
0x28: {  	v9 =	vld [tilespmem:s13+$0xFFFFFFE0]  }
0x29: {  	v2 =	vld [tilespmem:s13+$0xFFFFFFD0]  }
0x2a: {  	[tilespmem:v3+s11+$0x0] =	vst.idx.add.f32.msk $0xffff, v1  }
0x2b: {  	[tilespmem:v4+s11+$0x0] =	vst.idx.add.f32.msk $0xffff, v1  }
0x2c: {  	[tilespmem:v5+s11+$0x0] =	vst.idx.add.f32.msk $0xffff, v1  }
0x2d: {  	[tilespmem:v6+s11+$0x0] =	vst.idx.add.f32.msk $0xffff, v1  }
0x2e: {  	[tilespmem:v7+s11+$0x0] =	vst.idx.add.f32.msk $0xffff, v1  }
0x2f: {  	[tilespmem:v8+s11+$0x0] =	vst.idx.add.f32.msk $0xffff, v1  }
0x30: {  	s14 =	simm.s32 $0x0;
	[tilespmem:v9+s11+$0x0] =	vst.idx.add.f32.msk $0xffff, v1  }
.LBB2_4:
0x31: {  	s14 =	sadd.s32 $0x8, s14;
	[tilespmem:v2+s11+$0x0] =	vst.idx.add.f32.msk $0xffff, v1;
	s13 =	sadd.s32 $0x80, s13  }
0x32: {  	v3 =	vld [tilespmem:s13+$0xFFFFFFC0];
	p0 =	slt.u32 s14, $0x268  }
0x33: {  	v4 =	vld [tilespmem:s13+$0x30]  }
0x34: {  	v5 =	vld [tilespmem:s13+$0x20]  }
0x35: {  	v6 =	vld [tilespmem:s13+$0x10]  }
0x36: {  	v7 =	vld [tilespmem:s13+$0x0]  }
0x37: {  	v8 =	vld [tilespmem:s13+$0xFFFFFFF0]  }
0x38: {  	v9 =	vld [tilespmem:s13+$0xFFFFFFE0]  }
0x39: {  	v2 =	vld [tilespmem:s13+$0xFFFFFFD0]  }
0x3a: {  	[tilespmem:v3+s11+$0x0] =	vst.idx.add.f32.msk $0xffff, v1  }
0x3b: {  	[tilespmem:v4+s11+$0x0] =	vst.idx.add.f32.msk $0xffff, v1  }
.Ltmp1:
0x3c: {  	[tilespmem:v5+s11+$0x0] =	vst.idx.add.f32.msk $0xffff, v1;
	(pc) =	sbr.rel @p0 .LBB2_4-.Ltmp1, $4  }
0x3d: {  	[tilespmem:v6+s11+$0x0] =	vst.idx.add.f32.msk $0xffff, v1  }
0x3e: {  	[tilespmem:v7+s11+$0x0] =	vst.idx.add.f32.msk $0xffff, v1  }
0x3f: {  	[tilespmem:v8+s11+$0x0] =	vst.idx.add.f32.msk $0xffff, v1  }
0x40: {  	[tilespmem:v9+s11+$0x0] =	vst.idx.add.f32.msk $0xffff, v1  }
0x41: {  	_ =	sdelay $0x3  }
0x42: {  	[tilespmem:v2+s11+$0x0] =	vst.idx.add.f32.msk $0xffff, v1  }
0x43: {  	v2 =	vld [tilespmem:$0x2700];
	_ =	sdelay $0x7  }
0x44: {  	[tilespmem:v2+s11+$0x0] =	vst.idx.add.f32.msk $0xffff, v1  }
0x45: {  	[hbm4b:s4+s2] =	stream.linear.scatter [tilespmem:s11], [sflag:$0x1], $0x2710, $0x38;
	[tilespmem:$0x4F00] =	vst v63  }
0x46: {  	_ =	swait.ge [sflag:s10], $0x2710  }
0x47: {  	[sflag:s10] =	ssyncset.done $0x0  }
0x48: {  	s13 =	simm.s32 $0x27C0;
	[sflag:s10] =	ssyncadd.s32 $0xFFFFD8F0  }
0x49: {  	[tilespmem:s13+$0xFFFFFFC0] =	vst v0  }
0x4a: {  	[tilespmem:s13+$0x30] =	vst v0  }
0x4b: {  	[tilespmem:s13+$0x20] =	vst v0  }
0x4c: {  	[tilespmem:s13+$0x10] =	vst v0  }
0x4d: {  	[tilespmem:s13+$0x0] =	vst v0  }
0x4e: {  	[tilespmem:s13+$0xFFFFFFF0] =	vst v0  }
0x4f: {  	s14 =	simm.s32 $0x0;
	[tilespmem:s13+$0xFFFFFFE0] =	vst v0  }
.LBB2_6:
0x50: {  	s14 =	sadd.s32 $0x8, s14;
	[tilespmem:s13+$0xFFFFFFD0] =	vst v0;
	s13 =	sadd.s32 $0x80, s13  }
0x51: {  	[tilespmem:s13+$0xFFFFFFC0] =	vst v0;
	p0 =	slt.u32 s14, $0x268  }
0x52: {  	[tilespmem:s13+$0x30] =	vst v0  }
.Ltmp2:
0x53: {  	[tilespmem:s13+$0x20] =	vst v0;
	(pc) =	sbr.rel @p0 .LBB2_6-.Ltmp2, $4  }
0x54: {  	[tilespmem:s13+$0x10] =	vst v0  }
0x55: {  	[tilespmem:s13+$0x0] =	vst v0  }
0x56: {  	[tilespmem:s13+$0xFFFFFFF0] =	vst v0  }
0x57: {  	[tilespmem:s13+$0xFFFFFFE0] =	vst v0  }
0x58: {  	[tilespmem:s13+$0xFFFFFFD0] =	vst v0  }
0x59: {  	[tilespmem:$0x4E80] =	vst v0  }
0x5a: {  	[tilespmem:s2], [sflag:$0x1] =	stream.linear.gather [hbm4b:s5+s2], $0x2710, $0x38;
	[tilespmem:$0x4F00] =	vst v63  }
0x5b: {  	_ =	swait.ge [sflag:s10], $0x2710  }
0x5c: {  	[sflag:s10] =	ssyncset.done $0x0  }
0x5d: {  	s13 =	simm.s32 $0x40;
	[sflag:s10] =	ssyncadd.s32 $0xFFFFD8F0  }
0x5e: {  	v3 =	vld [tilespmem:s13+$0xFFFFFFC0]  }
0x5f: {  	v4 =	vld [tilespmem:s13+$0x30]  }
0x60: {  	v5 =	vld [tilespmem:s13+$0x20]  }
0x61: {  	v6 =	vld [tilespmem:s13+$0x10]  }
0x62: {  	v7 =	vld [tilespmem:s13+$0x0]  }
0x63: {  	v8 =	vld [tilespmem:s13+$0xFFFFFFF0]  }
0x64: {  	v9 =	vld [tilespmem:s13+$0xFFFFFFE0]  }
0x65: {  	v2 =	vld [tilespmem:s13+$0xFFFFFFD0]  }
0x66: {  	[tilespmem:v3+s11+$0x0] =	vst.idx.add.f32.msk $0xffff, v1  }
0x67: {  	[tilespmem:v4+s11+$0x0] =	vst.idx.add.f32.msk $0xffff, v1  }
0x68: {  	[tilespmem:v5+s11+$0x0] =	vst.idx.add.f32.msk $0xffff, v1  }
0x69: {  	[tilespmem:v6+s11+$0x0] =	vst.idx.add.f32.msk $0xffff, v1  }
0x6a: {  	[tilespmem:v7+s11+$0x0] =	vst.idx.add.f32.msk $0xffff, v1  }
0x6b: {  	[tilespmem:v8+s11+$0x0] =	vst.idx.add.f32.msk $0xffff, v1  }
0x6c: {  	s14 =	simm.s32 $0x0;
	[tilespmem:v9+s11+$0x0] =	vst.idx.add.f32.msk $0xffff, v1  }
.LBB2_8:
0x6d: {  	s14 =	sadd.s32 $0x8, s14;
	[tilespmem:v2+s11+$0x0] =	vst.idx.add.f32.msk $0xffff, v1;
	s13 =	sadd.s32 $0x80, s13  }
0x6e: {  	v3 =	vld [tilespmem:s13+$0xFFFFFFC0];
	p0 =	slt.u32 s14, $0x268  }
0x6f: {  	v4 =	vld [tilespmem:s13+$0x30]  }
0x70: {  	v5 =	vld [tilespmem:s13+$0x20]  }
0x71: {  	v6 =	vld [tilespmem:s13+$0x10]  }
0x72: {  	v7 =	vld [tilespmem:s13+$0x0]  }
0x73: {  	v8 =	vld [tilespmem:s13+$0xFFFFFFF0]  }
0x74: {  	v9 =	vld [tilespmem:s13+$0xFFFFFFE0]  }
0x75: {  	v2 =	vld [tilespmem:s13+$0xFFFFFFD0]  }
0x76: {  	[tilespmem:v3+s11+$0x0] =	vst.idx.add.f32.msk $0xffff, v1  }
0x77: {  	[tilespmem:v4+s11+$0x0] =	vst.idx.add.f32.msk $0xffff, v1  }
.Ltmp3:
0x78: {  	[tilespmem:v5+s11+$0x0] =	vst.idx.add.f32.msk $0xffff, v1;
	(pc) =	sbr.rel @p0 .LBB2_8-.Ltmp3, $4  }
0x79: {  	[tilespmem:v6+s11+$0x0] =	vst.idx.add.f32.msk $0xffff, v1  }
0x7a: {  	[tilespmem:v7+s11+$0x0] =	vst.idx.add.f32.msk $0xffff, v1  }
0x7b: {  	[tilespmem:v8+s11+$0x0] =	vst.idx.add.f32.msk $0xffff, v1  }
0x7c: {  	[tilespmem:v9+s11+$0x0] =	vst.idx.add.f32.msk $0xffff, v1  }
0x7d: {  	_ =	sdelay $0x3  }
0x7e: {  	[tilespmem:v2+s11+$0x0] =	vst.idx.add.f32.msk $0xffff, v1  }
0x7f: {  	v2 =	vld [tilespmem:$0x2700];
	_ =	sdelay $0x7  }
0x80: {  	[tilespmem:v2+s11+$0x0] =	vst.idx.add.f32.msk $0xffff, v1  }
0x81: {  	[hbm4b:s6+s2] =	stream.linear.scatter [tilespmem:s11], [sflag:$0x1], $0x2710, $0x38;
	[tilespmem:$0x4F00] =	vst v63  }
0x82: {  	_ =	swait.ge [sflag:s10], $0x2710  }
0x83: {  	[sflag:s10] =	ssyncset.done $0x0  }
0x84: {  	s13 =	simm.s32 $0x27C0;
	[sflag:s10] =	ssyncadd.s32 $0xFFFFD8F0  }
0x85: {  	[tilespmem:s13+$0xFFFFFFC0] =	vst v0  }
0x86: {  	[tilespmem:s13+$0x30] =	vst v0  }
0x87: {  	[tilespmem:s13+$0x20] =	vst v0  }
0x88: {  	[tilespmem:s13+$0x10] =	vst v0  }
0x89: {  	[tilespmem:s13+$0x0] =	vst v0  }
0x8a: {  	[tilespmem:s13+$0xFFFFFFF0] =	vst v0  }
0x8b: {  	s14 =	simm.s32 $0x0;
	[tilespmem:s13+$0xFFFFFFE0] =	vst v0  }
.LBB2_10:
0x8c: {  	s14 =	sadd.s32 $0x8, s14;
	[tilespmem:s13+$0xFFFFFFD0] =	vst v0;
	s13 =	sadd.s32 $0x80, s13  }
0x8d: {  	[tilespmem:s13+$0xFFFFFFC0] =	vst v0;
	p0 =	slt.u32 s14, $0x268  }
0x8e: {  	[tilespmem:s13+$0x30] =	vst v0  }
.Ltmp4:
0x8f: {  	[tilespmem:s13+$0x20] =	vst v0;
	(pc) =	sbr.rel @p0 .LBB2_10-.Ltmp4, $4  }
0x90: {  	[tilespmem:s13+$0x10] =	vst v0  }
0x91: {  	[tilespmem:s13+$0x0] =	vst v0  }
0x92: {  	[tilespmem:s13+$0xFFFFFFF0] =	vst v0  }
0x93: {  	[tilespmem:s13+$0xFFFFFFE0] =	vst v0  }
0x94: {  	[tilespmem:s13+$0xFFFFFFD0] =	vst v0  }
0x95: {  	[tilespmem:$0x4E80] =	vst v0  }
0x96: {  	[tilespmem:s2], [sflag:$0x1] =	stream.linear.gather [hbm4b:s7+s2], $0x2710, $0x38;
	[tilespmem:$0x4F00] =	vst v63  }
0x97: {  	_ =	swait.ge [sflag:s10], $0x2710  }
0x98: {  	[sflag:s10] =	ssyncset.done $0x0  }
0x99: {  	s13 =	simm.s32 $0x40;
	[sflag:s10] =	ssyncadd.s32 $0xFFFFD8F0  }
0x9a: {  	v3 =	vld [tilespmem:s13+$0xFFFFFFC0]  }
0x9b: {  	v4 =	vld [tilespmem:s13+$0x30]  }
0x9c: {  	v5 =	vld [tilespmem:s13+$0x20]  }
0x9d: {  	v6 =	vld [tilespmem:s13+$0x10]  }
0x9e: {  	v7 =	vld [tilespmem:s13+$0x0]  }
0x9f: {  	v8 =	vld [tilespmem:s13+$0xFFFFFFF0]  }
0xa0: {  	v9 =	vld [tilespmem:s13+$0xFFFFFFE0]  }
0xa1: {  	v2 =	vld [tilespmem:s13+$0xFFFFFFD0]  }
0xa2: {  	[tilespmem:v3+s11+$0x0] =	vst.idx.add.f32.msk $0xffff, v1  }
0xa3: {  	[tilespmem:v4+s11+$0x0] =	vst.idx.add.f32.msk $0xffff, v1  }
0xa4: {  	[tilespmem:v5+s11+$0x0] =	vst.idx.add.f32.msk $0xffff, v1  }
0xa5: {  	[tilespmem:v6+s11+$0x0] =	vst.idx.add.f32.msk $0xffff, v1  }
0xa6: {  	[tilespmem:v7+s11+$0x0] =	vst.idx.add.f32.msk $0xffff, v1  }
0xa7: {  	[tilespmem:v8+s11+$0x0] =	vst.idx.add.f32.msk $0xffff, v1  }
0xa8: {  	s14 =	simm.s32 $0x0;
	[tilespmem:v9+s11+$0x0] =	vst.idx.add.f32.msk $0xffff, v1  }
.LBB2_12:
0xa9: {  	s14 =	sadd.s32 $0x8, s14;
	[tilespmem:v2+s11+$0x0] =	vst.idx.add.f32.msk $0xffff, v1;
	s13 =	sadd.s32 $0x80, s13  }
0xaa: {  	v3 =	vld [tilespmem:s13+$0xFFFFFFC0];
	p0 =	slt.u32 s14, $0x268  }
0xab: {  	v4 =	vld [tilespmem:s13+$0x30]  }
0xac: {  	v5 =	vld [tilespmem:s13+$0x20]  }
0xad: {  	v6 =	vld [tilespmem:s13+$0x10]  }
0xae: {  	v7 =	vld [tilespmem:s13+$0x0]  }
0xaf: {  	v8 =	vld [tilespmem:s13+$0xFFFFFFF0]  }
0xb0: {  	v9 =	vld [tilespmem:s13+$0xFFFFFFE0]  }
0xb1: {  	v2 =	vld [tilespmem:s13+$0xFFFFFFD0]  }
0xb2: {  	[tilespmem:v3+s11+$0x0] =	vst.idx.add.f32.msk $0xffff, v1  }
0xb3: {  	[tilespmem:v4+s11+$0x0] =	vst.idx.add.f32.msk $0xffff, v1  }
.Ltmp5:
0xb4: {  	[tilespmem:v5+s11+$0x0] =	vst.idx.add.f32.msk $0xffff, v1;
	(pc) =	sbr.rel @p0 .LBB2_12-.Ltmp5, $4  }
0xb5: {  	[tilespmem:v6+s11+$0x0] =	vst.idx.add.f32.msk $0xffff, v1  }
0xb6: {  	[tilespmem:v7+s11+$0x0] =	vst.idx.add.f32.msk $0xffff, v1  }
0xb7: {  	[tilespmem:v8+s11+$0x0] =	vst.idx.add.f32.msk $0xffff, v1  }
0xb8: {  	[tilespmem:v9+s11+$0x0] =	vst.idx.add.f32.msk $0xffff, v1  }
0xb9: {  	_ =	sdelay $0x3  }
0xba: {  	[tilespmem:v2+s11+$0x0] =	vst.idx.add.f32.msk $0xffff, v1  }
0xbb: {  	v2 =	vld [tilespmem:$0x2700];
	_ =	sdelay $0x5  }
0xbc: {  	s12 =	sadd.s32 $0x1, s12  }
0xbd: {  	p0 =	sne.s32 s12, s9  }
.Ltmp6:
0xbe: {  	[tilespmem:v2+s11+$0x0] =	vst.idx.add.f32.msk $0xffff, v1;
	(pc) =	sbr.rel @p0 .LBB2_1-.Ltmp6, $4  }
0xbf: {  	[hbm4b:s8+s2] =	stream.linear.scatter [tilespmem:s11], [sflag:$0x1], $0x2710, $0x38;
	[tilespmem:$0x4F00] =	vst v63  }
0xc0: {  	_ =	swait.ge [sflag:s10], $0x2710  }
0xc1: {  	[sflag:s10] =	ssyncset.done $0x0  }
0xc2: {  	[sflag:s10] =	ssyncadd.s32 $0xFFFFD8F0  }
0xc3: {  	_ =	sfence.sel $0x180000  }
0xc4: {  	[bflag:$0x0] =	sbarrier.arrive $0xFFFF  }
0xc5: {  	p0 =	sne.s32 s0, $0x0;
	_ =	strace $0x90000047  }
0xc6: {  	s0 =	sadd.s32 @!p0 $0x100000, s1;
	[bflag:$0x2] =	sbarrier.arrive $0xFFFF  }
0xc7: {  	[sflag:s0] =	ssyncadd.tile.s32 @!p0 $0x1;
	_ =	shalt  }
.Lfunc_end2:
_tile_overlayer_lowered:
.L_overlay_start_2:
0xc8: {  	(tag) =	ssettag $0x2  }
0xc9: {  	s0 =	rddreg [dreg:$0x0];
	s2 =	stileid.u32  }
0xca: {  	s1 =	rddreg [dreg:$0x1];
	p0 =	sne.s32 s2, $0x0  }
0xcb: {  	s3 =	rddreg [dreg:$0x2];
	[bflag:$0x3] =	sbarrier.arrive $0xFFFF;
	s2 =	simm.s32 @!p0 $0x1C01  }
0xcc: {  	[timem:s3], [sflag:s2] =	dma.local @!p0 [hbm:s0], s1  }
0xcd: {  	s0 =	simm.s32 @!p0 $0x1  }
0xce: {  	_ =	swait.ge @!p0 [sflag:s0], s1  }
0xcf: {  	s1 =	ssub.s32 @!p0 $0x0, s1;
	[sflag:s0] =	ssyncset.done @!p0 $0x0  }
0xd0: {  	[sflag:s0] =	ssyncadd.s32 @!p0 s1  }
0xd1: {  	[bflag:$0x3] =	sbarrier.arrive $0xFFFF  }
0xd2: {  	_ =	shalt  }

</sc_bundles>
